<compile_context>
chip_gen: v7x
topology: tpu7x:2x2x1
jax: 0.10.2.dev20260603
libtpu: 0.0.44.dev20260713+nightly
codegen_flags: <defaults>
</compile_context>

<pallas_src>
import functools

import jax
import jax.numpy as jnp
from jax import lax
from jax.experimental import pallas as pl
from jax.experimental.pallas import tpu as pltpu
from jax.experimental.pallas import tpu_sc as plsc

EPS_LN = 1e-6

_SC_CORES = 2
_SC_SUBCORES = 16
_SC_LANES = 16
_NW = _SC_CORES * _SC_SUBCORES


def _knn_body(npow2_bits, ct_ref, xt_ref, i_ref, w_ref):
    n = ct_ref.shape[1]
    tm = xt_ref.shape[0]
    cx = ct_ref[0:1, :]
    cy = ct_ref[1:2, :]
    cz = ct_ref[2:3, :]
    tx = xt_ref[:, 0:1]
    ty = xt_ref[:, 1:2]
    tz = xt_ref[:, 2:3]
    dx = tx - cx
    dy = ty - cy
    dz = tz - cz
    d2 = dx * dx + dy * dy + dz * dz
    nb = 128
    bigf = jnp.float32(3e9)
    m1 = jnp.full((tm, nb), bigf, jnp.float32)
    m2 = m1
    m3 = m1
    flag = 1 << 30
    for g in range(n // nb):
        lane_c = (jax.lax.broadcasted_iota(jnp.int32, (tm, nb), 1)
                  + (g * nb | flag))
        kc = jax.lax.bitcast_convert_type(
            d2[:, g * nb:(g + 1) * nb] | lane_c, jnp.float32)
        lo = jnp.minimum(m1, kc)
        hi = jnp.maximum(m1, kc)
        m1 = lo
        lo = jnp.minimum(m2, hi)
        hi = jnp.maximum(m2, hi)
        m2 = lo
        m3 = jnp.minimum(m3, hi)
    ks = jnp.concatenate([m1, m2, m3], axis=1)
    k1 = jnp.min(ks, axis=1, keepdims=True)
    ks = jnp.where(ks == k1, bigf, ks)
    k2 = jnp.min(ks, axis=1, keepdims=True)
    ks = jnp.where(ks == k2, bigf, ks)
    k3 = jnp.min(ks, axis=1, keepdims=True)

    mask = jnp.int32((1 << npow2_bits) - 1)
    w_list = []
    idx_list = []
    for k in (k1, k2, k3):
        ki = jax.lax.bitcast_convert_type(k, jnp.int32) & (flag - 1)
        idx_list.append(ki & mask)
        d2f = (ki >> npow2_bits).astype(jnp.float32)
        w_list.append(1.0 / (d2f + 1e-8))
    norm = w_list[0] + w_list[1] + w_list[2]
    w_list = [w / norm for w in w_list]

    zi = jnp.zeros((tm, 5), jnp.int32)
    zf = jnp.zeros((tm, 5), jnp.float32)
    i_ref[...] = jnp.concatenate(idx_list + [zi], axis=1)
    w_ref[...] = jnp.concatenate(w_list + [zf], axis=1)


def _combine_body(g0_ref, g1_ref, g2_ref, w_ref, ga_ref, be_ref, o_ref):
    acc = (g0_ref[...] * w_ref[:, 0:1]
           + g1_ref[...] * w_ref[:, 1:2]
           + g2_ref[...] * w_ref[:, 2:3])
    mu = jnp.mean(acc, axis=1, keepdims=True)
    xc = acc - mu
    var = jnp.mean(xc * xc, axis=1, keepdims=True)
    y = xc / jnp.sqrt(var + EPS_LN) * ga_ref[0:1, :] + be_ref[0:1, :]
    o_ref[...] = y * 0.5 * (1.0 + jax.lax.erf(y * 0.7071067811865476))


def _make_sc_gather(n, m, c):
    rw = m // _NW
    g = min(128, rw)
    mesh = plsc.VectorSubcoreMesh(core_axis_name="c", subcore_axis_name="s")

    out_row = jax.ShapeDtypeStruct((m, c), jnp.float32)

    @functools.partial(
        pl.kernel,
        mesh=mesh,
        compiler_params=pltpu.CompilerParams(needs_layout_passes=False),
        out_type=(out_row, out_row, out_row),
        scratch_types=[
            pltpu.VMEM((n,), jnp.int32),
            pltpu.VMEM((rw,), jnp.int32),
            pltpu.VMEM((g,), jnp.int32),
            pltpu.VMEM((g, c), jnp.float32),
            pltpu.SemaphoreType.DMA,
        ],
    )
    def sc_gather(order_hbm, s0_hbm, s1_hbm, s2_hbm, feats_hbm,
                  o0_hbm, o1_hbm, o2_hbm,
                  order_v, sidx_v, gidx_v, rows_v, sem):
        wid = lax.axis_index("s") * _SC_CORES + lax.axis_index("c")
        base = wid * rw
        pltpu.sync_copy(order_hbm, order_v)
        for s_hbm, o_hbm in ((s0_hbm, o0_hbm), (s1_hbm, o1_hbm),
                             (s2_hbm, o2_hbm)):
            pltpu.sync_copy(s_hbm.at[pl.ds(base, rw)], sidx_v)
            for ch in range(rw // g):
                for q in range(g // _SC_LANES):
                    sl = pl.ds(q * _SC_LANES, _SC_LANES)
                    iv = sidx_v[pl.ds(ch * g + q * _SC_LANES, _SC_LANES)]
                    gidx_v[sl] = plsc.load_gather(order_v, [iv])
                pltpu.async_copy(feats_hbm.at[gidx_v], rows_v, sem).wait()
                pltpu.sync_copy(rows_v, o_hbm.at[pl.ds(base + ch * g, g)])

    return sc_gather


def _sort_keys(coord):
    step = coord.max() + 1
    return coord[..., 0] + coord[..., 1] * step + coord[..., 2] * step * step


def kernel(features, coords, xyz_t, gamma, beta):
    b, n, c = features.shape
    m = xyz_t.shape[1]
    r = b * m
    npow2_bits = 2 * ((max(1, (n - 1).bit_length()) + 1) // 2)

    order = jnp.argsort(_sort_keys(coords), axis=1)
    order_t = jnp.argsort(_sort_keys(xyz_t), axis=1)
    xt_s = jnp.take_along_axis(xyz_t, order_t[..., None], axis=1)
    c_sorted = jnp.take_along_axis(coords, order[..., None], axis=1)

    half = npow2_bits // 2
    ct_pad = jnp.zeros((b, 8, n), jnp.int32).at[:, 0:3, :].set(
        c_sorted.transpose(0, 2, 1) << half)
    xt_pad = jnp.zeros((b, m, 8), jnp.int32).at[:, :, 0:3].set(xt_s << half)

    tm = 256
    knn_call = pl.pallas_call(
        functools.partial(_knn_body, npow2_bits),
        grid=(m // tm,),
        in_specs=[
            pl.BlockSpec((8, n), lambda j: (0, 0)),
            pl.BlockSpec((tm, 8), lambda j: (j, 0)),
        ],
        out_specs=[
            pl.BlockSpec((tm, 8), lambda j: (j, 0)),
            pl.BlockSpec((tm, 8), lambda j: (j, 0)),
        ],
        out_shape=[
            jax.ShapeDtypeStruct((m, 8), jnp.int32),
            jax.ShapeDtypeStruct((m, 8), jnp.float32),
        ],
    )
    sc_call = _make_sc_gather(n, m, c)
    tr = 1024
    combine_call = pl.pallas_call(
        _combine_body,
        grid=(m // tr,),
        in_specs=[
            pl.BlockSpec((tr, c), lambda i: (i, 0)),
            pl.BlockSpec((tr, c), lambda i: (i, 0)),
            pl.BlockSpec((tr, c), lambda i: (i, 0)),
            pl.BlockSpec((tr, 8), lambda i: (i, 0)),
            pl.BlockSpec((1, c), lambda i: (0, 0)),
            pl.BlockSpec((1, c), lambda i: (0, 0)),
        ],
        out_specs=pl.BlockSpec((tr, c), lambda i: (i, 0)),
        out_shape=jax.ShapeDtypeStruct((m, c), jnp.float32),
    )
    gamma2 = gamma.reshape(1, c)
    beta2 = beta.reshape(1, c)
    order32 = order.astype(jnp.int32)

    feats_out = []
    for bi in range(b):
        sidx8, w8 = knn_call(ct_pad[bi], xt_pad[bi])
        g0, g1, g2 = sc_call(
            order32[bi], sidx8[:, 0], sidx8[:, 1], sidx8[:, 2],
            features[bi])
        feats_out.append(combine_call(g0, g1, g2, w8, gamma2, beta2))
    out_feats = jnp.concatenate(feats_out, axis=0)

    xt_f = xt_s.reshape(r, 3).astype(jnp.float32)
    bcol = jnp.repeat(jnp.arange(b, dtype=jnp.float32), m)[:, None]
    out_coords = jnp.concatenate([bcol, xt_f], axis=1)
    return out_feats, out_coords

# --- scband reference (transcript-rebuilt; emitter-appended) ---
"""Pipeline reference for scband-interpolate-82128364634645 (READ-ONLY COPY).

The authoritative reference and input builder live on the scoring server;
editing this copy changes nothing except your own understanding.
"""

import jax, jax.numpy as jnp
import numpy as np

QUANT = 1.0
EPS_LN = 1e-6
B, N, M, C = 4, 4096, 8192, 128


def _array2vector(arr, step):
    # faithful to: sum(array[:, i] * step**i for i in range(array.shape[-1]))
    arr = arr.astype(jnp.int64)
    step = step.astype(jnp.int64)
    return arr[:, 0] + arr[:, 1] * step + arr[:, 2] * step * step


def _layernorm(x, gamma, beta):
    mu = jnp.mean(x, axis=-1, keepdims=True)
    var = jnp.mean((x - mu) ** 2, axis=-1, keepdims=True)
    return (x - mu) / jnp.sqrt(var + EPS_LN) * gamma + beta


def _interp_one(f, c, xt):
    # sort source sparse tensor by lexicographic coordinate key
    step = c.max() + 1
    order = jnp.argsort(_array2vector(c, step))
    f = f[order]
    c = c[order]
    # sort target coords
    step_t = xt.max() + 1
    order_t = jnp.argsort(_array2vector(xt, step_t))
    xt_f = xt[order_t].astype(jnp.float32)
    c_f = c.astype(jnp.float32) * QUANT
    # pointops.nearestneighbor: 3 nearest neighbors, squared distances
    d2 = jnp.sum((xt_f[:, None, :] - c_f[None, :, :]) ** 2, axis=-1)  # [M, N]
    neg_d, idx = jax.lax.top_k(-d2, 3)
    dist = -neg_d  # [M, 3]
    dist_recip = 1.0 / (dist + 1e-8)
    norm = jnp.sum(dist_recip, axis=1, keepdims=True)
    weight = dist_recip / norm
    # pointops.interpolation: weighted sum of gathered features
    gathered = f[idx]  # [M, 3, C]
    interp = jnp.sum(gathered * weight[..., None], axis=1)  # [M, C]
    return interp, xt_f


def setup_inputs(seed: int = 0) -> dict:
    key = jax.random.key(seed)
    k1, k2, k3 = jax.random.split(key, 3)
    features = jax.random.normal(k1, (B, N, C), dtype=jnp.float32)
    coords = jax.random.randint(k2, (B, N, 3), 0, 256, dtype=jnp.int32)
    xyz_t = jax.random.randint(k3, (B, M, 3), 0, 256, dtype=jnp.int32)
    gamma = jnp.ones((C,), dtype=jnp.float32)
    beta = jnp.zeros((C,), dtype=jnp.float32)
    return {"features": features, "coords": coords, "xyz_t": xyz_t, "gamma": gamma, "beta": beta}


def reference(features, coords, xyz_t, gamma, beta):
    feats_out = []
    coords_out = []
    for i in range(B):
        interp, xt_f = _interp_one(features[i], coords[i], xyz_t[i])
        x = _layernorm(interp, gamma, beta)
        x = jax.nn.gelu(x, approximate=False)
        feats_out.append(x)
        bcol = jnp.full((xt_f.shape[0], 1), float(i), dtype=jnp.float32)
        coords_out.append(jnp.concatenate([bcol, xt_f], axis=1))
    out_feats = jnp.concatenate(feats_out, axis=0)   # [B*M, C]
    out_coords = jnp.concatenate(coords_out, axis=0)  # [B*M, 4] batched coordinates
    return out_feats, out_coords

if __name__ == "__main__":
    import jax
    _d = setup_inputs()
    print(jax.jit(kernel)(*tuple(_d.values())))

</pallas_src>

<mosaic_0001>
#map = affine_map<(d0, d1) -> (0)>
#map1 = affine_map<(d0, d1) -> (0, 0)>
module attributes {stable_mosaic.version = 14 : i64} {
  func.func @sc_gather(%arg0: i32, %arg1: i32, %arg2: memref<4096xi32, #tpu.memory_space<hbm>>, %arg3: memref<8192xi32, #tpu.memory_space<hbm>>, %arg4: memref<8192xi32, #tpu.memory_space<hbm>>, %arg5: memref<8192xi32, #tpu.memory_space<hbm>>, %arg6: memref<4096x128xf32, #tpu.memory_space<hbm>>, %arg7: memref<8192x128xf32, #tpu.memory_space<hbm>>, %arg8: memref<8192x128xf32, #tpu.memory_space<hbm>>, %arg9: memref<8192x128xf32, #tpu.memory_space<hbm>>, %arg10: memref<4096xi32, #tpu.memory_space<vmem>>, %arg11: memref<256xi32, #tpu.memory_space<vmem>>, %arg12: memref<128xi32, #tpu.memory_space<vmem>>, %arg13: memref<128x128xf32, #tpu.memory_space<vmem>>, %arg14: memref<!tpu.dma_semaphore, #tpu.memory_space<semaphore_mem>>) attributes {dimension_semantics = [#tpu.dimension_semantics<core_parallel>, #tpu.dimension_semantics<subcore_parallel>], iteration_bounds = array<i64: 2, 16>, scalar_prefetch = 0 : i64, scratch_operands = 5 : i64, tpu.core_type = #tpu.core_type<sc_vector_subcore>, window_params = [{transform_indices = #map}, {transform_indices = #map}, {transform_indices = #map}, {transform_indices = #map}, {transform_indices = #map1}, {transform_indices = #map1}, {transform_indices = #map1}, {transform_indices = #map1}]} {
    %mul3A = arith.constant 2 : i32
    %mul3A_0 = arith.muli %arg1, %mul3A : i32
    %add3A = arith.addi %mul3A_0, %arg0 : i32
    %mul3A_1 = arith.constant 256 : i32
    %mul3A_2 = arith.muli %add3A, %mul3A_1 : i32
    "tpu.region"() ({
      %run_scoped3A = tpu.sem_alloc : memref<!tpu.dma_semaphore, #tpu.memory_space<semaphore_mem>>
      tpu.enqueue_dma source(%arg2 : memref<4096xi32, #tpu.memory_space<hbm>>) target(%arg10 : memref<4096xi32, #tpu.memory_space<vmem>>) target_semaphore(%run_scoped3A : memref<!tpu.dma_semaphore, #tpu.memory_space<semaphore_mem>>)
      tpu.wait_dma2 semaphore(%run_scoped3A : memref<!tpu.dma_semaphore, #tpu.memory_space<semaphore_mem>>) src(%arg2 : memref<4096xi32, #tpu.memory_space<hbm>>) dst(%arg10 : memref<4096xi32, #tpu.memory_space<vmem>>)
      tpu.yield
    }) : () -> ()
    "tpu.region"() ({
      %run_scoped3A = tpu.sem_alloc : memref<!tpu.dma_semaphore, #tpu.memory_space<semaphore_mem>>
      %dma_start3A_286 = tpu.memref_slice %arg3[%mul3A_2] : memref<8192xi32, #tpu.memory_space<hbm>> -> memref<256xi32, #tpu.memory_space<hbm>>
      %dma_start3A_287 = tpu.memref_slice %arg3[%mul3A_2] : memref<8192xi32, #tpu.memory_space<hbm>> -> memref<256xi32, #tpu.memory_space<hbm>>
      tpu.enqueue_dma source(%dma_start3A_287 : memref<256xi32, #tpu.memory_space<hbm>>) target(%arg11 : memref<256xi32, #tpu.memory_space<vmem>>) target_semaphore(%run_scoped3A : memref<!tpu.dma_semaphore, #tpu.memory_space<semaphore_mem>>)
      %dma_wait3A_288 = tpu.memref_slice %arg3[%mul3A_2] : memref<8192xi32, #tpu.memory_space<hbm>> -> memref<256xi32, #tpu.memory_space<hbm>>
      %dma_wait3A_289 = tpu.memref_slice %arg3[%mul3A_2] : memref<8192xi32, #tpu.memory_space<hbm>> -> memref<256xi32, #tpu.memory_space<hbm>>
      tpu.wait_dma2 semaphore(%run_scoped3A : memref<!tpu.dma_semaphore, #tpu.memory_space<semaphore_mem>>) src(%dma_wait3A_289 : memref<256xi32, #tpu.memory_space<hbm>>) dst(%arg11 : memref<256xi32, #tpu.memory_space<vmem>>)
      tpu.yield
    }) : () -> ()
    %get3A = arith.constant 0 : index
    %get3A_3 = tpu.vector_load %arg11[%get3A] {strides = array<i32>} : memref<256xi32, #tpu.memory_space<vmem>>, vector<16xi32>,
    %gather3A = tpu.vector_load_idx %arg10[%get3A_3] : memref<4096xi32, #tpu.memory_space<vmem>>[vector<16xi32>], vector<16xi32>,
    %swap3A = arith.constant 0 : index
    %swap3A_4 = tpu.vector_load %arg12[%swap3A] {strides = array<i32>} : memref<128xi32, #tpu.memory_space<vmem>>, vector<16xi32>,
    tpu.vector_store %arg12[%swap3A], %gather3A {strides = array<i32>} : memref<128xi32, #tpu.memory_space<vmem>>, vector<16xi32>,
    %get3A_5 = arith.constant 16 : index
    %get3A_6 = tpu.vector_load %arg11[%get3A_5] {strides = array<i32>} : memref<256xi32, #tpu.memory_space<vmem>>, vector<16xi32>,
    %gather3A_7 = tpu.vector_load_idx %arg10[%get3A_6] : memref<4096xi32, #tpu.memory_space<vmem>>[vector<16xi32>], vector<16xi32>,
    %swap3A_8 = arith.constant 16 : index
    %swap3A_9 = tpu.vector_load %arg12[%swap3A_8] {strides = array<i32>} : memref<128xi32, #tpu.memory_space<vmem>>, vector<16xi32>,
    tpu.vector_store %arg12[%swap3A_8], %gather3A_7 {strides = array<i32>} : memref<128xi32, #tpu.memory_space<vmem>>, vector<16xi32>,
    %get3A_10 = arith.constant 32 : index
    %get3A_11 = tpu.vector_load %arg11[%get3A_10] {strides = array<i32>} : memref<256xi32, #tpu.memory_space<vmem>>, vector<16xi32>,
    %gather3A_12 = tpu.vector_load_idx %arg10[%get3A_11] : memref<4096xi32, #tpu.memory_space<vmem>>[vector<16xi32>], vector<16xi32>,
    %swap3A_13 = arith.constant 32 : index
    %swap3A_14 = tpu.vector_load %arg12[%swap3A_13] {strides = array<i32>} : memref<128xi32, #tpu.memory_space<vmem>>, vector<16xi32>,
    tpu.vector_store %arg12[%swap3A_13], %gather3A_12 {strides = array<i32>} : memref<128xi32, #tpu.memory_space<vmem>>, vector<16xi32>,
    %get3A_15 = arith.constant 48 : index
    %get3A_16 = tpu.vector_load %arg11[%get3A_15] {strides = array<i32>} : memref<256xi32, #tpu.memory_space<vmem>>, vector<16xi32>,
    %gather3A_17 = tpu.vector_load_idx %arg10[%get3A_16] : memref<4096xi32, #tpu.memory_space<vmem>>[vector<16xi32>], vector<16xi32>,
    %swap3A_18 = arith.constant 48 : index
    %swap3A_19 = tpu.vector_load %arg12[%swap3A_18] {strides = array<i32>} : memref<128xi32, #tpu.memory_space<vmem>>, vector<16xi32>,
    tpu.vector_store %arg12[%swap3A_18], %gather3A_17 {strides = array<i32>} : memref<128xi32, #tpu.memory_space<vmem>>, vector<16xi32>,
    %get3A_20 = arith.constant 64 : index
    %get3A_21 = tpu.vector_load %arg11[%get3A_20] {strides = array<i32>} : memref<256xi32, #tpu.memory_space<vmem>>, vector<16xi32>,
    %gather3A_22 = tpu.vector_load_idx %arg10[%get3A_21] : memref<4096xi32, #tpu.memory_space<vmem>>[vector<16xi32>], vector<16xi32>,
    %swap3A_23 = arith.constant 64 : index
    %swap3A_24 = tpu.vector_load %arg12[%swap3A_23] {strides = array<i32>} : memref<128xi32, #tpu.memory_space<vmem>>, vector<16xi32>,
    tpu.vector_store %arg12[%swap3A_23], %gather3A_22 {strides = array<i32>} : memref<128xi32, #tpu.memory_space<vmem>>, vector<16xi32>,
    %get3A_25 = arith.constant 80 : index
    %get3A_26 = tpu.vector_load %arg11[%get3A_25] {strides = array<i32>} : memref<256xi32, #tpu.memory_space<vmem>>, vector<16xi32>,
    %gather3A_27 = tpu.vector_load_idx %arg10[%get3A_26] : memref<4096xi32, #tpu.memory_space<vmem>>[vector<16xi32>], vector<16xi32>,
    %swap3A_28 = arith.constant 80 : index
    %swap3A_29 = tpu.vector_load %arg12[%swap3A_28] {strides = array<i32>} : memref<128xi32, #tpu.memory_space<vmem>>, vector<16xi32>,
    tpu.vector_store %arg12[%swap3A_28], %gather3A_27 {strides = array<i32>} : memref<128xi32, #tpu.memory_space<vmem>>, vector<16xi32>,
    %get3A_30 = arith.constant 96 : index
    %get3A_31 = tpu.vector_load %arg11[%get3A_30] {strides = array<i32>} : memref<256xi32, #tpu.memory_space<vmem>>, vector<16xi32>,
    %gather3A_32 = tpu.vector_load_idx %arg10[%get3A_31] : memref<4096xi32, #tpu.memory_space<vmem>>[vector<16xi32>], vector<16xi32>,
    %swap3A_33 = arith.constant 96 : index
    %swap3A_34 = tpu.vector_load %arg12[%swap3A_33] {strides = array<i32>} : memref<128xi32, #tpu.memory_space<vmem>>, vector<16xi32>,
    tpu.vector_store %arg12[%swap3A_33], %gather3A_32 {strides = array<i32>} : memref<128xi32, #tpu.memory_space<vmem>>, vector<16xi32>,
    %get3A_35 = arith.constant 112 : index
    %get3A_36 = tpu.vector_load %arg11[%get3A_35] {strides = array<i32>} : memref<256xi32, #tpu.memory_space<vmem>>, vector<16xi32>,
    %gather3A_37 = tpu.vector_load_idx %arg10[%get3A_36] : memref<4096xi32, #tpu.memory_space<vmem>>[vector<16xi32>], vector<16xi32>,
    %swap3A_38 = arith.constant 112 : index
    %swap3A_39 = tpu.vector_load %arg12[%swap3A_38] {strides = array<i32>} : memref<128xi32, #tpu.memory_space<vmem>>, vector<16xi32>,
    tpu.vector_store %arg12[%swap3A_38], %gather3A_37 {strides = array<i32>} : memref<128xi32, #tpu.memory_space<vmem>>, vector<16xi32>,
    %dma_start3A = arith.constant 0 : i32
    %dma_start3A_40 = arith.constant 0 : i32
    %dma_start3A_41 = tpu.memref_slice %arg6[%dma_start3A, %dma_start3A_40] : memref<4096x128xf32, #tpu.memory_space<hbm>> -> memref<4096x128xf32, #tpu.memory_space<hbm>>
    tpu.enqueue_indirect_dma source(%dma_start3A_41 : memref<4096x128xf32, #tpu.memory_space<hbm>>) target(%arg13 : memref<128x128xf32, #tpu.memory_space<vmem>>) offsets(%arg12 : memref<128xi32, #tpu.memory_space<vmem>>) semaphore(%arg14 : memref<!tpu.dma_semaphore, #tpu.memory_space<semaphore_mem>>)
    %dma_wait3A = arith.constant 0 : i32
    %dma_wait3A_42 = arith.constant 0 : i32
    %dma_wait3A_43 = tpu.memref_slice %arg6[%dma_wait3A, %dma_wait3A_42] : memref<4096x128xf32, #tpu.memory_space<hbm>> -> memref<4096x128xf32, #tpu.memory_space<hbm>>
    tpu.wait_indirect_dma semaphore(%arg14 : memref<!tpu.dma_semaphore, #tpu.memory_space<semaphore_mem>>) src(%dma_wait3A_43 : memref<4096x128xf32, #tpu.memory_space<hbm>>) dst(%arg13 : memref<128x128xf32, #tpu.memory_space<vmem>>)
    %add3A_44 = arith.constant 0 : i32
    %add3A_45 = arith.addi %mul3A_2, %add3A_44 : i32
    "tpu.region"() ({
      %run_scoped3A = tpu.sem_alloc : memref<!tpu.dma_semaphore, #tpu.memory_space<semaphore_mem>>
      %dma_start3A_286 = arith.constant 0 : i32
      %dma_start3A_287 = tpu.memref_slice %arg7[%add3A_45, %dma_start3A_286] : memref<8192x128xf32, #tpu.memory_space<hbm>> -> memref<128x128xf32, #tpu.memory_space<hbm>>
      %dma_start3A_288 = arith.constant 0 : i32
      %dma_start3A_289 = tpu.memref_slice %arg7[%add3A_45, %dma_start3A_288] : memref<8192x128xf32, #tpu.memory_space<hbm>> -> memref<128x128xf32, #tpu.memory_space<hbm>>
      tpu.enqueue_dma source(%arg13 : memref<128x128xf32, #tpu.memory_space<vmem>>) target(%dma_start3A_289 : memref<128x128xf32, #tpu.memory_space<hbm>>) target_semaphore(%run_scoped3A : memref<!tpu.dma_semaphore, #tpu.memory_space<semaphore_mem>>)
      %dma_wait3A_290 = arith.constant 0 : i32
      %dma_wait3A_291 = tpu.memref_slice %arg7[%add3A_45, %dma_wait3A_290] : memref<8192x128xf32, #tpu.memory_space<hbm>> -> memref<128x128xf32, #tpu.memory_space<hbm>>
      %dma_wait3A_292 = arith.constant 0 : i32
      %dma_wait3A_293 = tpu.memref_slice %arg7[%add3A_45, %dma_wait3A_292] : memref<8192x128xf32, #tpu.memory_space<hbm>> -> memref<128x128xf32, #tpu.memory_space<hbm>>
      tpu.wait_dma2 semaphore(%run_scoped3A : memref<!tpu.dma_semaphore, #tpu.memory_space<semaphore_mem>>) src(%arg13 : memref<128x128xf32, #tpu.memory_space<vmem>>) dst(%dma_wait3A_293 : memref<128x128xf32, #tpu.memory_space<hbm>>)
      tpu.yield
    }) : () -> ()
    %get3A_46 = arith.constant 128 : index
    %get3A_47 = tpu.vector_load %arg11[%get3A_46] {strides = array<i32>} : memref<256xi32, #tpu.memory_space<vmem>>, vector<16xi32>,
    %gather3A_48 = tpu.vector_load_idx %arg10[%get3A_47] : memref<4096xi32, #tpu.memory_space<vmem>>[vector<16xi32>], vector<16xi32>,
    %swap3A_49 = arith.constant 0 : index
    %swap3A_50 = tpu.vector_load %arg12[%swap3A_49] {strides = array<i32>} : memref<128xi32, #tpu.memory_space<vmem>>, vector<16xi32>,
    tpu.vector_store %arg12[%swap3A_49], %gather3A_48 {strides = array<i32>} : memref<128xi32, #tpu.memory_space<vmem>>, vector<16xi32>,
    %get3A_51 = arith.constant 144 : index
    %get3A_52 = tpu.vector_load %arg11[%get3A_51] {strides = array<i32>} : memref<256xi32, #tpu.memory_space<vmem>>, vector<16xi32>,
    %gather3A_53 = tpu.vector_load_idx %arg10[%get3A_52] : memref<4096xi32, #tpu.memory_space<vmem>>[vector<16xi32>], vector<16xi32>,
    %swap3A_54 = arith.constant 16 : index
    %swap3A_55 = tpu.vector_load %arg12[%swap3A_54] {strides = array<i32>} : memref<128xi32, #tpu.memory_space<vmem>>, vector<16xi32>,
    tpu.vector_store %arg12[%swap3A_54], %gather3A_53 {strides = array<i32>} : memref<128xi32, #tpu.memory_space<vmem>>, vector<16xi32>,
    %get3A_56 = arith.constant 160 : index
    %get3A_57 = tpu.vector_load %arg11[%get3A_56] {strides = array<i32>} : memref<256xi32, #tpu.memory_space<vmem>>, vector<16xi32>,
    %gather3A_58 = tpu.vector_load_idx %arg10[%get3A_57] : memref<4096xi32, #tpu.memory_space<vmem>>[vector<16xi32>], vector<16xi32>,
    %swap3A_59 = arith.constant 32 : index
    %swap3A_60 = tpu.vector_load %arg12[%swap3A_59] {strides = array<i32>} : memref<128xi32, #tpu.memory_space<vmem>>, vector<16xi32>,
    tpu.vector_store %arg12[%swap3A_59], %gather3A_58 {strides = array<i32>} : memref<128xi32, #tpu.memory_space<vmem>>, vector<16xi32>,
    %get3A_61 = arith.constant 176 : index
    %get3A_62 = tpu.vector_load %arg11[%get3A_61] {strides = array<i32>} : memref<256xi32, #tpu.memory_space<vmem>>, vector<16xi32>,
    %gather3A_63 = tpu.vector_load_idx %arg10[%get3A_62] : memref<4096xi32, #tpu.memory_space<vmem>>[vector<16xi32>], vector<16xi32>,
    %swap3A_64 = arith.constant 48 : index
    %swap3A_65 = tpu.vector_load %arg12[%swap3A_64] {strides = array<i32>} : memref<128xi32, #tpu.memory_space<vmem>>, vector<16xi32>,
    tpu.vector_store %arg12[%swap3A_64], %gather3A_63 {strides = array<i32>} : memref<128xi32, #tpu.memory_space<vmem>>, vector<16xi32>,
    %get3A_66 = arith.constant 192 : index
    %get3A_67 = tpu.vector_load %arg11[%get3A_66] {strides = array<i32>} : memref<256xi32, #tpu.memory_space<vmem>>, vector<16xi32>,
    %gather3A_68 = tpu.vector_load_idx %arg10[%get3A_67] : memref<4096xi32, #tpu.memory_space<vmem>>[vector<16xi32>], vector<16xi32>,
    %swap3A_69 = arith.constant 64 : index
    %swap3A_70 = tpu.vector_load %arg12[%swap3A_69] {strides = array<i32>} : memref<128xi32, #tpu.memory_space<vmem>>, vector<16xi32>,
    tpu.vector_store %arg12[%swap3A_69], %gather3A_68 {strides = array<i32>} : memref<128xi32, #tpu.memory_space<vmem>>, vector<16xi32>,
    %get3A_71 = arith.constant 208 : index
    %get3A_72 = tpu.vector_load %arg11[%get3A_71] {strides = array<i32>} : memref<256xi32, #tpu.memory_space<vmem>>, vector<16xi32>,
    %gather3A_73 = tpu.vector_load_idx %arg10[%get3A_72] : memref<4096xi32, #tpu.memory_space<vmem>>[vector<16xi32>], vector<16xi32>,
    %swap3A_74 = arith.constant 80 : index
    %swap3A_75 = tpu.vector_load %arg12[%swap3A_74] {strides = array<i32>} : memref<128xi32, #tpu.memory_space<vmem>>, vector<16xi32>,
    tpu.vector_store %arg12[%swap3A_74], %gather3A_73 {strides = array<i32>} : memref<128xi32, #tpu.memory_space<vmem>>, vector<16xi32>,
    %get3A_76 = arith.constant 224 : index
    %get3A_77 = tpu.vector_load %arg11[%get3A_76] {strides = array<i32>} : memref<256xi32, #tpu.memory_space<vmem>>, vector<16xi32>,
    %gather3A_78 = tpu.vector_load_idx %arg10[%get3A_77] : memref<4096xi32, #tpu.memory_space<vmem>>[vector<16xi32>], vector<16xi32>,
    %swap3A_79 = arith.constant 96 : index
    %swap3A_80 = tpu.vector_load %arg12[%swap3A_79] {strides = array<i32>} : memref<128xi32, #tpu.memory_space<vmem>>, vector<16xi32>,
    tpu.vector_store %arg12[%swap3A_79], %gather3A_78 {strides = array<i32>} : memref<128xi32, #tpu.memory_space<vmem>>, vector<16xi32>,
    %get3A_81 = arith.constant 240 : index
    %get3A_82 = tpu.vector_load %arg11[%get3A_81] {strides = array<i32>} : memref<256xi32, #tpu.memory_space<vmem>>, vector<16xi32>,
    %gather3A_83 = tpu.vector_load_idx %arg10[%get3A_82] : memref<4096xi32, #tpu.memory_space<vmem>>[vector<16xi32>], vector<16xi32>,
    %swap3A_84 = arith.constant 112 : index
    %swap3A_85 = tpu.vector_load %arg12[%swap3A_84] {strides = array<i32>} : memref<128xi32, #tpu.memory_space<vmem>>, vector<16xi32>,
    tpu.vector_store %arg12[%swap3A_84], %gather3A_83 {strides = array<i32>} : memref<128xi32, #tpu.memory_space<vmem>>, vector<16xi32>,
    %dma_start3A_86 = arith.constant 0 : i32
    %dma_start3A_87 = arith.constant 0 : i32
    %dma_start3A_88 = tpu.memref_slice %arg6[%dma_start3A_86, %dma_start3A_87] : memref<4096x128xf32, #tpu.memory_space<hbm>> -> memref<4096x128xf32, #tpu.memory_space<hbm>>
    tpu.enqueue_indirect_dma source(%dma_start3A_88 : memref<4096x128xf32, #tpu.memory_space<hbm>>) target(%arg13 : memref<128x128xf32, #tpu.memory_space<vmem>>) offsets(%arg12 : memref<128xi32, #tpu.memory_space<vmem>>) semaphore(%arg14 : memref<!tpu.dma_semaphore, #tpu.memory_space<semaphore_mem>>)
    %dma_wait3A_89 = arith.constant 0 : i32
    %dma_wait3A_90 = arith.constant 0 : i32
    %dma_wait3A_91 = tpu.memref_slice %arg6[%dma_wait3A_89, %dma_wait3A_90] : memref<4096x128xf32, #tpu.memory_space<hbm>> -> memref<4096x128xf32, #tpu.memory_space<hbm>>
    tpu.wait_indirect_dma semaphore(%arg14 : memref<!tpu.dma_semaphore, #tpu.memory_space<semaphore_mem>>) src(%dma_wait3A_91 : memref<4096x128xf32, #tpu.memory_space<hbm>>) dst(%arg13 : memref<128x128xf32, #tpu.memory_space<vmem>>)
    %add3A_92 = arith.constant 128 : i32
    %add3A_93 = arith.addi %mul3A_2, %add3A_92 : i32
    "tpu.region"() ({
      %run_scoped3A = tpu.sem_alloc : memref<!tpu.dma_semaphore, #tpu.memory_space<semaphore_mem>>
      %dma_start3A_286 = arith.constant 0 : i32
      %dma_start3A_287 = tpu.memref_slice %arg7[%add3A_93, %dma_start3A_286] : memref<8192x128xf32, #tpu.memory_space<hbm>> -> memref<128x128xf32, #tpu.memory_space<hbm>>
      %dma_start3A_288 = arith.constant 0 : i32
      %dma_start3A_289 = tpu.memref_slice %arg7[%add3A_93, %dma_start3A_288] : memref<8192x128xf32, #tpu.memory_space<hbm>> -> memref<128x128xf32, #tpu.memory_space<hbm>>
      tpu.enqueue_dma source(%arg13 : memref<128x128xf32, #tpu.memory_space<vmem>>) target(%dma_start3A_289 : memref<128x128xf32, #tpu.memory_space<hbm>>) target_semaphore(%run_scoped3A : memref<!tpu.dma_semaphore, #tpu.memory_space<semaphore_mem>>)
      %dma_wait3A_290 = arith.constant 0 : i32
      %dma_wait3A_291 = tpu.memref_slice %arg7[%add3A_93, %dma_wait3A_290] : memref<8192x128xf32, #tpu.memory_space<hbm>> -> memref<128x128xf32, #tpu.memory_space<hbm>>
      %dma_wait3A_292 = arith.constant 0 : i32
      %dma_wait3A_293 = tpu.memref_slice %arg7[%add3A_93, %dma_wait3A_292] : memref<8192x128xf32, #tpu.memory_space<hbm>> -> memref<128x128xf32, #tpu.memory_space<hbm>>
      tpu.wait_dma2 semaphore(%run_scoped3A : memref<!tpu.dma_semaphore, #tpu.memory_space<semaphore_mem>>) src(%arg13 : memref<128x128xf32, #tpu.memory_space<vmem>>) dst(%dma_wait3A_293 : memref<128x128xf32, #tpu.memory_space<hbm>>)
      tpu.yield
    }) : () -> ()
    "tpu.region"() ({
      %run_scoped3A = tpu.sem_alloc : memref<!tpu.dma_semaphore, #tpu.memory_space<semaphore_mem>>
      %dma_start3A_286 = tpu.memref_slice %arg4[%mul3A_2] : memref<8192xi32, #tpu.memory_space<hbm>> -> memref<256xi32, #tpu.memory_space<hbm>>
      %dma_start3A_287 = tpu.memref_slice %arg4[%mul3A_2] : memref<8192xi32, #tpu.memory_space<hbm>> -> memref<256xi32, #tpu.memory_space<hbm>>
      tpu.enqueue_dma source(%dma_start3A_287 : memref<256xi32, #tpu.memory_space<hbm>>) target(%arg11 : memref<256xi32, #tpu.memory_space<vmem>>) target_semaphore(%run_scoped3A : memref<!tpu.dma_semaphore, #tpu.memory_space<semaphore_mem>>)
      %dma_wait3A_288 = tpu.memref_slice %arg4[%mul3A_2] : memref<8192xi32, #tpu.memory_space<hbm>> -> memref<256xi32, #tpu.memory_space<hbm>>
      %dma_wait3A_289 = tpu.memref_slice %arg4[%mul3A_2] : memref<8192xi32, #tpu.memory_space<hbm>> -> memref<256xi32, #tpu.memory_space<hbm>>
      tpu.wait_dma2 semaphore(%run_scoped3A : memref<!tpu.dma_semaphore, #tpu.memory_space<semaphore_mem>>) src(%dma_wait3A_289 : memref<256xi32, #tpu.memory_space<hbm>>) dst(%arg11 : memref<256xi32, #tpu.memory_space<vmem>>)
      tpu.yield
    }) : () -> ()
    %get3A_94 = arith.constant 0 : index
    %get3A_95 = tpu.vector_load %arg11[%get3A_94] {strides = array<i32>} : memref<256xi32, #tpu.memory_space<vmem>>, vector<16xi32>,
    %gather3A_96 = tpu.vector_load_idx %arg10[%get3A_95] : memref<4096xi32, #tpu.memory_space<vmem>>[vector<16xi32>], vector<16xi32>,
    %swap3A_97 = arith.constant 0 : index
    %swap3A_98 = tpu.vector_load %arg12[%swap3A_97] {strides = array<i32>} : memref<128xi32, #tpu.memory_space<vmem>>, vector<16xi32>,
    tpu.vector_store %arg12[%swap3A_97], %gather3A_96 {strides = array<i32>} : memref<128xi32, #tpu.memory_space<vmem>>, vector<16xi32>,
    %get3A_99 = arith.constant 16 : index
    %get3A_100 = tpu.vector_load %arg11[%get3A_99] {strides = array<i32>} : memref<256xi32, #tpu.memory_space<vmem>>, vector<16xi32>,
    %gather3A_101 = tpu.vector_load_idx %arg10[%get3A_100] : memref<4096xi32, #tpu.memory_space<vmem>>[vector<16xi32>], vector<16xi32>,
    %swap3A_102 = arith.constant 16 : index
    %swap3A_103 = tpu.vector_load %arg12[%swap3A_102] {strides = array<i32>} : memref<128xi32, #tpu.memory_space<vmem>>, vector<16xi32>,
    tpu.vector_store %arg12[%swap3A_102], %gather3A_101 {strides = array<i32>} : memref<128xi32, #tpu.memory_space<vmem>>, vector<16xi32>,
    %get3A_104 = arith.constant 32 : index
    %get3A_105 = tpu.vector_load %arg11[%get3A_104] {strides = array<i32>} : memref<256xi32, #tpu.memory_space<vmem>>, vector<16xi32>,
    %gather3A_106 = tpu.vector_load_idx %arg10[%get3A_105] : memref<4096xi32, #tpu.memory_space<vmem>>[vector<16xi32>], vector<16xi32>,
    %swap3A_107 = arith.constant 32 : index
    %swap3A_108 = tpu.vector_load %arg12[%swap3A_107] {strides = array<i32>} : memref<128xi32, #tpu.memory_space<vmem>>, vector<16xi32>,
    tpu.vector_store %arg12[%swap3A_107], %gather3A_106 {strides = array<i32>} : memref<128xi32, #tpu.memory_space<vmem>>, vector<16xi32>,
    %get3A_109 = arith.constant 48 : index
    %get3A_110 = tpu.vector_load %arg11[%get3A_109] {strides = array<i32>} : memref<256xi32, #tpu.memory_space<vmem>>, vector<16xi32>,
    %gather3A_111 = tpu.vector_load_idx %arg10[%get3A_110] : memref<4096xi32, #tpu.memory_space<vmem>>[vector<16xi32>], vector<16xi32>,
    %swap3A_112 = arith.constant 48 : index
    %swap3A_113 = tpu.vector_load %arg12[%swap3A_112] {strides = array<i32>} : memref<128xi32, #tpu.memory_space<vmem>>, vector<16xi32>,
    tpu.vector_store %arg12[%swap3A_112], %gather3A_111 {strides = array<i32>} : memref<128xi32, #tpu.memory_space<vmem>>, vector<16xi32>,
    %get3A_114 = arith.constant 64 : index
    %get3A_115 = tpu.vector_load %arg11[%get3A_114] {strides = array<i32>} : memref<256xi32, #tpu.memory_space<vmem>>, vector<16xi32>,
    %gather3A_116 = tpu.vector_load_idx %arg10[%get3A_115] : memref<4096xi32, #tpu.memory_space<vmem>>[vector<16xi32>], vector<16xi32>,
    %swap3A_117 = arith.constant 64 : index
    %swap3A_118 = tpu.vector_load %arg12[%swap3A_117] {strides = array<i32>} : memref<128xi32, #tpu.memory_space<vmem>>, vector<16xi32>,
    tpu.vector_store %arg12[%swap3A_117], %gather3A_116 {strides = array<i32>} : memref<128xi32, #tpu.memory_space<vmem>>, vector<16xi32>,
    %get3A_119 = arith.constant 80 : index
    %get3A_120 = tpu.vector_load %arg11[%get3A_119] {strides = array<i32>} : memref<256xi32, #tpu.memory_space<vmem>>, vector<16xi32>,
    %gather3A_121 = tpu.vector_load_idx %arg10[%get3A_120] : memref<4096xi32, #tpu.memory_space<vmem>>[vector<16xi32>], vector<16xi32>,
    %swap3A_122 = arith.constant 80 : index
    %swap3A_123 = tpu.vector_load %arg12[%swap3A_122] {strides = array<i32>} : memref<128xi32, #tpu.memory_space<vmem>>, vector<16xi32>,
    tpu.vector_store %arg12[%swap3A_122], %gather3A_121 {strides = array<i32>} : memref<128xi32, #tpu.memory_space<vmem>>, vector<16xi32>,
    %get3A_124 = arith.constant 96 : index
    %get3A_125 = tpu.vector_load %arg11[%get3A_124] {strides = array<i32>} : memref<256xi32, #tpu.memory_space<vmem>>, vector<16xi32>,
    %gather3A_126 = tpu.vector_load_idx %arg10[%get3A_125] : memref<4096xi32, #tpu.memory_space<vmem>>[vector<16xi32>], vector<16xi32>,
    %swap3A_127 = arith.constant 96 : index
    %swap3A_128 = tpu.vector_load %arg12[%swap3A_127] {strides = array<i32>} : memref<128xi32, #tpu.memory_space<vmem>>, vector<16xi32>,
    tpu.vector_store %arg12[%swap3A_127], %gather3A_126 {strides = array<i32>} : memref<128xi32, #tpu.memory_space<vmem>>, vector<16xi32>,
    %get3A_129 = arith.constant 112 : index
    %get3A_130 = tpu.vector_load %arg11[%get3A_129] {strides = array<i32>} : memref<256xi32, #tpu.memory_space<vmem>>, vector<16xi32>,
    %gather3A_131 = tpu.vector_load_idx %arg10[%get3A_130] : memref<4096xi32, #tpu.memory_space<vmem>>[vector<16xi32>], vector<16xi32>,
    %swap3A_132 = arith.constant 112 : index
    %swap3A_133 = tpu.vector_load %arg12[%swap3A_132] {strides = array<i32>} : memref<128xi32, #tpu.memory_space<vmem>>, vector<16xi32>,
    tpu.vector_store %arg12[%swap3A_132], %gather3A_131 {strides = array<i32>} : memref<128xi32, #tpu.memory_space<vmem>>, vector<16xi32>,
    %dma_start3A_134 = arith.constant 0 : i32
    %dma_start3A_135 = arith.constant 0 : i32
    %dma_start3A_136 = tpu.memref_slice %arg6[%dma_start3A_134, %dma_start3A_135] : memref<4096x128xf32, #tpu.memory_space<hbm>> -> memref<4096x128xf32, #tpu.memory_space<hbm>>
    tpu.enqueue_indirect_dma source(%dma_start3A_136 : memref<4096x128xf32, #tpu.memory_space<hbm>>) target(%arg13 : memref<128x128xf32, #tpu.memory_space<vmem>>) offsets(%arg12 : memref<128xi32, #tpu.memory_space<vmem>>) semaphore(%arg14 : memref<!tpu.dma_semaphore, #tpu.memory_space<semaphore_mem>>)
    %dma_wait3A_137 = arith.constant 0 : i32
    %dma_wait3A_138 = arith.constant 0 : i32
    %dma_wait3A_139 = tpu.memref_slice %arg6[%dma_wait3A_137, %dma_wait3A_138] : memref<4096x128xf32, #tpu.memory_space<hbm>> -> memref<4096x128xf32, #tpu.memory_space<hbm>>
    tpu.wait_indirect_dma semaphore(%arg14 : memref<!tpu.dma_semaphore, #tpu.memory_space<semaphore_mem>>) src(%dma_wait3A_139 : memref<4096x128xf32, #tpu.memory_space<hbm>>) dst(%arg13 : memref<128x128xf32, #tpu.memory_space<vmem>>)
    %add3A_140 = arith.constant 0 : i32
    %add3A_141 = arith.addi %mul3A_2, %add3A_140 : i32
    "tpu.region"() ({
      %run_scoped3A = tpu.sem_alloc : memref<!tpu.dma_semaphore, #tpu.memory_space<semaphore_mem>>
      %dma_start3A_286 = arith.constant 0 : i32
      %dma_start3A_287 = tpu.memref_slice %arg8[%add3A_141, %dma_start3A_286] : memref<8192x128xf32, #tpu.memory_space<hbm>> -> memref<128x128xf32, #tpu.memory_space<hbm>>
      %dma_start3A_288 = arith.constant 0 : i32
      %dma_start3A_289 = tpu.memref_slice %arg8[%add3A_141, %dma_start3A_288] : memref<8192x128xf32, #tpu.memory_space<hbm>> -> memref<128x128xf32, #tpu.memory_space<hbm>>
      tpu.enqueue_dma source(%arg13 : memref<128x128xf32, #tpu.memory_space<vmem>>) target(%dma_start3A_289 : memref<128x128xf32, #tpu.memory_space<hbm>>) target_semaphore(%run_scoped3A : memref<!tpu.dma_semaphore, #tpu.memory_space<semaphore_mem>>)
      %dma_wait3A_290 = arith.constant 0 : i32
      %dma_wait3A_291 = tpu.memref_slice %arg8[%add3A_141, %dma_wait3A_290] : memref<8192x128xf32, #tpu.memory_space<hbm>> -> memref<128x128xf32, #tpu.memory_space<hbm>>
      %dma_wait3A_292 = arith.constant 0 : i32
      %dma_wait3A_293 = tpu.memref_slice %arg8[%add3A_141, %dma_wait3A_292] : memref<8192x128xf32, #tpu.memory_space<hbm>> -> memref<128x128xf32, #tpu.memory_space<hbm>>
      tpu.wait_dma2 semaphore(%run_scoped3A : memref<!tpu.dma_semaphore, #tpu.memory_space<semaphore_mem>>) src(%arg13 : memref<128x128xf32, #tpu.memory_space<vmem>>) dst(%dma_wait3A_293 : memref<128x128xf32, #tpu.memory_space<hbm>>)
      tpu.yield
    }) : () -> ()
    %get3A_142 = arith.constant 128 : index
    %get3A_143 = tpu.vector_load %arg11[%get3A_142] {strides = array<i32>} : memref<256xi32, #tpu.memory_space<vmem>>, vector<16xi32>,
    %gather3A_144 = tpu.vector_load_idx %arg10[%get3A_143] : memref<4096xi32, #tpu.memory_space<vmem>>[vector<16xi32>], vector<16xi32>,
    %swap3A_145 = arith.constant 0 : index
    %swap3A_146 = tpu.vector_load %arg12[%swap3A_145] {strides = array<i32>} : memref<128xi32, #tpu.memory_space<vmem>>, vector<16xi32>,
    tpu.vector_store %arg12[%swap3A_145], %gather3A_144 {strides = array<i32>} : memref<128xi32, #tpu.memory_space<vmem>>, vector<16xi32>,
    %get3A_147 = arith.constant 144 : index
    %get3A_148 = tpu.vector_load %arg11[%get3A_147] {strides = array<i32>} : memref<256xi32, #tpu.memory_space<vmem>>, vector<16xi32>,
    %gather3A_149 = tpu.vector_load_idx %arg10[%get3A_148] : memref<4096xi32, #tpu.memory_space<vmem>>[vector<16xi32>], vector<16xi32>,
    %swap3A_150 = arith.constant 16 : index
    %swap3A_151 = tpu.vector_load %arg12[%swap3A_150] {strides = array<i32>} : memref<128xi32, #tpu.memory_space<vmem>>, vector<16xi32>,
    tpu.vector_store %arg12[%swap3A_150], %gather3A_149 {strides = array<i32>} : memref<128xi32, #tpu.memory_space<vmem>>, vector<16xi32>,
    %get3A_152 = arith.constant 160 : index
    %get3A_153 = tpu.vector_load %arg11[%get3A_152] {strides = array<i32>} : memref<256xi32, #tpu.memory_space<vmem>>, vector<16xi32>,
    %gather3A_154 = tpu.vector_load_idx %arg10[%get3A_153] : memref<4096xi32, #tpu.memory_space<vmem>>[vector<16xi32>], vector<16xi32>,
    %swap3A_155 = arith.constant 32 : index
    %swap3A_156 = tpu.vector_load %arg12[%swap3A_155] {strides = array<i32>} : memref<128xi32, #tpu.memory_space<vmem>>, vector<16xi32>,
    tpu.vector_store %arg12[%swap3A_155], %gather3A_154 {strides = array<i32>} : memref<128xi32, #tpu.memory_space<vmem>>, vector<16xi32>,
    %get3A_157 = arith.constant 176 : index
    %get3A_158 = tpu.vector_load %arg11[%get3A_157] {strides = array<i32>} : memref<256xi32, #tpu.memory_space<vmem>>, vector<16xi32>,
    %gather3A_159 = tpu.vector_load_idx %arg10[%get3A_158] : memref<4096xi32, #tpu.memory_space<vmem>>[vector<16xi32>], vector<16xi32>,
    %swap3A_160 = arith.constant 48 : index
    %swap3A_161 = tpu.vector_load %arg12[%swap3A_160] {strides = array<i32>} : memref<128xi32, #tpu.memory_space<vmem>>, vector<16xi32>,
    tpu.vector_store %arg12[%swap3A_160], %gather3A_159 {strides = array<i32>} : memref<128xi32, #tpu.memory_space<vmem>>, vector<16xi32>,
    %get3A_162 = arith.constant 192 : index
    %get3A_163 = tpu.vector_load %arg11[%get3A_162] {strides = array<i32>} : memref<256xi32, #tpu.memory_space<vmem>>, vector<16xi32>,
    %gather3A_164 = tpu.vector_load_idx %arg10[%get3A_163] : memref<4096xi32, #tpu.memory_space<vmem>>[vector<16xi32>], vector<16xi32>,
    %swap3A_165 = arith.constant 64 : index
    %swap3A_166 = tpu.vector_load %arg12[%swap3A_165] {strides = array<i32>} : memref<128xi32, #tpu.memory_space<vmem>>, vector<16xi32>,
    tpu.vector_store %arg12[%swap3A_165], %gather3A_164 {strides = array<i32>} : memref<128xi32, #tpu.memory_space<vmem>>, vector<16xi32>,
    %get3A_167 = arith.constant 208 : index
    %get3A_168 = tpu.vector_load %arg11[%get3A_167] {strides = array<i32>} : memref<256xi32, #tpu.memory_space<vmem>>, vector<16xi32>,
    %gather3A_169 = tpu.vector_load_idx %arg10[%get3A_168] : memref<4096xi32, #tpu.memory_space<vmem>>[vector<16xi32>], vector<16xi32>,
    %swap3A_170 = arith.constant 80 : index
    %swap3A_171 = tpu.vector_load %arg12[%swap3A_170] {strides = array<i32>} : memref<128xi32, #tpu.memory_space<vmem>>, vector<16xi32>,
    tpu.vector_store %arg12[%swap3A_170], %gather3A_169 {strides = array<i32>} : memref<128xi32, #tpu.memory_space<vmem>>, vector<16xi32>,
    %get3A_172 = arith.constant 224 : index
    %get3A_173 = tpu.vector_load %arg11[%get3A_172] {strides = array<i32>} : memref<256xi32, #tpu.memory_space<vmem>>, vector<16xi32>,
    %gather3A_174 = tpu.vector_load_idx %arg10[%get3A_173] : memref<4096xi32, #tpu.memory_space<vmem>>[vector<16xi32>], vector<16xi32>,
    %swap3A_175 = arith.constant 96 : index
    %swap3A_176 = tpu.vector_load %arg12[%swap3A_175] {strides = array<i32>} : memref<128xi32, #tpu.memory_space<vmem>>, vector<16xi32>,
    tpu.vector_store %arg12[%swap3A_175], %gather3A_174 {strides = array<i32>} : memref<128xi32, #tpu.memory_space<vmem>>, vector<16xi32>,
    %get3A_177 = arith.constant 240 : index
    %get3A_178 = tpu.vector_load %arg11[%get3A_177] {strides = array<i32>} : memref<256xi32, #tpu.memory_space<vmem>>, vector<16xi32>,
    %gather3A_179 = tpu.vector_load_idx %arg10[%get3A_178] : memref<4096xi32, #tpu.memory_space<vmem>>[vector<16xi32>], vector<16xi32>,
    %swap3A_180 = arith.constant 112 : index
    %swap3A_181 = tpu.vector_load %arg12[%swap3A_180] {strides = array<i32>} : memref<128xi32, #tpu.memory_space<vmem>>, vector<16xi32>,
    tpu.vector_store %arg12[%swap3A_180], %gather3A_179 {strides = array<i32>} : memref<128xi32, #tpu.memory_space<vmem>>, vector<16xi32>,
    %dma_start3A_182 = arith.constant 0 : i32
    %dma_start3A_183 = arith.constant 0 : i32
    %dma_start3A_184 = tpu.memref_slice %arg6[%dma_start3A_182, %dma_start3A_183] : memref<4096x128xf32, #tpu.memory_space<hbm>> -> memref<4096x128xf32, #tpu.memory_space<hbm>>
    tpu.enqueue_indirect_dma source(%dma_start3A_184 : memref<4096x128xf32, #tpu.memory_space<hbm>>) target(%arg13 : memref<128x128xf32, #tpu.memory_space<vmem>>) offsets(%arg12 : memref<128xi32, #tpu.memory_space<vmem>>) semaphore(%arg14 : memref<!tpu.dma_semaphore, #tpu.memory_space<semaphore_mem>>)
    %dma_wait3A_185 = arith.constant 0 : i32
    %dma_wait3A_186 = arith.constant 0 : i32
    %dma_wait3A_187 = tpu.memref_slice %arg6[%dma_wait3A_185, %dma_wait3A_186] : memref<4096x128xf32, #tpu.memory_space<hbm>> -> memref<4096x128xf32, #tpu.memory_space<hbm>>
    tpu.wait_indirect_dma semaphore(%arg14 : memref<!tpu.dma_semaphore, #tpu.memory_space<semaphore_mem>>) src(%dma_wait3A_187 : memref<4096x128xf32, #tpu.memory_space<hbm>>) dst(%arg13 : memref<128x128xf32, #tpu.memory_space<vmem>>)
    %add3A_188 = arith.constant 128 : i32
    %add3A_189 = arith.addi %mul3A_2, %add3A_188 : i32
    "tpu.region"() ({
      %run_scoped3A = tpu.sem_alloc : memref<!tpu.dma_semaphore, #tpu.memory_space<semaphore_mem>>
      %dma_start3A_286 = arith.constant 0 : i32
      %dma_start3A_287 = tpu.memref_slice %arg8[%add3A_189, %dma_start3A_286] : memref<8192x128xf32, #tpu.memory_space<hbm>> -> memref<128x128xf32, #tpu.memory_space<hbm>>
      %dma_start3A_288 = arith.constant 0 : i32
      %dma_start3A_289 = tpu.memref_slice %arg8[%add3A_189, %dma_start3A_288] : memref<8192x128xf32, #tpu.memory_space<hbm>> -> memref<128x128xf32, #tpu.memory_space<hbm>>
      tpu.enqueue_dma source(%arg13 : memref<128x128xf32, #tpu.memory_space<vmem>>) target(%dma_start3A_289 : memref<128x128xf32, #tpu.memory_space<hbm>>) target_semaphore(%run_scoped3A : memref<!tpu.dma_semaphore, #tpu.memory_space<semaphore_mem>>)
      %dma_wait3A_290 = arith.constant 0 : i32
      %dma_wait3A_291 = tpu.memref_slice %arg8[%add3A_189, %dma_wait3A_290] : memref<8192x128xf32, #tpu.memory_space<hbm>> -> memref<128x128xf32, #tpu.memory_space<hbm>>
      %dma_wait3A_292 = arith.constant 0 : i32
      %dma_wait3A_293 = tpu.memref_slice %arg8[%add3A_189, %dma_wait3A_292] : memref<8192x128xf32, #tpu.memory_space<hbm>> -> memref<128x128xf32, #tpu.memory_space<hbm>>
      tpu.wait_dma2 semaphore(%run_scoped3A : memref<!tpu.dma_semaphore, #tpu.memory_space<semaphore_mem>>) src(%arg13 : memref<128x128xf32, #tpu.memory_space<vmem>>) dst(%dma_wait3A_293 : memref<128x128xf32, #tpu.memory_space<hbm>>)
      tpu.yield
    }) : () -> ()
    "tpu.region"() ({
      %run_scoped3A = tpu.sem_alloc : memref<!tpu.dma_semaphore, #tpu.memory_space<semaphore_mem>>
      %dma_start3A_286 = tpu.memref_slice %arg5[%mul3A_2] : memref<8192xi32, #tpu.memory_space<hbm>> -> memref<256xi32, #tpu.memory_space<hbm>>
      %dma_start3A_287 = tpu.memref_slice %arg5[%mul3A_2] : memref<8192xi32, #tpu.memory_space<hbm>> -> memref<256xi32, #tpu.memory_space<hbm>>
      tpu.enqueue_dma source(%dma_start3A_287 : memref<256xi32, #tpu.memory_space<hbm>>) target(%arg11 : memref<256xi32, #tpu.memory_space<vmem>>) target_semaphore(%run_scoped3A : memref<!tpu.dma_semaphore, #tpu.memory_space<semaphore_mem>>)
      %dma_wait3A_288 = tpu.memref_slice %arg5[%mul3A_2] : memref<8192xi32, #tpu.memory_space<hbm>> -> memref<256xi32, #tpu.memory_space<hbm>>
      %dma_wait3A_289 = tpu.memref_slice %arg5[%mul3A_2] : memref<8192xi32, #tpu.memory_space<hbm>> -> memref<256xi32, #tpu.memory_space<hbm>>
      tpu.wait_dma2 semaphore(%run_scoped3A : memref<!tpu.dma_semaphore, #tpu.memory_space<semaphore_mem>>) src(%dma_wait3A_289 : memref<256xi32, #tpu.memory_space<hbm>>) dst(%arg11 : memref<256xi32, #tpu.memory_space<vmem>>)
      tpu.yield
    }) : () -> ()
    %get3A_190 = arith.constant 0 : index
    %get3A_191 = tpu.vector_load %arg11[%get3A_190] {strides = array<i32>} : memref<256xi32, #tpu.memory_space<vmem>>, vector<16xi32>,
    %gather3A_192 = tpu.vector_load_idx %arg10[%get3A_191] : memref<4096xi32, #tpu.memory_space<vmem>>[vector<16xi32>], vector<16xi32>,
    %swap3A_193 = arith.constant 0 : index
    %swap3A_194 = tpu.vector_load %arg12[%swap3A_193] {strides = array<i32>} : memref<128xi32, #tpu.memory_space<vmem>>, vector<16xi32>,
    tpu.vector_store %arg12[%swap3A_193], %gather3A_192 {strides = array<i32>} : memref<128xi32, #tpu.memory_space<vmem>>, vector<16xi32>,
    %get3A_195 = arith.constant 16 : index
    %get3A_196 = tpu.vector_load %arg11[%get3A_195] {strides = array<i32>} : memref<256xi32, #tpu.memory_space<vmem>>, vector<16xi32>,
    %gather3A_197 = tpu.vector_load_idx %arg10[%get3A_196] : memref<4096xi32, #tpu.memory_space<vmem>>[vector<16xi32>], vector<16xi32>,
    %swap3A_198 = arith.constant 16 : index
    %swap3A_199 = tpu.vector_load %arg12[%swap3A_198] {strides = array<i32>} : memref<128xi32, #tpu.memory_space<vmem>>, vector<16xi32>,
    tpu.vector_store %arg12[%swap3A_198], %gather3A_197 {strides = array<i32>} : memref<128xi32, #tpu.memory_space<vmem>>, vector<16xi32>,
    %get3A_200 = arith.constant 32 : index
    %get3A_201 = tpu.vector_load %arg11[%get3A_200] {strides = array<i32>} : memref<256xi32, #tpu.memory_space<vmem>>, vector<16xi32>,
    %gather3A_202 = tpu.vector_load_idx %arg10[%get3A_201] : memref<4096xi32, #tpu.memory_space<vmem>>[vector<16xi32>], vector<16xi32>,
    %swap3A_203 = arith.constant 32 : index
    %swap3A_204 = tpu.vector_load %arg12[%swap3A_203] {strides = array<i32>} : memref<128xi32, #tpu.memory_space<vmem>>, vector<16xi32>,
    tpu.vector_store %arg12[%swap3A_203], %gather3A_202 {strides = array<i32>} : memref<128xi32, #tpu.memory_space<vmem>>, vector<16xi32>,
    %get3A_205 = arith.constant 48 : index
    %get3A_206 = tpu.vector_load %arg11[%get3A_205] {strides = array<i32>} : memref<256xi32, #tpu.memory_space<vmem>>, vector<16xi32>,
    %gather3A_207 = tpu.vector_load_idx %arg10[%get3A_206] : memref<4096xi32, #tpu.memory_space<vmem>>[vector<16xi32>], vector<16xi32>,
    %swap3A_208 = arith.constant 48 : index
    %swap3A_209 = tpu.vector_load %arg12[%swap3A_208] {strides = array<i32>} : memref<128xi32, #tpu.memory_space<vmem>>, vector<16xi32>,
    tpu.vector_store %arg12[%swap3A_208], %gather3A_207 {strides = array<i32>} : memref<128xi32, #tpu.memory_space<vmem>>, vector<16xi32>,
    %get3A_210 = arith.constant 64 : index
    %get3A_211 = tpu.vector_load %arg11[%get3A_210] {strides = array<i32>} : memref<256xi32, #tpu.memory_space<vmem>>, vector<16xi32>,
    %gather3A_212 = tpu.vector_load_idx %arg10[%get3A_211] : memref<4096xi32, #tpu.memory_space<vmem>>[vector<16xi32>], vector<16xi32>,
    %swap3A_213 = arith.constant 64 : index
    %swap3A_214 = tpu.vector_load %arg12[%swap3A_213] {strides = array<i32>} : memref<128xi32, #tpu.memory_space<vmem>>, vector<16xi32>,
    tpu.vector_store %arg12[%swap3A_213], %gather3A_212 {strides = array<i32>} : memref<128xi32, #tpu.memory_space<vmem>>, vector<16xi32>,
    %get3A_215 = arith.constant 80 : index
    %get3A_216 = tpu.vector_load %arg11[%get3A_215] {strides = array<i32>} : memref<256xi32, #tpu.memory_space<vmem>>, vector<16xi32>,
    %gather3A_217 = tpu.vector_load_idx %arg10[%get3A_216] : memref<4096xi32, #tpu.memory_space<vmem>>[vector<16xi32>], vector<16xi32>,
    %swap3A_218 = arith.constant 80 : index
    %swap3A_219 = tpu.vector_load %arg12[%swap3A_218] {strides = array<i32>} : memref<128xi32, #tpu.memory_space<vmem>>, vector<16xi32>,
    tpu.vector_store %arg12[%swap3A_218], %gather3A_217 {strides = array<i32>} : memref<128xi32, #tpu.memory_space<vmem>>, vector<16xi32>,
    %get3A_220 = arith.constant 96 : index
    %get3A_221 = tpu.vector_load %arg11[%get3A_220] {strides = array<i32>} : memref<256xi32, #tpu.memory_space<vmem>>, vector<16xi32>,
    %gather3A_222 = tpu.vector_load_idx %arg10[%get3A_221] : memref<4096xi32, #tpu.memory_space<vmem>>[vector<16xi32>], vector<16xi32>,
    %swap3A_223 = arith.constant 96 : index
    %swap3A_224 = tpu.vector_load %arg12[%swap3A_223] {strides = array<i32>} : memref<128xi32, #tpu.memory_space<vmem>>, vector<16xi32>,
    tpu.vector_store %arg12[%swap3A_223], %gather3A_222 {strides = array<i32>} : memref<128xi32, #tpu.memory_space<vmem>>, vector<16xi32>,
    %get3A_225 = arith.constant 112 : index
    %get3A_226 = tpu.vector_load %arg11[%get3A_225] {strides = array<i32>} : memref<256xi32, #tpu.memory_space<vmem>>, vector<16xi32>,
    %gather3A_227 = tpu.vector_load_idx %arg10[%get3A_226] : memref<4096xi32, #tpu.memory_space<vmem>>[vector<16xi32>], vector<16xi32>,
    %swap3A_228 = arith.constant 112 : index
    %swap3A_229 = tpu.vector_load %arg12[%swap3A_228] {strides = array<i32>} : memref<128xi32, #tpu.memory_space<vmem>>, vector<16xi32>,
    tpu.vector_store %arg12[%swap3A_228], %gather3A_227 {strides = array<i32>} : memref<128xi32, #tpu.memory_space<vmem>>, vector<16xi32>,
    %dma_start3A_230 = arith.constant 0 : i32
    %dma_start3A_231 = arith.constant 0 : i32
    %dma_start3A_232 = tpu.memref_slice %arg6[%dma_start3A_230, %dma_start3A_231] : memref<4096x128xf32, #tpu.memory_space<hbm>> -> memref<4096x128xf32, #tpu.memory_space<hbm>>
    tpu.enqueue_indirect_dma source(%dma_start3A_232 : memref<4096x128xf32, #tpu.memory_space<hbm>>) target(%arg13 : memref<128x128xf32, #tpu.memory_space<vmem>>) offsets(%arg12 : memref<128xi32, #tpu.memory_space<vmem>>) semaphore(%arg14 : memref<!tpu.dma_semaphore, #tpu.memory_space<semaphore_mem>>)
    %dma_wait3A_233 = arith.constant 0 : i32
    %dma_wait3A_234 = arith.constant 0 : i32
    %dma_wait3A_235 = tpu.memref_slice %arg6[%dma_wait3A_233, %dma_wait3A_234] : memref<4096x128xf32, #tpu.memory_space<hbm>> -> memref<4096x128xf32, #tpu.memory_space<hbm>>
    tpu.wait_indirect_dma semaphore(%arg14 : memref<!tpu.dma_semaphore, #tpu.memory_space<semaphore_mem>>) src(%dma_wait3A_235 : memref<4096x128xf32, #tpu.memory_space<hbm>>) dst(%arg13 : memref<128x128xf32, #tpu.memory_space<vmem>>)
    %add3A_236 = arith.constant 0 : i32
    %add3A_237 = arith.addi %mul3A_2, %add3A_236 : i32
    "tpu.region"() ({
      %run_scoped3A = tpu.sem_alloc : memref<!tpu.dma_semaphore, #tpu.memory_space<semaphore_mem>>
      %dma_start3A_286 = arith.constant 0 : i32
      %dma_start3A_287 = tpu.memref_slice %arg9[%add3A_237, %dma_start3A_286] : memref<8192x128xf32, #tpu.memory_space<hbm>> -> memref<128x128xf32, #tpu.memory_space<hbm>>
      %dma_start3A_288 = arith.constant 0 : i32
      %dma_start3A_289 = tpu.memref_slice %arg9[%add3A_237, %dma_start3A_288] : memref<8192x128xf32, #tpu.memory_space<hbm>> -> memref<128x128xf32, #tpu.memory_space<hbm>>
      tpu.enqueue_dma source(%arg13 : memref<128x128xf32, #tpu.memory_space<vmem>>) target(%dma_start3A_289 : memref<128x128xf32, #tpu.memory_space<hbm>>) target_semaphore(%run_scoped3A : memref<!tpu.dma_semaphore, #tpu.memory_space<semaphore_mem>>)
      %dma_wait3A_290 = arith.constant 0 : i32
      %dma_wait3A_291 = tpu.memref_slice %arg9[%add3A_237, %dma_wait3A_290] : memref<8192x128xf32, #tpu.memory_space<hbm>> -> memref<128x128xf32, #tpu.memory_space<hbm>>
      %dma_wait3A_292 = arith.constant 0 : i32
      %dma_wait3A_293 = tpu.memref_slice %arg9[%add3A_237, %dma_wait3A_292] : memref<8192x128xf32, #tpu.memory_space<hbm>> -> memref<128x128xf32, #tpu.memory_space<hbm>>
      tpu.wait_dma2 semaphore(%run_scoped3A : memref<!tpu.dma_semaphore, #tpu.memory_space<semaphore_mem>>) src(%arg13 : memref<128x128xf32, #tpu.memory_space<vmem>>) dst(%dma_wait3A_293 : memref<128x128xf32, #tpu.memory_space<hbm>>)
      tpu.yield
    }) : () -> ()
    %get3A_238 = arith.constant 128 : index
    %get3A_239 = tpu.vector_load %arg11[%get3A_238] {strides = array<i32>} : memref<256xi32, #tpu.memory_space<vmem>>, vector<16xi32>,
    %gather3A_240 = tpu.vector_load_idx %arg10[%get3A_239] : memref<4096xi32, #tpu.memory_space<vmem>>[vector<16xi32>], vector<16xi32>,
    %swap3A_241 = arith.constant 0 : index
    %swap3A_242 = tpu.vector_load %arg12[%swap3A_241] {strides = array<i32>} : memref<128xi32, #tpu.memory_space<vmem>>, vector<16xi32>,
    tpu.vector_store %arg12[%swap3A_241], %gather3A_240 {strides = array<i32>} : memref<128xi32, #tpu.memory_space<vmem>>, vector<16xi32>,
    %get3A_243 = arith.constant 144 : index
    %get3A_244 = tpu.vector_load %arg11[%get3A_243] {strides = array<i32>} : memref<256xi32, #tpu.memory_space<vmem>>, vector<16xi32>,
    %gather3A_245 = tpu.vector_load_idx %arg10[%get3A_244] : memref<4096xi32, #tpu.memory_space<vmem>>[vector<16xi32>], vector<16xi32>,
    %swap3A_246 = arith.constant 16 : index
    %swap3A_247 = tpu.vector_load %arg12[%swap3A_246] {strides = array<i32>} : memref<128xi32, #tpu.memory_space<vmem>>, vector<16xi32>,
    tpu.vector_store %arg12[%swap3A_246], %gather3A_245 {strides = array<i32>} : memref<128xi32, #tpu.memory_space<vmem>>, vector<16xi32>,
    %get3A_248 = arith.constant 160 : index
    %get3A_249 = tpu.vector_load %arg11[%get3A_248] {strides = array<i32>} : memref<256xi32, #tpu.memory_space<vmem>>, vector<16xi32>,
    %gather3A_250 = tpu.vector_load_idx %arg10[%get3A_249] : memref<4096xi32, #tpu.memory_space<vmem>>[vector<16xi32>], vector<16xi32>,
    %swap3A_251 = arith.constant 32 : index
    %swap3A_252 = tpu.vector_load %arg12[%swap3A_251] {strides = array<i32>} : memref<128xi32, #tpu.memory_space<vmem>>, vector<16xi32>,
    tpu.vector_store %arg12[%swap3A_251], %gather3A_250 {strides = array<i32>} : memref<128xi32, #tpu.memory_space<vmem>>, vector<16xi32>,
    %get3A_253 = arith.constant 176 : index
    %get3A_254 = tpu.vector_load %arg11[%get3A_253] {strides = array<i32>} : memref<256xi32, #tpu.memory_space<vmem>>, vector<16xi32>,
    %gather3A_255 = tpu.vector_load_idx %arg10[%get3A_254] : memref<4096xi32, #tpu.memory_space<vmem>>[vector<16xi32>], vector<16xi32>,
    %swap3A_256 = arith.constant 48 : index
    %swap3A_257 = tpu.vector_load %arg12[%swap3A_256] {strides = array<i32>} : memref<128xi32, #tpu.memory_space<vmem>>, vector<16xi32>,
    tpu.vector_store %arg12[%swap3A_256], %gather3A_255 {strides = array<i32>} : memref<128xi32, #tpu.memory_space<vmem>>, vector<16xi32>,
    %get3A_258 = arith.constant 192 : index
    %get3A_259 = tpu.vector_load %arg11[%get3A_258] {strides = array<i32>} : memref<256xi32, #tpu.memory_space<vmem>>, vector<16xi32>,
    %gather3A_260 = tpu.vector_load_idx %arg10[%get3A_259] : memref<4096xi32, #tpu.memory_space<vmem>>[vector<16xi32>], vector<16xi32>,
    %swap3A_261 = arith.constant 64 : index
    %swap3A_262 = tpu.vector_load %arg12[%swap3A_261] {strides = array<i32>} : memref<128xi32, #tpu.memory_space<vmem>>, vector<16xi32>,
    tpu.vector_store %arg12[%swap3A_261], %gather3A_260 {strides = array<i32>} : memref<128xi32, #tpu.memory_space<vmem>>, vector<16xi32>,
    %get3A_263 = arith.constant 208 : index
    %get3A_264 = tpu.vector_load %arg11[%get3A_263] {strides = array<i32>} : memref<256xi32, #tpu.memory_space<vmem>>, vector<16xi32>,
    %gather3A_265 = tpu.vector_load_idx %arg10[%get3A_264] : memref<4096xi32, #tpu.memory_space<vmem>>[vector<16xi32>], vector<16xi32>,
    %swap3A_266 = arith.constant 80 : index
    %swap3A_267 = tpu.vector_load %arg12[%swap3A_266] {strides = array<i32>} : memref<128xi32, #tpu.memory_space<vmem>>, vector<16xi32>,
    tpu.vector_store %arg12[%swap3A_266], %gather3A_265 {strides = array<i32>} : memref<128xi32, #tpu.memory_space<vmem>>, vector<16xi32>,
    %get3A_268 = arith.constant 224 : index
    %get3A_269 = tpu.vector_load %arg11[%get3A_268] {strides = array<i32>} : memref<256xi32, #tpu.memory_space<vmem>>, vector<16xi32>,
    %gather3A_270 = tpu.vector_load_idx %arg10[%get3A_269] : memref<4096xi32, #tpu.memory_space<vmem>>[vector<16xi32>], vector<16xi32>,
    %swap3A_271 = arith.constant 96 : index
    %swap3A_272 = tpu.vector_load %arg12[%swap3A_271] {strides = array<i32>} : memref<128xi32, #tpu.memory_space<vmem>>, vector<16xi32>,
    tpu.vector_store %arg12[%swap3A_271], %gather3A_270 {strides = array<i32>} : memref<128xi32, #tpu.memory_space<vmem>>, vector<16xi32>,
    %get3A_273 = arith.constant 240 : index
    %get3A_274 = tpu.vector_load %arg11[%get3A_273] {strides = array<i32>} : memref<256xi32, #tpu.memory_space<vmem>>, vector<16xi32>,
    %gather3A_275 = tpu.vector_load_idx %arg10[%get3A_274] : memref<4096xi32, #tpu.memory_space<vmem>>[vector<16xi32>], vector<16xi32>,
    %swap3A_276 = arith.constant 112 : index
    %swap3A_277 = tpu.vector_load %arg12[%swap3A_276] {strides = array<i32>} : memref<128xi32, #tpu.memory_space<vmem>>, vector<16xi32>,
    tpu.vector_store %arg12[%swap3A_276], %gather3A_275 {strides = array<i32>} : memref<128xi32, #tpu.memory_space<vmem>>, vector<16xi32>,
    %dma_start3A_278 = arith.constant 0 : i32
    %dma_start3A_279 = arith.constant 0 : i32
    %dma_start3A_280 = tpu.memref_slice %arg6[%dma_start3A_278, %dma_start3A_279] : memref<4096x128xf32, #tpu.memory_space<hbm>> -> memref<4096x128xf32, #tpu.memory_space<hbm>>
    tpu.enqueue_indirect_dma source(%dma_start3A_280 : memref<4096x128xf32, #tpu.memory_space<hbm>>) target(%arg13 : memref<128x128xf32, #tpu.memory_space<vmem>>) offsets(%arg12 : memref<128xi32, #tpu.memory_space<vmem>>) semaphore(%arg14 : memref<!tpu.dma_semaphore, #tpu.memory_space<semaphore_mem>>)
    %dma_wait3A_281 = arith.constant 0 : i32
    %dma_wait3A_282 = arith.constant 0 : i32
    %dma_wait3A_283 = tpu.memref_slice %arg6[%dma_wait3A_281, %dma_wait3A_282] : memref<4096x128xf32, #tpu.memory_space<hbm>> -> memref<4096x128xf32, #tpu.memory_space<hbm>>
    tpu.wait_indirect_dma semaphore(%arg14 : memref<!tpu.dma_semaphore, #tpu.memory_space<semaphore_mem>>) src(%dma_wait3A_283 : memref<4096x128xf32, #tpu.memory_space<hbm>>) dst(%arg13 : memref<128x128xf32, #tpu.memory_space<vmem>>)
    %add3A_284 = arith.constant 128 : i32
    %add3A_285 = arith.addi %mul3A_2, %add3A_284 : i32
    "tpu.region"() ({
      %run_scoped3A = tpu.sem_alloc : memref<!tpu.dma_semaphore, #tpu.memory_space<semaphore_mem>>
      %dma_start3A_286 = arith.constant 0 : i32
      %dma_start3A_287 = tpu.memref_slice %arg9[%add3A_285, %dma_start3A_286] : memref<8192x128xf32, #tpu.memory_space<hbm>> -> memref<128x128xf32, #tpu.memory_space<hbm>>
      %dma_start3A_288 = arith.constant 0 : i32
      %dma_start3A_289 = tpu.memref_slice %arg9[%add3A_285, %dma_start3A_288] : memref<8192x128xf32, #tpu.memory_space<hbm>> -> memref<128x128xf32, #tpu.memory_space<hbm>>
      tpu.enqueue_dma source(%arg13 : memref<128x128xf32, #tpu.memory_space<vmem>>) target(%dma_start3A_289 : memref<128x128xf32, #tpu.memory_space<hbm>>) target_semaphore(%run_scoped3A : memref<!tpu.dma_semaphore, #tpu.memory_space<semaphore_mem>>)
      %dma_wait3A_290 = arith.constant 0 : i32
      %dma_wait3A_291 = tpu.memref_slice %arg9[%add3A_285, %dma_wait3A_290] : memref<8192x128xf32, #tpu.memory_space<hbm>> -> memref<128x128xf32, #tpu.memory_space<hbm>>
      %dma_wait3A_292 = arith.constant 0 : i32
      %dma_wait3A_293 = tpu.memref_slice %arg9[%add3A_285, %dma_wait3A_292] : memref<8192x128xf32, #tpu.memory_space<hbm>> -> memref<128x128xf32, #tpu.memory_space<hbm>>
      tpu.wait_dma2 semaphore(%run_scoped3A : memref<!tpu.dma_semaphore, #tpu.memory_space<semaphore_mem>>) src(%arg13 : memref<128x128xf32, #tpu.memory_space<vmem>>) dst(%dma_wait3A_293 : memref<128x128xf32, #tpu.memory_space<hbm>>)
      tpu.yield
    }) : () -> ()
    return
  }
}

#map = affine_map<(d0, d1) -> (0)>
#map1 = affine_map<(d0, d1) -> (0, 0)>
module attributes {stable_mosaic.version = 14 : i64} {
  func.func @sc_gather(%arg0: i32, %arg1: i32, %arg2: memref<4096xi32, #tpu.memory_space<hbm>>, %arg3: memref<8192xi32, #tpu.memory_space<hbm>>, %arg4: memref<8192xi32, #tpu.memory_space<hbm>>, %arg5: memref<8192xi32, #tpu.memory_space<hbm>>, %arg6: memref<4096x128xf32, #tpu.memory_space<hbm>>, %arg7: memref<8192x128xf32, #tpu.memory_space<hbm>>, %arg8: memref<8192x128xf32, #tpu.memory_space<hbm>>, %arg9: memref<8192x128xf32, #tpu.memory_space<hbm>>, %arg10: memref<4096xi32, #tpu.memory_space<vmem>>, %arg11: memref<256xi32, #tpu.memory_space<vmem>>, %arg12: memref<128xi32, #tpu.memory_space<vmem>>, %arg13: memref<128x128xf32, #tpu.memory_space<vmem>>, %arg14: memref<!tpu.dma_semaphore, #tpu.memory_space<semaphore_mem>>) attributes {dimension_semantics = [#tpu.dimension_semantics<core_parallel>, #tpu.dimension_semantics<subcore_parallel>], iteration_bounds = array<i64: 2, 16>, scalar_prefetch = 0 : i64, scratch_operands = 5 : i64, tpu.core_type = #tpu.core_type<sc_vector_subcore>, window_params = [{transform_indices = #map}, {transform_indices = #map}, {transform_indices = #map}, {transform_indices = #map}, {transform_indices = #map1}, {transform_indices = #map1}, {transform_indices = #map1}, {transform_indices = #map1}]} {
    %mul3A = arith.constant 2 : i32
    %mul3A_0 = arith.muli %arg1, %mul3A : i32
    %add3A = arith.addi %mul3A_0, %arg0 : i32
    %mul3A_1 = arith.constant 256 : i32
    %mul3A_2 = arith.muli %add3A, %mul3A_1 : i32
    "tpu.region"() ({
      %run_scoped3A = tpu.sem_alloc : memref<!tpu.dma_semaphore, #tpu.memory_space<semaphore_mem>>
      tpu.enqueue_dma source(%arg2 : memref<4096xi32, #tpu.memory_space<hbm>>) target(%arg10 : memref<4096xi32, #tpu.memory_space<vmem>>) target_semaphore(%run_scoped3A : memref<!tpu.dma_semaphore, #tpu.memory_space<semaphore_mem>>)
      tpu.wait_dma2 semaphore(%run_scoped3A : memref<!tpu.dma_semaphore, #tpu.memory_space<semaphore_mem>>) src(%arg2 : memref<4096xi32, #tpu.memory_space<hbm>>) dst(%arg10 : memref<4096xi32, #tpu.memory_space<vmem>>)
      tpu.yield
    }) : () -> ()
    "tpu.region"() ({
      %run_scoped3A = tpu.sem_alloc : memref<!tpu.dma_semaphore, #tpu.memory_space<semaphore_mem>>
      %dma_start3A_286 = tpu.memref_slice %arg3[%mul3A_2] : memref<8192xi32, #tpu.memory_space<hbm>> -> memref<256xi32, #tpu.memory_space<hbm>>
      %dma_start3A_287 = tpu.memref_slice %arg3[%mul3A_2] : memref<8192xi32, #tpu.memory_space<hbm>> -> memref<256xi32, #tpu.memory_space<hbm>>
      tpu.enqueue_dma source(%dma_start3A_287 : memref<256xi32, #tpu.memory_space<hbm>>) target(%arg11 : memref<256xi32, #tpu.memory_space<vmem>>) target_semaphore(%run_scoped3A : memref<!tpu.dma_semaphore, #tpu.memory_space<semaphore_mem>>)
      %dma_wait3A_288 = tpu.memref_slice %arg3[%mul3A_2] : memref<8192xi32, #tpu.memory_space<hbm>> -> memref<256xi32, #tpu.memory_space<hbm>>
      %dma_wait3A_289 = tpu.memref_slice %arg3[%mul3A_2] : memref<8192xi32, #tpu.memory_space<hbm>> -> memref<256xi32, #tpu.memory_space<hbm>>
      tpu.wait_dma2 semaphore(%run_scoped3A : memref<!tpu.dma_semaphore, #tpu.memory_space<semaphore_mem>>) src(%dma_wait3A_289 : memref<256xi32, #tpu.memory_space<hbm>>) dst(%arg11 : memref<256xi32, #tpu.memory_space<vmem>>)
      tpu.yield
    }) : () -> ()
    %get3A = arith.constant 0 : index
    %get3A_3 = tpu.vector_load %arg11[%get3A] {strides = array<i32>} : memref<256xi32, #tpu.memory_space<vmem>>, vector<16xi32>,
    %gather3A = tpu.vector_load_idx %arg10[%get3A_3] : memref<4096xi32, #tpu.memory_space<vmem>>[vector<16xi32>], vector<16xi32>,
    %swap3A = arith.constant 0 : index
    %swap3A_4 = tpu.vector_load %arg12[%swap3A] {strides = array<i32>} : memref<128xi32, #tpu.memory_space<vmem>>, vector<16xi32>,
    tpu.vector_store %arg12[%swap3A], %gather3A {strides = array<i32>} : memref<128xi32, #tpu.memory_space<vmem>>, vector<16xi32>,
    %get3A_5 = arith.constant 16 : index
    %get3A_6 = tpu.vector_load %arg11[%get3A_5] {strides = array<i32>} : memref<256xi32, #tpu.memory_space<vmem>>, vector<16xi32>,
    %gather3A_7 = tpu.vector_load_idx %arg10[%get3A_6] : memref<4096xi32, #tpu.memory_space<vmem>>[vector<16xi32>], vector<16xi32>,
    %swap3A_8 = arith.constant 16 : index
    %swap3A_9 = tpu.vector_load %arg12[%swap3A_8] {strides = array<i32>} : memref<128xi32, #tpu.memory_space<vmem>>, vector<16xi32>,
    tpu.vector_store %arg12[%swap3A_8], %gather3A_7 {strides = array<i32>} : memref<128xi32, #tpu.memory_space<vmem>>, vector<16xi32>,
    %get3A_10 = arith.constant 32 : index
    %get3A_11 = tpu.vector_load %arg11[%get3A_10] {strides = array<i32>} : memref<256xi32, #tpu.memory_space<vmem>>, vector<16xi32>,
    %gather3A_12 = tpu.vector_load_idx %arg10[%get3A_11] : memref<4096xi32, #tpu.memory_space<vmem>>[vector<16xi32>], vector<16xi32>,
    %swap3A_13 = arith.constant 32 : index
    %swap3A_14 = tpu.vector_load %arg12[%swap3A_13] {strides = array<i32>} : memref<128xi32, #tpu.memory_space<vmem>>, vector<16xi32>,
    tpu.vector_store %arg12[%swap3A_13], %gather3A_12 {strides = array<i32>} : memref<128xi32, #tpu.memory_space<vmem>>, vector<16xi32>,
    %get3A_15 = arith.constant 48 : index
    %get3A_16 = tpu.vector_load %arg11[%get3A_15] {strides = array<i32>} : memref<256xi32, #tpu.memory_space<vmem>>, vector<16xi32>,
    %gather3A_17 = tpu.vector_load_idx %arg10[%get3A_16] : memref<4096xi32, #tpu.memory_space<vmem>>[vector<16xi32>], vector<16xi32>,
    %swap3A_18 = arith.constant 48 : index
    %swap3A_19 = tpu.vector_load %arg12[%swap3A_18] {strides = array<i32>} : memref<128xi32, #tpu.memory_space<vmem>>, vector<16xi32>,
    tpu.vector_store %arg12[%swap3A_18], %gather3A_17 {strides = array<i32>} : memref<128xi32, #tpu.memory_space<vmem>>, vector<16xi32>,
    %get3A_20 = arith.constant 64 : index
    %get3A_21 = tpu.vector_load %arg11[%get3A_20] {strides = array<i32>} : memref<256xi32, #tpu.memory_space<vmem>>, vector<16xi32>,
    %gather3A_22 = tpu.vector_load_idx %arg10[%get3A_21] : memref<4096xi32, #tpu.memory_space<vmem>>[vector<16xi32>], vector<16xi32>,
    %swap3A_23 = arith.constant 64 : index
    %swap3A_24 = tpu.vector_load %arg12[%swap3A_23] {strides = array<i32>} : memref<128xi32, #tpu.memory_space<vmem>>, vector<16xi32>,
    tpu.vector_store %arg12[%swap3A_23], %gather3A_22 {strides = array<i32>} : memref<128xi32, #tpu.memory_space<vmem>>, vector<16xi32>,
    %get3A_25 = arith.constant 80 : index
    %get3A_26 = tpu.vector_load %arg11[%get3A_25] {strides = array<i32>} : memref<256xi32, #tpu.memory_space<vmem>>, vector<16xi32>,
    %gather3A_27 = tpu.vector_load_idx %arg10[%get3A_26] : memref<4096xi32, #tpu.memory_space<vmem>>[vector<16xi32>], vector<16xi32>,
    %swap3A_28 = arith.constant 80 : index
    %swap3A_29 = tpu.vector_load %arg12[%swap3A_28] {strides = array<i32>} : memref<128xi32, #tpu.memory_space<vmem>>, vector<16xi32>,
    tpu.vector_store %arg12[%swap3A_28], %gather3A_27 {strides = array<i32>} : memref<128xi32, #tpu.memory_space<vmem>>, vector<16xi32>,
    %get3A_30 = arith.constant 96 : index
    %get3A_31 = tpu.vector_load %arg11[%get3A_30] {strides = array<i32>} : memref<256xi32, #tpu.memory_space<vmem>>, vector<16xi32>,
    %gather3A_32 = tpu.vector_load_idx %arg10[%get3A_31] : memref<4096xi32, #tpu.memory_space<vmem>>[vector<16xi32>], vector<16xi32>,
    %swap3A_33 = arith.constant 96 : index
    %swap3A_34 = tpu.vector_load %arg12[%swap3A_33] {strides = array<i32>} : memref<128xi32, #tpu.memory_space<vmem>>, vector<16xi32>,
    tpu.vector_store %arg12[%swap3A_33], %gather3A_32 {strides = array<i32>} : memref<128xi32, #tpu.memory_space<vmem>>, vector<16xi32>,
    %get3A_35 = arith.constant 112 : index
    %get3A_36 = tpu.vector_load %arg11[%get3A_35] {strides = array<i32>} : memref<256xi32, #tpu.memory_space<vmem>>, vector<16xi32>,
    %gather3A_37 = tpu.vector_load_idx %arg10[%get3A_36] : memref<4096xi32, #tpu.memory_space<vmem>>[vector<16xi32>], vector<16xi32>,
    %swap3A_38 = arith.constant 112 : index
    %swap3A_39 = tpu.vector_load %arg12[%swap3A_38] {strides = array<i32>} : memref<128xi32, #tpu.memory_space<vmem>>, vector<16xi32>,
    tpu.vector_store %arg12[%swap3A_38], %gather3A_37 {strides = array<i32>} : memref<128xi32, #tpu.memory_space<vmem>>, vector<16xi32>,
    %dma_start3A = arith.constant 0 : i32
    %dma_start3A_40 = arith.constant 0 : i32
    %dma_start3A_41 = tpu.memref_slice %arg6[%dma_start3A, %dma_start3A_40] : memref<4096x128xf32, #tpu.memory_space<hbm>> -> memref<4096x128xf32, #tpu.memory_space<hbm>>
    tpu.enqueue_indirect_dma source(%dma_start3A_41 : memref<4096x128xf32, #tpu.memory_space<hbm>>) target(%arg13 : memref<128x128xf32, #tpu.memory_space<vmem>>) offsets(%arg12 : memref<128xi32, #tpu.memory_space<vmem>>) semaphore(%arg14 : memref<!tpu.dma_semaphore, #tpu.memory_space<semaphore_mem>>)
    %dma_wait3A = arith.constant 0 : i32
    %dma_wait3A_42 = arith.constant 0 : i32
    %dma_wait3A_43 = tpu.memref_slice %arg6[%dma_wait3A, %dma_wait3A_42] : memref<4096x128xf32, #tpu.memory_space<hbm>> -> memref<4096x128xf32, #tpu.memory_space<hbm>>
    tpu.wait_indirect_dma semaphore(%arg14 : memref<!tpu.dma_semaphore, #tpu.memory_space<semaphore_mem>>) src(%dma_wait3A_43 : memref<4096x128xf32, #tpu.memory_space<hbm>>) dst(%arg13 : memref<128x128xf32, #tpu.memory_space<vmem>>)
    %add3A_44 = arith.constant 0 : i32
    %add3A_45 = arith.addi %mul3A_2, %add3A_44 : i32
    "tpu.region"() ({
      %run_scoped3A = tpu.sem_alloc : memref<!tpu.dma_semaphore, #tpu.memory_space<semaphore_mem>>
      %dma_start3A_286 = arith.constant 0 : i32
      %dma_start3A_287 = tpu.memref_slice %arg7[%add3A_45, %dma_start3A_286] : memref<8192x128xf32, #tpu.memory_space<hbm>> -> memref<128x128xf32, #tpu.memory_space<hbm>>
      %dma_start3A_288 = arith.constant 0 : i32
      %dma_start3A_289 = tpu.memref_slice %arg7[%add3A_45, %dma_start3A_288] : memref<8192x128xf32, #tpu.memory_space<hbm>> -> memref<128x128xf32, #tpu.memory_space<hbm>>
      tpu.enqueue_dma source(%arg13 : memref<128x128xf32, #tpu.memory_space<vmem>>) target(%dma_start3A_289 : memref<128x128xf32, #tpu.memory_space<hbm>>) target_semaphore(%run_scoped3A : memref<!tpu.dma_semaphore, #tpu.memory_space<semaphore_mem>>)
      %dma_wait3A_290 = arith.constant 0 : i32
      %dma_wait3A_291 = tpu.memref_slice %arg7[%add3A_45, %dma_wait3A_290] : memref<8192x128xf32, #tpu.memory_space<hbm>> -> memref<128x128xf32, #tpu.memory_space<hbm>>
      %dma_wait3A_292 = arith.constant 0 : i32
      %dma_wait3A_293 = tpu.memref_slice %arg7[%add3A_45, %dma_wait3A_292] : memref<8192x128xf32, #tpu.memory_space<hbm>> -> memref<128x128xf32, #tpu.memory_space<hbm>>
      tpu.wait_dma2 semaphore(%run_scoped3A : memref<!tpu.dma_semaphore, #tpu.memory_space<semaphore_mem>>) src(%arg13 : memref<128x128xf32, #tpu.memory_space<vmem>>) dst(%dma_wait3A_293 : memref<128x128xf32, #tpu.memory_space<hbm>>)
      tpu.yield
    }) : () -> ()
    %get3A_46 = arith.constant 128 : index
    %get3A_47 = tpu.vector_load %arg11[%get3A_46] {strides = array<i32>} : memref<256xi32, #tpu.memory_space<vmem>>, vector<16xi32>,
    %gather3A_48 = tpu.vector_load_idx %arg10[%get3A_47] : memref<4096xi32, #tpu.memory_space<vmem>>[vector<16xi32>], vector<16xi32>,
    %swap3A_49 = arith.constant 0 : index
    %swap3A_50 = tpu.vector_load %arg12[%swap3A_49] {strides = array<i32>} : memref<128xi32, #tpu.memory_space<vmem>>, vector<16xi32>,
    tpu.vector_store %arg12[%swap3A_49], %gather3A_48 {strides = array<i32>} : memref<128xi32, #tpu.memory_space<vmem>>, vector<16xi32>,
    %get3A_51 = arith.constant 144 : index
    %get3A_52 = tpu.vector_load %arg11[%get3A_51] {strides = array<i32>} : memref<256xi32, #tpu.memory_space<vmem>>, vector<16xi32>,
    %gather3A_53 = tpu.vector_load_idx %arg10[%get3A_52] : memref<4096xi32, #tpu.memory_space<vmem>>[vector<16xi32>], vector<16xi32>,
    %swap3A_54 = arith.constant 16 : index
    %swap3A_55 = tpu.vector_load %arg12[%swap3A_54] {strides = array<i32>} : memref<128xi32, #tpu.memory_space<vmem>>, vector<16xi32>,
    tpu.vector_store %arg12[%swap3A_54], %gather3A_53 {strides = array<i32>} : memref<128xi32, #tpu.memory_space<vmem>>, vector<16xi32>,
    %get3A_56 = arith.constant 160 : index
    %get3A_57 = tpu.vector_load %arg11[%get3A_56] {strides = array<i32>} : memref<256xi32, #tpu.memory_space<vmem>>, vector<16xi32>,
    %gather3A_58 = tpu.vector_load_idx %arg10[%get3A_57] : memref<4096xi32, #tpu.memory_space<vmem>>[vector<16xi32>], vector<16xi32>,
    %swap3A_59 = arith.constant 32 : index
    %swap3A_60 = tpu.vector_load %arg12[%swap3A_59] {strides = array<i32>} : memref<128xi32, #tpu.memory_space<vmem>>, vector<16xi32>,
    tpu.vector_store %arg12[%swap3A_59], %gather3A_58 {strides = array<i32>} : memref<128xi32, #tpu.memory_space<vmem>>, vector<16xi32>,
    %get3A_61 = arith.constant 176 : index
    %get3A_62 = tpu.vector_load %arg11[%get3A_61] {strides = array<i32>} : memref<256xi32, #tpu.memory_space<vmem>>, vector<16xi32>,
    %gather3A_63 = tpu.vector_load_idx %arg10[%get3A_62] : memref<4096xi32, #tpu.memory_space<vmem>>[vector<16xi32>], vector<16xi32>,
    %swap3A_64 = arith.constant 48 : index
    %swap3A_65 = tpu.vector_load %arg12[%swap3A_64] {strides = array<i32>} : memref<128xi32, #tpu.memory_space<vmem>>, vector<16xi32>,
    tpu.vector_store %arg12[%swap3A_64], %gather3A_63 {strides = array<i32>} : memref<128xi32, #tpu.memory_space<vmem>>, vector<16xi32>,
    %get3A_66 = arith.constant 192 : index
    %get3A_67 = tpu.vector_load %arg11[%get3A_66] {strides = array<i32>} : memref<256xi32, #tpu.memory_space<vmem>>, vector<16xi32>,
    %gather3A_68 = tpu.vector_load_idx %arg10[%get3A_67] : memref<4096xi32, #tpu.memory_space<vmem>>[vector<16xi32>], vector<16xi32>,
    %swap3A_69 = arith.constant 64 : index
    %swap3A_70 = tpu.vector_load %arg12[%swap3A_69] {strides = array<i32>} : memref<128xi32, #tpu.memory_space<vmem>>, vector<16xi32>,
    tpu.vector_store %arg12[%swap3A_69], %gather3A_68 {strides = array<i32>} : memref<128xi32, #tpu.memory_space<vmem>>, vector<16xi32>,
    %get3A_71 = arith.constant 208 : index
    %get3A_72 = tpu.vector_load %arg11[%get3A_71] {strides = array<i32>} : memref<256xi32, #tpu.memory_space<vmem>>, vector<16xi32>,
    %gather3A_73 = tpu.vector_load_idx %arg10[%get3A_72] : memref<4096xi32, #tpu.memory_space<vmem>>[vector<16xi32>], vector<16xi32>,
    %swap3A_74 = arith.constant 80 : index
    %swap3A_75 = tpu.vector_load %arg12[%swap3A_74] {strides = array<i32>} : memref<128xi32, #tpu.memory_space<vmem>>, vector<16xi32>,
    tpu.vector_store %arg12[%swap3A_74], %gather3A_73 {strides = array<i32>} : memref<128xi32, #tpu.memory_space<vmem>>, vector<16xi32>,
    %get3A_76 = arith.constant 224 : index
    %get3A_77 = tpu.vector_load %arg11[%get3A_76] {strides = array<i32>} : memref<256xi32, #tpu.memory_space<vmem>>, vector<16xi32>,
    %gather3A_78 = tpu.vector_load_idx %arg10[%get3A_77] : memref<4096xi32, #tpu.memory_space<vmem>>[vector<16xi32>], vector<16xi32>,
    %swap3A_79 = arith.constant 96 : index
    %swap3A_80 = tpu.vector_load %arg12[%swap3A_79] {strides = array<i32>} : memref<128xi32, #tpu.memory_space<vmem>>, vector<16xi32>,
    tpu.vector_store %arg12[%swap3A_79], %gather3A_78 {strides = array<i32>} : memref<128xi32, #tpu.memory_space<vmem>>, vector<16xi32>,
    %get3A_81 = arith.constant 240 : index
    %get3A_82 = tpu.vector_load %arg11[%get3A_81] {strides = array<i32>} : memref<256xi32, #tpu.memory_space<vmem>>, vector<16xi32>,
    %gather3A_83 = tpu.vector_load_idx %arg10[%get3A_82] : memref<4096xi32, #tpu.memory_space<vmem>>[vector<16xi32>], vector<16xi32>,
    %swap3A_84 = arith.constant 112 : index
    %swap3A_85 = tpu.vector_load %arg12[%swap3A_84] {strides = array<i32>} : memref<128xi32, #tpu.memory_space<vmem>>, vector<16xi32>,
    tpu.vector_store %arg12[%swap3A_84], %gather3A_83 {strides = array<i32>} : memref<128xi32, #tpu.memory_space<vmem>>, vector<16xi32>,
    %dma_start3A_86 = arith.constant 0 : i32
    %dma_start3A_87 = arith.constant 0 : i32
    %dma_start3A_88 = tpu.memref_slice %arg6[%dma_start3A_86, %dma_start3A_87] : memref<4096x128xf32, #tpu.memory_space<hbm>> -> memref<4096x128xf32, #tpu.memory_space<hbm>>
    tpu.enqueue_indirect_dma source(%dma_start3A_88 : memref<4096x128xf32, #tpu.memory_space<hbm>>) target(%arg13 : memref<128x128xf32, #tpu.memory_space<vmem>>) offsets(%arg12 : memref<128xi32, #tpu.memory_space<vmem>>) semaphore(%arg14 : memref<!tpu.dma_semaphore, #tpu.memory_space<semaphore_mem>>)
    %dma_wait3A_89 = arith.constant 0 : i32
    %dma_wait3A_90 = arith.constant 0 : i32
    %dma_wait3A_91 = tpu.memref_slice %arg6[%dma_wait3A_89, %dma_wait3A_90] : memref<4096x128xf32, #tpu.memory_space<hbm>> -> memref<4096x128xf32, #tpu.memory_space<hbm>>
    tpu.wait_indirect_dma semaphore(%arg14 : memref<!tpu.dma_semaphore, #tpu.memory_space<semaphore_mem>>) src(%dma_wait3A_91 : memref<4096x128xf32, #tpu.memory_space<hbm>>) dst(%arg13 : memref<128x128xf32, #tpu.memory_space<vmem>>)
    %add3A_92 = arith.constant 128 : i32
    %add3A_93 = arith.addi %mul3A_2, %add3A_92 : i32
    "tpu.region"() ({
      %run_scoped3A = tpu.sem_alloc : memref<!tpu.dma_semaphore, #tpu.memory_space<semaphore_mem>>
      %dma_start3A_286 = arith.constant 0 : i32
      %dma_start3A_287 = tpu.memref_slice %arg7[%add3A_93, %dma_start3A_286] : memref<8192x128xf32, #tpu.memory_space<hbm>> -> memref<128x128xf32, #tpu.memory_space<hbm>>
      %dma_start3A_288 = arith.constant 0 : i32
      %dma_start3A_289 = tpu.memref_slice %arg7[%add3A_93, %dma_start3A_288] : memref<8192x128xf32, #tpu.memory_space<hbm>> -> memref<128x128xf32, #tpu.memory_space<hbm>>
      tpu.enqueue_dma source(%arg13 : memref<128x128xf32, #tpu.memory_space<vmem>>) target(%dma_start3A_289 : memref<128x128xf32, #tpu.memory_space<hbm>>) target_semaphore(%run_scoped3A : memref<!tpu.dma_semaphore, #tpu.memory_space<semaphore_mem>>)
      %dma_wait3A_290 = arith.constant 0 : i32
      %dma_wait3A_291 = tpu.memref_slice %arg7[%add3A_93, %dma_wait3A_290] : memref<8192x128xf32, #tpu.memory_space<hbm>> -> memref<128x128xf32, #tpu.memory_space<hbm>>
      %dma_wait3A_292 = arith.constant 0 : i32
      %dma_wait3A_293 = tpu.memref_slice %arg7[%add3A_93, %dma_wait3A_292] : memref<8192x128xf32, #tpu.memory_space<hbm>> -> memref<128x128xf32, #tpu.memory_space<hbm>>
      tpu.wait_dma2 semaphore(%run_scoped3A : memref<!tpu.dma_semaphore, #tpu.memory_space<semaphore_mem>>) src(%arg13 : memref<128x128xf32, #tpu.memory_space<vmem>>) dst(%dma_wait3A_293 : memref<128x128xf32, #tpu.memory_space<hbm>>)
      tpu.yield
    }) : () -> ()
    "tpu.region"() ({
      %run_scoped3A = tpu.sem_alloc : memref<!tpu.dma_semaphore, #tpu.memory_space<semaphore_mem>>
      %dma_start3A_286 = tpu.memref_slice %arg4[%mul3A_2] : memref<8192xi32, #tpu.memory_space<hbm>> -> memref<256xi32, #tpu.memory_space<hbm>>
      %dma_start3A_287 = tpu.memref_slice %arg4[%mul3A_2] : memref<8192xi32, #tpu.memory_space<hbm>> -> memref<256xi32, #tpu.memory_space<hbm>>
      tpu.enqueue_dma source(%dma_start3A_287 : memref<256xi32, #tpu.memory_space<hbm>>) target(%arg11 : memref<256xi32, #tpu.memory_space<vmem>>) target_semaphore(%run_scoped3A : memref<!tpu.dma_semaphore, #tpu.memory_space<semaphore_mem>>)
      %dma_wait3A_288 = tpu.memref_slice %arg4[%mul3A_2] : memref<8192xi32, #tpu.memory_space<hbm>> -> memref<256xi32, #tpu.memory_space<hbm>>
      %dma_wait3A_289 = tpu.memref_slice %arg4[%mul3A_2] : memref<8192xi32, #tpu.memory_space<hbm>> -> memref<256xi32, #tpu.memory_space<hbm>>
      tpu.wait_dma2 semaphore(%run_scoped3A : memref<!tpu.dma_semaphore, #tpu.memory_space<semaphore_mem>>) src(%dma_wait3A_289 : memref<256xi32, #tpu.memory_space<hbm>>) dst(%arg11 : memref<256xi32, #tpu.memory_space<vmem>>)
      tpu.yield
    }) : () -> ()
    %get3A_94 = arith.constant 0 : index
    %get3A_95 = tpu.vector_load %arg11[%get3A_94] {strides = array<i32>} : memref<256xi32, #tpu.memory_space<vmem>>, vector<16xi32>,
    %gather3A_96 = tpu.vector_load_idx %arg10[%get3A_95] : memref<4096xi32, #tpu.memory_space<vmem>>[vector<16xi32>], vector<16xi32>,
    %swap3A_97 = arith.constant 0 : index
    %swap3A_98 = tpu.vector_load %arg12[%swap3A_97] {strides = array<i32>} : memref<128xi32, #tpu.memory_space<vmem>>, vector<16xi32>,
    tpu.vector_store %arg12[%swap3A_97], %gather3A_96 {strides = array<i32>} : memref<128xi32, #tpu.memory_space<vmem>>, vector<16xi32>,
    %get3A_99 = arith.constant 16 : index
    %get3A_100 = tpu.vector_load %arg11[%get3A_99] {strides = array<i32>} : memref<256xi32, #tpu.memory_space<vmem>>, vector<16xi32>,
    %gather3A_101 = tpu.vector_load_idx %arg10[%get3A_100] : memref<4096xi32, #tpu.memory_space<vmem>>[vector<16xi32>], vector<16xi32>,
    %swap3A_102 = arith.constant 16 : index
    %swap3A_103 = tpu.vector_load %arg12[%swap3A_102] {strides = array<i32>} : memref<128xi32, #tpu.memory_space<vmem>>, vector<16xi32>,
    tpu.vector_store %arg12[%swap3A_102], %gather3A_101 {strides = array<i32>} : memref<128xi32, #tpu.memory_space<vmem>>, vector<16xi32>,
    %get3A_104 = arith.constant 32 : index
    %get3A_105 = tpu.vector_load %arg11[%get3A_104] {strides = array<i32>} : memref<256xi32, #tpu.memory_space<vmem>>, vector<16xi32>,
    %gather3A_106 = tpu.vector_load_idx %arg10[%get3A_105] : memref<4096xi32, #tpu.memory_space<vmem>>[vector<16xi32>], vector<16xi32>,
    %swap3A_107 = arith.constant 32 : index
    %swap3A_108 = tpu.vector_load %arg12[%swap3A_107] {strides = array<i32>} : memref<128xi32, #tpu.memory_space<vmem>>, vector<16xi32>,
    tpu.vector_store %arg12[%swap3A_107], %gather3A_106 {strides = array<i32>} : memref<128xi32, #tpu.memory_space<vmem>>, vector<16xi32>,
    %get3A_109 = arith.constant 48 : index
    %get3A_110 = tpu.vector_load %arg11[%get3A_109] {strides = array<i32>} : memref<256xi32, #tpu.memory_space<vmem>>, vector<16xi32>,
    %gather3A_111 = tpu.vector_load_idx %arg10[%get3A_110] : memref<4096xi32, #tpu.memory_space<vmem>>[vector<16xi32>], vector<16xi32>,
    %swap3A_112 = arith.constant 48 : index
    %swap3A_113 = tpu.vector_load %arg12[%swap3A_112] {strides = array<i32>} : memref<128xi32, #tpu.memory_space<vmem>>, vector<16xi32>,
    tpu.vector_store %arg12[%swap3A_112], %gather3A_111 {strides = array<i32>} : memref<128xi32, #tpu.memory_space<vmem>>, vector<16xi32>,
    %get3A_114 = arith.constant 64 : index
    %get3A_115 = tpu.vector_load %arg11[%get3A_114] {strides = array<i32>} : memref<256xi32, #tpu.memory_space<vmem>>, vector<16xi32>,
    %gather3A_116 = tpu.vector_load_idx %arg10[%get3A_115] : memref<4096xi32, #tpu.memory_space<vmem>>[vector<16xi32>], vector<16xi32>,
    %swap3A_117 = arith.constant 64 : index
    %swap3A_118 = tpu.vector_load %arg12[%swap3A_117] {strides = array<i32>} : memref<128xi32, #tpu.memory_space<vmem>>, vector<16xi32>,
    tpu.vector_store %arg12[%swap3A_117], %gather3A_116 {strides = array<i32>} : memref<128xi32, #tpu.memory_space<vmem>>, vector<16xi32>,
    %get3A_119 = arith.constant 80 : index
    %get3A_120 = tpu.vector_load %arg11[%get3A_119] {strides = array<i32>} : memref<256xi32, #tpu.memory_space<vmem>>, vector<16xi32>,
    %gather3A_121 = tpu.vector_load_idx %arg10[%get3A_120] : memref<4096xi32, #tpu.memory_space<vmem>>[vector<16xi32>], vector<16xi32>,
    %swap3A_122 = arith.constant 80 : index
    %swap3A_123 = tpu.vector_load %arg12[%swap3A_122] {strides = array<i32>} : memref<128xi32, #tpu.memory_space<vmem>>, vector<16xi32>,
    tpu.vector_store %arg12[%swap3A_122], %gather3A_121 {strides = array<i32>} : memref<128xi32, #tpu.memory_space<vmem>>, vector<16xi32>,
    %get3A_124 = arith.constant 96 : index
    %get3A_125 = tpu.vector_load %arg11[%get3A_124] {strides = array<i32>} : memref<256xi32, #tpu.memory_space<vmem>>, vector<16xi32>,
    %gather3A_126 = tpu.vector_load_idx %arg10[%get3A_125] : memref<4096xi32, #tpu.memory_space<vmem>>[vector<16xi32>], vector<16xi32>,
    %swap3A_127 = arith.constant 96 : index
    %swap3A_128 = tpu.vector_load %arg12[%swap3A_127] {strides = array<i32>} : memref<128xi32, #tpu.memory_space<vmem>>, vector<16xi32>,
    tpu.vector_store %arg12[%swap3A_127], %gather3A_126 {strides = array<i32>} : memref<128xi32, #tpu.memory_space<vmem>>, vector<16xi32>,
    %get3A_129 = arith.constant 112 : index
    %get3A_130 = tpu.vector_load %arg11[%get3A_129] {strides = array<i32>} : memref<256xi32, #tpu.memory_space<vmem>>, vector<16xi32>,
    %gather3A_131 = tpu.vector_load_idx %arg10[%get3A_130] : memref<4096xi32, #tpu.memory_space<vmem>>[vector<16xi32>], vector<16xi32>,
    %swap3A_132 = arith.constant 112 : index
    %swap3A_133 = tpu.vector_load %arg12[%swap3A_132] {strides = array<i32>} : memref<128xi32, #tpu.memory_space<vmem>>, vector<16xi32>,
    tpu.vector_store %arg12[%swap3A_132], %gather3A_131 {strides = array<i32>} : memref<128xi32, #tpu.memory_space<vmem>>, vector<16xi32>,
    %dma_start3A_134 = arith.constant 0 : i32
    %dma_start3A_135 = arith.constant 0 : i32
    %dma_start3A_136 = tpu.memref_slice %arg6[%dma_start3A_134, %dma_start3A_135] : memref<4096x128xf32, #tpu.memory_space<hbm>> -> memref<4096x128xf32, #tpu.memory_space<hbm>>
    tpu.enqueue_indirect_dma source(%dma_start3A_136 : memref<4096x128xf32, #tpu.memory_space<hbm>>) target(%arg13 : memref<128x128xf32, #tpu.memory_space<vmem>>) offsets(%arg12 : memref<128xi32, #tpu.memory_space<vmem>>) semaphore(%arg14 : memref<!tpu.dma_semaphore, #tpu.memory_space<semaphore_mem>>)
    %dma_wait3A_137 = arith.constant 0 : i32
    %dma_wait3A_138 = arith.constant 0 : i32
    %dma_wait3A_139 = tpu.memref_slice %arg6[%dma_wait3A_137, %dma_wait3A_138] : memref<4096x128xf32, #tpu.memory_space<hbm>> -> memref<4096x128xf32, #tpu.memory_space<hbm>>
    tpu.wait_indirect_dma semaphore(%arg14 : memref<!tpu.dma_semaphore, #tpu.memory_space<semaphore_mem>>) src(%dma_wait3A_139 : memref<4096x128xf32, #tpu.memory_space<hbm>>) dst(%arg13 : memref<128x128xf32, #tpu.memory_space<vmem>>)
    %add3A_140 = arith.constant 0 : i32
    %add3A_141 = arith.addi %mul3A_2, %add3A_140 : i32
    "tpu.region"() ({
      %run_scoped3A = tpu.sem_alloc : memref<!tpu.dma_semaphore, #tpu.memory_space<semaphore_mem>>
      %dma_start3A_286 = arith.constant 0 : i32
      %dma_start3A_287 = tpu.memref_slice %arg8[%add3A_141, %dma_start3A_286] : memref<8192x128xf32, #tpu.memory_space<hbm>> -> memref<128x128xf32, #tpu.memory_space<hbm>>
      %dma_start3A_288 = arith.constant 0 : i32
      %dma_start3A_289 = tpu.memref_slice %arg8[%add3A_141, %dma_start3A_288] : memref<8192x128xf32, #tpu.memory_space<hbm>> -> memref<128x128xf32, #tpu.memory_space<hbm>>
      tpu.enqueue_dma source(%arg13 : memref<128x128xf32, #tpu.memory_space<vmem>>) target(%dma_start3A_289 : memref<128x128xf32, #tpu.memory_space<hbm>>) target_semaphore(%run_scoped3A : memref<!tpu.dma_semaphore, #tpu.memory_space<semaphore_mem>>)
      %dma_wait3A_290 = arith.constant 0 : i32
      %dma_wait3A_291 = tpu.memref_slice %arg8[%add3A_141, %dma_wait3A_290] : memref<8192x128xf32, #tpu.memory_space<hbm>> -> memref<128x128xf32, #tpu.memory_space<hbm>>
      %dma_wait3A_292 = arith.constant 0 : i32
      %dma_wait3A_293 = tpu.memref_slice %arg8[%add3A_141, %dma_wait3A_292] : memref<8192x128xf32, #tpu.memory_space<hbm>> -> memref<128x128xf32, #tpu.memory_space<hbm>>
      tpu.wait_dma2 semaphore(%run_scoped3A : memref<!tpu.dma_semaphore, #tpu.memory_space<semaphore_mem>>) src(%arg13 : memref<128x128xf32, #tpu.memory_space<vmem>>) dst(%dma_wait3A_293 : memref<128x128xf32, #tpu.memory_space<hbm>>)
      tpu.yield
    }) : () -> ()
    %get3A_142 = arith.constant 128 : index
    %get3A_143 = tpu.vector_load %arg11[%get3A_142] {strides = array<i32>} : memref<256xi32, #tpu.memory_space<vmem>>, vector<16xi32>,
    %gather3A_144 = tpu.vector_load_idx %arg10[%get3A_143] : memref<4096xi32, #tpu.memory_space<vmem>>[vector<16xi32>], vector<16xi32>,
    %swap3A_145 = arith.constant 0 : index
    %swap3A_146 = tpu.vector_load %arg12[%swap3A_145] {strides = array<i32>} : memref<128xi32, #tpu.memory_space<vmem>>, vector<16xi32>,
    tpu.vector_store %arg12[%swap3A_145], %gather3A_144 {strides = array<i32>} : memref<128xi32, #tpu.memory_space<vmem>>, vector<16xi32>,
    %get3A_147 = arith.constant 144 : index
    %get3A_148 = tpu.vector_load %arg11[%get3A_147] {strides = array<i32>} : memref<256xi32, #tpu.memory_space<vmem>>, vector<16xi32>,
    %gather3A_149 = tpu.vector_load_idx %arg10[%get3A_148] : memref<4096xi32, #tpu.memory_space<vmem>>[vector<16xi32>], vector<16xi32>,
    %swap3A_150 = arith.constant 16 : index
    %swap3A_151 = tpu.vector_load %arg12[%swap3A_150] {strides = array<i32>} : memref<128xi32, #tpu.memory_space<vmem>>, vector<16xi32>,
    tpu.vector_store %arg12[%swap3A_150], %gather3A_149 {strides = array<i32>} : memref<128xi32, #tpu.memory_space<vmem>>, vector<16xi32>,
    %get3A_152 = arith.constant 160 : index
    %get3A_153 = tpu.vector_load %arg11[%get3A_152] {strides = array<i32>} : memref<256xi32, #tpu.memory_space<vmem>>, vector<16xi32>,
    %gather3A_154 = tpu.vector_load_idx %arg10[%get3A_153] : memref<4096xi32, #tpu.memory_space<vmem>>[vector<16xi32>], vector<16xi32>,
    %swap3A_155 = arith.constant 32 : index
    %swap3A_156 = tpu.vector_load %arg12[%swap3A_155] {strides = array<i32>} : memref<128xi32, #tpu.memory_space<vmem>>, vector<16xi32>,
    tpu.vector_store %arg12[%swap3A_155], %gather3A_154 {strides = array<i32>} : memref<128xi32, #tpu.memory_space<vmem>>, vector<16xi32>,
    %get3A_157 = arith.constant 176 : index
    %get3A_158 = tpu.vector_load %arg11[%get3A_157] {strides = array<i32>} : memref<256xi32, #tpu.memory_space<vmem>>, vector<16xi32>,
    %gather3A_159 = tpu.vector_load_idx %arg10[%get3A_158] : memref<4096xi32, #tpu.memory_space<vmem>>[vector<16xi32>], vector<16xi32>,
    %swap3A_160 = arith.constant 48 : index
    %swap3A_161 = tpu.vector_load %arg12[%swap3A_160] {strides = array<i32>} : memref<128xi32, #tpu.memory_space<vmem>>, vector<16xi32>,
    tpu.vector_store %arg12[%swap3A_160], %gather3A_159 {strides = array<i32>} : memref<128xi32, #tpu.memory_space<vmem>>, vector<16xi32>,
    %get3A_162 = arith.constant 192 : index
    %get3A_163 = tpu.vector_load %arg11[%get3A_162] {strides = array<i32>} : memref<256xi32, #tpu.memory_space<vmem>>, vector<16xi32>,
    %gather3A_164 = tpu.vector_load_idx %arg10[%get3A_163] : memref<4096xi32, #tpu.memory_space<vmem>>[vector<16xi32>], vector<16xi32>,
    %swap3A_165 = arith.constant 64 : index
    %swap3A_166 = tpu.vector_load %arg12[%swap3A_165] {strides = array<i32>} : memref<128xi32, #tpu.memory_space<vmem>>, vector<16xi32>,
    tpu.vector_store %arg12[%swap3A_165], %gather3A_164 {strides = array<i32>} : memref<128xi32, #tpu.memory_space<vmem>>, vector<16xi32>,
    %get3A_167 = arith.constant 208 : index
    %get3A_168 = tpu.vector_load %arg11[%get3A_167] {strides = array<i32>} : memref<256xi32, #tpu.memory_space<vmem>>, vector<16xi32>,
    %gather3A_169 = tpu.vector_load_idx %arg10[%get3A_168] : memref<4096xi32, #tpu.memory_space<vmem>>[vector<16xi32>], vector<16xi32>,
    %swap3A_170 = arith.constant 80 : index
    %swap3A_171 = tpu.vector_load %arg12[%swap3A_170] {strides = array<i32>} : memref<128xi32, #tpu.memory_space<vmem>>, vector<16xi32>,
    tpu.vector_store %arg12[%swap3A_170], %gather3A_169 {strides = array<i32>} : memref<128xi32, #tpu.memory_space<vmem>>, vector<16xi32>,
    %get3A_172 = arith.constant 224 : index
    %get3A_173 = tpu.vector_load %arg11[%get3A_172] {strides = array<i32>} : memref<256xi32, #tpu.memory_space<vmem>>, vector<16xi32>,
    %gather3A_174 = tpu.vector_load_idx %arg10[%get3A_173] : memref<4096xi32, #tpu.memory_space<vmem>>[vector<16xi32>], vector<16xi32>,
    %swap3A_175 = arith.constant 96 : index
    %swap3A_176 = tpu.vector_load %arg12[%swap3A_175] {strides = array<i32>} : memref<128xi32, #tpu.memory_space<vmem>>, vector<16xi32>,
    tpu.vector_store %arg12[%swap3A_175], %gather3A_174 {strides = array<i32>} : memref<128xi32, #tpu.memory_space<vmem>>, vector<16xi32>,
    %get3A_177 = arith.constant 240 : index
    %get3A_178 = tpu.vector_load %arg11[%get3A_177] {strides = array<i32>} : memref<256xi32, #tpu.memory_space<vmem>>, vector<16xi32>,
    %gather3A_179 = tpu.vector_load_idx %arg10[%get3A_178] : memref<4096xi32, #tpu.memory_space<vmem>>[vector<16xi32>], vector<16xi32>,
    %swap3A_180 = arith.constant 112 : index
    %swap3A_181 = tpu.vector_load %arg12[%swap3A_180] {strides = array<i32>} : memref<128xi32, #tpu.memory_space<vmem>>, vector<16xi32>,
    tpu.vector_store %arg12[%swap3A_180], %gather3A_179 {strides = array<i32>} : memref<128xi32, #tpu.memory_space<vmem>>, vector<16xi32>,
    %dma_start3A_182 = arith.constant 0 : i32
    %dma_start3A_183 = arith.constant 0 : i32
    %dma_start3A_184 = tpu.memref_slice %arg6[%dma_start3A_182, %dma_start3A_183] : memref<4096x128xf32, #tpu.memory_space<hbm>> -> memref<4096x128xf32, #tpu.memory_space<hbm>>
    tpu.enqueue_indirect_dma source(%dma_start3A_184 : memref<4096x128xf32, #tpu.memory_space<hbm>>) target(%arg13 : memref<128x128xf32, #tpu.memory_space<vmem>>) offsets(%arg12 : memref<128xi32, #tpu.memory_space<vmem>>) semaphore(%arg14 : memref<!tpu.dma_semaphore, #tpu.memory_space<semaphore_mem>>)
    %dma_wait3A_185 = arith.constant 0 : i32
    %dma_wait3A_186 = arith.constant 0 : i32
    %dma_wait3A_187 = tpu.memref_slice %arg6[%dma_wait3A_185, %dma_wait3A_186] : memref<4096x128xf32, #tpu.memory_space<hbm>> -> memref<4096x128xf32, #tpu.memory_space<hbm>>
    tpu.wait_indirect_dma semaphore(%arg14 : memref<!tpu.dma_semaphore, #tpu.memory_space<semaphore_mem>>) src(%dma_wait3A_187 : memref<4096x128xf32, #tpu.memory_space<hbm>>) dst(%arg13 : memref<128x128xf32, #tpu.memory_space<vmem>>)
    %add3A_188 = arith.constant 128 : i32
    %add3A_189 = arith.addi %mul3A_2, %add3A_188 : i32
    "tpu.region"() ({
      %run_scoped3A = tpu.sem_alloc : memref<!tpu.dma_semaphore, #tpu.memory_space<semaphore_mem>>
      %dma_start3A_286 = arith.constant 0 : i32
      %dma_start3A_287 = tpu.memref_slice %arg8[%add3A_189, %dma_start3A_286] : memref<8192x128xf32, #tpu.memory_space<hbm>> -> memref<128x128xf32, #tpu.memory_space<hbm>>
      %dma_start3A_288 = arith.constant 0 : i32
      %dma_start3A_289 = tpu.memref_slice %arg8[%add3A_189, %dma_start3A_288] : memref<8192x128xf32, #tpu.memory_space<hbm>> -> memref<128x128xf32, #tpu.memory_space<hbm>>
      tpu.enqueue_dma source(%arg13 : memref<128x128xf32, #tpu.memory_space<vmem>>) target(%dma_start3A_289 : memref<128x128xf32, #tpu.memory_space<hbm>>) target_semaphore(%run_scoped3A : memref<!tpu.dma_semaphore, #tpu.memory_space<semaphore_mem>>)
      %dma_wait3A_290 = arith.constant 0 : i32
      %dma_wait3A_291 = tpu.memref_slice %arg8[%add3A_189, %dma_wait3A_290] : memref<8192x128xf32, #tpu.memory_space<hbm>> -> memref<128x128xf32, #tpu.memory_space<hbm>>
      %dma_wait3A_292 = arith.constant 0 : i32
      %dma_wait3A_293 = tpu.memref_slice %arg8[%add3A_189, %dma_wait3A_292] : memref<8192x128xf32, #tpu.memory_space<hbm>> -> memref<128x128xf32, #tpu.memory_space<hbm>>
      tpu.wait_dma2 semaphore(%run_scoped3A : memref<!tpu.dma_semaphore, #tpu.memory_space<semaphore_mem>>) src(%arg13 : memref<128x128xf32, #tpu.memory_space<vmem>>) dst(%dma_wait3A_293 : memref<128x128xf32, #tpu.memory_space<hbm>>)
      tpu.yield
    }) : () -> ()
    "tpu.region"() ({
      %run_scoped3A = tpu.sem_alloc : memref<!tpu.dma_semaphore, #tpu.memory_space<semaphore_mem>>
      %dma_start3A_286 = tpu.memref_slice %arg5[%mul3A_2] : memref<8192xi32, #tpu.memory_space<hbm>> -> memref<256xi32, #tpu.memory_space<hbm>>
      %dma_start3A_287 = tpu.memref_slice %arg5[%mul3A_2] : memref<8192xi32, #tpu.memory_space<hbm>> -> memref<256xi32, #tpu.memory_space<hbm>>
      tpu.enqueue_dma source(%dma_start3A_287 : memref<256xi32, #tpu.memory_space<hbm>>) target(%arg11 : memref<256xi32, #tpu.memory_space<vmem>>) target_semaphore(%run_scoped3A : memref<!tpu.dma_semaphore, #tpu.memory_space<semaphore_mem>>)
      %dma_wait3A_288 = tpu.memref_slice %arg5[%mul3A_2] : memref<8192xi32, #tpu.memory_space<hbm>> -> memref<256xi32, #tpu.memory_space<hbm>>
      %dma_wait3A_289 = tpu.memref_slice %arg5[%mul3A_2] : memref<8192xi32, #tpu.memory_space<hbm>> -> memref<256xi32, #tpu.memory_space<hbm>>
      tpu.wait_dma2 semaphore(%run_scoped3A : memref<!tpu.dma_semaphore, #tpu.memory_space<semaphore_mem>>) src(%dma_wait3A_289 : memref<256xi32, #tpu.memory_space<hbm>>) dst(%arg11 : memref<256xi32, #tpu.memory_space<vmem>>)
      tpu.yield
    }) : () -> ()
    %get3A_190 = arith.constant 0 : index
    %get3A_191 = tpu.vector_load %arg11[%get3A_190] {strides = array<i32>} : memref<256xi32, #tpu.memory_space<vmem>>, vector<16xi32>,
    %gather3A_192 = tpu.vector_load_idx %arg10[%get3A_191] : memref<4096xi32, #tpu.memory_space<vmem>>[vector<16xi32>], vector<16xi32>,
    %swap3A_193 = arith.constant 0 : index
    %swap3A_194 = tpu.vector_load %arg12[%swap3A_193] {strides = array<i32>} : memref<128xi32, #tpu.memory_space<vmem>>, vector<16xi32>,
    tpu.vector_store %arg12[%swap3A_193], %gather3A_192 {strides = array<i32>} : memref<128xi32, #tpu.memory_space<vmem>>, vector<16xi32>,
    %get3A_195 = arith.constant 16 : index
    %get3A_196 = tpu.vector_load %arg11[%get3A_195] {strides = array<i32>} : memref<256xi32, #tpu.memory_space<vmem>>, vector<16xi32>,
    %gather3A_197 = tpu.vector_load_idx %arg10[%get3A_196] : memref<4096xi32, #tpu.memory_space<vmem>>[vector<16xi32>], vector<16xi32>,
    %swap3A_198 = arith.constant 16 : index
    %swap3A_199 = tpu.vector_load %arg12[%swap3A_198] {strides = array<i32>} : memref<128xi32, #tpu.memory_space<vmem>>, vector<16xi32>,
    tpu.vector_store %arg12[%swap3A_198], %gather3A_197 {strides = array<i32>} : memref<128xi32, #tpu.memory_space<vmem>>, vector<16xi32>,
    %get3A_200 = arith.constant 32 : index
    %get3A_201 = tpu.vector_load %arg11[%get3A_200] {strides = array<i32>} : memref<256xi32, #tpu.memory_space<vmem>>, vector<16xi32>,
    %gather3A_202 = tpu.vector_load_idx %arg10[%get3A_201] : memref<4096xi32, #tpu.memory_space<vmem>>[vector<16xi32>], vector<16xi32>,
    %swap3A_203 = arith.constant 32 : index
    %swap3A_204 = tpu.vector_load %arg12[%swap3A_203] {strides = array<i32>} : memref<128xi32, #tpu.memory_space<vmem>>, vector<16xi32>,
    tpu.vector_store %arg12[%swap3A_203], %gather3A_202 {strides = array<i32>} : memref<128xi32, #tpu.memory_space<vmem>>, vector<16xi32>,
    %get3A_205 = arith.constant 48 : index
    %get3A_206 = tpu.vector_load %arg11[%get3A_205] {strides = array<i32>} : memref<256xi32, #tpu.memory_space<vmem>>, vector<16xi32>,
    %gather3A_207 = tpu.vector_load_idx %arg10[%get3A_206] : memref<4096xi32, #tpu.memory_space<vmem>>[vector<16xi32>], vector<16xi32>,
    %swap3A_208 = arith.constant 48 : index
    %swap3A_209 = tpu.vector_load %arg12[%swap3A_208] {strides = array<i32>} : memref<128xi32, #tpu.memory_space<vmem>>, vector<16xi32>,
    tpu.vector_store %arg12[%swap3A_208], %gather3A_207 {strides = array<i32>} : memref<128xi32, #tpu.memory_space<vmem>>, vector<16xi32>,
    %get3A_210 = arith.constant 64 : index
    %get3A_211 = tpu.vector_load %arg11[%get3A_210] {strides = array<i32>} : memref<256xi32, #tpu.memory_space<vmem>>, vector<16xi32>,
    %gather3A_212 = tpu.vector_load_idx %arg10[%get3A_211] : memref<4096xi32, #tpu.memory_space<vmem>>[vector<16xi32>], vector<16xi32>,
    %swap3A_213 = arith.constant 64 : index
    %swap3A_214 = tpu.vector_load %arg12[%swap3A_213] {strides = array<i32>} : memref<128xi32, #tpu.memory_space<vmem>>, vector<16xi32>,
    tpu.vector_store %arg12[%swap3A_213], %gather3A_212 {strides = array<i32>} : memref<128xi32, #tpu.memory_space<vmem>>, vector<16xi32>,
    %get3A_215 = arith.constant 80 : index
    %get3A_216 = tpu.vector_load %arg11[%get3A_215] {strides = array<i32>} : memref<256xi32, #tpu.memory_space<vmem>>, vector<16xi32>,
    %gather3A_217 = tpu.vector_load_idx %arg10[%get3A_216] : memref<4096xi32, #tpu.memory_space<vmem>>[vector<16xi32>], vector<16xi32>,
    %swap3A_218 = arith.constant 80 : index
    %swap3A_219 = tpu.vector_load %arg12[%swap3A_218] {strides = array<i32>} : memref<128xi32, #tpu.memory_space<vmem>>, vector<16xi32>,
    tpu.vector_store %arg12[%swap3A_218], %gather3A_217 {strides = array<i32>} : memref<128xi32, #tpu.memory_space<vmem>>, vector<16xi32>,
    %get3A_220 = arith.constant 96 : index
    %get3A_221 = tpu.vector_load %arg11[%get3A_220] {strides = array<i32>} : memref<256xi32, #tpu.memory_space<vmem>>, vector<16xi32>,
    %gather3A_222 = tpu.vector_load_idx %arg10[%get3A_221] : memref<4096xi32, #tpu.memory_space<vmem>>[vector<16xi32>], vector<16xi32>,
    %swap3A_223 = arith.constant 96 : index
    %swap3A_224 = tpu.vector_load %arg12[%swap3A_223] {strides = array<i32>} : memref<128xi32, #tpu.memory_space<vmem>>, vector<16xi32>,
    tpu.vector_store %arg12[%swap3A_223], %gather3A_222 {strides = array<i32>} : memref<128xi32, #tpu.memory_space<vmem>>, vector<16xi32>,
    %get3A_225 = arith.constant 112 : index
    %get3A_226 = tpu.vector_load %arg11[%get3A_225] {strides = array<i32>} : memref<256xi32, #tpu.memory_space<vmem>>, vector<16xi32>,
    %gather3A_227 = tpu.vector_load_idx %arg10[%get3A_226] : memref<4096xi32, #tpu.memory_space<vmem>>[vector<16xi32>], vector<16xi32>,
    %swap3A_228 = arith.constant 112 : index
    %swap3A_229 = tpu.vector_load %arg12[%swap3A_228] {strides = array<i32>} : memref<128xi32, #tpu.memory_space<vmem>>, vector<16xi32>,
    tpu.vector_store %arg12[%swap3A_228], %gather3A_227 {strides = array<i32>} : memref<128xi32, #tpu.memory_space<vmem>>, vector<16xi32>,
    %dma_start3A_230 = arith.constant 0 : i32
    %dma_start3A_231 = arith.constant 0 : i32
    %dma_start3A_232 = tpu.memref_slice %arg6[%dma_start3A_230, %dma_start3A_231] : memref<4096x128xf32, #tpu.memory_space<hbm>> -> memref<4096x128xf32, #tpu.memory_space<hbm>>
    tpu.enqueue_indirect_dma source(%dma_start3A_232 : memref<4096x128xf32, #tpu.memory_space<hbm>>) target(%arg13 : memref<128x128xf32, #tpu.memory_space<vmem>>) offsets(%arg12 : memref<128xi32, #tpu.memory_space<vmem>>) semaphore(%arg14 : memref<!tpu.dma_semaphore, #tpu.memory_space<semaphore_mem>>)
    %dma_wait3A_233 = arith.constant 0 : i32
    %dma_wait3A_234 = arith.constant 0 : i32
    %dma_wait3A_235 = tpu.memref_slice %arg6[%dma_wait3A_233, %dma_wait3A_234] : memref<4096x128xf32, #tpu.memory_space<hbm>> -> memref<4096x128xf32, #tpu.memory_space<hbm>>
    tpu.wait_indirect_dma semaphore(%arg14 : memref<!tpu.dma_semaphore, #tpu.memory_space<semaphore_mem>>) src(%dma_wait3A_235 : memref<4096x128xf32, #tpu.memory_space<hbm>>) dst(%arg13 : memref<128x128xf32, #tpu.memory_space<vmem>>)
    %add3A_236 = arith.constant 0 : i32
    %add3A_237 = arith.addi %mul3A_2, %add3A_236 : i32
    "tpu.region"() ({
      %run_scoped3A = tpu.sem_alloc : memref<!tpu.dma_semaphore, #tpu.memory_space<semaphore_mem>>
      %dma_start3A_286 = arith.constant 0 : i32
      %dma_start3A_287 = tpu.memref_slice %arg9[%add3A_237, %dma_start3A_286] : memref<8192x128xf32, #tpu.memory_space<hbm>> -> memref<128x128xf32, #tpu.memory_space<hbm>>
      %dma_start3A_288 = arith.constant 0 : i32
      %dma_start3A_289 = tpu.memref_slice %arg9[%add3A_237, %dma_start3A_288] : memref<8192x128xf32, #tpu.memory_space<hbm>> -> memref<128x128xf32, #tpu.memory_space<hbm>>
      tpu.enqueue_dma source(%arg13 : memref<128x128xf32, #tpu.memory_space<vmem>>) target(%dma_start3A_289 : memref<128x128xf32, #tpu.memory_space<hbm>>) target_semaphore(%run_scoped3A : memref<!tpu.dma_semaphore, #tpu.memory_space<semaphore_mem>>)
      %dma_wait3A_290 = arith.constant 0 : i32
      %dma_wait3A_291 = tpu.memref_slice %arg9[%add3A_237, %dma_wait3A_290] : memref<8192x128xf32, #tpu.memory_space<hbm>> -> memref<128x128xf32, #tpu.memory_space<hbm>>
      %dma_wait3A_292 = arith.constant 0 : i32
      %dma_wait3A_293 = tpu.memref_slice %arg9[%add3A_237, %dma_wait3A_292] : memref<8192x128xf32, #tpu.memory_space<hbm>> -> memref<128x128xf32, #tpu.memory_space<hbm>>
      tpu.wait_dma2 semaphore(%run_scoped3A : memref<!tpu.dma_semaphore, #tpu.memory_space<semaphore_mem>>) src(%arg13 : memref<128x128xf32, #tpu.memory_space<vmem>>) dst(%dma_wait3A_293 : memref<128x128xf32, #tpu.memory_space<hbm>>)
      tpu.yield
    }) : () -> ()
    %get3A_238 = arith.constant 128 : index
    %get3A_239 = tpu.vector_load %arg11[%get3A_238] {strides = array<i32>} : memref<256xi32, #tpu.memory_space<vmem>>, vector<16xi32>,
    %gather3A_240 = tpu.vector_load_idx %arg10[%get3A_239] : memref<4096xi32, #tpu.memory_space<vmem>>[vector<16xi32>], vector<16xi32>,
    %swap3A_241 = arith.constant 0 : index
    %swap3A_242 = tpu.vector_load %arg12[%swap3A_241] {strides = array<i32>} : memref<128xi32, #tpu.memory_space<vmem>>, vector<16xi32>,
    tpu.vector_store %arg12[%swap3A_241], %gather3A_240 {strides = array<i32>} : memref<128xi32, #tpu.memory_space<vmem>>, vector<16xi32>,
    %get3A_243 = arith.constant 144 : index
    %get3A_244 = tpu.vector_load %arg11[%get3A_243] {strides = array<i32>} : memref<256xi32, #tpu.memory_space<vmem>>, vector<16xi32>,
    %gather3A_245 = tpu.vector_load_idx %arg10[%get3A_244] : memref<4096xi32, #tpu.memory_space<vmem>>[vector<16xi32>], vector<16xi32>,
    %swap3A_246 = arith.constant 16 : index
    %swap3A_247 = tpu.vector_load %arg12[%swap3A_246] {strides = array<i32>} : memref<128xi32, #tpu.memory_space<vmem>>, vector<16xi32>,
    tpu.vector_store %arg12[%swap3A_246], %gather3A_245 {strides = array<i32>} : memref<128xi32, #tpu.memory_space<vmem>>, vector<16xi32>,
    %get3A_248 = arith.constant 160 : index
    %get3A_249 = tpu.vector_load %arg11[%get3A_248] {strides = array<i32>} : memref<256xi32, #tpu.memory_space<vmem>>, vector<16xi32>,
    %gather3A_250 = tpu.vector_load_idx %arg10[%get3A_249] : memref<4096xi32, #tpu.memory_space<vmem>>[vector<16xi32>], vector<16xi32>,
    %swap3A_251 = arith.constant 32 : index
    %swap3A_252 = tpu.vector_load %arg12[%swap3A_251] {strides = array<i32>} : memref<128xi32, #tpu.memory_space<vmem>>, vector<16xi32>,
    tpu.vector_store %arg12[%swap3A_251], %gather3A_250 {strides = array<i32>} : memref<128xi32, #tpu.memory_space<vmem>>, vector<16xi32>,
    %get3A_253 = arith.constant 176 : index
    %get3A_254 = tpu.vector_load %arg11[%get3A_253] {strides = array<i32>} : memref<256xi32, #tpu.memory_space<vmem>>, vector<16xi32>,
    %gather3A_255 = tpu.vector_load_idx %arg10[%get3A_254] : memref<4096xi32, #tpu.memory_space<vmem>>[vector<16xi32>], vector<16xi32>,
    %swap3A_256 = arith.constant 48 : index
    %swap3A_257 = tpu.vector_load %arg12[%swap3A_256] {strides = array<i32>} : memref<128xi32, #tpu.memory_space<vmem>>, vector<16xi32>,
    tpu.vector_store %arg12[%swap3A_256], %gather3A_255 {strides = array<i32>} : memref<128xi32, #tpu.memory_space<vmem>>, vector<16xi32>,
    %get3A_258 = arith.constant 192 : index
    %get3A_259 = tpu.vector_load %arg11[%get3A_258] {strides = array<i32>} : memref<256xi32, #tpu.memory_space<vmem>>, vector<16xi32>,
    %gather3A_260 = tpu.vector_load_idx %arg10[%get3A_259] : memref<4096xi32, #tpu.memory_space<vmem>>[vector<16xi32>], vector<16xi32>,
    %swap3A_261 = arith.constant 64 : index
    %swap3A_262 = tpu.vector_load %arg12[%swap3A_261] {strides = array<i32>} : memref<128xi32, #tpu.memory_space<vmem>>, vector<16xi32>,
    tpu.vector_store %arg12[%swap3A_261], %gather3A_260 {strides = array<i32>} : memref<128xi32, #tpu.memory_space<vmem>>, vector<16xi32>,
    %get3A_263 = arith.constant 208 : index
    %get3A_264 = tpu.vector_load %arg11[%get3A_263] {strides = array<i32>} : memref<256xi32, #tpu.memory_space<vmem>>, vector<16xi32>,
    %gather3A_265 = tpu.vector_load_idx %arg10[%get3A_264] : memref<4096xi32, #tpu.memory_space<vmem>>[vector<16xi32>], vector<16xi32>,
    %swap3A_266 = arith.constant 80 : index
    %swap3A_267 = tpu.vector_load %arg12[%swap3A_266] {strides = array<i32>} : memref<128xi32, #tpu.memory_space<vmem>>, vector<16xi32>,
    tpu.vector_store %arg12[%swap3A_266], %gather3A_265 {strides = array<i32>} : memref<128xi32, #tpu.memory_space<vmem>>, vector<16xi32>,
    %get3A_268 = arith.constant 224 : index
    %get3A_269 = tpu.vector_load %arg11[%get3A_268] {strides = array<i32>} : memref<256xi32, #tpu.memory_space<vmem>>, vector<16xi32>,
    %gather3A_270 = tpu.vector_load_idx %arg10[%get3A_269] : memref<4096xi32, #tpu.memory_space<vmem>>[vector<16xi32>], vector<16xi32>,
    %swap3A_271 = arith.constant 96 : index
    %swap3A_272 = tpu.vector_load %arg12[%swap3A_271] {strides = array<i32>} : memref<128xi32, #tpu.memory_space<vmem>>, vector<16xi32>,
    tpu.vector_store %arg12[%swap3A_271], %gather3A_270 {strides = array<i32>} : memref<128xi32, #tpu.memory_space<vmem>>, vector<16xi32>,
    %get3A_273 = arith.constant 240 : index
    %get3A_274 = tpu.vector_load %arg11[%get3A_273] {strides = array<i32>} : memref<256xi32, #tpu.memory_space<vmem>>, vector<16xi32>,
    %gather3A_275 = tpu.vector_load_idx %arg10[%get3A_274] : memref<4096xi32, #tpu.memory_space<vmem>>[vector<16xi32>], vector<16xi32>,
    %swap3A_276 = arith.constant 112 : index
    %swap3A_277 = tpu.vector_load %arg12[%swap3A_276] {strides = array<i32>} : memref<128xi32, #tpu.memory_space<vmem>>, vector<16xi32>,
    tpu.vector_store %arg12[%swap3A_276], %gather3A_275 {strides = array<i32>} : memref<128xi32, #tpu.memory_space<vmem>>, vector<16xi32>,
    %dma_start3A_278 = arith.constant 0 : i32
    %dma_start3A_279 = arith.constant 0 : i32
    %dma_start3A_280 = tpu.memref_slice %arg6[%dma_start3A_278, %dma_start3A_279] : memref<4096x128xf32, #tpu.memory_space<hbm>> -> memref<4096x128xf32, #tpu.memory_space<hbm>>
    tpu.enqueue_indirect_dma source(%dma_start3A_280 : memref<4096x128xf32, #tpu.memory_space<hbm>>) target(%arg13 : memref<128x128xf32, #tpu.memory_space<vmem>>) offsets(%arg12 : memref<128xi32, #tpu.memory_space<vmem>>) semaphore(%arg14 : memref<!tpu.dma_semaphore, #tpu.memory_space<semaphore_mem>>)
    %dma_wait3A_281 = arith.constant 0 : i32
    %dma_wait3A_282 = arith.constant 0 : i32
    %dma_wait3A_283 = tpu.memref_slice %arg6[%dma_wait3A_281, %dma_wait3A_282] : memref<4096x128xf32, #tpu.memory_space<hbm>> -> memref<4096x128xf32, #tpu.memory_space<hbm>>
    tpu.wait_indirect_dma semaphore(%arg14 : memref<!tpu.dma_semaphore, #tpu.memory_space<semaphore_mem>>) src(%dma_wait3A_283 : memref<4096x128xf32, #tpu.memory_space<hbm>>) dst(%arg13 : memref<128x128xf32, #tpu.memory_space<vmem>>)
    %add3A_284 = arith.constant 128 : i32
    %add3A_285 = arith.addi %mul3A_2, %add3A_284 : i32
    "tpu.region"() ({
      %run_scoped3A = tpu.sem_alloc : memref<!tpu.dma_semaphore, #tpu.memory_space<semaphore_mem>>
      %dma_start3A_286 = arith.constant 0 : i32
      %dma_start3A_287 = tpu.memref_slice %arg9[%add3A_285, %dma_start3A_286] : memref<8192x128xf32, #tpu.memory_space<hbm>> -> memref<128x128xf32, #tpu.memory_space<hbm>>
      %dma_start3A_288 = arith.constant 0 : i32
      %dma_start3A_289 = tpu.memref_slice %arg9[%add3A_285, %dma_start3A_288] : memref<8192x128xf32, #tpu.memory_space<hbm>> -> memref<128x128xf32, #tpu.memory_space<hbm>>
      tpu.enqueue_dma source(%arg13 : memref<128x128xf32, #tpu.memory_space<vmem>>) target(%dma_start3A_289 : memref<128x128xf32, #tpu.memory_space<hbm>>) target_semaphore(%run_scoped3A : memref<!tpu.dma_semaphore, #tpu.memory_space<semaphore_mem>>)
      %dma_wait3A_290 = arith.constant 0 : i32
      %dma_wait3A_291 = tpu.memref_slice %arg9[%add3A_285, %dma_wait3A_290] : memref<8192x128xf32, #tpu.memory_space<hbm>> -> memref<128x128xf32, #tpu.memory_space<hbm>>
      %dma_wait3A_292 = arith.constant 0 : i32
      %dma_wait3A_293 = tpu.memref_slice %arg9[%add3A_285, %dma_wait3A_292] : memref<8192x128xf32, #tpu.memory_space<hbm>> -> memref<128x128xf32, #tpu.memory_space<hbm>>
      tpu.wait_dma2 semaphore(%run_scoped3A : memref<!tpu.dma_semaphore, #tpu.memory_space<semaphore_mem>>) src(%arg13 : memref<128x128xf32, #tpu.memory_space<vmem>>) dst(%dma_wait3A_293 : memref<128x128xf32, #tpu.memory_space<hbm>>)
      tpu.yield
    }) : () -> ()
    return
  }
}

#map = affine_map<(d0, d1) -> (0)>
#map1 = affine_map<(d0, d1) -> (0, 0)>
module attributes {stable_mosaic.version = 14 : i64} {
  func.func @sc_gather(%arg0: i32, %arg1: i32, %arg2: memref<4096xi32, #tpu.memory_space<hbm>>, %arg3: memref<8192xi32, #tpu.memory_space<hbm>>, %arg4: memref<8192xi32, #tpu.memory_space<hbm>>, %arg5: memref<8192xi32, #tpu.memory_space<hbm>>, %arg6: memref<4096x128xf32, #tpu.memory_space<hbm>>, %arg7: memref<8192x128xf32, #tpu.memory_space<hbm>>, %arg8: memref<8192x128xf32, #tpu.memory_space<hbm>>, %arg9: memref<8192x128xf32, #tpu.memory_space<hbm>>, %arg10: memref<4096xi32, #tpu.memory_space<vmem>>, %arg11: memref<256xi32, #tpu.memory_space<vmem>>, %arg12: memref<128xi32, #tpu.memory_space<vmem>>, %arg13: memref<128x128xf32, #tpu.memory_space<vmem>>, %arg14: memref<!tpu.dma_semaphore, #tpu.memory_space<semaphore_mem>>) attributes {dimension_semantics = [#tpu.dimension_semantics<core_parallel>, #tpu.dimension_semantics<subcore_parallel>], iteration_bounds = array<i64: 2, 16>, scalar_prefetch = 0 : i64, scratch_operands = 5 : i64, tpu.core_type = #tpu.core_type<sc_vector_subcore>, window_params = [{transform_indices = #map}, {transform_indices = #map}, {transform_indices = #map}, {transform_indices = #map}, {transform_indices = #map1}, {transform_indices = #map1}, {transform_indices = #map1}, {transform_indices = #map1}]} {
    %mul3A = arith.constant 2 : i32
    %mul3A_0 = arith.muli %arg1, %mul3A : i32
    %add3A = arith.addi %mul3A_0, %arg0 : i32
    %mul3A_1 = arith.constant 256 : i32
    %mul3A_2 = arith.muli %add3A, %mul3A_1 : i32
    "tpu.region"() ({
      %run_scoped3A = tpu.sem_alloc : memref<!tpu.dma_semaphore, #tpu.memory_space<semaphore_mem>>
      tpu.enqueue_dma source(%arg2 : memref<4096xi32, #tpu.memory_space<hbm>>) target(%arg10 : memref<4096xi32, #tpu.memory_space<vmem>>) target_semaphore(%run_scoped3A : memref<!tpu.dma_semaphore, #tpu.memory_space<semaphore_mem>>)
      tpu.wait_dma2 semaphore(%run_scoped3A : memref<!tpu.dma_semaphore, #tpu.memory_space<semaphore_mem>>) src(%arg2 : memref<4096xi32, #tpu.memory_space<hbm>>) dst(%arg10 : memref<4096xi32, #tpu.memory_space<vmem>>)
      tpu.yield
    }) : () -> ()
    "tpu.region"() ({
      %run_scoped3A = tpu.sem_alloc : memref<!tpu.dma_semaphore, #tpu.memory_space<semaphore_mem>>
      %dma_start3A_286 = tpu.memref_slice %arg3[%mul3A_2] : memref<8192xi32, #tpu.memory_space<hbm>> -> memref<256xi32, #tpu.memory_space<hbm>>
      %dma_start3A_287 = tpu.memref_slice %arg3[%mul3A_2] : memref<8192xi32, #tpu.memory_space<hbm>> -> memref<256xi32, #tpu.memory_space<hbm>>
      tpu.enqueue_dma source(%dma_start3A_287 : memref<256xi32, #tpu.memory_space<hbm>>) target(%arg11 : memref<256xi32, #tpu.memory_space<vmem>>) target_semaphore(%run_scoped3A : memref<!tpu.dma_semaphore, #tpu.memory_space<semaphore_mem>>)
      %dma_wait3A_288 = tpu.memref_slice %arg3[%mul3A_2] : memref<8192xi32, #tpu.memory_space<hbm>> -> memref<256xi32, #tpu.memory_space<hbm>>
      %dma_wait3A_289 = tpu.memref_slice %arg3[%mul3A_2] : memref<8192xi32, #tpu.memory_space<hbm>> -> memref<256xi32, #tpu.memory_space<hbm>>
      tpu.wait_dma2 semaphore(%run_scoped3A : memref<!tpu.dma_semaphore, #tpu.memory_space<semaphore_mem>>) src(%dma_wait3A_289 : memref<256xi32, #tpu.memory_space<hbm>>) dst(%arg11 : memref<256xi32, #tpu.memory_space<vmem>>)
      tpu.yield
    }) : () -> ()
    %get3A = arith.constant 0 : index
    %get3A_3 = tpu.vector_load %arg11[%get3A] {strides = array<i32>} : memref<256xi32, #tpu.memory_space<vmem>>, vector<16xi32>,
    %gather3A = tpu.vector_load_idx %arg10[%get3A_3] : memref<4096xi32, #tpu.memory_space<vmem>>[vector<16xi32>], vector<16xi32>,
    %swap3A = arith.constant 0 : index
    %swap3A_4 = tpu.vector_load %arg12[%swap3A] {strides = array<i32>} : memref<128xi32, #tpu.memory_space<vmem>>, vector<16xi32>,
    tpu.vector_store %arg12[%swap3A], %gather3A {strides = array<i32>} : memref<128xi32, #tpu.memory_space<vmem>>, vector<16xi32>,
    %get3A_5 = arith.constant 16 : index
    %get3A_6 = tpu.vector_load %arg11[%get3A_5] {strides = array<i32>} : memref<256xi32, #tpu.memory_space<vmem>>, vector<16xi32>,
    %gather3A_7 = tpu.vector_load_idx %arg10[%get3A_6] : memref<4096xi32, #tpu.memory_space<vmem>>[vector<16xi32>], vector<16xi32>,
    %swap3A_8 = arith.constant 16 : index
    %swap3A_9 = tpu.vector_load %arg12[%swap3A_8] {strides = array<i32>} : memref<128xi32, #tpu.memory_space<vmem>>, vector<16xi32>,
    tpu.vector_store %arg12[%swap3A_8], %gather3A_7 {strides = array<i32>} : memref<128xi32, #tpu.memory_space<vmem>>, vector<16xi32>,
    %get3A_10 = arith.constant 32 : index
    %get3A_11 = tpu.vector_load %arg11[%get3A_10] {strides = array<i32>} : memref<256xi32, #tpu.memory_space<vmem>>, vector<16xi32>,
    %gather3A_12 = tpu.vector_load_idx %arg10[%get3A_11] : memref<4096xi32, #tpu.memory_space<vmem>>[vector<16xi32>], vector<16xi32>,
    %swap3A_13 = arith.constant 32 : index
    %swap3A_14 = tpu.vector_load %arg12[%swap3A_13] {strides = array<i32>} : memref<128xi32, #tpu.memory_space<vmem>>, vector<16xi32>,
    tpu.vector_store %arg12[%swap3A_13], %gather3A_12 {strides = array<i32>} : memref<128xi32, #tpu.memory_space<vmem>>, vector<16xi32>,
    %get3A_15 = arith.constant 48 : index
    %get3A_16 = tpu.vector_load %arg11[%get3A_15] {strides = array<i32>} : memref<256xi32, #tpu.memory_space<vmem>>, vector<16xi32>,
    %gather3A_17 = tpu.vector_load_idx %arg10[%get3A_16] : memref<4096xi32, #tpu.memory_space<vmem>>[vector<16xi32>], vector<16xi32>,
    %swap3A_18 = arith.constant 48 : index
    %swap3A_19 = tpu.vector_load %arg12[%swap3A_18] {strides = array<i32>} : memref<128xi32, #tpu.memory_space<vmem>>, vector<16xi32>,
    tpu.vector_store %arg12[%swap3A_18], %gather3A_17 {strides = array<i32>} : memref<128xi32, #tpu.memory_space<vmem>>, vector<16xi32>,
    %get3A_20 = arith.constant 64 : index
    %get3A_21 = tpu.vector_load %arg11[%get3A_20] {strides = array<i32>} : memref<256xi32, #tpu.memory_space<vmem>>, vector<16xi32>,
    %gather3A_22 = tpu.vector_load_idx %arg10[%get3A_21] : memref<4096xi32, #tpu.memory_space<vmem>>[vector<16xi32>], vector<16xi32>,
    %swap3A_23 = arith.constant 64 : index
    %swap3A_24 = tpu.vector_load %arg12[%swap3A_23] {strides = array<i32>} : memref<128xi32, #tpu.memory_space<vmem>>, vector<16xi32>,
    tpu.vector_store %arg12[%swap3A_23], %gather3A_22 {strides = array<i32>} : memref<128xi32, #tpu.memory_space<vmem>>, vector<16xi32>,
    %get3A_25 = arith.constant 80 : index
    %get3A_26 = tpu.vector_load %arg11[%get3A_25] {strides = array<i32>} : memref<256xi32, #tpu.memory_space<vmem>>, vector<16xi32>,
    %gather3A_27 = tpu.vector_load_idx %arg10[%get3A_26] : memref<4096xi32, #tpu.memory_space<vmem>>[vector<16xi32>], vector<16xi32>,
    %swap3A_28 = arith.constant 80 : index
    %swap3A_29 = tpu.vector_load %arg12[%swap3A_28] {strides = array<i32>} : memref<128xi32, #tpu.memory_space<vmem>>, vector<16xi32>,
    tpu.vector_store %arg12[%swap3A_28], %gather3A_27 {strides = array<i32>} : memref<128xi32, #tpu.memory_space<vmem>>, vector<16xi32>,
    %get3A_30 = arith.constant 96 : index
    %get3A_31 = tpu.vector_load %arg11[%get3A_30] {strides = array<i32>} : memref<256xi32, #tpu.memory_space<vmem>>, vector<16xi32>,
    %gather3A_32 = tpu.vector_load_idx %arg10[%get3A_31] : memref<4096xi32, #tpu.memory_space<vmem>>[vector<16xi32>], vector<16xi32>,
    %swap3A_33 = arith.constant 96 : index
    %swap3A_34 = tpu.vector_load %arg12[%swap3A_33] {strides = array<i32>} : memref<128xi32, #tpu.memory_space<vmem>>, vector<16xi32>,
    tpu.vector_store %arg12[%swap3A_33], %gather3A_32 {strides = array<i32>} : memref<128xi32, #tpu.memory_space<vmem>>, vector<16xi32>,
    %get3A_35 = arith.constant 112 : index
    %get3A_36 = tpu.vector_load %arg11[%get3A_35] {strides = array<i32>} : memref<256xi32, #tpu.memory_space<vmem>>, vector<16xi32>,
    %gather3A_37 = tpu.vector_load_idx %arg10[%get3A_36] : memref<4096xi32, #tpu.memory_space<vmem>>[vector<16xi32>], vector<16xi32>,
    %swap3A_38 = arith.constant 112 : index
    %swap3A_39 = tpu.vector_load %arg12[%swap3A_38] {strides = array<i32>} : memref<128xi32, #tpu.memory_space<vmem>>, vector<16xi32>,
    tpu.vector_store %arg12[%swap3A_38], %gather3A_37 {strides = array<i32>} : memref<128xi32, #tpu.memory_space<vmem>>, vector<16xi32>,
    %dma_start3A = arith.constant 0 : i32
    %dma_start3A_40 = arith.constant 0 : i32
    %dma_start3A_41 = tpu.memref_slice %arg6[%dma_start3A, %dma_start3A_40] : memref<4096x128xf32, #tpu.memory_space<hbm>> -> memref<4096x128xf32, #tpu.memory_space<hbm>>
    tpu.enqueue_indirect_dma source(%dma_start3A_41 : memref<4096x128xf32, #tpu.memory_space<hbm>>) target(%arg13 : memref<128x128xf32, #tpu.memory_space<vmem>>) offsets(%arg12 : memref<128xi32, #tpu.memory_space<vmem>>) semaphore(%arg14 : memref<!tpu.dma_semaphore, #tpu.memory_space<semaphore_mem>>)
    %dma_wait3A = arith.constant 0 : i32
    %dma_wait3A_42 = arith.constant 0 : i32
    %dma_wait3A_43 = tpu.memref_slice %arg6[%dma_wait3A, %dma_wait3A_42] : memref<4096x128xf32, #tpu.memory_space<hbm>> -> memref<4096x128xf32, #tpu.memory_space<hbm>>
    tpu.wait_indirect_dma semaphore(%arg14 : memref<!tpu.dma_semaphore, #tpu.memory_space<semaphore_mem>>) src(%dma_wait3A_43 : memref<4096x128xf32, #tpu.memory_space<hbm>>) dst(%arg13 : memref<128x128xf32, #tpu.memory_space<vmem>>)
    %add3A_44 = arith.constant 0 : i32
    %add3A_45 = arith.addi %mul3A_2, %add3A_44 : i32
    "tpu.region"() ({
      %run_scoped3A = tpu.sem_alloc : memref<!tpu.dma_semaphore, #tpu.memory_space<semaphore_mem>>
      %dma_start3A_286 = arith.constant 0 : i32
      %dma_start3A_287 = tpu.memref_slice %arg7[%add3A_45, %dma_start3A_286] : memref<8192x128xf32, #tpu.memory_space<hbm>> -> memref<128x128xf32, #tpu.memory_space<hbm>>
      %dma_start3A_288 = arith.constant 0 : i32
      %dma_start3A_289 = tpu.memref_slice %arg7[%add3A_45, %dma_start3A_288] : memref<8192x128xf32, #tpu.memory_space<hbm>> -> memref<128x128xf32, #tpu.memory_space<hbm>>
      tpu.enqueue_dma source(%arg13 : memref<128x128xf32, #tpu.memory_space<vmem>>) target(%dma_start3A_289 : memref<128x128xf32, #tpu.memory_space<hbm>>) target_semaphore(%run_scoped3A : memref<!tpu.dma_semaphore, #tpu.memory_space<semaphore_mem>>)
      %dma_wait3A_290 = arith.constant 0 : i32
      %dma_wait3A_291 = tpu.memref_slice %arg7[%add3A_45, %dma_wait3A_290] : memref<8192x128xf32, #tpu.memory_space<hbm>> -> memref<128x128xf32, #tpu.memory_space<hbm>>
      %dma_wait3A_292 = arith.constant 0 : i32
      %dma_wait3A_293 = tpu.memref_slice %arg7[%add3A_45, %dma_wait3A_292] : memref<8192x128xf32, #tpu.memory_space<hbm>> -> memref<128x128xf32, #tpu.memory_space<hbm>>
      tpu.wait_dma2 semaphore(%run_scoped3A : memref<!tpu.dma_semaphore, #tpu.memory_space<semaphore_mem>>) src(%arg13 : memref<128x128xf32, #tpu.memory_space<vmem>>) dst(%dma_wait3A_293 : memref<128x128xf32, #tpu.memory_space<hbm>>)
      tpu.yield
    }) : () -> ()
    %get3A_46 = arith.constant 128 : index
    %get3A_47 = tpu.vector_load %arg11[%get3A_46] {strides = array<i32>} : memref<256xi32, #tpu.memory_space<vmem>>, vector<16xi32>,
    %gather3A_48 = tpu.vector_load_idx %arg10[%get3A_47] : memref<4096xi32, #tpu.memory_space<vmem>>[vector<16xi32>], vector<16xi32>,
    %swap3A_49 = arith.constant 0 : index
    %swap3A_50 = tpu.vector_load %arg12[%swap3A_49] {strides = array<i32>} : memref<128xi32, #tpu.memory_space<vmem>>, vector<16xi32>,
    tpu.vector_store %arg12[%swap3A_49], %gather3A_48 {strides = array<i32>} : memref<128xi32, #tpu.memory_space<vmem>>, vector<16xi32>,
    %get3A_51 = arith.constant 144 : index
    %get3A_52 = tpu.vector_load %arg11[%get3A_51] {strides = array<i32>} : memref<256xi32, #tpu.memory_space<vmem>>, vector<16xi32>,
    %gather3A_53 = tpu.vector_load_idx %arg10[%get3A_52] : memref<4096xi32, #tpu.memory_space<vmem>>[vector<16xi32>], vector<16xi32>,
    %swap3A_54 = arith.constant 16 : index
    %swap3A_55 = tpu.vector_load %arg12[%swap3A_54] {strides = array<i32>} : memref<128xi32, #tpu.memory_space<vmem>>, vector<16xi32>,
    tpu.vector_store %arg12[%swap3A_54], %gather3A_53 {strides = array<i32>} : memref<128xi32, #tpu.memory_space<vmem>>, vector<16xi32>,
    %get3A_56 = arith.constant 160 : index
    %get3A_57 = tpu.vector_load %arg11[%get3A_56] {strides = array<i32>} : memref<256xi32, #tpu.memory_space<vmem>>, vector<16xi32>,
    %gather3A_58 = tpu.vector_load_idx %arg10[%get3A_57] : memref<4096xi32, #tpu.memory_space<vmem>>[vector<16xi32>], vector<16xi32>,
    %swap3A_59 = arith.constant 32 : index
    %swap3A_60 = tpu.vector_load %arg12[%swap3A_59] {strides = array<i32>} : memref<128xi32, #tpu.memory_space<vmem>>, vector<16xi32>,
    tpu.vector_store %arg12[%swap3A_59], %gather3A_58 {strides = array<i32>} : memref<128xi32, #tpu.memory_space<vmem>>, vector<16xi32>,
    %get3A_61 = arith.constant 176 : index
    %get3A_62 = tpu.vector_load %arg11[%get3A_61] {strides = array<i32>} : memref<256xi32, #tpu.memory_space<vmem>>, vector<16xi32>,
    %gather3A_63 = tpu.vector_load_idx %arg10[%get3A_62] : memref<4096xi32, #tpu.memory_space<vmem>>[vector<16xi32>], vector<16xi32>,
    %swap3A_64 = arith.constant 48 : index
    %swap3A_65 = tpu.vector_load %arg12[%swap3A_64] {strides = array<i32>} : memref<128xi32, #tpu.memory_space<vmem>>, vector<16xi32>,
    tpu.vector_store %arg12[%swap3A_64], %gather3A_63 {strides = array<i32>} : memref<128xi32, #tpu.memory_space<vmem>>, vector<16xi32>,
    %get3A_66 = arith.constant 192 : index
    %get3A_67 = tpu.vector_load %arg11[%get3A_66] {strides = array<i32>} : memref<256xi32, #tpu.memory_space<vmem>>, vector<16xi32>,
    %gather3A_68 = tpu.vector_load_idx %arg10[%get3A_67] : memref<4096xi32, #tpu.memory_space<vmem>>[vector<16xi32>], vector<16xi32>,
    %swap3A_69 = arith.constant 64 : index
    %swap3A_70 = tpu.vector_load %arg12[%swap3A_69] {strides = array<i32>} : memref<128xi32, #tpu.memory_space<vmem>>, vector<16xi32>,
    tpu.vector_store %arg12[%swap3A_69], %gather3A_68 {strides = array<i32>} : memref<128xi32, #tpu.memory_space<vmem>>, vector<16xi32>,
    %get3A_71 = arith.constant 208 : index
    %get3A_72 = tpu.vector_load %arg11[%get3A_71] {strides = array<i32>} : memref<256xi32, #tpu.memory_space<vmem>>, vector<16xi32>,
    %gather3A_73 = tpu.vector_load_idx %arg10[%get3A_72] : memref<4096xi32, #tpu.memory_space<vmem>>[vector<16xi32>], vector<16xi32>,
    %swap3A_74 = arith.constant 80 : index
    %swap3A_75 = tpu.vector_load %arg12[%swap3A_74] {strides = array<i32>} : memref<128xi32, #tpu.memory_space<vmem>>, vector<16xi32>,
    tpu.vector_store %arg12[%swap3A_74], %gather3A_73 {strides = array<i32>} : memref<128xi32, #tpu.memory_space<vmem>>, vector<16xi32>,
    %get3A_76 = arith.constant 224 : index
    %get3A_77 = tpu.vector_load %arg11[%get3A_76] {strides = array<i32>} : memref<256xi32, #tpu.memory_space<vmem>>, vector<16xi32>,
    %gather3A_78 = tpu.vector_load_idx %arg10[%get3A_77] : memref<4096xi32, #tpu.memory_space<vmem>>[vector<16xi32>], vector<16xi32>,
    %swap3A_79 = arith.constant 96 : index
    %swap3A_80 = tpu.vector_load %arg12[%swap3A_79] {strides = array<i32>} : memref<128xi32, #tpu.memory_space<vmem>>, vector<16xi32>,
    tpu.vector_store %arg12[%swap3A_79], %gather3A_78 {strides = array<i32>} : memref<128xi32, #tpu.memory_space<vmem>>, vector<16xi32>,
    %get3A_81 = arith.constant 240 : index
    %get3A_82 = tpu.vector_load %arg11[%get3A_81] {strides = array<i32>} : memref<256xi32, #tpu.memory_space<vmem>>, vector<16xi32>,
    %gather3A_83 = tpu.vector_load_idx %arg10[%get3A_82] : memref<4096xi32, #tpu.memory_space<vmem>>[vector<16xi32>], vector<16xi32>,
    %swap3A_84 = arith.constant 112 : index
    %swap3A_85 = tpu.vector_load %arg12[%swap3A_84] {strides = array<i32>} : memref<128xi32, #tpu.memory_space<vmem>>, vector<16xi32>,
    tpu.vector_store %arg12[%swap3A_84], %gather3A_83 {strides = array<i32>} : memref<128xi32, #tpu.memory_space<vmem>>, vector<16xi32>,
    %dma_start3A_86 = arith.constant 0 : i32
    %dma_start3A_87 = arith.constant 0 : i32
    %dma_start3A_88 = tpu.memref_slice %arg6[%dma_start3A_86, %dma_start3A_87] : memref<4096x128xf32, #tpu.memory_space<hbm>> -> memref<4096x128xf32, #tpu.memory_space<hbm>>
    tpu.enqueue_indirect_dma source(%dma_start3A_88 : memref<4096x128xf32, #tpu.memory_space<hbm>>) target(%arg13 : memref<128x128xf32, #tpu.memory_space<vmem>>) offsets(%arg12 : memref<128xi32, #tpu.memory_space<vmem>>) semaphore(%arg14 : memref<!tpu.dma_semaphore, #tpu.memory_space<semaphore_mem>>)
    %dma_wait3A_89 = arith.constant 0 : i32
    %dma_wait3A_90 = arith.constant 0 : i32
    %dma_wait3A_91 = tpu.memref_slice %arg6[%dma_wait3A_89, %dma_wait3A_90] : memref<4096x128xf32, #tpu.memory_space<hbm>> -> memref<4096x128xf32, #tpu.memory_space<hbm>>
    tpu.wait_indirect_dma semaphore(%arg14 : memref<!tpu.dma_semaphore, #tpu.memory_space<semaphore_mem>>) src(%dma_wait3A_91 : memref<4096x128xf32, #tpu.memory_space<hbm>>) dst(%arg13 : memref<128x128xf32, #tpu.memory_space<vmem>>)
    %add3A_92 = arith.constant 128 : i32
    %add3A_93 = arith.addi %mul3A_2, %add3A_92 : i32
    "tpu.region"() ({
      %run_scoped3A = tpu.sem_alloc : memref<!tpu.dma_semaphore, #tpu.memory_space<semaphore_mem>>
      %dma_start3A_286 = arith.constant 0 : i32
      %dma_start3A_287 = tpu.memref_slice %arg7[%add3A_93, %dma_start3A_286] : memref<8192x128xf32, #tpu.memory_space<hbm>> -> memref<128x128xf32, #tpu.memory_space<hbm>>
      %dma_start3A_288 = arith.constant 0 : i32
      %dma_start3A_289 = tpu.memref_slice %arg7[%add3A_93, %dma_start3A_288] : memref<8192x128xf32, #tpu.memory_space<hbm>> -> memref<128x128xf32, #tpu.memory_space<hbm>>
      tpu.enqueue_dma source(%arg13 : memref<128x128xf32, #tpu.memory_space<vmem>>) target(%dma_start3A_289 : memref<128x128xf32, #tpu.memory_space<hbm>>) target_semaphore(%run_scoped3A : memref<!tpu.dma_semaphore, #tpu.memory_space<semaphore_mem>>)
      %dma_wait3A_290 = arith.constant 0 : i32
      %dma_wait3A_291 = tpu.memref_slice %arg7[%add3A_93, %dma_wait3A_290] : memref<8192x128xf32, #tpu.memory_space<hbm>> -> memref<128x128xf32, #tpu.memory_space<hbm>>
      %dma_wait3A_292 = arith.constant 0 : i32
      %dma_wait3A_293 = tpu.memref_slice %arg7[%add3A_93, %dma_wait3A_292] : memref<8192x128xf32, #tpu.memory_space<hbm>> -> memref<128x128xf32, #tpu.memory_space<hbm>>
      tpu.wait_dma2 semaphore(%run_scoped3A : memref<!tpu.dma_semaphore, #tpu.memory_space<semaphore_mem>>) src(%arg13 : memref<128x128xf32, #tpu.memory_space<vmem>>) dst(%dma_wait3A_293 : memref<128x128xf32, #tpu.memory_space<hbm>>)
      tpu.yield
    }) : () -> ()
    "tpu.region"() ({
      %run_scoped3A = tpu.sem_alloc : memref<!tpu.dma_semaphore, #tpu.memory_space<semaphore_mem>>
      %dma_start3A_286 = tpu.memref_slice %arg4[%mul3A_2] : memref<8192xi32, #tpu.memory_space<hbm>> -> memref<256xi32, #tpu.memory_space<hbm>>
      %dma_start3A_287 = tpu.memref_slice %arg4[%mul3A_2] : memref<8192xi32, #tpu.memory_space<hbm>> -> memref<256xi32, #tpu.memory_space<hbm>>
      tpu.enqueue_dma source(%dma_start3A_287 : memref<256xi32, #tpu.memory_space<hbm>>) target(%arg11 : memref<256xi32, #tpu.memory_space<vmem>>) target_semaphore(%run_scoped3A : memref<!tpu.dma_semaphore, #tpu.memory_space<semaphore_mem>>)
      %dma_wait3A_288 = tpu.memref_slice %arg4[%mul3A_2] : memref<8192xi32, #tpu.memory_space<hbm>> -> memref<256xi32, #tpu.memory_space<hbm>>
      %dma_wait3A_289 = tpu.memref_slice %arg4[%mul3A_2] : memref<8192xi32, #tpu.memory_space<hbm>> -> memref<256xi32, #tpu.memory_space<hbm>>
      tpu.wait_dma2 semaphore(%run_scoped3A : memref<!tpu.dma_semaphore, #tpu.memory_space<semaphore_mem>>) src(%dma_wait3A_289 : memref<256xi32, #tpu.memory_space<hbm>>) dst(%arg11 : memref<256xi32, #tpu.memory_space<vmem>>)
      tpu.yield
    }) : () -> ()
    %get3A_94 = arith.constant 0 : index
    %get3A_95 = tpu.vector_load %arg11[%get3A_94] {strides = array<i32>} : memref<256xi32, #tpu.memory_space<vmem>>, vector<16xi32>,
    %gather3A_96 = tpu.vector_load_idx %arg10[%get3A_95] : memref<4096xi32, #tpu.memory_space<vmem>>[vector<16xi32>], vector<16xi32>,
    %swap3A_97 = arith.constant 0 : index
    %swap3A_98 = tpu.vector_load %arg12[%swap3A_97] {strides = array<i32>} : memref<128xi32, #tpu.memory_space<vmem>>, vector<16xi32>,
    tpu.vector_store %arg12[%swap3A_97], %gather3A_96 {strides = array<i32>} : memref<128xi32, #tpu.memory_space<vmem>>, vector<16xi32>,
    %get3A_99 = arith.constant 16 : index
    %get3A_100 = tpu.vector_load %arg11[%get3A_99] {strides = array<i32>} : memref<256xi32, #tpu.memory_space<vmem>>, vector<16xi32>,
    %gather3A_101 = tpu.vector_load_idx %arg10[%get3A_100] : memref<4096xi32, #tpu.memory_space<vmem>>[vector<16xi32>], vector<16xi32>,
    %swap3A_102 = arith.constant 16 : index
    %swap3A_103 = tpu.vector_load %arg12[%swap3A_102] {strides = array<i32>} : memref<128xi32, #tpu.memory_space<vmem>>, vector<16xi32>,
    tpu.vector_store %arg12[%swap3A_102], %gather3A_101 {strides = array<i32>} : memref<128xi32, #tpu.memory_space<vmem>>, vector<16xi32>,
    %get3A_104 = arith.constant 32 : index
    %get3A_105 = tpu.vector_load %arg11[%get3A_104] {strides = array<i32>} : memref<256xi32, #tpu.memory_space<vmem>>, vector<16xi32>,
    %gather3A_106 = tpu.vector_load_idx %arg10[%get3A_105] : memref<4096xi32, #tpu.memory_space<vmem>>[vector<16xi32>], vector<16xi32>,
    %swap3A_107 = arith.constant 32 : index
    %swap3A_108 = tpu.vector_load %arg12[%swap3A_107] {strides = array<i32>} : memref<128xi32, #tpu.memory_space<vmem>>, vector<16xi32>,
    tpu.vector_store %arg12[%swap3A_107], %gather3A_106 {strides = array<i32>} : memref<128xi32, #tpu.memory_space<vmem>>, vector<16xi32>,
    %get3A_109 = arith.constant 48 : index
    %get3A_110 = tpu.vector_load %arg11[%get3A_109] {strides = array<i32>} : memref<256xi32, #tpu.memory_space<vmem>>, vector<16xi32>,
    %gather3A_111 = tpu.vector_load_idx %arg10[%get3A_110] : memref<4096xi32, #tpu.memory_space<vmem>>[vector<16xi32>], vector<16xi32>,
    %swap3A_112 = arith.constant 48 : index
    %swap3A_113 = tpu.vector_load %arg12[%swap3A_112] {strides = array<i32>} : memref<128xi32, #tpu.memory_space<vmem>>, vector<16xi32>,
    tpu.vector_store %arg12[%swap3A_112], %gather3A_111 {strides = array<i32>} : memref<128xi32, #tpu.memory_space<vmem>>, vector<16xi32>,
    %get3A_114 = arith.constant 64 : index
    %get3A_115 = tpu.vector_load %arg11[%get3A_114] {strides = array<i32>} : memref<256xi32, #tpu.memory_space<vmem>>, vector<16xi32>,
    %gather3A_116 = tpu.vector_load_idx %arg10[%get3A_115] : memref<4096xi32, #tpu.memory_space<vmem>>[vector<16xi32>], vector<16xi32>,
    %swap3A_117 = arith.constant 64 : index
    %swap3A_118 = tpu.vector_load %arg12[%swap3A_117] {strides = array<i32>} : memref<128xi32, #tpu.memory_space<vmem>>, vector<16xi32>,
    tpu.vector_store %arg12[%swap3A_117], %gather3A_116 {strides = array<i32>} : memref<128xi32, #tpu.memory_space<vmem>>, vector<16xi32>,
    %get3A_119 = arith.constant 80 : index
    %get3A_120 = tpu.vector_load %arg11[%get3A_119] {strides = array<i32>} : memref<256xi32, #tpu.memory_space<vmem>>, vector<16xi32>,
    %gather3A_121 = tpu.vector_load_idx %arg10[%get3A_120] : memref<4096xi32, #tpu.memory_space<vmem>>[vector<16xi32>], vector<16xi32>,
    %swap3A_122 = arith.constant 80 : index
    %swap3A_123 = tpu.vector_load %arg12[%swap3A_122] {strides = array<i32>} : memref<128xi32, #tpu.memory_space<vmem>>, vector<16xi32>,
    tpu.vector_store %arg12[%swap3A_122], %gather3A_121 {strides = array<i32>} : memref<128xi32, #tpu.memory_space<vmem>>, vector<16xi32>,
    %get3A_124 = arith.constant 96 : index
    %get3A_125 = tpu.vector_load %arg11[%get3A_124] {strides = array<i32>} : memref<256xi32, #tpu.memory_space<vmem>>, vector<16xi32>,
    %gather3A_126 = tpu.vector_load_idx %arg10[%get3A_125] : memref<4096xi32, #tpu.memory_space<vmem>>[vector<16xi32>], vector<16xi32>,
    %swap3A_127 = arith.constant 96 : index
    %swap3A_128 = tpu.vector_load %arg12[%swap3A_127] {strides = array<i32>} : memref<128xi32, #tpu.memory_space<vmem>>, vector<16xi32>,
    tpu.vector_store %arg12[%swap3A_127], %gather3A_126 {strides = array<i32>} : memref<128xi32, #tpu.memory_space<vmem>>, vector<16xi32>,
    %get3A_129 = arith.constant 112 : index
    %get3A_130 = tpu.vector_load %arg11[%get3A_129] {strides = array<i32>} : memref<256xi32, #tpu.memory_space<vmem>>, vector<16xi32>,
    %gather3A_131 = tpu.vector_load_idx %arg10[%get3A_130] : memref<4096xi32, #tpu.memory_space<vmem>>[vector<16xi32>], vector<16xi32>,
    %swap3A_132 = arith.constant 112 : index
    %swap3A_133 = tpu.vector_load %arg12[%swap3A_132] {strides = array<i32>} : memref<128xi32, #tpu.memory_space<vmem>>, vector<16xi32>,
    tpu.vector_store %arg12[%swap3A_132], %gather3A_131 {strides = array<i32>} : memref<128xi32, #tpu.memory_space<vmem>>, vector<16xi32>,
    %dma_start3A_134 = arith.constant 0 : i32
    %dma_start3A_135 = arith.constant 0 : i32
    %dma_start3A_136 = tpu.memref_slice %arg6[%dma_start3A_134, %dma_start3A_135] : memref<4096x128xf32, #tpu.memory_space<hbm>> -> memref<4096x128xf32, #tpu.memory_space<hbm>>
    tpu.enqueue_indirect_dma source(%dma_start3A_136 : memref<4096x128xf32, #tpu.memory_space<hbm>>) target(%arg13 : memref<128x128xf32, #tpu.memory_space<vmem>>) offsets(%arg12 : memref<128xi32, #tpu.memory_space<vmem>>) semaphore(%arg14 : memref<!tpu.dma_semaphore, #tpu.memory_space<semaphore_mem>>)
    %dma_wait3A_137 = arith.constant 0 : i32
    %dma_wait3A_138 = arith.constant 0 : i32
    %dma_wait3A_139 = tpu.memref_slice %arg6[%dma_wait3A_137, %dma_wait3A_138] : memref<4096x128xf32, #tpu.memory_space<hbm>> -> memref<4096x128xf32, #tpu.memory_space<hbm>>
    tpu.wait_indirect_dma semaphore(%arg14 : memref<!tpu.dma_semaphore, #tpu.memory_space<semaphore_mem>>) src(%dma_wait3A_139 : memref<4096x128xf32, #tpu.memory_space<hbm>>) dst(%arg13 : memref<128x128xf32, #tpu.memory_space<vmem>>)
    %add3A_140 = arith.constant 0 : i32
    %add3A_141 = arith.addi %mul3A_2, %add3A_140 : i32
    "tpu.region"() ({
      %run_scoped3A = tpu.sem_alloc : memref<!tpu.dma_semaphore, #tpu.memory_space<semaphore_mem>>
      %dma_start3A_286 = arith.constant 0 : i32
      %dma_start3A_287 = tpu.memref_slice %arg8[%add3A_141, %dma_start3A_286] : memref<8192x128xf32, #tpu.memory_space<hbm>> -> memref<128x128xf32, #tpu.memory_space<hbm>>
      %dma_start3A_288 = arith.constant 0 : i32
      %dma_start3A_289 = tpu.memref_slice %arg8[%add3A_141, %dma_start3A_288] : memref<8192x128xf32, #tpu.memory_space<hbm>> -> memref<128x128xf32, #tpu.memory_space<hbm>>
      tpu.enqueue_dma source(%arg13 : memref<128x128xf32, #tpu.memory_space<vmem>>) target(%dma_start3A_289 : memref<128x128xf32, #tpu.memory_space<hbm>>) target_semaphore(%run_scoped3A : memref<!tpu.dma_semaphore, #tpu.memory_space<semaphore_mem>>)
      %dma_wait3A_290 = arith.constant 0 : i32
      %dma_wait3A_291 = tpu.memref_slice %arg8[%add3A_141, %dma_wait3A_290] : memref<8192x128xf32, #tpu.memory_space<hbm>> -> memref<128x128xf32, #tpu.memory_space<hbm>>
      %dma_wait3A_292 = arith.constant 0 : i32
      %dma_wait3A_293 = tpu.memref_slice %arg8[%add3A_141, %dma_wait3A_292] : memref<8192x128xf32, #tpu.memory_space<hbm>> -> memref<128x128xf32, #tpu.memory_space<hbm>>
      tpu.wait_dma2 semaphore(%run_scoped3A : memref<!tpu.dma_semaphore, #tpu.memory_space<semaphore_mem>>) src(%arg13 : memref<128x128xf32, #tpu.memory_space<vmem>>) dst(%dma_wait3A_293 : memref<128x128xf32, #tpu.memory_space<hbm>>)
      tpu.yield
    }) : () -> ()
    %get3A_142 = arith.constant 128 : index
    %get3A_143 = tpu.vector_load %arg11[%get3A_142] {strides = array<i32>} : memref<256xi32, #tpu.memory_space<vmem>>, vector<16xi32>,
    %gather3A_144 = tpu.vector_load_idx %arg10[%get3A_143] : memref<4096xi32, #tpu.memory_space<vmem>>[vector<16xi32>], vector<16xi32>,
    %swap3A_145 = arith.constant 0 : index
    %swap3A_146 = tpu.vector_load %arg12[%swap3A_145] {strides = array<i32>} : memref<128xi32, #tpu.memory_space<vmem>>, vector<16xi32>,
    tpu.vector_store %arg12[%swap3A_145], %gather3A_144 {strides = array<i32>} : memref<128xi32, #tpu.memory_space<vmem>>, vector<16xi32>,
    %get3A_147 = arith.constant 144 : index
    %get3A_148 = tpu.vector_load %arg11[%get3A_147] {strides = array<i32>} : memref<256xi32, #tpu.memory_space<vmem>>, vector<16xi32>,
    %gather3A_149 = tpu.vector_load_idx %arg10[%get3A_148] : memref<4096xi32, #tpu.memory_space<vmem>>[vector<16xi32>], vector<16xi32>,
    %swap3A_150 = arith.constant 16 : index
    %swap3A_151 = tpu.vector_load %arg12[%swap3A_150] {strides = array<i32>} : memref<128xi32, #tpu.memory_space<vmem>>, vector<16xi32>,
    tpu.vector_store %arg12[%swap3A_150], %gather3A_149 {strides = array<i32>} : memref<128xi32, #tpu.memory_space<vmem>>, vector<16xi32>,
    %get3A_152 = arith.constant 160 : index
    %get3A_153 = tpu.vector_load %arg11[%get3A_152] {strides = array<i32>} : memref<256xi32, #tpu.memory_space<vmem>>, vector<16xi32>,
    %gather3A_154 = tpu.vector_load_idx %arg10[%get3A_153] : memref<4096xi32, #tpu.memory_space<vmem>>[vector<16xi32>], vector<16xi32>,
    %swap3A_155 = arith.constant 32 : index
    %swap3A_156 = tpu.vector_load %arg12[%swap3A_155] {strides = array<i32>} : memref<128xi32, #tpu.memory_space<vmem>>, vector<16xi32>,
    tpu.vector_store %arg12[%swap3A_155], %gather3A_154 {strides = array<i32>} : memref<128xi32, #tpu.memory_space<vmem>>, vector<16xi32>,
    %get3A_157 = arith.constant 176 : index
    %get3A_158 = tpu.vector_load %arg11[%get3A_157] {strides = array<i32>} : memref<256xi32, #tpu.memory_space<vmem>>, vector<16xi32>,
    %gather3A_159 = tpu.vector_load_idx %arg10[%get3A_158] : memref<4096xi32, #tpu.memory_space<vmem>>[vector<16xi32>], vector<16xi32>,
    %swap3A_160 = arith.constant 48 : index
    %swap3A_161 = tpu.vector_load %arg12[%swap3A_160] {strides = array<i32>} : memref<128xi32, #tpu.memory_space<vmem>>, vector<16xi32>,
    tpu.vector_store %arg12[%swap3A_160], %gather3A_159 {strides = array<i32>} : memref<128xi32, #tpu.memory_space<vmem>>, vector<16xi32>,
    %get3A_162 = arith.constant 192 : index
    %get3A_163 = tpu.vector_load %arg11[%get3A_162] {strides = array<i32>} : memref<256xi32, #tpu.memory_space<vmem>>, vector<16xi32>,
    %gather3A_164 = tpu.vector_load_idx %arg10[%get3A_163] : memref<4096xi32, #tpu.memory_space<vmem>>[vector<16xi32>], vector<16xi32>,
    %swap3A_165 = arith.constant 64 : index
    %swap3A_166 = tpu.vector_load %arg12[%swap3A_165] {strides = array<i32>} : memref<128xi32, #tpu.memory_space<vmem>>, vector<16xi32>,
    tpu.vector_store %arg12[%swap3A_165], %gather3A_164 {strides = array<i32>} : memref<128xi32, #tpu.memory_space<vmem>>, vector<16xi32>,
    %get3A_167 = arith.constant 208 : index
    %get3A_168 = tpu.vector_load %arg11[%get3A_167] {strides = array<i32>} : memref<256xi32, #tpu.memory_space<vmem>>, vector<16xi32>,
    %gather3A_169 = tpu.vector_load_idx %arg10[%get3A_168] : memref<4096xi32, #tpu.memory_space<vmem>>[vector<16xi32>], vector<16xi32>,
    %swap3A_170 = arith.constant 80 : index
    %swap3A_171 = tpu.vector_load %arg12[%swap3A_170] {strides = array<i32>} : memref<128xi32, #tpu.memory_space<vmem>>, vector<16xi32>,
    tpu.vector_store %arg12[%swap3A_170], %gather3A_169 {strides = array<i32>} : memref<128xi32, #tpu.memory_space<vmem>>, vector<16xi32>,
    %get3A_172 = arith.constant 224 : index
    %get3A_173 = tpu.vector_load %arg11[%get3A_172] {strides = array<i32>} : memref<256xi32, #tpu.memory_space<vmem>>, vector<16xi32>,
    %gather3A_174 = tpu.vector_load_idx %arg10[%get3A_173] : memref<4096xi32, #tpu.memory_space<vmem>>[vector<16xi32>], vector<16xi32>,
    %swap3A_175 = arith.constant 96 : index
    %swap3A_176 = tpu.vector_load %arg12[%swap3A_175] {strides = array<i32>} : memref<128xi32, #tpu.memory_space<vmem>>, vector<16xi32>,
    tpu.vector_store %arg12[%swap3A_175], %gather3A_174 {strides = array<i32>} : memref<128xi32, #tpu.memory_space<vmem>>, vector<16xi32>,
    %get3A_177 = arith.constant 240 : index
    %get3A_178 = tpu.vector_load %arg11[%get3A_177] {strides = array<i32>} : memref<256xi32, #tpu.memory_space<vmem>>, vector<16xi32>,
    %gather3A_179 = tpu.vector_load_idx %arg10[%get3A_178] : memref<4096xi32, #tpu.memory_space<vmem>>[vector<16xi32>], vector<16xi32>,
    %swap3A_180 = arith.constant 112 : index
    %swap3A_181 = tpu.vector_load %arg12[%swap3A_180] {strides = array<i32>} : memref<128xi32, #tpu.memory_space<vmem>>, vector<16xi32>,
    tpu.vector_store %arg12[%swap3A_180], %gather3A_179 {strides = array<i32>} : memref<128xi32, #tpu.memory_space<vmem>>, vector<16xi32>,
    %dma_start3A_182 = arith.constant 0 : i32
    %dma_start3A_183 = arith.constant 0 : i32
    %dma_start3A_184 = tpu.memref_slice %arg6[%dma_start3A_182, %dma_start3A_183] : memref<4096x128xf32, #tpu.memory_space<hbm>> -> memref<4096x128xf32, #tpu.memory_space<hbm>>
    tpu.enqueue_indirect_dma source(%dma_start3A_184 : memref<4096x128xf32, #tpu.memory_space<hbm>>) target(%arg13 : memref<128x128xf32, #tpu.memory_space<vmem>>) offsets(%arg12 : memref<128xi32, #tpu.memory_space<vmem>>) semaphore(%arg14 : memref<!tpu.dma_semaphore, #tpu.memory_space<semaphore_mem>>)
    %dma_wait3A_185 = arith.constant 0 : i32
    %dma_wait3A_186 = arith.constant 0 : i32
    %dma_wait3A_187 = tpu.memref_slice %arg6[%dma_wait3A_185, %dma_wait3A_186] : memref<4096x128xf32, #tpu.memory_space<hbm>> -> memref<4096x128xf32, #tpu.memory_space<hbm>>
    tpu.wait_indirect_dma semaphore(%arg14 : memref<!tpu.dma_semaphore, #tpu.memory_space<semaphore_mem>>) src(%dma_wait3A_187 : memref<4096x128xf32, #tpu.memory_space<hbm>>) dst(%arg13 : memref<128x128xf32, #tpu.memory_space<vmem>>)
    %add3A_188 = arith.constant 128 : i32
    %add3A_189 = arith.addi %mul3A_2, %add3A_188 : i32
    "tpu.region"() ({
      %run_scoped3A = tpu.sem_alloc : memref<!tpu.dma_semaphore, #tpu.memory_space<semaphore_mem>>
      %dma_start3A_286 = arith.constant 0 : i32
      %dma_start3A_287 = tpu.memref_slice %arg8[%add3A_189, %dma_start3A_286] : memref<8192x128xf32, #tpu.memory_space<hbm>> -> memref<128x128xf32, #tpu.memory_space<hbm>>
      %dma_start3A_288 = arith.constant 0 : i32
      %dma_start3A_289 = tpu.memref_slice %arg8[%add3A_189, %dma_start3A_288] : memref<8192x128xf32, #tpu.memory_space<hbm>> -> memref<128x128xf32, #tpu.memory_space<hbm>>
      tpu.enqueue_dma source(%arg13 : memref<128x128xf32, #tpu.memory_space<vmem>>) target(%dma_start3A_289 : memref<128x128xf32, #tpu.memory_space<hbm>>) target_semaphore(%run_scoped3A : memref<!tpu.dma_semaphore, #tpu.memory_space<semaphore_mem>>)
      %dma_wait3A_290 = arith.constant 0 : i32
      %dma_wait3A_291 = tpu.memref_slice %arg8[%add3A_189, %dma_wait3A_290] : memref<8192x128xf32, #tpu.memory_space<hbm>> -> memref<128x128xf32, #tpu.memory_space<hbm>>
      %dma_wait3A_292 = arith.constant 0 : i32
      %dma_wait3A_293 = tpu.memref_slice %arg8[%add3A_189, %dma_wait3A_292] : memref<8192x128xf32, #tpu.memory_space<hbm>> -> memref<128x128xf32, #tpu.memory_space<hbm>>
      tpu.wait_dma2 semaphore(%run_scoped3A : memref<!tpu.dma_semaphore, #tpu.memory_space<semaphore_mem>>) src(%arg13 : memref<128x128xf32, #tpu.memory_space<vmem>>) dst(%dma_wait3A_293 : memref<128x128xf32, #tpu.memory_space<hbm>>)
      tpu.yield
    }) : () -> ()
    "tpu.region"() ({
      %run_scoped3A = tpu.sem_alloc : memref<!tpu.dma_semaphore, #tpu.memory_space<semaphore_mem>>
      %dma_start3A_286 = tpu.memref_slice %arg5[%mul3A_2] : memref<8192xi32, #tpu.memory_space<hbm>> -> memref<256xi32, #tpu.memory_space<hbm>>
      %dma_start3A_287 = tpu.memref_slice %arg5[%mul3A_2] : memref<8192xi32, #tpu.memory_space<hbm>> -> memref<256xi32, #tpu.memory_space<hbm>>
      tpu.enqueue_dma source(%dma_start3A_287 : memref<256xi32, #tpu.memory_space<hbm>>) target(%arg11 : memref<256xi32, #tpu.memory_space<vmem>>) target_semaphore(%run_scoped3A : memref<!tpu.dma_semaphore, #tpu.memory_space<semaphore_mem>>)
      %dma_wait3A_288 = tpu.memref_slice %arg5[%mul3A_2] : memref<8192xi32, #tpu.memory_space<hbm>> -> memref<256xi32, #tpu.memory_space<hbm>>
      %dma_wait3A_289 = tpu.memref_slice %arg5[%mul3A_2] : memref<8192xi32, #tpu.memory_space<hbm>> -> memref<256xi32, #tpu.memory_space<hbm>>
      tpu.wait_dma2 semaphore(%run_scoped3A : memref<!tpu.dma_semaphore, #tpu.memory_space<semaphore_mem>>) src(%dma_wait3A_289 : memref<256xi32, #tpu.memory_space<hbm>>) dst(%arg11 : memref<256xi32, #tpu.memory_space<vmem>>)
      tpu.yield
    }) : () -> ()
    %get3A_190 = arith.constant 0 : index
    %get3A_191 = tpu.vector_load %arg11[%get3A_190] {strides = array<i32>} : memref<256xi32, #tpu.memory_space<vmem>>, vector<16xi32>,
    %gather3A_192 = tpu.vector_load_idx %arg10[%get3A_191] : memref<4096xi32, #tpu.memory_space<vmem>>[vector<16xi32>], vector<16xi32>,
    %swap3A_193 = arith.constant 0 : index
    %swap3A_194 = tpu.vector_load %arg12[%swap3A_193] {strides = array<i32>} : memref<128xi32, #tpu.memory_space<vmem>>, vector<16xi32>,
    tpu.vector_store %arg12[%swap3A_193], %gather3A_192 {strides = array<i32>} : memref<128xi32, #tpu.memory_space<vmem>>, vector<16xi32>,
    %get3A_195 = arith.constant 16 : index
    %get3A_196 = tpu.vector_load %arg11[%get3A_195] {strides = array<i32>} : memref<256xi32, #tpu.memory_space<vmem>>, vector<16xi32>,
    %gather3A_197 = tpu.vector_load_idx %arg10[%get3A_196] : memref<4096xi32, #tpu.memory_space<vmem>>[vector<16xi32>], vector<16xi32>,
    %swap3A_198 = arith.constant 16 : index
    %swap3A_199 = tpu.vector_load %arg12[%swap3A_198] {strides = array<i32>} : memref<128xi32, #tpu.memory_space<vmem>>, vector<16xi32>,
    tpu.vector_store %arg12[%swap3A_198], %gather3A_197 {strides = array<i32>} : memref<128xi32, #tpu.memory_space<vmem>>, vector<16xi32>,
    %get3A_200 = arith.constant 32 : index
    %get3A_201 = tpu.vector_load %arg11[%get3A_200] {strides = array<i32>} : memref<256xi32, #tpu.memory_space<vmem>>, vector<16xi32>,
    %gather3A_202 = tpu.vector_load_idx %arg10[%get3A_201] : memref<4096xi32, #tpu.memory_space<vmem>>[vector<16xi32>], vector<16xi32>,
    %swap3A_203 = arith.constant 32 : index
    %swap3A_204 = tpu.vector_load %arg12[%swap3A_203] {strides = array<i32>} : memref<128xi32, #tpu.memory_space<vmem>>, vector<16xi32>,
    tpu.vector_store %arg12[%swap3A_203], %gather3A_202 {strides = array<i32>} : memref<128xi32, #tpu.memory_space<vmem>>, vector<16xi32>,
    %get3A_205 = arith.constant 48 : index
    %get3A_206 = tpu.vector_load %arg11[%get3A_205] {strides = array<i32>} : memref<256xi32, #tpu.memory_space<vmem>>, vector<16xi32>,
    %gather3A_207 = tpu.vector_load_idx %arg10[%get3A_206] : memref<4096xi32, #tpu.memory_space<vmem>>[vector<16xi32>], vector<16xi32>,
    %swap3A_208 = arith.constant 48 : index
    %swap3A_209 = tpu.vector_load %arg12[%swap3A_208] {strides = array<i32>} : memref<128xi32, #tpu.memory_space<vmem>>, vector<16xi32>,
    tpu.vector_store %arg12[%swap3A_208], %gather3A_207 {strides = array<i32>} : memref<128xi32, #tpu.memory_space<vmem>>, vector<16xi32>,
    %get3A_210 = arith.constant 64 : index
    %get3A_211 = tpu.vector_load %arg11[%get3A_210] {strides = array<i32>} : memref<256xi32, #tpu.memory_space<vmem>>, vector<16xi32>,
    %gather3A_212 = tpu.vector_load_idx %arg10[%get3A_211] : memref<4096xi32, #tpu.memory_space<vmem>>[vector<16xi32>], vector<16xi32>,
    %swap3A_213 = arith.constant 64 : index
    %swap3A_214 = tpu.vector_load %arg12[%swap3A_213] {strides = array<i32>} : memref<128xi32, #tpu.memory_space<vmem>>, vector<16xi32>,
    tpu.vector_store %arg12[%swap3A_213], %gather3A_212 {strides = array<i32>} : memref<128xi32, #tpu.memory_space<vmem>>, vector<16xi32>,
    %get3A_215 = arith.constant 80 : index
    %get3A_216 = tpu.vector_load %arg11[%get3A_215] {strides = array<i32>} : memref<256xi32, #tpu.memory_space<vmem>>, vector<16xi32>,
    %gather3A_217 = tpu.vector_load_idx %arg10[%get3A_216] : memref<4096xi32, #tpu.memory_space<vmem>>[vector<16xi32>], vector<16xi32>,
    %swap3A_218 = arith.constant 80 : index
    %swap3A_219 = tpu.vector_load %arg12[%swap3A_218] {strides = array<i32>} : memref<128xi32, #tpu.memory_space<vmem>>, vector<16xi32>,
    tpu.vector_store %arg12[%swap3A_218], %gather3A_217 {strides = array<i32>} : memref<128xi32, #tpu.memory_space<vmem>>, vector<16xi32>,
    %get3A_220 = arith.constant 96 : index
    %get3A_221 = tpu.vector_load %arg11[%get3A_220] {strides = array<i32>} : memref<256xi32, #tpu.memory_space<vmem>>, vector<16xi32>,
    %gather3A_222 = tpu.vector_load_idx %arg10[%get3A_221] : memref<4096xi32, #tpu.memory_space<vmem>>[vector<16xi32>], vector<16xi32>,
    %swap3A_223 = arith.constant 96 : index
    %swap3A_224 = tpu.vector_load %arg12[%swap3A_223] {strides = array<i32>} : memref<128xi32, #tpu.memory_space<vmem>>, vector<16xi32>,
    tpu.vector_store %arg12[%swap3A_223], %gather3A_222 {strides = array<i32>} : memref<128xi32, #tpu.memory_space<vmem>>, vector<16xi32>,
    %get3A_225 = arith.constant 112 : index
    %get3A_226 = tpu.vector_load %arg11[%get3A_225] {strides = array<i32>} : memref<256xi32, #tpu.memory_space<vmem>>, vector<16xi32>,
    %gather3A_227 = tpu.vector_load_idx %arg10[%get3A_226] : memref<4096xi32, #tpu.memory_space<vmem>>[vector<16xi32>], vector<16xi32>,
    %swap3A_228 = arith.constant 112 : index
    %swap3A_229 = tpu.vector_load %arg12[%swap3A_228] {strides = array<i32>} : memref<128xi32, #tpu.memory_space<vmem>>, vector<16xi32>,
    tpu.vector_store %arg12[%swap3A_228], %gather3A_227 {strides = array<i32>} : memref<128xi32, #tpu.memory_space<vmem>>, vector<16xi32>,
    %dma_start3A_230 = arith.constant 0 : i32
    %dma_start3A_231 = arith.constant 0 : i32
    %dma_start3A_232 = tpu.memref_slice %arg6[%dma_start3A_230, %dma_start3A_231] : memref<4096x128xf32, #tpu.memory_space<hbm>> -> memref<4096x128xf32, #tpu.memory_space<hbm>>
    tpu.enqueue_indirect_dma source(%dma_start3A_232 : memref<4096x128xf32, #tpu.memory_space<hbm>>) target(%arg13 : memref<128x128xf32, #tpu.memory_space<vmem>>) offsets(%arg12 : memref<128xi32, #tpu.memory_space<vmem>>) semaphore(%arg14 : memref<!tpu.dma_semaphore, #tpu.memory_space<semaphore_mem>>)
    %dma_wait3A_233 = arith.constant 0 : i32
    %dma_wait3A_234 = arith.constant 0 : i32
    %dma_wait3A_235 = tpu.memref_slice %arg6[%dma_wait3A_233, %dma_wait3A_234] : memref<4096x128xf32, #tpu.memory_space<hbm>> -> memref<4096x128xf32, #tpu.memory_space<hbm>>
    tpu.wait_indirect_dma semaphore(%arg14 : memref<!tpu.dma_semaphore, #tpu.memory_space<semaphore_mem>>) src(%dma_wait3A_235 : memref<4096x128xf32, #tpu.memory_space<hbm>>) dst(%arg13 : memref<128x128xf32, #tpu.memory_space<vmem>>)
    %add3A_236 = arith.constant 0 : i32
    %add3A_237 = arith.addi %mul3A_2, %add3A_236 : i32
    "tpu.region"() ({
      %run_scoped3A = tpu.sem_alloc : memref<!tpu.dma_semaphore, #tpu.memory_space<semaphore_mem>>
      %dma_start3A_286 = arith.constant 0 : i32
      %dma_start3A_287 = tpu.memref_slice %arg9[%add3A_237, %dma_start3A_286] : memref<8192x128xf32, #tpu.memory_space<hbm>> -> memref<128x128xf32, #tpu.memory_space<hbm>>
      %dma_start3A_288 = arith.constant 0 : i32
      %dma_start3A_289 = tpu.memref_slice %arg9[%add3A_237, %dma_start3A_288] : memref<8192x128xf32, #tpu.memory_space<hbm>> -> memref<128x128xf32, #tpu.memory_space<hbm>>
      tpu.enqueue_dma source(%arg13 : memref<128x128xf32, #tpu.memory_space<vmem>>) target(%dma_start3A_289 : memref<128x128xf32, #tpu.memory_space<hbm>>) target_semaphore(%run_scoped3A : memref<!tpu.dma_semaphore, #tpu.memory_space<semaphore_mem>>)
      %dma_wait3A_290 = arith.constant 0 : i32
      %dma_wait3A_291 = tpu.memref_slice %arg9[%add3A_237, %dma_wait3A_290] : memref<8192x128xf32, #tpu.memory_space<hbm>> -> memref<128x128xf32, #tpu.memory_space<hbm>>
      %dma_wait3A_292 = arith.constant 0 : i32
      %dma_wait3A_293 = tpu.memref_slice %arg9[%add3A_237, %dma_wait3A_292] : memref<8192x128xf32, #tpu.memory_space<hbm>> -> memref<128x128xf32, #tpu.memory_space<hbm>>
      tpu.wait_dma2 semaphore(%run_scoped3A : memref<!tpu.dma_semaphore, #tpu.memory_space<semaphore_mem>>) src(%arg13 : memref<128x128xf32, #tpu.memory_space<vmem>>) dst(%dma_wait3A_293 : memref<128x128xf32, #tpu.memory_space<hbm>>)
      tpu.yield
    }) : () -> ()
    %get3A_238 = arith.constant 128 : index
    %get3A_239 = tpu.vector_load %arg11[%get3A_238] {strides = array<i32>} : memref<256xi32, #tpu.memory_space<vmem>>, vector<16xi32>,
    %gather3A_240 = tpu.vector_load_idx %arg10[%get3A_239] : memref<4096xi32, #tpu.memory_space<vmem>>[vector<16xi32>], vector<16xi32>,
    %swap3A_241 = arith.constant 0 : index
    %swap3A_242 = tpu.vector_load %arg12[%swap3A_241] {strides = array<i32>} : memref<128xi32, #tpu.memory_space<vmem>>, vector<16xi32>,
    tpu.vector_store %arg12[%swap3A_241], %gather3A_240 {strides = array<i32>} : memref<128xi32, #tpu.memory_space<vmem>>, vector<16xi32>,
    %get3A_243 = arith.constant 144 : index
    %get3A_244 = tpu.vector_load %arg11[%get3A_243] {strides = array<i32>} : memref<256xi32, #tpu.memory_space<vmem>>, vector<16xi32>,
    %gather3A_245 = tpu.vector_load_idx %arg10[%get3A_244] : memref<4096xi32, #tpu.memory_space<vmem>>[vector<16xi32>], vector<16xi32>,
    %swap3A_246 = arith.constant 16 : index
    %swap3A_247 = tpu.vector_load %arg12[%swap3A_246] {strides = array<i32>} : memref<128xi32, #tpu.memory_space<vmem>>, vector<16xi32>,
    tpu.vector_store %arg12[%swap3A_246], %gather3A_245 {strides = array<i32>} : memref<128xi32, #tpu.memory_space<vmem>>, vector<16xi32>,
    %get3A_248 = arith.constant 160 : index
    %get3A_249 = tpu.vector_load %arg11[%get3A_248] {strides = array<i32>} : memref<256xi32, #tpu.memory_space<vmem>>, vector<16xi32>,
    %gather3A_250 = tpu.vector_load_idx %arg10[%get3A_249] : memref<4096xi32, #tpu.memory_space<vmem>>[vector<16xi32>], vector<16xi32>,
    %swap3A_251 = arith.constant 32 : index
    %swap3A_252 = tpu.vector_load %arg12[%swap3A_251] {strides = array<i32>} : memref<128xi32, #tpu.memory_space<vmem>>, vector<16xi32>,
    tpu.vector_store %arg12[%swap3A_251], %gather3A_250 {strides = array<i32>} : memref<128xi32, #tpu.memory_space<vmem>>, vector<16xi32>,
    %get3A_253 = arith.constant 176 : index
    %get3A_254 = tpu.vector_load %arg11[%get3A_253] {strides = array<i32>} : memref<256xi32, #tpu.memory_space<vmem>>, vector<16xi32>,
    %gather3A_255 = tpu.vector_load_idx %arg10[%get3A_254] : memref<4096xi32, #tpu.memory_space<vmem>>[vector<16xi32>], vector<16xi32>,
    %swap3A_256 = arith.constant 48 : index
    %swap3A_257 = tpu.vector_load %arg12[%swap3A_256] {strides = array<i32>} : memref<128xi32, #tpu.memory_space<vmem>>, vector<16xi32>,
    tpu.vector_store %arg12[%swap3A_256], %gather3A_255 {strides = array<i32>} : memref<128xi32, #tpu.memory_space<vmem>>, vector<16xi32>,
    %get3A_258 = arith.constant 192 : index
    %get3A_259 = tpu.vector_load %arg11[%get3A_258] {strides = array<i32>} : memref<256xi32, #tpu.memory_space<vmem>>, vector<16xi32>,
    %gather3A_260 = tpu.vector_load_idx %arg10[%get3A_259] : memref<4096xi32, #tpu.memory_space<vmem>>[vector<16xi32>], vector<16xi32>,
    %swap3A_261 = arith.constant 64 : index
    %swap3A_262 = tpu.vector_load %arg12[%swap3A_261] {strides = array<i32>} : memref<128xi32, #tpu.memory_space<vmem>>, vector<16xi32>,
    tpu.vector_store %arg12[%swap3A_261], %gather3A_260 {strides = array<i32>} : memref<128xi32, #tpu.memory_space<vmem>>, vector<16xi32>,
    %get3A_263 = arith.constant 208 : index
    %get3A_264 = tpu.vector_load %arg11[%get3A_263] {strides = array<i32>} : memref<256xi32, #tpu.memory_space<vmem>>, vector<16xi32>,
    %gather3A_265 = tpu.vector_load_idx %arg10[%get3A_264] : memref<4096xi32, #tpu.memory_space<vmem>>[vector<16xi32>], vector<16xi32>,
    %swap3A_266 = arith.constant 80 : index
    %swap3A_267 = tpu.vector_load %arg12[%swap3A_266] {strides = array<i32>} : memref<128xi32, #tpu.memory_space<vmem>>, vector<16xi32>,
    tpu.vector_store %arg12[%swap3A_266], %gather3A_265 {strides = array<i32>} : memref<128xi32, #tpu.memory_space<vmem>>, vector<16xi32>,
    %get3A_268 = arith.constant 224 : index
    %get3A_269 = tpu.vector_load %arg11[%get3A_268] {strides = array<i32>} : memref<256xi32, #tpu.memory_space<vmem>>, vector<16xi32>,
    %gather3A_270 = tpu.vector_load_idx %arg10[%get3A_269] : memref<4096xi32, #tpu.memory_space<vmem>>[vector<16xi32>], vector<16xi32>,
    %swap3A_271 = arith.constant 96 : index
    %swap3A_272 = tpu.vector_load %arg12[%swap3A_271] {strides = array<i32>} : memref<128xi32, #tpu.memory_space<vmem>>, vector<16xi32>,
    tpu.vector_store %arg12[%swap3A_271], %gather3A_270 {strides = array<i32>} : memref<128xi32, #tpu.memory_space<vmem>>, vector<16xi32>,
    %get3A_273 = arith.constant 240 : index
    %get3A_274 = tpu.vector_load %arg11[%get3A_273] {strides = array<i32>} : memref<256xi32, #tpu.memory_space<vmem>>, vector<16xi32>,
    %gather3A_275 = tpu.vector_load_idx %arg10[%get3A_274] : memref<4096xi32, #tpu.memory_space<vmem>>[vector<16xi32>], vector<16xi32>,
    %swap3A_276 = arith.constant 112 : index
    %swap3A_277 = tpu.vector_load %arg12[%swap3A_276] {strides = array<i32>} : memref<128xi32, #tpu.memory_space<vmem>>, vector<16xi32>,
    tpu.vector_store %arg12[%swap3A_276], %gather3A_275 {strides = array<i32>} : memref<128xi32, #tpu.memory_space<vmem>>, vector<16xi32>,
    %dma_start3A_278 = arith.constant 0 : i32
    %dma_start3A_279 = arith.constant 0 : i32
    %dma_start3A_280 = tpu.memref_slice %arg6[%dma_start3A_278, %dma_start3A_279] : memref<4096x128xf32, #tpu.memory_space<hbm>> -> memref<4096x128xf32, #tpu.memory_space<hbm>>
    tpu.enqueue_indirect_dma source(%dma_start3A_280 : memref<4096x128xf32, #tpu.memory_space<hbm>>) target(%arg13 : memref<128x128xf32, #tpu.memory_space<vmem>>) offsets(%arg12 : memref<128xi32, #tpu.memory_space<vmem>>) semaphore(%arg14 : memref<!tpu.dma_semaphore, #tpu.memory_space<semaphore_mem>>)
    %dma_wait3A_281 = arith.constant 0 : i32
    %dma_wait3A_282 = arith.constant 0 : i32
    %dma_wait3A_283 = tpu.memref_slice %arg6[%dma_wait3A_281, %dma_wait3A_282] : memref<4096x128xf32, #tpu.memory_space<hbm>> -> memref<4096x128xf32, #tpu.memory_space<hbm>>
    tpu.wait_indirect_dma semaphore(%arg14 : memref<!tpu.dma_semaphore, #tpu.memory_space<semaphore_mem>>) src(%dma_wait3A_283 : memref<4096x128xf32, #tpu.memory_space<hbm>>) dst(%arg13 : memref<128x128xf32, #tpu.memory_space<vmem>>)
    %add3A_284 = arith.constant 128 : i32
    %add3A_285 = arith.addi %mul3A_2, %add3A_284 : i32
    "tpu.region"() ({
      %run_scoped3A = tpu.sem_alloc : memref<!tpu.dma_semaphore, #tpu.memory_space<semaphore_mem>>
      %dma_start3A_286 = arith.constant 0 : i32
      %dma_start3A_287 = tpu.memref_slice %arg9[%add3A_285, %dma_start3A_286] : memref<8192x128xf32, #tpu.memory_space<hbm>> -> memref<128x128xf32, #tpu.memory_space<hbm>>
      %dma_start3A_288 = arith.constant 0 : i32
      %dma_start3A_289 = tpu.memref_slice %arg9[%add3A_285, %dma_start3A_288] : memref<8192x128xf32, #tpu.memory_space<hbm>> -> memref<128x128xf32, #tpu.memory_space<hbm>>
      tpu.enqueue_dma source(%arg13 : memref<128x128xf32, #tpu.memory_space<vmem>>) target(%dma_start3A_289 : memref<128x128xf32, #tpu.memory_space<hbm>>) target_semaphore(%run_scoped3A : memref<!tpu.dma_semaphore, #tpu.memory_space<semaphore_mem>>)
      %dma_wait3A_290 = arith.constant 0 : i32
      %dma_wait3A_291 = tpu.memref_slice %arg9[%add3A_285, %dma_wait3A_290] : memref<8192x128xf32, #tpu.memory_space<hbm>> -> memref<128x128xf32, #tpu.memory_space<hbm>>
      %dma_wait3A_292 = arith.constant 0 : i32
      %dma_wait3A_293 = tpu.memref_slice %arg9[%add3A_285, %dma_wait3A_292] : memref<8192x128xf32, #tpu.memory_space<hbm>> -> memref<128x128xf32, #tpu.memory_space<hbm>>
      tpu.wait_dma2 semaphore(%run_scoped3A : memref<!tpu.dma_semaphore, #tpu.memory_space<semaphore_mem>>) src(%arg13 : memref<128x128xf32, #tpu.memory_space<vmem>>) dst(%dma_wait3A_293 : memref<128x128xf32, #tpu.memory_space<hbm>>)
      tpu.yield
    }) : () -> ()
    return
  }
}

#map = affine_map<(d0, d1) -> (0)>
#map1 = affine_map<(d0, d1) -> (0, 0)>
module attributes {stable_mosaic.version = 14 : i64} {
  func.func @sc_gather(%arg0: i32, %arg1: i32, %arg2: memref<4096xi32, #tpu.memory_space<hbm>>, %arg3: memref<8192xi32, #tpu.memory_space<hbm>>, %arg4: memref<8192xi32, #tpu.memory_space<hbm>>, %arg5: memref<8192xi32, #tpu.memory_space<hbm>>, %arg6: memref<4096x128xf32, #tpu.memory_space<hbm>>, %arg7: memref<8192x128xf32, #tpu.memory_space<hbm>>, %arg8: memref<8192x128xf32, #tpu.memory_space<hbm>>, %arg9: memref<8192x128xf32, #tpu.memory_space<hbm>>, %arg10: memref<4096xi32, #tpu.memory_space<vmem>>, %arg11: memref<256xi32, #tpu.memory_space<vmem>>, %arg12: memref<128xi32, #tpu.memory_space<vmem>>, %arg13: memref<128x128xf32, #tpu.memory_space<vmem>>, %arg14: memref<!tpu.dma_semaphore, #tpu.memory_space<semaphore_mem>>) attributes {dimension_semantics = [#tpu.dimension_semantics<core_parallel>, #tpu.dimension_semantics<subcore_parallel>], iteration_bounds = array<i64: 2, 16>, scalar_prefetch = 0 : i64, scratch_operands = 5 : i64, tpu.core_type = #tpu.core_type<sc_vector_subcore>, window_params = [{transform_indices = #map}, {transform_indices = #map}, {transform_indices = #map}, {transform_indices = #map}, {transform_indices = #map1}, {transform_indices = #map1}, {transform_indices = #map1}, {transform_indices = #map1}]} {
    %mul3A = arith.constant 2 : i32
    %mul3A_0 = arith.muli %arg1, %mul3A : i32
    %add3A = arith.addi %mul3A_0, %arg0 : i32
    %mul3A_1 = arith.constant 256 : i32
    %mul3A_2 = arith.muli %add3A, %mul3A_1 : i32
    "tpu.region"() ({
      %run_scoped3A = tpu.sem_alloc : memref<!tpu.dma_semaphore, #tpu.memory_space<semaphore_mem>>
      tpu.enqueue_dma source(%arg2 : memref<4096xi32, #tpu.memory_space<hbm>>) target(%arg10 : memref<4096xi32, #tpu.memory_space<vmem>>) target_semaphore(%run_scoped3A : memref<!tpu.dma_semaphore, #tpu.memory_space<semaphore_mem>>)
      tpu.wait_dma2 semaphore(%run_scoped3A : memref<!tpu.dma_semaphore, #tpu.memory_space<semaphore_mem>>) src(%arg2 : memref<4096xi32, #tpu.memory_space<hbm>>) dst(%arg10 : memref<4096xi32, #tpu.memory_space<vmem>>)
      tpu.yield
    }) : () -> ()
    "tpu.region"() ({
      %run_scoped3A = tpu.sem_alloc : memref<!tpu.dma_semaphore, #tpu.memory_space<semaphore_mem>>
      %dma_start3A_286 = tpu.memref_slice %arg3[%mul3A_2] : memref<8192xi32, #tpu.memory_space<hbm>> -> memref<256xi32, #tpu.memory_space<hbm>>
      %dma_start3A_287 = tpu.memref_slice %arg3[%mul3A_2] : memref<8192xi32, #tpu.memory_space<hbm>> -> memref<256xi32, #tpu.memory_space<hbm>>
      tpu.enqueue_dma source(%dma_start3A_287 : memref<256xi32, #tpu.memory_space<hbm>>) target(%arg11 : memref<256xi32, #tpu.memory_space<vmem>>) target_semaphore(%run_scoped3A : memref<!tpu.dma_semaphore, #tpu.memory_space<semaphore_mem>>)
      %dma_wait3A_288 = tpu.memref_slice %arg3[%mul3A_2] : memref<8192xi32, #tpu.memory_space<hbm>> -> memref<256xi32, #tpu.memory_space<hbm>>
      %dma_wait3A_289 = tpu.memref_slice %arg3[%mul3A_2] : memref<8192xi32, #tpu.memory_space<hbm>> -> memref<256xi32, #tpu.memory_space<hbm>>
      tpu.wait_dma2 semaphore(%run_scoped3A : memref<!tpu.dma_semaphore, #tpu.memory_space<semaphore_mem>>) src(%dma_wait3A_289 : memref<256xi32, #tpu.memory_space<hbm>>) dst(%arg11 : memref<256xi32, #tpu.memory_space<vmem>>)
      tpu.yield
    }) : () -> ()
    %get3A = arith.constant 0 : index
    %get3A_3 = tpu.vector_load %arg11[%get3A] {strides = array<i32>} : memref<256xi32, #tpu.memory_space<vmem>>, vector<16xi32>,
    %gather3A = tpu.vector_load_idx %arg10[%get3A_3] : memref<4096xi32, #tpu.memory_space<vmem>>[vector<16xi32>], vector<16xi32>,
    %swap3A = arith.constant 0 : index
    %swap3A_4 = tpu.vector_load %arg12[%swap3A] {strides = array<i32>} : memref<128xi32, #tpu.memory_space<vmem>>, vector<16xi32>,
    tpu.vector_store %arg12[%swap3A], %gather3A {strides = array<i32>} : memref<128xi32, #tpu.memory_space<vmem>>, vector<16xi32>,
    %get3A_5 = arith.constant 16 : index
    %get3A_6 = tpu.vector_load %arg11[%get3A_5] {strides = array<i32>} : memref<256xi32, #tpu.memory_space<vmem>>, vector<16xi32>,
    %gather3A_7 = tpu.vector_load_idx %arg10[%get3A_6] : memref<4096xi32, #tpu.memory_space<vmem>>[vector<16xi32>], vector<16xi32>,
    %swap3A_8 = arith.constant 16 : index
    %swap3A_9 = tpu.vector_load %arg12[%swap3A_8] {strides = array<i32>} : memref<128xi32, #tpu.memory_space<vmem>>, vector<16xi32>,
    tpu.vector_store %arg12[%swap3A_8], %gather3A_7 {strides = array<i32>} : memref<128xi32, #tpu.memory_space<vmem>>, vector<16xi32>,
    %get3A_10 = arith.constant 32 : index
    %get3A_11 = tpu.vector_load %arg11[%get3A_10] {strides = array<i32>} : memref<256xi32, #tpu.memory_space<vmem>>, vector<16xi32>,
    %gather3A_12 = tpu.vector_load_idx %arg10[%get3A_11] : memref<4096xi32, #tpu.memory_space<vmem>>[vector<16xi32>], vector<16xi32>,
    %swap3A_13 = arith.constant 32 : index
    %swap3A_14 = tpu.vector_load %arg12[%swap3A_13] {strides = array<i32>} : memref<128xi32, #tpu.memory_space<vmem>>, vector<16xi32>,
    tpu.vector_store %arg12[%swap3A_13], %gather3A_12 {strides = array<i32>} : memref<128xi32, #tpu.memory_space<vmem>>, vector<16xi32>,
    %get3A_15 = arith.constant 48 : index
    %get3A_16 = tpu.vector_load %arg11[%get3A_15] {strides = array<i32>} : memref<256xi32, #tpu.memory_space<vmem>>, vector<16xi32>,
    %gather3A_17 = tpu.vector_load_idx %arg10[%get3A_16] : memref<4096xi32, #tpu.memory_space<vmem>>[vector<16xi32>], vector<16xi32>,
    %swap3A_18 = arith.constant 48 : index
    %swap3A_19 = tpu.vector_load %arg12[%swap3A_18] {strides = array<i32>} : memref<128xi32, #tpu.memory_space<vmem>>, vector<16xi32>,
    tpu.vector_store %arg12[%swap3A_18], %gather3A_17 {strides = array<i32>} : memref<128xi32, #tpu.memory_space<vmem>>, vector<16xi32>,
    %get3A_20 = arith.constant 64 : index
    %get3A_21 = tpu.vector_load %arg11[%get3A_20] {strides = array<i32>} : memref<256xi32, #tpu.memory_space<vmem>>, vector<16xi32>,
    %gather3A_22 = tpu.vector_load_idx %arg10[%get3A_21] : memref<4096xi32, #tpu.memory_space<vmem>>[vector<16xi32>], vector<16xi32>,
    %swap3A_23 = arith.constant 64 : index
    %swap3A_24 = tpu.vector_load %arg12[%swap3A_23] {strides = array<i32>} : memref<128xi32, #tpu.memory_space<vmem>>, vector<16xi32>,
    tpu.vector_store %arg12[%swap3A_23], %gather3A_22 {strides = array<i32>} : memref<128xi32, #tpu.memory_space<vmem>>, vector<16xi32>,
    %get3A_25 = arith.constant 80 : index
    %get3A_26 = tpu.vector_load %arg11[%get3A_25] {strides = array<i32>} : memref<256xi32, #tpu.memory_space<vmem>>, vector<16xi32>,
    %gather3A_27 = tpu.vector_load_idx %arg10[%get3A_26] : memref<4096xi32, #tpu.memory_space<vmem>>[vector<16xi32>], vector<16xi32>,
    %swap3A_28 = arith.constant 80 : index
    %swap3A_29 = tpu.vector_load %arg12[%swap3A_28] {strides = array<i32>} : memref<128xi32, #tpu.memory_space<vmem>>, vector<16xi32>,
    tpu.vector_store %arg12[%swap3A_28], %gather3A_27 {strides = array<i32>} : memref<128xi32, #tpu.memory_space<vmem>>, vector<16xi32>,
    %get3A_30 = arith.constant 96 : index
    %get3A_31 = tpu.vector_load %arg11[%get3A_30] {strides = array<i32>} : memref<256xi32, #tpu.memory_space<vmem>>, vector<16xi32>,
    %gather3A_32 = tpu.vector_load_idx %arg10[%get3A_31] : memref<4096xi32, #tpu.memory_space<vmem>>[vector<16xi32>], vector<16xi32>,
    %swap3A_33 = arith.constant 96 : index
    %swap3A_34 = tpu.vector_load %arg12[%swap3A_33] {strides = array<i32>} : memref<128xi32, #tpu.memory_space<vmem>>, vector<16xi32>,
    tpu.vector_store %arg12[%swap3A_33], %gather3A_32 {strides = array<i32>} : memref<128xi32, #tpu.memory_space<vmem>>, vector<16xi32>,
    %get3A_35 = arith.constant 112 : index
    %get3A_36 = tpu.vector_load %arg11[%get3A_35] {strides = array<i32>} : memref<256xi32, #tpu.memory_space<vmem>>, vector<16xi32>,
    %gather3A_37 = tpu.vector_load_idx %arg10[%get3A_36] : memref<4096xi32, #tpu.memory_space<vmem>>[vector<16xi32>], vector<16xi32>,
    %swap3A_38 = arith.constant 112 : index
    %swap3A_39 = tpu.vector_load %arg12[%swap3A_38] {strides = array<i32>} : memref<128xi32, #tpu.memory_space<vmem>>, vector<16xi32>,
    tpu.vector_store %arg12[%swap3A_38], %gather3A_37 {strides = array<i32>} : memref<128xi32, #tpu.memory_space<vmem>>, vector<16xi32>,
    %dma_start3A = arith.constant 0 : i32
    %dma_start3A_40 = arith.constant 0 : i32
    %dma_start3A_41 = tpu.memref_slice %arg6[%dma_start3A, %dma_start3A_40] : memref<4096x128xf32, #tpu.memory_space<hbm>> -> memref<4096x128xf32, #tpu.memory_space<hbm>>
    tpu.enqueue_indirect_dma source(%dma_start3A_41 : memref<4096x128xf32, #tpu.memory_space<hbm>>) target(%arg13 : memref<128x128xf32, #tpu.memory_space<vmem>>) offsets(%arg12 : memref<128xi32, #tpu.memory_space<vmem>>) semaphore(%arg14 : memref<!tpu.dma_semaphore, #tpu.memory_space<semaphore_mem>>)
    %dma_wait3A = arith.constant 0 : i32
    %dma_wait3A_42 = arith.constant 0 : i32
    %dma_wait3A_43 = tpu.memref_slice %arg6[%dma_wait3A, %dma_wait3A_42] : memref<4096x128xf32, #tpu.memory_space<hbm>> -> memref<4096x128xf32, #tpu.memory_space<hbm>>
    tpu.wait_indirect_dma semaphore(%arg14 : memref<!tpu.dma_semaphore, #tpu.memory_space<semaphore_mem>>) src(%dma_wait3A_43 : memref<4096x128xf32, #tpu.memory_space<hbm>>) dst(%arg13 : memref<128x128xf32, #tpu.memory_space<vmem>>)
    %add3A_44 = arith.constant 0 : i32
    %add3A_45 = arith.addi %mul3A_2, %add3A_44 : i32
    "tpu.region"() ({
      %run_scoped3A = tpu.sem_alloc : memref<!tpu.dma_semaphore, #tpu.memory_space<semaphore_mem>>
      %dma_start3A_286 = arith.constant 0 : i32
      %dma_start3A_287 = tpu.memref_slice %arg7[%add3A_45, %dma_start3A_286] : memref<8192x128xf32, #tpu.memory_space<hbm>> -> memref<128x128xf32, #tpu.memory_space<hbm>>
      %dma_start3A_288 = arith.constant 0 : i32
      %dma_start3A_289 = tpu.memref_slice %arg7[%add3A_45, %dma_start3A_288] : memref<8192x128xf32, #tpu.memory_space<hbm>> -> memref<128x128xf32, #tpu.memory_space<hbm>>
      tpu.enqueue_dma source(%arg13 : memref<128x128xf32, #tpu.memory_space<vmem>>) target(%dma_start3A_289 : memref<128x128xf32, #tpu.memory_space<hbm>>) target_semaphore(%run_scoped3A : memref<!tpu.dma_semaphore, #tpu.memory_space<semaphore_mem>>)
      %dma_wait3A_290 = arith.constant 0 : i32
      %dma_wait3A_291 = tpu.memref_slice %arg7[%add3A_45, %dma_wait3A_290] : memref<8192x128xf32, #tpu.memory_space<hbm>> -> memref<128x128xf32, #tpu.memory_space<hbm>>
      %dma_wait3A_292 = arith.constant 0 : i32
      %dma_wait3A_293 = tpu.memref_slice %arg7[%add3A_45, %dma_wait3A_292] : memref<8192x128xf32, #tpu.memory_space<hbm>> -> memref<128x128xf32, #tpu.memory_space<hbm>>
      tpu.wait_dma2 semaphore(%run_scoped3A : memref<!tpu.dma_semaphore, #tpu.memory_space<semaphore_mem>>) src(%arg13 : memref<128x128xf32, #tpu.memory_space<vmem>>) dst(%dma_wait3A_293 : memref<128x128xf32, #tpu.memory_space<hbm>>)
      tpu.yield
    }) : () -> ()
    %get3A_46 = arith.constant 128 : index
    %get3A_47 = tpu.vector_load %arg11[%get3A_46] {strides = array<i32>} : memref<256xi32, #tpu.memory_space<vmem>>, vector<16xi32>,
    %gather3A_48 = tpu.vector_load_idx %arg10[%get3A_47] : memref<4096xi32, #tpu.memory_space<vmem>>[vector<16xi32>], vector<16xi32>,
    %swap3A_49 = arith.constant 0 : index
    %swap3A_50 = tpu.vector_load %arg12[%swap3A_49] {strides = array<i32>} : memref<128xi32, #tpu.memory_space<vmem>>, vector<16xi32>,
    tpu.vector_store %arg12[%swap3A_49], %gather3A_48 {strides = array<i32>} : memref<128xi32, #tpu.memory_space<vmem>>, vector<16xi32>,
    %get3A_51 = arith.constant 144 : index
    %get3A_52 = tpu.vector_load %arg11[%get3A_51] {strides = array<i32>} : memref<256xi32, #tpu.memory_space<vmem>>, vector<16xi32>,
    %gather3A_53 = tpu.vector_load_idx %arg10[%get3A_52] : memref<4096xi32, #tpu.memory_space<vmem>>[vector<16xi32>], vector<16xi32>,
    %swap3A_54 = arith.constant 16 : index
    %swap3A_55 = tpu.vector_load %arg12[%swap3A_54] {strides = array<i32>} : memref<128xi32, #tpu.memory_space<vmem>>, vector<16xi32>,
    tpu.vector_store %arg12[%swap3A_54], %gather3A_53 {strides = array<i32>} : memref<128xi32, #tpu.memory_space<vmem>>, vector<16xi32>,
    %get3A_56 = arith.constant 160 : index
    %get3A_57 = tpu.vector_load %arg11[%get3A_56] {strides = array<i32>} : memref<256xi32, #tpu.memory_space<vmem>>, vector<16xi32>,
    %gather3A_58 = tpu.vector_load_idx %arg10[%get3A_57] : memref<4096xi32, #tpu.memory_space<vmem>>[vector<16xi32>], vector<16xi32>,
    %swap3A_59 = arith.constant 32 : index
    %swap3A_60 = tpu.vector_load %arg12[%swap3A_59] {strides = array<i32>} : memref<128xi32, #tpu.memory_space<vmem>>, vector<16xi32>,
    tpu.vector_store %arg12[%swap3A_59], %gather3A_58 {strides = array<i32>} : memref<128xi32, #tpu.memory_space<vmem>>, vector<16xi32>,
    %get3A_61 = arith.constant 176 : index
    %get3A_62 = tpu.vector_load %arg11[%get3A_61] {strides = array<i32>} : memref<256xi32, #tpu.memory_space<vmem>>, vector<16xi32>,
    %gather3A_63 = tpu.vector_load_idx %arg10[%get3A_62] : memref<4096xi32, #tpu.memory_space<vmem>>[vector<16xi32>], vector<16xi32>,
    %swap3A_64 = arith.constant 48 : index
    %swap3A_65 = tpu.vector_load %arg12[%swap3A_64] {strides = array<i32>} : memref<128xi32, #tpu.memory_space<vmem>>, vector<16xi32>,
    tpu.vector_store %arg12[%swap3A_64], %gather3A_63 {strides = array<i32>} : memref<128xi32, #tpu.memory_space<vmem>>, vector<16xi32>,
    %get3A_66 = arith.constant 192 : index
    %get3A_67 = tpu.vector_load %arg11[%get3A_66] {strides = array<i32>} : memref<256xi32, #tpu.memory_space<vmem>>, vector<16xi32>,
    %gather3A_68 = tpu.vector_load_idx %arg10[%get3A_67] : memref<4096xi32, #tpu.memory_space<vmem>>[vector<16xi32>], vector<16xi32>,
    %swap3A_69 = arith.constant 64 : index
    %swap3A_70 = tpu.vector_load %arg12[%swap3A_69] {strides = array<i32>} : memref<128xi32, #tpu.memory_space<vmem>>, vector<16xi32>,
    tpu.vector_store %arg12[%swap3A_69], %gather3A_68 {strides = array<i32>} : memref<128xi32, #tpu.memory_space<vmem>>, vector<16xi32>,
    %get3A_71 = arith.constant 208 : index
    %get3A_72 = tpu.vector_load %arg11[%get3A_71] {strides = array<i32>} : memref<256xi32, #tpu.memory_space<vmem>>, vector<16xi32>,
    %gather3A_73 = tpu.vector_load_idx %arg10[%get3A_72] : memref<4096xi32, #tpu.memory_space<vmem>>[vector<16xi32>], vector<16xi32>,
    %swap3A_74 = arith.constant 80 : index
    %swap3A_75 = tpu.vector_load %arg12[%swap3A_74] {strides = array<i32>} : memref<128xi32, #tpu.memory_space<vmem>>, vector<16xi32>,
    tpu.vector_store %arg12[%swap3A_74], %gather3A_73 {strides = array<i32>} : memref<128xi32, #tpu.memory_space<vmem>>, vector<16xi32>,
    %get3A_76 = arith.constant 224 : index
    %get3A_77 = tpu.vector_load %arg11[%get3A_76] {strides = array<i32>} : memref<256xi32, #tpu.memory_space<vmem>>, vector<16xi32>,
    %gather3A_78 = tpu.vector_load_idx %arg10[%get3A_77] : memref<4096xi32, #tpu.memory_space<vmem>>[vector<16xi32>], vector<16xi32>,
    %swap3A_79 = arith.constant 96 : index
    %swap3A_80 = tpu.vector_load %arg12[%swap3A_79] {strides = array<i32>} : memref<128xi32, #tpu.memory_space<vmem>>, vector<16xi32>,
    tpu.vector_store %arg12[%swap3A_79], %gather3A_78 {strides = array<i32>} : memref<128xi32, #tpu.memory_space<vmem>>, vector<16xi32>,
    %get3A_81 = arith.constant 240 : index
    %get3A_82 = tpu.vector_load %arg11[%get3A_81] {strides = array<i32>} : memref<256xi32, #tpu.memory_space<vmem>>, vector<16xi32>,
    %gather3A_83 = tpu.vector_load_idx %arg10[%get3A_82] : memref<4096xi32, #tpu.memory_space<vmem>>[vector<16xi32>], vector<16xi32>,
    %swap3A_84 = arith.constant 112 : index
    %swap3A_85 = tpu.vector_load %arg12[%swap3A_84] {strides = array<i32>} : memref<128xi32, #tpu.memory_space<vmem>>, vector<16xi32>,
    tpu.vector_store %arg12[%swap3A_84], %gather3A_83 {strides = array<i32>} : memref<128xi32, #tpu.memory_space<vmem>>, vector<16xi32>,
    %dma_start3A_86 = arith.constant 0 : i32
    %dma_start3A_87 = arith.constant 0 : i32
    %dma_start3A_88 = tpu.memref_slice %arg6[%dma_start3A_86, %dma_start3A_87] : memref<4096x128xf32, #tpu.memory_space<hbm>> -> memref<4096x128xf32, #tpu.memory_space<hbm>>
    tpu.enqueue_indirect_dma source(%dma_start3A_88 : memref<4096x128xf32, #tpu.memory_space<hbm>>) target(%arg13 : memref<128x128xf32, #tpu.memory_space<vmem>>) offsets(%arg12 : memref<128xi32, #tpu.memory_space<vmem>>) semaphore(%arg14 : memref<!tpu.dma_semaphore, #tpu.memory_space<semaphore_mem>>)
    %dma_wait3A_89 = arith.constant 0 : i32
    %dma_wait3A_90 = arith.constant 0 : i32
    %dma_wait3A_91 = tpu.memref_slice %arg6[%dma_wait3A_89, %dma_wait3A_90] : memref<4096x128xf32, #tpu.memory_space<hbm>> -> memref<4096x128xf32, #tpu.memory_space<hbm>>
    tpu.wait_indirect_dma semaphore(%arg14 : memref<!tpu.dma_semaphore, #tpu.memory_space<semaphore_mem>>) src(%dma_wait3A_91 : memref<4096x128xf32, #tpu.memory_space<hbm>>) dst(%arg13 : memref<128x128xf32, #tpu.memory_space<vmem>>)
    %add3A_92 = arith.constant 128 : i32
    %add3A_93 = arith.addi %mul3A_2, %add3A_92 : i32
    "tpu.region"() ({
      %run_scoped3A = tpu.sem_alloc : memref<!tpu.dma_semaphore, #tpu.memory_space<semaphore_mem>>
      %dma_start3A_286 = arith.constant 0 : i32
      %dma_start3A_287 = tpu.memref_slice %arg7[%add3A_93, %dma_start3A_286] : memref<8192x128xf32, #tpu.memory_space<hbm>> -> memref<128x128xf32, #tpu.memory_space<hbm>>
      %dma_start3A_288 = arith.constant 0 : i32
      %dma_start3A_289 = tpu.memref_slice %arg7[%add3A_93, %dma_start3A_288] : memref<8192x128xf32, #tpu.memory_space<hbm>> -> memref<128x128xf32, #tpu.memory_space<hbm>>
      tpu.enqueue_dma source(%arg13 : memref<128x128xf32, #tpu.memory_space<vmem>>) target(%dma_start3A_289 : memref<128x128xf32, #tpu.memory_space<hbm>>) target_semaphore(%run_scoped3A : memref<!tpu.dma_semaphore, #tpu.memory_space<semaphore_mem>>)
      %dma_wait3A_290 = arith.constant 0 : i32
      %dma_wait3A_291 = tpu.memref_slice %arg7[%add3A_93, %dma_wait3A_290] : memref<8192x128xf32, #tpu.memory_space<hbm>> -> memref<128x128xf32, #tpu.memory_space<hbm>>
      %dma_wait3A_292 = arith.constant 0 : i32
      %dma_wait3A_293 = tpu.memref_slice %arg7[%add3A_93, %dma_wait3A_292] : memref<8192x128xf32, #tpu.memory_space<hbm>> -> memref<128x128xf32, #tpu.memory_space<hbm>>
      tpu.wait_dma2 semaphore(%run_scoped3A : memref<!tpu.dma_semaphore, #tpu.memory_space<semaphore_mem>>) src(%arg13 : memref<128x128xf32, #tpu.memory_space<vmem>>) dst(%dma_wait3A_293 : memref<128x128xf32, #tpu.memory_space<hbm>>)
      tpu.yield
    }) : () -> ()
    "tpu.region"() ({
      %run_scoped3A = tpu.sem_alloc : memref<!tpu.dma_semaphore, #tpu.memory_space<semaphore_mem>>
      %dma_start3A_286 = tpu.memref_slice %arg4[%mul3A_2] : memref<8192xi32, #tpu.memory_space<hbm>> -> memref<256xi32, #tpu.memory_space<hbm>>
      %dma_start3A_287 = tpu.memref_slice %arg4[%mul3A_2] : memref<8192xi32, #tpu.memory_space<hbm>> -> memref<256xi32, #tpu.memory_space<hbm>>
      tpu.enqueue_dma source(%dma_start3A_287 : memref<256xi32, #tpu.memory_space<hbm>>) target(%arg11 : memref<256xi32, #tpu.memory_space<vmem>>) target_semaphore(%run_scoped3A : memref<!tpu.dma_semaphore, #tpu.memory_space<semaphore_mem>>)
      %dma_wait3A_288 = tpu.memref_slice %arg4[%mul3A_2] : memref<8192xi32, #tpu.memory_space<hbm>> -> memref<256xi32, #tpu.memory_space<hbm>>
      %dma_wait3A_289 = tpu.memref_slice %arg4[%mul3A_2] : memref<8192xi32, #tpu.memory_space<hbm>> -> memref<256xi32, #tpu.memory_space<hbm>>
      tpu.wait_dma2 semaphore(%run_scoped3A : memref<!tpu.dma_semaphore, #tpu.memory_space<semaphore_mem>>) src(%dma_wait3A_289 : memref<256xi32, #tpu.memory_space<hbm>>) dst(%arg11 : memref<256xi32, #tpu.memory_space<vmem>>)
      tpu.yield
    }) : () -> ()
    %get3A_94 = arith.constant 0 : index
    %get3A_95 = tpu.vector_load %arg11[%get3A_94] {strides = array<i32>} : memref<256xi32, #tpu.memory_space<vmem>>, vector<16xi32>,
    %gather3A_96 = tpu.vector_load_idx %arg10[%get3A_95] : memref<4096xi32, #tpu.memory_space<vmem>>[vector<16xi32>], vector<16xi32>,
    %swap3A_97 = arith.constant 0 : index
    %swap3A_98 = tpu.vector_load %arg12[%swap3A_97] {strides = array<i32>} : memref<128xi32, #tpu.memory_space<vmem>>, vector<16xi32>,
    tpu.vector_store %arg12[%swap3A_97], %gather3A_96 {strides = array<i32>} : memref<128xi32, #tpu.memory_space<vmem>>, vector<16xi32>,
    %get3A_99 = arith.constant 16 : index
    %get3A_100 = tpu.vector_load %arg11[%get3A_99] {strides = array<i32>} : memref<256xi32, #tpu.memory_space<vmem>>, vector<16xi32>,
    %gather3A_101 = tpu.vector_load_idx %arg10[%get3A_100] : memref<4096xi32, #tpu.memory_space<vmem>>[vector<16xi32>], vector<16xi32>,
    %swap3A_102 = arith.constant 16 : index
    %swap3A_103 = tpu.vector_load %arg12[%swap3A_102] {strides = array<i32>} : memref<128xi32, #tpu.memory_space<vmem>>, vector<16xi32>,
    tpu.vector_store %arg12[%swap3A_102], %gather3A_101 {strides = array<i32>} : memref<128xi32, #tpu.memory_space<vmem>>, vector<16xi32>,
    %get3A_104 = arith.constant 32 : index
    %get3A_105 = tpu.vector_load %arg11[%get3A_104] {strides = array<i32>} : memref<256xi32, #tpu.memory_space<vmem>>, vector<16xi32>,
    %gather3A_106 = tpu.vector_load_idx %arg10[%get3A_105] : memref<4096xi32, #tpu.memory_space<vmem>>[vector<16xi32>], vector<16xi32>,
    %swap3A_107 = arith.constant 32 : index
    %swap3A_108 = tpu.vector_load %arg12[%swap3A_107] {strides = array<i32>} : memref<128xi32, #tpu.memory_space<vmem>>, vector<16xi32>,
    tpu.vector_store %arg12[%swap3A_107], %gather3A_106 {strides = array<i32>} : memref<128xi32, #tpu.memory_space<vmem>>, vector<16xi32>,
    %get3A_109 = arith.constant 48 : index
    %get3A_110 = tpu.vector_load %arg11[%get3A_109] {strides = array<i32>} : memref<256xi32, #tpu.memory_space<vmem>>, vector<16xi32>,
    %gather3A_111 = tpu.vector_load_idx %arg10[%get3A_110] : memref<4096xi32, #tpu.memory_space<vmem>>[vector<16xi32>], vector<16xi32>,
    %swap3A_112 = arith.constant 48 : index
    %swap3A_113 = tpu.vector_load %arg12[%swap3A_112] {strides = array<i32>} : memref<128xi32, #tpu.memory_space<vmem>>, vector<16xi32>,
    tpu.vector_store %arg12[%swap3A_112], %gather3A_111 {strides = array<i32>} : memref<128xi32, #tpu.memory_space<vmem>>, vector<16xi32>,
    %get3A_114 = arith.constant 64 : index
    %get3A_115 = tpu.vector_load %arg11[%get3A_114] {strides = array<i32>} : memref<256xi32, #tpu.memory_space<vmem>>, vector<16xi32>,
    %gather3A_116 = tpu.vector_load_idx %arg10[%get3A_115] : memref<4096xi32, #tpu.memory_space<vmem>>[vector<16xi32>], vector<16xi32>,
    %swap3A_117 = arith.constant 64 : index
    %swap3A_118 = tpu.vector_load %arg12[%swap3A_117] {strides = array<i32>} : memref<128xi32, #tpu.memory_space<vmem>>, vector<16xi32>,
    tpu.vector_store %arg12[%swap3A_117], %gather3A_116 {strides = array<i32>} : memref<128xi32, #tpu.memory_space<vmem>>, vector<16xi32>,
    %get3A_119 = arith.constant 80 : index
    %get3A_120 = tpu.vector_load %arg11[%get3A_119] {strides = array<i32>} : memref<256xi32, #tpu.memory_space<vmem>>, vector<16xi32>,
    %gather3A_121 = tpu.vector_load_idx %arg10[%get3A_120] : memref<4096xi32, #tpu.memory_space<vmem>>[vector<16xi32>], vector<16xi32>,
    %swap3A_122 = arith.constant 80 : index
    %swap3A_123 = tpu.vector_load %arg12[%swap3A_122] {strides = array<i32>} : memref<128xi32, #tpu.memory_space<vmem>>, vector<16xi32>,
    tpu.vector_store %arg12[%swap3A_122], %gather3A_121 {strides = array<i32>} : memref<128xi32, #tpu.memory_space<vmem>>, vector<16xi32>,
    %get3A_124 = arith.constant 96 : index
    %get3A_125 = tpu.vector_load %arg11[%get3A_124] {strides = array<i32>} : memref<256xi32, #tpu.memory_space<vmem>>, vector<16xi32>,
    %gather3A_126 = tpu.vector_load_idx %arg10[%get3A_125] : memref<4096xi32, #tpu.memory_space<vmem>>[vector<16xi32>], vector<16xi32>,
    %swap3A_127 = arith.constant 96 : index
    %swap3A_128 = tpu.vector_load %arg12[%swap3A_127] {strides = array<i32>} : memref<128xi32, #tpu.memory_space<vmem>>, vector<16xi32>,
    tpu.vector_store %arg12[%swap3A_127], %gather3A_126 {strides = array<i32>} : memref<128xi32, #tpu.memory_space<vmem>>, vector<16xi32>,
    %get3A_129 = arith.constant 112 : index
    %get3A_130 = tpu.vector_load %arg11[%get3A_129] {strides = array<i32>} : memref<256xi32, #tpu.memory_space<vmem>>, vector<16xi32>,
    %gather3A_131 = tpu.vector_load_idx %arg10[%get3A_130] : memref<4096xi32, #tpu.memory_space<vmem>>[vector<16xi32>], vector<16xi32>,
    %swap3A_132 = arith.constant 112 : index
    %swap3A_133 = tpu.vector_load %arg12[%swap3A_132] {strides = array<i32>} : memref<128xi32, #tpu.memory_space<vmem>>, vector<16xi32>,
    tpu.vector_store %arg12[%swap3A_132], %gather3A_131 {strides = array<i32>} : memref<128xi32, #tpu.memory_space<vmem>>, vector<16xi32>,
    %dma_start3A_134 = arith.constant 0 : i32
    %dma_start3A_135 = arith.constant 0 : i32
    %dma_start3A_136 = tpu.memref_slice %arg6[%dma_start3A_134, %dma_start3A_135] : memref<4096x128xf32, #tpu.memory_space<hbm>> -> memref<4096x128xf32, #tpu.memory_space<hbm>>
    tpu.enqueue_indirect_dma source(%dma_start3A_136 : memref<4096x128xf32, #tpu.memory_space<hbm>>) target(%arg13 : memref<128x128xf32, #tpu.memory_space<vmem>>) offsets(%arg12 : memref<128xi32, #tpu.memory_space<vmem>>) semaphore(%arg14 : memref<!tpu.dma_semaphore, #tpu.memory_space<semaphore_mem>>)
    %dma_wait3A_137 = arith.constant 0 : i32
    %dma_wait3A_138 = arith.constant 0 : i32
    %dma_wait3A_139 = tpu.memref_slice %arg6[%dma_wait3A_137, %dma_wait3A_138] : memref<4096x128xf32, #tpu.memory_space<hbm>> -> memref<4096x128xf32, #tpu.memory_space<hbm>>
    tpu.wait_indirect_dma semaphore(%arg14 : memref<!tpu.dma_semaphore, #tpu.memory_space<semaphore_mem>>) src(%dma_wait3A_139 : memref<4096x128xf32, #tpu.memory_space<hbm>>) dst(%arg13 : memref<128x128xf32, #tpu.memory_space<vmem>>)
    %add3A_140 = arith.constant 0 : i32
    %add3A_141 = arith.addi %mul3A_2, %add3A_140 : i32
    "tpu.region"() ({
      %run_scoped3A = tpu.sem_alloc : memref<!tpu.dma_semaphore, #tpu.memory_space<semaphore_mem>>
      %dma_start3A_286 = arith.constant 0 : i32
      %dma_start3A_287 = tpu.memref_slice %arg8[%add3A_141, %dma_start3A_286] : memref<8192x128xf32, #tpu.memory_space<hbm>> -> memref<128x128xf32, #tpu.memory_space<hbm>>
      %dma_start3A_288 = arith.constant 0 : i32
      %dma_start3A_289 = tpu.memref_slice %arg8[%add3A_141, %dma_start3A_288] : memref<8192x128xf32, #tpu.memory_space<hbm>> -> memref<128x128xf32, #tpu.memory_space<hbm>>
      tpu.enqueue_dma source(%arg13 : memref<128x128xf32, #tpu.memory_space<vmem>>) target(%dma_start3A_289 : memref<128x128xf32, #tpu.memory_space<hbm>>) target_semaphore(%run_scoped3A : memref<!tpu.dma_semaphore, #tpu.memory_space<semaphore_mem>>)
      %dma_wait3A_290 = arith.constant 0 : i32
      %dma_wait3A_291 = tpu.memref_slice %arg8[%add3A_141, %dma_wait3A_290] : memref<8192x128xf32, #tpu.memory_space<hbm>> -> memref<128x128xf32, #tpu.memory_space<hbm>>
      %dma_wait3A_292 = arith.constant 0 : i32
      %dma_wait3A_293 = tpu.memref_slice %arg8[%add3A_141, %dma_wait3A_292] : memref<8192x128xf32, #tpu.memory_space<hbm>> -> memref<128x128xf32, #tpu.memory_space<hbm>>
      tpu.wait_dma2 semaphore(%run_scoped3A : memref<!tpu.dma_semaphore, #tpu.memory_space<semaphore_mem>>) src(%arg13 : memref<128x128xf32, #tpu.memory_space<vmem>>) dst(%dma_wait3A_293 : memref<128x128xf32, #tpu.memory_space<hbm>>)
      tpu.yield
    }) : () -> ()
    %get3A_142 = arith.constant 128 : index
    %get3A_143 = tpu.vector_load %arg11[%get3A_142] {strides = array<i32>} : memref<256xi32, #tpu.memory_space<vmem>>, vector<16xi32>,
    %gather3A_144 = tpu.vector_load_idx %arg10[%get3A_143] : memref<4096xi32, #tpu.memory_space<vmem>>[vector<16xi32>], vector<16xi32>,
    %swap3A_145 = arith.constant 0 : index
    %swap3A_146 = tpu.vector_load %arg12[%swap3A_145] {strides = array<i32>} : memref<128xi32, #tpu.memory_space<vmem>>, vector<16xi32>,
    tpu.vector_store %arg12[%swap3A_145], %gather3A_144 {strides = array<i32>} : memref<128xi32, #tpu.memory_space<vmem>>, vector<16xi32>,
    %get3A_147 = arith.constant 144 : index
    %get3A_148 = tpu.vector_load %arg11[%get3A_147] {strides = array<i32>} : memref<256xi32, #tpu.memory_space<vmem>>, vector<16xi32>,
    %gather3A_149 = tpu.vector_load_idx %arg10[%get3A_148] : memref<4096xi32, #tpu.memory_space<vmem>>[vector<16xi32>], vector<16xi32>,
    %swap3A_150 = arith.constant 16 : index
    %swap3A_151 = tpu.vector_load %arg12[%swap3A_150] {strides = array<i32>} : memref<128xi32, #tpu.memory_space<vmem>>, vector<16xi32>,
    tpu.vector_store %arg12[%swap3A_150], %gather3A_149 {strides = array<i32>} : memref<128xi32, #tpu.memory_space<vmem>>, vector<16xi32>,
    %get3A_152 = arith.constant 160 : index
    %get3A_153 = tpu.vector_load %arg11[%get3A_152] {strides = array<i32>} : memref<256xi32, #tpu.memory_space<vmem>>, vector<16xi32>,
    %gather3A_154 = tpu.vector_load_idx %arg10[%get3A_153] : memref<4096xi32, #tpu.memory_space<vmem>>[vector<16xi32>], vector<16xi32>,
    %swap3A_155 = arith.constant 32 : index
    %swap3A_156 = tpu.vector_load %arg12[%swap3A_155] {strides = array<i32>} : memref<128xi32, #tpu.memory_space<vmem>>, vector<16xi32>,
    tpu.vector_store %arg12[%swap3A_155], %gather3A_154 {strides = array<i32>} : memref<128xi32, #tpu.memory_space<vmem>>, vector<16xi32>,
    %get3A_157 = arith.constant 176 : index
    %get3A_158 = tpu.vector_load %arg11[%get3A_157] {strides = array<i32>} : memref<256xi32, #tpu.memory_space<vmem>>, vector<16xi32>,
    %gather3A_159 = tpu.vector_load_idx %arg10[%get3A_158] : memref<4096xi32, #tpu.memory_space<vmem>>[vector<16xi32>], vector<16xi32>,
    %swap3A_160 = arith.constant 48 : index
    %swap3A_161 = tpu.vector_load %arg12[%swap3A_160] {strides = array<i32>} : memref<128xi32, #tpu.memory_space<vmem>>, vector<16xi32>,
    tpu.vector_store %arg12[%swap3A_160], %gather3A_159 {strides = array<i32>} : memref<128xi32, #tpu.memory_space<vmem>>, vector<16xi32>,
    %get3A_162 = arith.constant 192 : index
    %get3A_163 = tpu.vector_load %arg11[%get3A_162] {strides = array<i32>} : memref<256xi32, #tpu.memory_space<vmem>>, vector<16xi32>,
    %gather3A_164 = tpu.vector_load_idx %arg10[%get3A_163] : memref<4096xi32, #tpu.memory_space<vmem>>[vector<16xi32>], vector<16xi32>,
    %swap3A_165 = arith.constant 64 : index
    %swap3A_166 = tpu.vector_load %arg12[%swap3A_165] {strides = array<i32>} : memref<128xi32, #tpu.memory_space<vmem>>, vector<16xi32>,
    tpu.vector_store %arg12[%swap3A_165], %gather3A_164 {strides = array<i32>} : memref<128xi32, #tpu.memory_space<vmem>>, vector<16xi32>,
    %get3A_167 = arith.constant 208 : index
    %get3A_168 = tpu.vector_load %arg11[%get3A_167] {strides = array<i32>} : memref<256xi32, #tpu.memory_space<vmem>>, vector<16xi32>,
    %gather3A_169 = tpu.vector_load_idx %arg10[%get3A_168] : memref<4096xi32, #tpu.memory_space<vmem>>[vector<16xi32>], vector<16xi32>,
    %swap3A_170 = arith.constant 80 : index
    %swap3A_171 = tpu.vector_load %arg12[%swap3A_170] {strides = array<i32>} : memref<128xi32, #tpu.memory_space<vmem>>, vector<16xi32>,
    tpu.vector_store %arg12[%swap3A_170], %gather3A_169 {strides = array<i32>} : memref<128xi32, #tpu.memory_space<vmem>>, vector<16xi32>,
    %get3A_172 = arith.constant 224 : index
    %get3A_173 = tpu.vector_load %arg11[%get3A_172] {strides = array<i32>} : memref<256xi32, #tpu.memory_space<vmem>>, vector<16xi32>,
    %gather3A_174 = tpu.vector_load_idx %arg10[%get3A_173] : memref<4096xi32, #tpu.memory_space<vmem>>[vector<16xi32>], vector<16xi32>,
    %swap3A_175 = arith.constant 96 : index
    %swap3A_176 = tpu.vector_load %arg12[%swap3A_175] {strides = array<i32>} : memref<128xi32, #tpu.memory_space<vmem>>, vector<16xi32>,
    tpu.vector_store %arg12[%swap3A_175], %gather3A_174 {strides = array<i32>} : memref<128xi32, #tpu.memory_space<vmem>>, vector<16xi32>,
    %get3A_177 = arith.constant 240 : index
    %get3A_178 = tpu.vector_load %arg11[%get3A_177] {strides = array<i32>} : memref<256xi32, #tpu.memory_space<vmem>>, vector<16xi32>,
    %gather3A_179 = tpu.vector_load_idx %arg10[%get3A_178] : memref<4096xi32, #tpu.memory_space<vmem>>[vector<16xi32>], vector<16xi32>,
    %swap3A_180 = arith.constant 112 : index
    %swap3A_181 = tpu.vector_load %arg12[%swap3A_180] {strides = array<i32>} : memref<128xi32, #tpu.memory_space<vmem>>, vector<16xi32>,
    tpu.vector_store %arg12[%swap3A_180], %gather3A_179 {strides = array<i32>} : memref<128xi32, #tpu.memory_space<vmem>>, vector<16xi32>,
    %dma_start3A_182 = arith.constant 0 : i32
    %dma_start3A_183 = arith.constant 0 : i32
    %dma_start3A_184 = tpu.memref_slice %arg6[%dma_start3A_182, %dma_start3A_183] : memref<4096x128xf32, #tpu.memory_space<hbm>> -> memref<4096x128xf32, #tpu.memory_space<hbm>>
    tpu.enqueue_indirect_dma source(%dma_start3A_184 : memref<4096x128xf32, #tpu.memory_space<hbm>>) target(%arg13 : memref<128x128xf32, #tpu.memory_space<vmem>>) offsets(%arg12 : memref<128xi32, #tpu.memory_space<vmem>>) semaphore(%arg14 : memref<!tpu.dma_semaphore, #tpu.memory_space<semaphore_mem>>)
    %dma_wait3A_185 = arith.constant 0 : i32
    %dma_wait3A_186 = arith.constant 0 : i32
    %dma_wait3A_187 = tpu.memref_slice %arg6[%dma_wait3A_185, %dma_wait3A_186] : memref<4096x128xf32, #tpu.memory_space<hbm>> -> memref<4096x128xf32, #tpu.memory_space<hbm>>
    tpu.wait_indirect_dma semaphore(%arg14 : memref<!tpu.dma_semaphore, #tpu.memory_space<semaphore_mem>>) src(%dma_wait3A_187 : memref<4096x128xf32, #tpu.memory_space<hbm>>) dst(%arg13 : memref<128x128xf32, #tpu.memory_space<vmem>>)
    %add3A_188 = arith.constant 128 : i32
    %add3A_189 = arith.addi %mul3A_2, %add3A_188 : i32
    "tpu.region"() ({
      %run_scoped3A = tpu.sem_alloc : memref<!tpu.dma_semaphore, #tpu.memory_space<semaphore_mem>>
      %dma_start3A_286 = arith.constant 0 : i32
      %dma_start3A_287 = tpu.memref_slice %arg8[%add3A_189, %dma_start3A_286] : memref<8192x128xf32, #tpu.memory_space<hbm>> -> memref<128x128xf32, #tpu.memory_space<hbm>>
      %dma_start3A_288 = arith.constant 0 : i32
      %dma_start3A_289 = tpu.memref_slice %arg8[%add3A_189, %dma_start3A_288] : memref<8192x128xf32, #tpu.memory_space<hbm>> -> memref<128x128xf32, #tpu.memory_space<hbm>>
      tpu.enqueue_dma source(%arg13 : memref<128x128xf32, #tpu.memory_space<vmem>>) target(%dma_start3A_289 : memref<128x128xf32, #tpu.memory_space<hbm>>) target_semaphore(%run_scoped3A : memref<!tpu.dma_semaphore, #tpu.memory_space<semaphore_mem>>)
      %dma_wait3A_290 = arith.constant 0 : i32
      %dma_wait3A_291 = tpu.memref_slice %arg8[%add3A_189, %dma_wait3A_290] : memref<8192x128xf32, #tpu.memory_space<hbm>> -> memref<128x128xf32, #tpu.memory_space<hbm>>
      %dma_wait3A_292 = arith.constant 0 : i32
      %dma_wait3A_293 = tpu.memref_slice %arg8[%add3A_189, %dma_wait3A_292] : memref<8192x128xf32, #tpu.memory_space<hbm>> -> memref<128x128xf32, #tpu.memory_space<hbm>>
      tpu.wait_dma2 semaphore(%run_scoped3A : memref<!tpu.dma_semaphore, #tpu.memory_space<semaphore_mem>>) src(%arg13 : memref<128x128xf32, #tpu.memory_space<vmem>>) dst(%dma_wait3A_293 : memref<128x128xf32, #tpu.memory_space<hbm>>)
      tpu.yield
    }) : () -> ()
    "tpu.region"() ({
      %run_scoped3A = tpu.sem_alloc : memref<!tpu.dma_semaphore, #tpu.memory_space<semaphore_mem>>
      %dma_start3A_286 = tpu.memref_slice %arg5[%mul3A_2] : memref<8192xi32, #tpu.memory_space<hbm>> -> memref<256xi32, #tpu.memory_space<hbm>>
      %dma_start3A_287 = tpu.memref_slice %arg5[%mul3A_2] : memref<8192xi32, #tpu.memory_space<hbm>> -> memref<256xi32, #tpu.memory_space<hbm>>
      tpu.enqueue_dma source(%dma_start3A_287 : memref<256xi32, #tpu.memory_space<hbm>>) target(%arg11 : memref<256xi32, #tpu.memory_space<vmem>>) target_semaphore(%run_scoped3A : memref<!tpu.dma_semaphore, #tpu.memory_space<semaphore_mem>>)
      %dma_wait3A_288 = tpu.memref_slice %arg5[%mul3A_2] : memref<8192xi32, #tpu.memory_space<hbm>> -> memref<256xi32, #tpu.memory_space<hbm>>
      %dma_wait3A_289 = tpu.memref_slice %arg5[%mul3A_2] : memref<8192xi32, #tpu.memory_space<hbm>> -> memref<256xi32, #tpu.memory_space<hbm>>
      tpu.wait_dma2 semaphore(%run_scoped3A : memref<!tpu.dma_semaphore, #tpu.memory_space<semaphore_mem>>) src(%dma_wait3A_289 : memref<256xi32, #tpu.memory_space<hbm>>) dst(%arg11 : memref<256xi32, #tpu.memory_space<vmem>>)
      tpu.yield
    }) : () -> ()
    %get3A_190 = arith.constant 0 : index
    %get3A_191 = tpu.vector_load %arg11[%get3A_190] {strides = array<i32>} : memref<256xi32, #tpu.memory_space<vmem>>, vector<16xi32>,
    %gather3A_192 = tpu.vector_load_idx %arg10[%get3A_191] : memref<4096xi32, #tpu.memory_space<vmem>>[vector<16xi32>], vector<16xi32>,
    %swap3A_193 = arith.constant 0 : index
    %swap3A_194 = tpu.vector_load %arg12[%swap3A_193] {strides = array<i32>} : memref<128xi32, #tpu.memory_space<vmem>>, vector<16xi32>,
    tpu.vector_store %arg12[%swap3A_193], %gather3A_192 {strides = array<i32>} : memref<128xi32, #tpu.memory_space<vmem>>, vector<16xi32>,
    %get3A_195 = arith.constant 16 : index
    %get3A_196 = tpu.vector_load %arg11[%get3A_195] {strides = array<i32>} : memref<256xi32, #tpu.memory_space<vmem>>, vector<16xi32>,
    %gather3A_197 = tpu.vector_load_idx %arg10[%get3A_196] : memref<4096xi32, #tpu.memory_space<vmem>>[vector<16xi32>], vector<16xi32>,
    %swap3A_198 = arith.constant 16 : index
    %swap3A_199 = tpu.vector_load %arg12[%swap3A_198] {strides = array<i32>} : memref<128xi32, #tpu.memory_space<vmem>>, vector<16xi32>,
    tpu.vector_store %arg12[%swap3A_198], %gather3A_197 {strides = array<i32>} : memref<128xi32, #tpu.memory_space<vmem>>, vector<16xi32>,
    %get3A_200 = arith.constant 32 : index
    %get3A_201 = tpu.vector_load %arg11[%get3A_200] {strides = array<i32>} : memref<256xi32, #tpu.memory_space<vmem>>, vector<16xi32>,
    %gather3A_202 = tpu.vector_load_idx %arg10[%get3A_201] : memref<4096xi32, #tpu.memory_space<vmem>>[vector<16xi32>], vector<16xi32>,
    %swap3A_203 = arith.constant 32 : index
    %swap3A_204 = tpu.vector_load %arg12[%swap3A_203] {strides = array<i32>} : memref<128xi32, #tpu.memory_space<vmem>>, vector<16xi32>,
    tpu.vector_store %arg12[%swap3A_203], %gather3A_202 {strides = array<i32>} : memref<128xi32, #tpu.memory_space<vmem>>, vector<16xi32>,
    %get3A_205 = arith.constant 48 : index
    %get3A_206 = tpu.vector_load %arg11[%get3A_205] {strides = array<i32>} : memref<256xi32, #tpu.memory_space<vmem>>, vector<16xi32>,
    %gather3A_207 = tpu.vector_load_idx %arg10[%get3A_206] : memref<4096xi32, #tpu.memory_space<vmem>>[vector<16xi32>], vector<16xi32>,
    %swap3A_208 = arith.constant 48 : index
    %swap3A_209 = tpu.vector_load %arg12[%swap3A_208] {strides = array<i32>} : memref<128xi32, #tpu.memory_space<vmem>>, vector<16xi32>,
    tpu.vector_store %arg12[%swap3A_208], %gather3A_207 {strides = array<i32>} : memref<128xi32, #tpu.memory_space<vmem>>, vector<16xi32>,
    %get3A_210 = arith.constant 64 : index
    %get3A_211 = tpu.vector_load %arg11[%get3A_210] {strides = array<i32>} : memref<256xi32, #tpu.memory_space<vmem>>, vector<16xi32>,
    %gather3A_212 = tpu.vector_load_idx %arg10[%get3A_211] : memref<4096xi32, #tpu.memory_space<vmem>>[vector<16xi32>], vector<16xi32>,
    %swap3A_213 = arith.constant 64 : index
    %swap3A_214 = tpu.vector_load %arg12[%swap3A_213] {strides = array<i32>} : memref<128xi32, #tpu.memory_space<vmem>>, vector<16xi32>,
    tpu.vector_store %arg12[%swap3A_213], %gather3A_212 {strides = array<i32>} : memref<128xi32, #tpu.memory_space<vmem>>, vector<16xi32>,
    %get3A_215 = arith.constant 80 : index
    %get3A_216 = tpu.vector_load %arg11[%get3A_215] {strides = array<i32>} : memref<256xi32, #tpu.memory_space<vmem>>, vector<16xi32>,
    %gather3A_217 = tpu.vector_load_idx %arg10[%get3A_216] : memref<4096xi32, #tpu.memory_space<vmem>>[vector<16xi32>], vector<16xi32>,
    %swap3A_218 = arith.constant 80 : index
    %swap3A_219 = tpu.vector_load %arg12[%swap3A_218] {strides = array<i32>} : memref<128xi32, #tpu.memory_space<vmem>>, vector<16xi32>,
    tpu.vector_store %arg12[%swap3A_218], %gather3A_217 {strides = array<i32>} : memref<128xi32, #tpu.memory_space<vmem>>, vector<16xi32>,
    %get3A_220 = arith.constant 96 : index
    %get3A_221 = tpu.vector_load %arg11[%get3A_220] {strides = array<i32>} : memref<256xi32, #tpu.memory_space<vmem>>, vector<16xi32>,
    %gather3A_222 = tpu.vector_load_idx %arg10[%get3A_221] : memref<4096xi32, #tpu.memory_space<vmem>>[vector<16xi32>], vector<16xi32>,
    %swap3A_223 = arith.constant 96 : index
    %swap3A_224 = tpu.vector_load %arg12[%swap3A_223] {strides = array<i32>} : memref<128xi32, #tpu.memory_space<vmem>>, vector<16xi32>,
    tpu.vector_store %arg12[%swap3A_223], %gather3A_222 {strides = array<i32>} : memref<128xi32, #tpu.memory_space<vmem>>, vector<16xi32>,
    %get3A_225 = arith.constant 112 : index
    %get3A_226 = tpu.vector_load %arg11[%get3A_225] {strides = array<i32>} : memref<256xi32, #tpu.memory_space<vmem>>, vector<16xi32>,
    %gather3A_227 = tpu.vector_load_idx %arg10[%get3A_226] : memref<4096xi32, #tpu.memory_space<vmem>>[vector<16xi32>], vector<16xi32>,
    %swap3A_228 = arith.constant 112 : index
    %swap3A_229 = tpu.vector_load %arg12[%swap3A_228] {strides = array<i32>} : memref<128xi32, #tpu.memory_space<vmem>>, vector<16xi32>,
    tpu.vector_store %arg12[%swap3A_228], %gather3A_227 {strides = array<i32>} : memref<128xi32, #tpu.memory_space<vmem>>, vector<16xi32>,
    %dma_start3A_230 = arith.constant 0 : i32
    %dma_start3A_231 = arith.constant 0 : i32
    %dma_start3A_232 = tpu.memref_slice %arg6[%dma_start3A_230, %dma_start3A_231] : memref<4096x128xf32, #tpu.memory_space<hbm>> -> memref<4096x128xf32, #tpu.memory_space<hbm>>
    tpu.enqueue_indirect_dma source(%dma_start3A_232 : memref<4096x128xf32, #tpu.memory_space<hbm>>) target(%arg13 : memref<128x128xf32, #tpu.memory_space<vmem>>) offsets(%arg12 : memref<128xi32, #tpu.memory_space<vmem>>) semaphore(%arg14 : memref<!tpu.dma_semaphore, #tpu.memory_space<semaphore_mem>>)
    %dma_wait3A_233 = arith.constant 0 : i32
    %dma_wait3A_234 = arith.constant 0 : i32
    %dma_wait3A_235 = tpu.memref_slice %arg6[%dma_wait3A_233, %dma_wait3A_234] : memref<4096x128xf32, #tpu.memory_space<hbm>> -> memref<4096x128xf32, #tpu.memory_space<hbm>>
    tpu.wait_indirect_dma semaphore(%arg14 : memref<!tpu.dma_semaphore, #tpu.memory_space<semaphore_mem>>) src(%dma_wait3A_235 : memref<4096x128xf32, #tpu.memory_space<hbm>>) dst(%arg13 : memref<128x128xf32, #tpu.memory_space<vmem>>)
    %add3A_236 = arith.constant 0 : i32
    %add3A_237 = arith.addi %mul3A_2, %add3A_236 : i32
    "tpu.region"() ({
      %run_scoped3A = tpu.sem_alloc : memref<!tpu.dma_semaphore, #tpu.memory_space<semaphore_mem>>
      %dma_start3A_286 = arith.constant 0 : i32
      %dma_start3A_287 = tpu.memref_slice %arg9[%add3A_237, %dma_start3A_286] : memref<8192x128xf32, #tpu.memory_space<hbm>> -> memref<128x128xf32, #tpu.memory_space<hbm>>
      %dma_start3A_288 = arith.constant 0 : i32
      %dma_start3A_289 = tpu.memref_slice %arg9[%add3A_237, %dma_start3A_288] : memref<8192x128xf32, #tpu.memory_space<hbm>> -> memref<128x128xf32, #tpu.memory_space<hbm>>
      tpu.enqueue_dma source(%arg13 : memref<128x128xf32, #tpu.memory_space<vmem>>) target(%dma_start3A_289 : memref<128x128xf32, #tpu.memory_space<hbm>>) target_semaphore(%run_scoped3A : memref<!tpu.dma_semaphore, #tpu.memory_space<semaphore_mem>>)
      %dma_wait3A_290 = arith.constant 0 : i32
      %dma_wait3A_291 = tpu.memref_slice %arg9[%add3A_237, %dma_wait3A_290] : memref<8192x128xf32, #tpu.memory_space<hbm>> -> memref<128x128xf32, #tpu.memory_space<hbm>>
      %dma_wait3A_292 = arith.constant 0 : i32
      %dma_wait3A_293 = tpu.memref_slice %arg9[%add3A_237, %dma_wait3A_292] : memref<8192x128xf32, #tpu.memory_space<hbm>> -> memref<128x128xf32, #tpu.memory_space<hbm>>
      tpu.wait_dma2 semaphore(%run_scoped3A : memref<!tpu.dma_semaphore, #tpu.memory_space<semaphore_mem>>) src(%arg13 : memref<128x128xf32, #tpu.memory_space<vmem>>) dst(%dma_wait3A_293 : memref<128x128xf32, #tpu.memory_space<hbm>>)
      tpu.yield
    }) : () -> ()
    %get3A_238 = arith.constant 128 : index
    %get3A_239 = tpu.vector_load %arg11[%get3A_238] {strides = array<i32>} : memref<256xi32, #tpu.memory_space<vmem>>, vector<16xi32>,
    %gather3A_240 = tpu.vector_load_idx %arg10[%get3A_239] : memref<4096xi32, #tpu.memory_space<vmem>>[vector<16xi32>], vector<16xi32>,
    %swap3A_241 = arith.constant 0 : index
    %swap3A_242 = tpu.vector_load %arg12[%swap3A_241] {strides = array<i32>} : memref<128xi32, #tpu.memory_space<vmem>>, vector<16xi32>,
    tpu.vector_store %arg12[%swap3A_241], %gather3A_240 {strides = array<i32>} : memref<128xi32, #tpu.memory_space<vmem>>, vector<16xi32>,
    %get3A_243 = arith.constant 144 : index
    %get3A_244 = tpu.vector_load %arg11[%get3A_243] {strides = array<i32>} : memref<256xi32, #tpu.memory_space<vmem>>, vector<16xi32>,
    %gather3A_245 = tpu.vector_load_idx %arg10[%get3A_244] : memref<4096xi32, #tpu.memory_space<vmem>>[vector<16xi32>], vector<16xi32>,
    %swap3A_246 = arith.constant 16 : index
    %swap3A_247 = tpu.vector_load %arg12[%swap3A_246] {strides = array<i32>} : memref<128xi32, #tpu.memory_space<vmem>>, vector<16xi32>,
    tpu.vector_store %arg12[%swap3A_246], %gather3A_245 {strides = array<i32>} : memref<128xi32, #tpu.memory_space<vmem>>, vector<16xi32>,
    %get3A_248 = arith.constant 160 : index
    %get3A_249 = tpu.vector_load %arg11[%get3A_248] {strides = array<i32>} : memref<256xi32, #tpu.memory_space<vmem>>, vector<16xi32>,
    %gather3A_250 = tpu.vector_load_idx %arg10[%get3A_249] : memref<4096xi32, #tpu.memory_space<vmem>>[vector<16xi32>], vector<16xi32>,
    %swap3A_251 = arith.constant 32 : index
    %swap3A_252 = tpu.vector_load %arg12[%swap3A_251] {strides = array<i32>} : memref<128xi32, #tpu.memory_space<vmem>>, vector<16xi32>,
    tpu.vector_store %arg12[%swap3A_251], %gather3A_250 {strides = array<i32>} : memref<128xi32, #tpu.memory_space<vmem>>, vector<16xi32>,
    %get3A_253 = arith.constant 176 : index
    %get3A_254 = tpu.vector_load %arg11[%get3A_253] {strides = array<i32>} : memref<256xi32, #tpu.memory_space<vmem>>, vector<16xi32>,
    %gather3A_255 = tpu.vector_load_idx %arg10[%get3A_254] : memref<4096xi32, #tpu.memory_space<vmem>>[vector<16xi32>], vector<16xi32>,
    %swap3A_256 = arith.constant 48 : index
    %swap3A_257 = tpu.vector_load %arg12[%swap3A_256] {strides = array<i32>} : memref<128xi32, #tpu.memory_space<vmem>>, vector<16xi32>,
    tpu.vector_store %arg12[%swap3A_256], %gather3A_255 {strides = array<i32>} : memref<128xi32, #tpu.memory_space<vmem>>, vector<16xi32>,
    %get3A_258 = arith.constant 192 : index
    %get3A_259 = tpu.vector_load %arg11[%get3A_258] {strides = array<i32>} : memref<256xi32, #tpu.memory_space<vmem>>, vector<16xi32>,
    %gather3A_260 = tpu.vector_load_idx %arg10[%get3A_259] : memref<4096xi32, #tpu.memory_space<vmem>>[vector<16xi32>], vector<16xi32>,
    %swap3A_261 = arith.constant 64 : index
    %swap3A_262 = tpu.vector_load %arg12[%swap3A_261] {strides = array<i32>} : memref<128xi32, #tpu.memory_space<vmem>>, vector<16xi32>,
    tpu.vector_store %arg12[%swap3A_261], %gather3A_260 {strides = array<i32>} : memref<128xi32, #tpu.memory_space<vmem>>, vector<16xi32>,
    %get3A_263 = arith.constant 208 : index
    %get3A_264 = tpu.vector_load %arg11[%get3A_263] {strides = array<i32>} : memref<256xi32, #tpu.memory_space<vmem>>, vector<16xi32>,
    %gather3A_265 = tpu.vector_load_idx %arg10[%get3A_264] : memref<4096xi32, #tpu.memory_space<vmem>>[vector<16xi32>], vector<16xi32>,
    %swap3A_266 = arith.constant 80 : index
    %swap3A_267 = tpu.vector_load %arg12[%swap3A_266] {strides = array<i32>} : memref<128xi32, #tpu.memory_space<vmem>>, vector<16xi32>,
    tpu.vector_store %arg12[%swap3A_266], %gather3A_265 {strides = array<i32>} : memref<128xi32, #tpu.memory_space<vmem>>, vector<16xi32>,
    %get3A_268 = arith.constant 224 : index
    %get3A_269 = tpu.vector_load %arg11[%get3A_268] {strides = array<i32>} : memref<256xi32, #tpu.memory_space<vmem>>, vector<16xi32>,
    %gather3A_270 = tpu.vector_load_idx %arg10[%get3A_269] : memref<4096xi32, #tpu.memory_space<vmem>>[vector<16xi32>], vector<16xi32>,
    %swap3A_271 = arith.constant 96 : index
    %swap3A_272 = tpu.vector_load %arg12[%swap3A_271] {strides = array<i32>} : memref<128xi32, #tpu.memory_space<vmem>>, vector<16xi32>,
    tpu.vector_store %arg12[%swap3A_271], %gather3A_270 {strides = array<i32>} : memref<128xi32, #tpu.memory_space<vmem>>, vector<16xi32>,
    %get3A_273 = arith.constant 240 : index
    %get3A_274 = tpu.vector_load %arg11[%get3A_273] {strides = array<i32>} : memref<256xi32, #tpu.memory_space<vmem>>, vector<16xi32>,
    %gather3A_275 = tpu.vector_load_idx %arg10[%get3A_274] : memref<4096xi32, #tpu.memory_space<vmem>>[vector<16xi32>], vector<16xi32>,
    %swap3A_276 = arith.constant 112 : index
    %swap3A_277 = tpu.vector_load %arg12[%swap3A_276] {strides = array<i32>} : memref<128xi32, #tpu.memory_space<vmem>>, vector<16xi32>,
    tpu.vector_store %arg12[%swap3A_276], %gather3A_275 {strides = array<i32>} : memref<128xi32, #tpu.memory_space<vmem>>, vector<16xi32>,
    %dma_start3A_278 = arith.constant 0 : i32
    %dma_start3A_279 = arith.constant 0 : i32
    %dma_start3A_280 = tpu.memref_slice %arg6[%dma_start3A_278, %dma_start3A_279] : memref<4096x128xf32, #tpu.memory_space<hbm>> -> memref<4096x128xf32, #tpu.memory_space<hbm>>
    tpu.enqueue_indirect_dma source(%dma_start3A_280 : memref<4096x128xf32, #tpu.memory_space<hbm>>) target(%arg13 : memref<128x128xf32, #tpu.memory_space<vmem>>) offsets(%arg12 : memref<128xi32, #tpu.memory_space<vmem>>) semaphore(%arg14 : memref<!tpu.dma_semaphore, #tpu.memory_space<semaphore_mem>>)
    %dma_wait3A_281 = arith.constant 0 : i32
    %dma_wait3A_282 = arith.constant 0 : i32
    %dma_wait3A_283 = tpu.memref_slice %arg6[%dma_wait3A_281, %dma_wait3A_282] : memref<4096x128xf32, #tpu.memory_space<hbm>> -> memref<4096x128xf32, #tpu.memory_space<hbm>>
    tpu.wait_indirect_dma semaphore(%arg14 : memref<!tpu.dma_semaphore, #tpu.memory_space<semaphore_mem>>) src(%dma_wait3A_283 : memref<4096x128xf32, #tpu.memory_space<hbm>>) dst(%arg13 : memref<128x128xf32, #tpu.memory_space<vmem>>)
    %add3A_284 = arith.constant 128 : i32
    %add3A_285 = arith.addi %mul3A_2, %add3A_284 : i32
    "tpu.region"() ({
      %run_scoped3A = tpu.sem_alloc : memref<!tpu.dma_semaphore, #tpu.memory_space<semaphore_mem>>
      %dma_start3A_286 = arith.constant 0 : i32
      %dma_start3A_287 = tpu.memref_slice %arg9[%add3A_285, %dma_start3A_286] : memref<8192x128xf32, #tpu.memory_space<hbm>> -> memref<128x128xf32, #tpu.memory_space<hbm>>
      %dma_start3A_288 = arith.constant 0 : i32
      %dma_start3A_289 = tpu.memref_slice %arg9[%add3A_285, %dma_start3A_288] : memref<8192x128xf32, #tpu.memory_space<hbm>> -> memref<128x128xf32, #tpu.memory_space<hbm>>
      tpu.enqueue_dma source(%arg13 : memref<128x128xf32, #tpu.memory_space<vmem>>) target(%dma_start3A_289 : memref<128x128xf32, #tpu.memory_space<hbm>>) target_semaphore(%run_scoped3A : memref<!tpu.dma_semaphore, #tpu.memory_space<semaphore_mem>>)
      %dma_wait3A_290 = arith.constant 0 : i32
      %dma_wait3A_291 = tpu.memref_slice %arg9[%add3A_285, %dma_wait3A_290] : memref<8192x128xf32, #tpu.memory_space<hbm>> -> memref<128x128xf32, #tpu.memory_space<hbm>>
      %dma_wait3A_292 = arith.constant 0 : i32
      %dma_wait3A_293 = tpu.memref_slice %arg9[%add3A_285, %dma_wait3A_292] : memref<8192x128xf32, #tpu.memory_space<hbm>> -> memref<128x128xf32, #tpu.memory_space<hbm>>
      tpu.wait_dma2 semaphore(%run_scoped3A : memref<!tpu.dma_semaphore, #tpu.memory_space<semaphore_mem>>) src(%arg13 : memref<128x128xf32, #tpu.memory_space<vmem>>) dst(%dma_wait3A_293 : memref<128x128xf32, #tpu.memory_space<hbm>>)
      tpu.yield
    }) : () -> ()
    return
  }
}

module attributes {stable_mosaic.version = 14 : i64} {
  func.func @_knn_body(%arg0: i32, %arg1: memref<8x4096xi32, #tpu.memory_space<vmem>>, %arg2: memref<256x8xi32, #tpu.memory_space<vmem>>, %arg3: memref<256x8xi32, #tpu.memory_space<vmem>>, %arg4: memref<256x8xf32, #tpu.memory_space<vmem>>) attributes {dimension_semantics = [#tpu.dimension_semantics<arbitrary>], iteration_bounds = array<i64: 32>, scalar_prefetch = 0 : i64, scratch_operands = 0 : i64, tpu.core_type = #tpu.core_type<tc>, window_params = [{pipeline_mode = #tpu.pipeline_mode<synchronous>, transform_indices = @transform_0, window_bounds = array<i64: 8, 4096>}, {transform_indices = @transform_1, window_bounds = array<i64: 256, 8>}, {transform_indices = @transform_2, window_bounds = array<i64: 256, 8>}, {transform_indices = @transform_3, window_bounds = array<i64: 256, 8>}]} {
    %get3A = arith.constant 0 : index
    %get3A_0 = arith.constant 0 : index
    %get3A_1 = vector.load %arg1[%get3A, %get3A_0] : memref<8x4096xi32, #tpu.memory_space<vmem>>, vector<1x4096xi32>
    %get3A_2 = arith.constant 1 : index
    %get3A_3 = arith.constant 0 : index
    %get3A_4 = vector.load %arg1[%get3A_2, %get3A_3] : memref<8x4096xi32, #tpu.memory_space<vmem>>, vector<1x4096xi32>
    %get3A_5 = arith.constant 2 : index
    %get3A_6 = arith.constant 0 : index
    %get3A_7 = vector.load %arg1[%get3A_5, %get3A_6] : memref<8x4096xi32, #tpu.memory_space<vmem>>, vector<1x4096xi32>
    %get3A_8 = arith.constant 0 : index
    %get3A_9 = arith.constant 0 : index
    %get3A_10 = vector.load %arg2[%get3A_8, %get3A_9] : memref<256x8xi32, #tpu.memory_space<vmem>>, vector<256x1xi32>
    %get3A_11 = arith.constant 0 : index
    %get3A_12 = arith.constant 1 : index
    %get3A_13 = vector.load %arg2[%get3A_11, %get3A_12] : memref<256x8xi32, #tpu.memory_space<vmem>>, vector<256x1xi32>
    %get3A_14 = arith.constant 0 : index
    %get3A_15 = arith.constant 2 : index
    %get3A_16 = vector.load %arg2[%get3A_14, %get3A_15] : memref<256x8xi32, #tpu.memory_space<vmem>>, vector<256x1xi32>
    %sub3A = vector.broadcast %get3A_10 : vector<256x1xi32> to vector<256x4096xi32>
    %sub3A_17 = vector.broadcast %get3A_1 : vector<1x4096xi32> to vector<256x4096xi32>
    %sub3A_18 = arith.subi %sub3A, %sub3A_17 : vector<256x4096xi32>
    %sub3A_19 = vector.broadcast %get3A_13 : vector<256x1xi32> to vector<256x4096xi32>
    %sub3A_20 = vector.broadcast %get3A_4 : vector<1x4096xi32> to vector<256x4096xi32>
    %sub3A_21 = arith.subi %sub3A_19, %sub3A_20 : vector<256x4096xi32>
    %sub3A_22 = vector.broadcast %get3A_16 : vector<256x1xi32> to vector<256x4096xi32>
    %sub3A_23 = vector.broadcast %get3A_7 : vector<1x4096xi32> to vector<256x4096xi32>
    %sub3A_24 = arith.subi %sub3A_22, %sub3A_23 : vector<256x4096xi32>
    %mul3A = arith.muli %sub3A_18, %sub3A_18 : vector<256x4096xi32>
    %mul3A_25 = arith.muli %sub3A_21, %sub3A_21 : vector<256x4096xi32>
    %add3A = arith.addi %mul3A, %mul3A_25 : vector<256x4096xi32>
    %mul3A_26 = arith.muli %sub3A_24, %sub3A_24 : vector<256x4096xi32>
    %add3A_27 = arith.addi %add3A, %mul3A_26 : vector<256x4096xi32>
    %broadcast_in_dim3A = arith.constant 3.000000e+09 : f32
    %broadcast_in_dim3A_28 = vector.broadcast %broadcast_in_dim3A : f32 to vector<256x128xf32>
    %iota3A = tpu.iota {dimensions = array<i32: 1>} : vector<256x128xi32>
    %add3A_29 = arith.constant 1073741824 : i32
    %add3A_30 = vector.broadcast %add3A_29 : i32 to vector<256x128xi32>
    %add3A_31 = arith.addi %iota3A, %add3A_30 : vector<256x128xi32>
    %slice3A = vector.extract_strided_slice %add3A_27 {offsets = [0, 0], sizes = [256, 128], strides = [1, 1]} : vector<256x4096xi32> to vector<256x128xi32>
    %or3A = arith.ori %slice3A, %add3A_31 : vector<256x128xi32>
    %bitcast_convert_type3A = tpu.bitcast %or3A : vector<256x128xi32> -> vector<256x128xf32>
    %min3A = arith.minimumf %broadcast_in_dim3A_28, %bitcast_convert_type3A : vector<256x128xf32>
    %max3A = arith.maximumf %broadcast_in_dim3A_28, %bitcast_convert_type3A : vector<256x128xf32>
    %min3A_32 = arith.minimumf %broadcast_in_dim3A_28, %max3A : vector<256x128xf32>
    %max3A_33 = arith.maximumf %broadcast_in_dim3A_28, %max3A : vector<256x128xf32>
    %min3A_34 = arith.minimumf %broadcast_in_dim3A_28, %max3A_33 : vector<256x128xf32>
    %iota3A_35 = tpu.iota {dimensions = array<i32: 1>} : vector<256x128xi32>
    %add3A_36 = arith.constant 1073741952 : i32
    %add3A_37 = vector.broadcast %add3A_36 : i32 to vector<256x128xi32>
    %add3A_38 = arith.addi %iota3A_35, %add3A_37 : vector<256x128xi32>
    %slice3A_39 = vector.extract_strided_slice %add3A_27 {offsets = [0, 128], sizes = [256, 128], strides = [1, 1]} : vector<256x4096xi32> to vector<256x128xi32>
    %or3A_40 = arith.ori %slice3A_39, %add3A_38 : vector<256x128xi32>
    %bitcast_convert_type3A_41 = tpu.bitcast %or3A_40 : vector<256x128xi32> -> vector<256x128xf32>
    %min3A_42 = arith.minimumf %min3A, %bitcast_convert_type3A_41 : vector<256x128xf32>
    %max3A_43 = arith.maximumf %min3A, %bitcast_convert_type3A_41 : vector<256x128xf32>
    %min3A_44 = arith.minimumf %min3A_32, %max3A_43 : vector<256x128xf32>
    %max3A_45 = arith.maximumf %min3A_32, %max3A_43 : vector<256x128xf32>
    %min3A_46 = arith.minimumf %min3A_34, %max3A_45 : vector<256x128xf32>
    %iota3A_47 = tpu.iota {dimensions = array<i32: 1>} : vector<256x128xi32>
    %add3A_48 = arith.constant 1073742080 : i32
    %add3A_49 = vector.broadcast %add3A_48 : i32 to vector<256x128xi32>
    %add3A_50 = arith.addi %iota3A_47, %add3A_49 : vector<256x128xi32>
    %slice3A_51 = vector.extract_strided_slice %add3A_27 {offsets = [0, 256], sizes = [256, 128], strides = [1, 1]} : vector<256x4096xi32> to vector<256x128xi32>
    %or3A_52 = arith.ori %slice3A_51, %add3A_50 : vector<256x128xi32>
    %bitcast_convert_type3A_53 = tpu.bitcast %or3A_52 : vector<256x128xi32> -> vector<256x128xf32>
    %min3A_54 = arith.minimumf %min3A_42, %bitcast_convert_type3A_53 : vector<256x128xf32>
    %max3A_55 = arith.maximumf %min3A_42, %bitcast_convert_type3A_53 : vector<256x128xf32>
    %min3A_56 = arith.minimumf %min3A_44, %max3A_55 : vector<256x128xf32>
    %max3A_57 = arith.maximumf %min3A_44, %max3A_55 : vector<256x128xf32>
    %min3A_58 = arith.minimumf %min3A_46, %max3A_57 : vector<256x128xf32>
    %iota3A_59 = tpu.iota {dimensions = array<i32: 1>} : vector<256x128xi32>
    %add3A_60 = arith.constant 1073742208 : i32
    %add3A_61 = vector.broadcast %add3A_60 : i32 to vector<256x128xi32>
    %add3A_62 = arith.addi %iota3A_59, %add3A_61 : vector<256x128xi32>
    %slice3A_63 = vector.extract_strided_slice %add3A_27 {offsets = [0, 384], sizes = [256, 128], strides = [1, 1]} : vector<256x4096xi32> to vector<256x128xi32>
    %or3A_64 = arith.ori %slice3A_63, %add3A_62 : vector<256x128xi32>
    %bitcast_convert_type3A_65 = tpu.bitcast %or3A_64 : vector<256x128xi32> -> vector<256x128xf32>
    %min3A_66 = arith.minimumf %min3A_54, %bitcast_convert_type3A_65 : vector<256x128xf32>
    %max3A_67 = arith.maximumf %min3A_54, %bitcast_convert_type3A_65 : vector<256x128xf32>
    %min3A_68 = arith.minimumf %min3A_56, %max3A_67 : vector<256x128xf32>
    %max3A_69 = arith.maximumf %min3A_56, %max3A_67 : vector<256x128xf32>
    %min3A_70 = arith.minimumf %min3A_58, %max3A_69 : vector<256x128xf32>
    %iota3A_71 = tpu.iota {dimensions = array<i32: 1>} : vector<256x128xi32>
    %add3A_72 = arith.constant 1073742336 : i32
    %add3A_73 = vector.broadcast %add3A_72 : i32 to vector<256x128xi32>
    %add3A_74 = arith.addi %iota3A_71, %add3A_73 : vector<256x128xi32>
    %slice3A_75 = vector.extract_strided_slice %add3A_27 {offsets = [0, 512], sizes = [256, 128], strides = [1, 1]} : vector<256x4096xi32> to vector<256x128xi32>
    %or3A_76 = arith.ori %slice3A_75, %add3A_74 : vector<256x128xi32>
    %bitcast_convert_type3A_77 = tpu.bitcast %or3A_76 : vector<256x128xi32> -> vector<256x128xf32>
    %min3A_78 = arith.minimumf %min3A_66, %bitcast_convert_type3A_77 : vector<256x128xf32>
    %max3A_79 = arith.maximumf %min3A_66, %bitcast_convert_type3A_77 : vector<256x128xf32>
    %min3A_80 = arith.minimumf %min3A_68, %max3A_79 : vector<256x128xf32>
    %max3A_81 = arith.maximumf %min3A_68, %max3A_79 : vector<256x128xf32>
    %min3A_82 = arith.minimumf %min3A_70, %max3A_81 : vector<256x128xf32>
    %iota3A_83 = tpu.iota {dimensions = array<i32: 1>} : vector<256x128xi32>
    %add3A_84 = arith.constant 1073742464 : i32
    %add3A_85 = vector.broadcast %add3A_84 : i32 to vector<256x128xi32>
    %add3A_86 = arith.addi %iota3A_83, %add3A_85 : vector<256x128xi32>
    %slice3A_87 = vector.extract_strided_slice %add3A_27 {offsets = [0, 640], sizes = [256, 128], strides = [1, 1]} : vector<256x4096xi32> to vector<256x128xi32>
    %or3A_88 = arith.ori %slice3A_87, %add3A_86 : vector<256x128xi32>
    %bitcast_convert_type3A_89 = tpu.bitcast %or3A_88 : vector<256x128xi32> -> vector<256x128xf32>
    %min3A_90 = arith.minimumf %min3A_78, %bitcast_convert_type3A_89 : vector<256x128xf32>
    %max3A_91 = arith.maximumf %min3A_78, %bitcast_convert_type3A_89 : vector<256x128xf32>
    %min3A_92 = arith.minimumf %min3A_80, %max3A_91 : vector<256x128xf32>
    %max3A_93 = arith.maximumf %min3A_80, %max3A_91 : vector<256x128xf32>
    %min3A_94 = arith.minimumf %min3A_82, %max3A_93 : vector<256x128xf32>
    %iota3A_95 = tpu.iota {dimensions = array<i32: 1>} : vector<256x128xi32>
    %add3A_96 = arith.constant 1073742592 : i32
    %add3A_97 = vector.broadcast %add3A_96 : i32 to vector<256x128xi32>
    %add3A_98 = arith.addi %iota3A_95, %add3A_97 : vector<256x128xi32>
    %slice3A_99 = vector.extract_strided_slice %add3A_27 {offsets = [0, 768], sizes = [256, 128], strides = [1, 1]} : vector<256x4096xi32> to vector<256x128xi32>
    %or3A_100 = arith.ori %slice3A_99, %add3A_98 : vector<256x128xi32>
    %bitcast_convert_type3A_101 = tpu.bitcast %or3A_100 : vector<256x128xi32> -> vector<256x128xf32>
    %min3A_102 = arith.minimumf %min3A_90, %bitcast_convert_type3A_101 : vector<256x128xf32>
    %max3A_103 = arith.maximumf %min3A_90, %bitcast_convert_type3A_101 : vector<256x128xf32>
    %min3A_104 = arith.minimumf %min3A_92, %max3A_103 : vector<256x128xf32>
    %max3A_105 = arith.maximumf %min3A_92, %max3A_103 : vector<256x128xf32>
    %min3A_106 = arith.minimumf %min3A_94, %max3A_105 : vector<256x128xf32>
    %iota3A_107 = tpu.iota {dimensions = array<i32: 1>} : vector<256x128xi32>
    %add3A_108 = arith.constant 1073742720 : i32
    %add3A_109 = vector.broadcast %add3A_108 : i32 to vector<256x128xi32>
    %add3A_110 = arith.addi %iota3A_107, %add3A_109 : vector<256x128xi32>
    %slice3A_111 = vector.extract_strided_slice %add3A_27 {offsets = [0, 896], sizes = [256, 128], strides = [1, 1]} : vector<256x4096xi32> to vector<256x128xi32>
    %or3A_112 = arith.ori %slice3A_111, %add3A_110 : vector<256x128xi32>
    %bitcast_convert_type3A_113 = tpu.bitcast %or3A_112 : vector<256x128xi32> -> vector<256x128xf32>
    %min3A_114 = arith.minimumf %min3A_102, %bitcast_convert_type3A_113 : vector<256x128xf32>
    %max3A_115 = arith.maximumf %min3A_102, %bitcast_convert_type3A_113 : vector<256x128xf32>
    %min3A_116 = arith.minimumf %min3A_104, %max3A_115 : vector<256x128xf32>
    %max3A_117 = arith.maximumf %min3A_104, %max3A_115 : vector<256x128xf32>
    %min3A_118 = arith.minimumf %min3A_106, %max3A_117 : vector<256x128xf32>
    %iota3A_119 = tpu.iota {dimensions = array<i32: 1>} : vector<256x128xi32>
    %add3A_120 = arith.constant 1073742848 : i32
    %add3A_121 = vector.broadcast %add3A_120 : i32 to vector<256x128xi32>
    %add3A_122 = arith.addi %iota3A_119, %add3A_121 : vector<256x128xi32>
    %slice3A_123 = vector.extract_strided_slice %add3A_27 {offsets = [0, 1024], sizes = [256, 128], strides = [1, 1]} : vector<256x4096xi32> to vector<256x128xi32>
    %or3A_124 = arith.ori %slice3A_123, %add3A_122 : vector<256x128xi32>
    %bitcast_convert_type3A_125 = tpu.bitcast %or3A_124 : vector<256x128xi32> -> vector<256x128xf32>
    %min3A_126 = arith.minimumf %min3A_114, %bitcast_convert_type3A_125 : vector<256x128xf32>
    %max3A_127 = arith.maximumf %min3A_114, %bitcast_convert_type3A_125 : vector<256x128xf32>
    %min3A_128 = arith.minimumf %min3A_116, %max3A_127 : vector<256x128xf32>
    %max3A_129 = arith.maximumf %min3A_116, %max3A_127 : vector<256x128xf32>
    %min3A_130 = arith.minimumf %min3A_118, %max3A_129 : vector<256x128xf32>
    %iota3A_131 = tpu.iota {dimensions = array<i32: 1>} : vector<256x128xi32>
    %add3A_132 = arith.constant 1073742976 : i32
    %add3A_133 = vector.broadcast %add3A_132 : i32 to vector<256x128xi32>
    %add3A_134 = arith.addi %iota3A_131, %add3A_133 : vector<256x128xi32>
    %slice3A_135 = vector.extract_strided_slice %add3A_27 {offsets = [0, 1152], sizes = [256, 128], strides = [1, 1]} : vector<256x4096xi32> to vector<256x128xi32>
    %or3A_136 = arith.ori %slice3A_135, %add3A_134 : vector<256x128xi32>
    %bitcast_convert_type3A_137 = tpu.bitcast %or3A_136 : vector<256x128xi32> -> vector<256x128xf32>
    %min3A_138 = arith.minimumf %min3A_126, %bitcast_convert_type3A_137 : vector<256x128xf32>
    %max3A_139 = arith.maximumf %min3A_126, %bitcast_convert_type3A_137 : vector<256x128xf32>
    %min3A_140 = arith.minimumf %min3A_128, %max3A_139 : vector<256x128xf32>
    %max3A_141 = arith.maximumf %min3A_128, %max3A_139 : vector<256x128xf32>
    %min3A_142 = arith.minimumf %min3A_130, %max3A_141 : vector<256x128xf32>
    %iota3A_143 = tpu.iota {dimensions = array<i32: 1>} : vector<256x128xi32>
    %add3A_144 = arith.constant 1073743104 : i32
    %add3A_145 = vector.broadcast %add3A_144 : i32 to vector<256x128xi32>
    %add3A_146 = arith.addi %iota3A_143, %add3A_145 : vector<256x128xi32>
    %slice3A_147 = vector.extract_strided_slice %add3A_27 {offsets = [0, 1280], sizes = [256, 128], strides = [1, 1]} : vector<256x4096xi32> to vector<256x128xi32>
    %or3A_148 = arith.ori %slice3A_147, %add3A_146 : vector<256x128xi32>
    %bitcast_convert_type3A_149 = tpu.bitcast %or3A_148 : vector<256x128xi32> -> vector<256x128xf32>
    %min3A_150 = arith.minimumf %min3A_138, %bitcast_convert_type3A_149 : vector<256x128xf32>
    %max3A_151 = arith.maximumf %min3A_138, %bitcast_convert_type3A_149 : vector<256x128xf32>
    %min3A_152 = arith.minimumf %min3A_140, %max3A_151 : vector<256x128xf32>
    %max3A_153 = arith.maximumf %min3A_140, %max3A_151 : vector<256x128xf32>
    %min3A_154 = arith.minimumf %min3A_142, %max3A_153 : vector<256x128xf32>
    %iota3A_155 = tpu.iota {dimensions = array<i32: 1>} : vector<256x128xi32>
    %add3A_156 = arith.constant 1073743232 : i32
    %add3A_157 = vector.broadcast %add3A_156 : i32 to vector<256x128xi32>
    %add3A_158 = arith.addi %iota3A_155, %add3A_157 : vector<256x128xi32>
    %slice3A_159 = vector.extract_strided_slice %add3A_27 {offsets = [0, 1408], sizes = [256, 128], strides = [1, 1]} : vector<256x4096xi32> to vector<256x128xi32>
    %or3A_160 = arith.ori %slice3A_159, %add3A_158 : vector<256x128xi32>
    %bitcast_convert_type3A_161 = tpu.bitcast %or3A_160 : vector<256x128xi32> -> vector<256x128xf32>
    %min3A_162 = arith.minimumf %min3A_150, %bitcast_convert_type3A_161 : vector<256x128xf32>
    %max3A_163 = arith.maximumf %min3A_150, %bitcast_convert_type3A_161 : vector<256x128xf32>
    %min3A_164 = arith.minimumf %min3A_152, %max3A_163 : vector<256x128xf32>
    %max3A_165 = arith.maximumf %min3A_152, %max3A_163 : vector<256x128xf32>
    %min3A_166 = arith.minimumf %min3A_154, %max3A_165 : vector<256x128xf32>
    %iota3A_167 = tpu.iota {dimensions = array<i32: 1>} : vector<256x128xi32>
    %add3A_168 = arith.constant 1073743360 : i32
    %add3A_169 = vector.broadcast %add3A_168 : i32 to vector<256x128xi32>
    %add3A_170 = arith.addi %iota3A_167, %add3A_169 : vector<256x128xi32>
    %slice3A_171 = vector.extract_strided_slice %add3A_27 {offsets = [0, 1536], sizes = [256, 128], strides = [1, 1]} : vector<256x4096xi32> to vector<256x128xi32>
    %or3A_172 = arith.ori %slice3A_171, %add3A_170 : vector<256x128xi32>
    %bitcast_convert_type3A_173 = tpu.bitcast %or3A_172 : vector<256x128xi32> -> vector<256x128xf32>
    %min3A_174 = arith.minimumf %min3A_162, %bitcast_convert_type3A_173 : vector<256x128xf32>
    %max3A_175 = arith.maximumf %min3A_162, %bitcast_convert_type3A_173 : vector<256x128xf32>
    %min3A_176 = arith.minimumf %min3A_164, %max3A_175 : vector<256x128xf32>
    %max3A_177 = arith.maximumf %min3A_164, %max3A_175 : vector<256x128xf32>
    %min3A_178 = arith.minimumf %min3A_166, %max3A_177 : vector<256x128xf32>
    %iota3A_179 = tpu.iota {dimensions = array<i32: 1>} : vector<256x128xi32>
    %add3A_180 = arith.constant 1073743488 : i32
    %add3A_181 = vector.broadcast %add3A_180 : i32 to vector<256x128xi32>
    %add3A_182 = arith.addi %iota3A_179, %add3A_181 : vector<256x128xi32>
    %slice3A_183 = vector.extract_strided_slice %add3A_27 {offsets = [0, 1664], sizes = [256, 128], strides = [1, 1]} : vector<256x4096xi32> to vector<256x128xi32>
    %or3A_184 = arith.ori %slice3A_183, %add3A_182 : vector<256x128xi32>
    %bitcast_convert_type3A_185 = tpu.bitcast %or3A_184 : vector<256x128xi32> -> vector<256x128xf32>
    %min3A_186 = arith.minimumf %min3A_174, %bitcast_convert_type3A_185 : vector<256x128xf32>
    %max3A_187 = arith.maximumf %min3A_174, %bitcast_convert_type3A_185 : vector<256x128xf32>
    %min3A_188 = arith.minimumf %min3A_176, %max3A_187 : vector<256x128xf32>
    %max3A_189 = arith.maximumf %min3A_176, %max3A_187 : vector<256x128xf32>
    %min3A_190 = arith.minimumf %min3A_178, %max3A_189 : vector<256x128xf32>
    %iota3A_191 = tpu.iota {dimensions = array<i32: 1>} : vector<256x128xi32>
    %add3A_192 = arith.constant 1073743616 : i32
    %add3A_193 = vector.broadcast %add3A_192 : i32 to vector<256x128xi32>
    %add3A_194 = arith.addi %iota3A_191, %add3A_193 : vector<256x128xi32>
    %slice3A_195 = vector.extract_strided_slice %add3A_27 {offsets = [0, 1792], sizes = [256, 128], strides = [1, 1]} : vector<256x4096xi32> to vector<256x128xi32>
    %or3A_196 = arith.ori %slice3A_195, %add3A_194 : vector<256x128xi32>
    %bitcast_convert_type3A_197 = tpu.bitcast %or3A_196 : vector<256x128xi32> -> vector<256x128xf32>
    %min3A_198 = arith.minimumf %min3A_186, %bitcast_convert_type3A_197 : vector<256x128xf32>
    %max3A_199 = arith.maximumf %min3A_186, %bitcast_convert_type3A_197 : vector<256x128xf32>
    %min3A_200 = arith.minimumf %min3A_188, %max3A_199 : vector<256x128xf32>
    %max3A_201 = arith.maximumf %min3A_188, %max3A_199 : vector<256x128xf32>
    %min3A_202 = arith.minimumf %min3A_190, %max3A_201 : vector<256x128xf32>
    %iota3A_203 = tpu.iota {dimensions = array<i32: 1>} : vector<256x128xi32>
    %add3A_204 = arith.constant 1073743744 : i32
    %add3A_205 = vector.broadcast %add3A_204 : i32 to vector<256x128xi32>
    %add3A_206 = arith.addi %iota3A_203, %add3A_205 : vector<256x128xi32>
    %slice3A_207 = vector.extract_strided_slice %add3A_27 {offsets = [0, 1920], sizes = [256, 128], strides = [1, 1]} : vector<256x4096xi32> to vector<256x128xi32>
    %or3A_208 = arith.ori %slice3A_207, %add3A_206 : vector<256x128xi32>
    %bitcast_convert_type3A_209 = tpu.bitcast %or3A_208 : vector<256x128xi32> -> vector<256x128xf32>
    %min3A_210 = arith.minimumf %min3A_198, %bitcast_convert_type3A_209 : vector<256x128xf32>
    %max3A_211 = arith.maximumf %min3A_198, %bitcast_convert_type3A_209 : vector<256x128xf32>
    %min3A_212 = arith.minimumf %min3A_200, %max3A_211 : vector<256x128xf32>
    %max3A_213 = arith.maximumf %min3A_200, %max3A_211 : vector<256x128xf32>
    %min3A_214 = arith.minimumf %min3A_202, %max3A_213 : vector<256x128xf32>
    %iota3A_215 = tpu.iota {dimensions = array<i32: 1>} : vector<256x128xi32>
    %add3A_216 = arith.constant 1073743872 : i32
    %add3A_217 = vector.broadcast %add3A_216 : i32 to vector<256x128xi32>
    %add3A_218 = arith.addi %iota3A_215, %add3A_217 : vector<256x128xi32>
    %slice3A_219 = vector.extract_strided_slice %add3A_27 {offsets = [0, 2048], sizes = [256, 128], strides = [1, 1]} : vector<256x4096xi32> to vector<256x128xi32>
    %or3A_220 = arith.ori %slice3A_219, %add3A_218 : vector<256x128xi32>
    %bitcast_convert_type3A_221 = tpu.bitcast %or3A_220 : vector<256x128xi32> -> vector<256x128xf32>
    %min3A_222 = arith.minimumf %min3A_210, %bitcast_convert_type3A_221 : vector<256x128xf32>
    %max3A_223 = arith.maximumf %min3A_210, %bitcast_convert_type3A_221 : vector<256x128xf32>
    %min3A_224 = arith.minimumf %min3A_212, %max3A_223 : vector<256x128xf32>
    %max3A_225 = arith.maximumf %min3A_212, %max3A_223 : vector<256x128xf32>
    %min3A_226 = arith.minimumf %min3A_214, %max3A_225 : vector<256x128xf32>
    %iota3A_227 = tpu.iota {dimensions = array<i32: 1>} : vector<256x128xi32>
    %add3A_228 = arith.constant 1073744000 : i32
    %add3A_229 = vector.broadcast %add3A_228 : i32 to vector<256x128xi32>
    %add3A_230 = arith.addi %iota3A_227, %add3A_229 : vector<256x128xi32>
    %slice3A_231 = vector.extract_strided_slice %add3A_27 {offsets = [0, 2176], sizes = [256, 128], strides = [1, 1]} : vector<256x4096xi32> to vector<256x128xi32>
    %or3A_232 = arith.ori %slice3A_231, %add3A_230 : vector<256x128xi32>
    %bitcast_convert_type3A_233 = tpu.bitcast %or3A_232 : vector<256x128xi32> -> vector<256x128xf32>
    %min3A_234 = arith.minimumf %min3A_222, %bitcast_convert_type3A_233 : vector<256x128xf32>
    %max3A_235 = arith.maximumf %min3A_222, %bitcast_convert_type3A_233 : vector<256x128xf32>
    %min3A_236 = arith.minimumf %min3A_224, %max3A_235 : vector<256x128xf32>
    %max3A_237 = arith.maximumf %min3A_224, %max3A_235 : vector<256x128xf32>
    %min3A_238 = arith.minimumf %min3A_226, %max3A_237 : vector<256x128xf32>
    %iota3A_239 = tpu.iota {dimensions = array<i32: 1>} : vector<256x128xi32>
    %add3A_240 = arith.constant 1073744128 : i32
    %add3A_241 = vector.broadcast %add3A_240 : i32 to vector<256x128xi32>
    %add3A_242 = arith.addi %iota3A_239, %add3A_241 : vector<256x128xi32>
    %slice3A_243 = vector.extract_strided_slice %add3A_27 {offsets = [0, 2304], sizes = [256, 128], strides = [1, 1]} : vector<256x4096xi32> to vector<256x128xi32>
    %or3A_244 = arith.ori %slice3A_243, %add3A_242 : vector<256x128xi32>
    %bitcast_convert_type3A_245 = tpu.bitcast %or3A_244 : vector<256x128xi32> -> vector<256x128xf32>
    %min3A_246 = arith.minimumf %min3A_234, %bitcast_convert_type3A_245 : vector<256x128xf32>
    %max3A_247 = arith.maximumf %min3A_234, %bitcast_convert_type3A_245 : vector<256x128xf32>
    %min3A_248 = arith.minimumf %min3A_236, %max3A_247 : vector<256x128xf32>
    %max3A_249 = arith.maximumf %min3A_236, %max3A_247 : vector<256x128xf32>
    %min3A_250 = arith.minimumf %min3A_238, %max3A_249 : vector<256x128xf32>
    %iota3A_251 = tpu.iota {dimensions = array<i32: 1>} : vector<256x128xi32>
    %add3A_252 = arith.constant 1073744256 : i32
    %add3A_253 = vector.broadcast %add3A_252 : i32 to vector<256x128xi32>
    %add3A_254 = arith.addi %iota3A_251, %add3A_253 : vector<256x128xi32>
    %slice3A_255 = vector.extract_strided_slice %add3A_27 {offsets = [0, 2432], sizes = [256, 128], strides = [1, 1]} : vector<256x4096xi32> to vector<256x128xi32>
    %or3A_256 = arith.ori %slice3A_255, %add3A_254 : vector<256x128xi32>
    %bitcast_convert_type3A_257 = tpu.bitcast %or3A_256 : vector<256x128xi32> -> vector<256x128xf32>
    %min3A_258 = arith.minimumf %min3A_246, %bitcast_convert_type3A_257 : vector<256x128xf32>
    %max3A_259 = arith.maximumf %min3A_246, %bitcast_convert_type3A_257 : vector<256x128xf32>
    %min3A_260 = arith.minimumf %min3A_248, %max3A_259 : vector<256x128xf32>
    %max3A_261 = arith.maximumf %min3A_248, %max3A_259 : vector<256x128xf32>
    %min3A_262 = arith.minimumf %min3A_250, %max3A_261 : vector<256x128xf32>
    %iota3A_263 = tpu.iota {dimensions = array<i32: 1>} : vector<256x128xi32>
    %add3A_264 = arith.constant 1073744384 : i32
    %add3A_265 = vector.broadcast %add3A_264 : i32 to vector<256x128xi32>
    %add3A_266 = arith.addi %iota3A_263, %add3A_265 : vector<256x128xi32>
    %slice3A_267 = vector.extract_strided_slice %add3A_27 {offsets = [0, 2560], sizes = [256, 128], strides = [1, 1]} : vector<256x4096xi32> to vector<256x128xi32>
    %or3A_268 = arith.ori %slice3A_267, %add3A_266 : vector<256x128xi32>
    %bitcast_convert_type3A_269 = tpu.bitcast %or3A_268 : vector<256x128xi32> -> vector<256x128xf32>
    %min3A_270 = arith.minimumf %min3A_258, %bitcast_convert_type3A_269 : vector<256x128xf32>
    %max3A_271 = arith.maximumf %min3A_258, %bitcast_convert_type3A_269 : vector<256x128xf32>
    %min3A_272 = arith.minimumf %min3A_260, %max3A_271 : vector<256x128xf32>
    %max3A_273 = arith.maximumf %min3A_260, %max3A_271 : vector<256x128xf32>
    %min3A_274 = arith.minimumf %min3A_262, %max3A_273 : vector<256x128xf32>
    %iota3A_275 = tpu.iota {dimensions = array<i32: 1>} : vector<256x128xi32>
    %add3A_276 = arith.constant 1073744512 : i32
    %add3A_277 = vector.broadcast %add3A_276 : i32 to vector<256x128xi32>
    %add3A_278 = arith.addi %iota3A_275, %add3A_277 : vector<256x128xi32>
    %slice3A_279 = vector.extract_strided_slice %add3A_27 {offsets = [0, 2688], sizes = [256, 128], strides = [1, 1]} : vector<256x4096xi32> to vector<256x128xi32>
    %or3A_280 = arith.ori %slice3A_279, %add3A_278 : vector<256x128xi32>
    %bitcast_convert_type3A_281 = tpu.bitcast %or3A_280 : vector<256x128xi32> -> vector<256x128xf32>
    %min3A_282 = arith.minimumf %min3A_270, %bitcast_convert_type3A_281 : vector<256x128xf32>
    %max3A_283 = arith.maximumf %min3A_270, %bitcast_convert_type3A_281 : vector<256x128xf32>
    %min3A_284 = arith.minimumf %min3A_272, %max3A_283 : vector<256x128xf32>
    %max3A_285 = arith.maximumf %min3A_272, %max3A_283 : vector<256x128xf32>
    %min3A_286 = arith.minimumf %min3A_274, %max3A_285 : vector<256x128xf32>
    %iota3A_287 = tpu.iota {dimensions = array<i32: 1>} : vector<256x128xi32>
    %add3A_288 = arith.constant 1073744640 : i32
    %add3A_289 = vector.broadcast %add3A_288 : i32 to vector<256x128xi32>
    %add3A_290 = arith.addi %iota3A_287, %add3A_289 : vector<256x128xi32>
    %slice3A_291 = vector.extract_strided_slice %add3A_27 {offsets = [0, 2816], sizes = [256, 128], strides = [1, 1]} : vector<256x4096xi32> to vector<256x128xi32>
    %or3A_292 = arith.ori %slice3A_291, %add3A_290 : vector<256x128xi32>
    %bitcast_convert_type3A_293 = tpu.bitcast %or3A_292 : vector<256x128xi32> -> vector<256x128xf32>
    %min3A_294 = arith.minimumf %min3A_282, %bitcast_convert_type3A_293 : vector<256x128xf32>
    %max3A_295 = arith.maximumf %min3A_282, %bitcast_convert_type3A_293 : vector<256x128xf32>
    %min3A_296 = arith.minimumf %min3A_284, %max3A_295 : vector<256x128xf32>
    %max3A_297 = arith.maximumf %min3A_284, %max3A_295 : vector<256x128xf32>
    %min3A_298 = arith.minimumf %min3A_286, %max3A_297 : vector<256x128xf32>
    %iota3A_299 = tpu.iota {dimensions = array<i32: 1>} : vector<256x128xi32>
    %add3A_300 = arith.constant 1073744768 : i32
    %add3A_301 = vector.broadcast %add3A_300 : i32 to vector<256x128xi32>
    %add3A_302 = arith.addi %iota3A_299, %add3A_301 : vector<256x128xi32>
    %slice3A_303 = vector.extract_strided_slice %add3A_27 {offsets = [0, 2944], sizes = [256, 128], strides = [1, 1]} : vector<256x4096xi32> to vector<256x128xi32>
    %or3A_304 = arith.ori %slice3A_303, %add3A_302 : vector<256x128xi32>
    %bitcast_convert_type3A_305 = tpu.bitcast %or3A_304 : vector<256x128xi32> -> vector<256x128xf32>
    %min3A_306 = arith.minimumf %min3A_294, %bitcast_convert_type3A_305 : vector<256x128xf32>
    %max3A_307 = arith.maximumf %min3A_294, %bitcast_convert_type3A_305 : vector<256x128xf32>
    %min3A_308 = arith.minimumf %min3A_296, %max3A_307 : vector<256x128xf32>
    %max3A_309 = arith.maximumf %min3A_296, %max3A_307 : vector<256x128xf32>
    %min3A_310 = arith.minimumf %min3A_298, %max3A_309 : vector<256x128xf32>
    %iota3A_311 = tpu.iota {dimensions = array<i32: 1>} : vector<256x128xi32>
    %add3A_312 = arith.constant 1073744896 : i32
    %add3A_313 = vector.broadcast %add3A_312 : i32 to vector<256x128xi32>
    %add3A_314 = arith.addi %iota3A_311, %add3A_313 : vector<256x128xi32>
    %slice3A_315 = vector.extract_strided_slice %add3A_27 {offsets = [0, 3072], sizes = [256, 128], strides = [1, 1]} : vector<256x4096xi32> to vector<256x128xi32>
    %or3A_316 = arith.ori %slice3A_315, %add3A_314 : vector<256x128xi32>
    %bitcast_convert_type3A_317 = tpu.bitcast %or3A_316 : vector<256x128xi32> -> vector<256x128xf32>
    %min3A_318 = arith.minimumf %min3A_306, %bitcast_convert_type3A_317 : vector<256x128xf32>
    %max3A_319 = arith.maximumf %min3A_306, %bitcast_convert_type3A_317 : vector<256x128xf32>
    %min3A_320 = arith.minimumf %min3A_308, %max3A_319 : vector<256x128xf32>
    %max3A_321 = arith.maximumf %min3A_308, %max3A_319 : vector<256x128xf32>
    %min3A_322 = arith.minimumf %min3A_310, %max3A_321 : vector<256x128xf32>
    %iota3A_323 = tpu.iota {dimensions = array<i32: 1>} : vector<256x128xi32>
    %add3A_324 = arith.constant 1073745024 : i32
    %add3A_325 = vector.broadcast %add3A_324 : i32 to vector<256x128xi32>
    %add3A_326 = arith.addi %iota3A_323, %add3A_325 : vector<256x128xi32>
    %slice3A_327 = vector.extract_strided_slice %add3A_27 {offsets = [0, 3200], sizes = [256, 128], strides = [1, 1]} : vector<256x4096xi32> to vector<256x128xi32>
    %or3A_328 = arith.ori %slice3A_327, %add3A_326 : vector<256x128xi32>
    %bitcast_convert_type3A_329 = tpu.bitcast %or3A_328 : vector<256x128xi32> -> vector<256x128xf32>
    %min3A_330 = arith.minimumf %min3A_318, %bitcast_convert_type3A_329 : vector<256x128xf32>
    %max3A_331 = arith.maximumf %min3A_318, %bitcast_convert_type3A_329 : vector<256x128xf32>
    %min3A_332 = arith.minimumf %min3A_320, %max3A_331 : vector<256x128xf32>
    %max3A_333 = arith.maximumf %min3A_320, %max3A_331 : vector<256x128xf32>
    %min3A_334 = arith.minimumf %min3A_322, %max3A_333 : vector<256x128xf32>
    %iota3A_335 = tpu.iota {dimensions = array<i32: 1>} : vector<256x128xi32>
    %add3A_336 = arith.constant 1073745152 : i32
    %add3A_337 = vector.broadcast %add3A_336 : i32 to vector<256x128xi32>
    %add3A_338 = arith.addi %iota3A_335, %add3A_337 : vector<256x128xi32>
    %slice3A_339 = vector.extract_strided_slice %add3A_27 {offsets = [0, 3328], sizes = [256, 128], strides = [1, 1]} : vector<256x4096xi32> to vector<256x128xi32>
    %or3A_340 = arith.ori %slice3A_339, %add3A_338 : vector<256x128xi32>
    %bitcast_convert_type3A_341 = tpu.bitcast %or3A_340 : vector<256x128xi32> -> vector<256x128xf32>
    %min3A_342 = arith.minimumf %min3A_330, %bitcast_convert_type3A_341 : vector<256x128xf32>
    %max3A_343 = arith.maximumf %min3A_330, %bitcast_convert_type3A_341 : vector<256x128xf32>
    %min3A_344 = arith.minimumf %min3A_332, %max3A_343 : vector<256x128xf32>
    %max3A_345 = arith.maximumf %min3A_332, %max3A_343 : vector<256x128xf32>
    %min3A_346 = arith.minimumf %min3A_334, %max3A_345 : vector<256x128xf32>
    %iota3A_347 = tpu.iota {dimensions = array<i32: 1>} : vector<256x128xi32>
    %add3A_348 = arith.constant 1073745280 : i32
    %add3A_349 = vector.broadcast %add3A_348 : i32 to vector<256x128xi32>
    %add3A_350 = arith.addi %iota3A_347, %add3A_349 : vector<256x128xi32>
    %slice3A_351 = vector.extract_strided_slice %add3A_27 {offsets = [0, 3456], sizes = [256, 128], strides = [1, 1]} : vector<256x4096xi32> to vector<256x128xi32>
    %or3A_352 = arith.ori %slice3A_351, %add3A_350 : vector<256x128xi32>
    %bitcast_convert_type3A_353 = tpu.bitcast %or3A_352 : vector<256x128xi32> -> vector<256x128xf32>
    %min3A_354 = arith.minimumf %min3A_342, %bitcast_convert_type3A_353 : vector<256x128xf32>
    %max3A_355 = arith.maximumf %min3A_342, %bitcast_convert_type3A_353 : vector<256x128xf32>
    %min3A_356 = arith.minimumf %min3A_344, %max3A_355 : vector<256x128xf32>
    %max3A_357 = arith.maximumf %min3A_344, %max3A_355 : vector<256x128xf32>
    %min3A_358 = arith.minimumf %min3A_346, %max3A_357 : vector<256x128xf32>
    %iota3A_359 = tpu.iota {dimensions = array<i32: 1>} : vector<256x128xi32>
    %add3A_360 = arith.constant 1073745408 : i32
    %add3A_361 = vector.broadcast %add3A_360 : i32 to vector<256x128xi32>
    %add3A_362 = arith.addi %iota3A_359, %add3A_361 : vector<256x128xi32>
    %slice3A_363 = vector.extract_strided_slice %add3A_27 {offsets = [0, 3584], sizes = [256, 128], strides = [1, 1]} : vector<256x4096xi32> to vector<256x128xi32>
    %or3A_364 = arith.ori %slice3A_363, %add3A_362 : vector<256x128xi32>
    %bitcast_convert_type3A_365 = tpu.bitcast %or3A_364 : vector<256x128xi32> -> vector<256x128xf32>
    %min3A_366 = arith.minimumf %min3A_354, %bitcast_convert_type3A_365 : vector<256x128xf32>
    %max3A_367 = arith.maximumf %min3A_354, %bitcast_convert_type3A_365 : vector<256x128xf32>
    %min3A_368 = arith.minimumf %min3A_356, %max3A_367 : vector<256x128xf32>
    %max3A_369 = arith.maximumf %min3A_356, %max3A_367 : vector<256x128xf32>
    %min3A_370 = arith.minimumf %min3A_358, %max3A_369 : vector<256x128xf32>
    %iota3A_371 = tpu.iota {dimensions = array<i32: 1>} : vector<256x128xi32>
    %add3A_372 = arith.constant 1073745536 : i32
    %add3A_373 = vector.broadcast %add3A_372 : i32 to vector<256x128xi32>
    %add3A_374 = arith.addi %iota3A_371, %add3A_373 : vector<256x128xi32>
    %slice3A_375 = vector.extract_strided_slice %add3A_27 {offsets = [0, 3712], sizes = [256, 128], strides = [1, 1]} : vector<256x4096xi32> to vector<256x128xi32>
    %or3A_376 = arith.ori %slice3A_375, %add3A_374 : vector<256x128xi32>
    %bitcast_convert_type3A_377 = tpu.bitcast %or3A_376 : vector<256x128xi32> -> vector<256x128xf32>
    %min3A_378 = arith.minimumf %min3A_366, %bitcast_convert_type3A_377 : vector<256x128xf32>
    %max3A_379 = arith.maximumf %min3A_366, %bitcast_convert_type3A_377 : vector<256x128xf32>
    %min3A_380 = arith.minimumf %min3A_368, %max3A_379 : vector<256x128xf32>
    %max3A_381 = arith.maximumf %min3A_368, %max3A_379 : vector<256x128xf32>
    %min3A_382 = arith.minimumf %min3A_370, %max3A_381 : vector<256x128xf32>
    %iota3A_383 = tpu.iota {dimensions = array<i32: 1>} : vector<256x128xi32>
    %add3A_384 = arith.constant 1073745664 : i32
    %add3A_385 = vector.broadcast %add3A_384 : i32 to vector<256x128xi32>
    %add3A_386 = arith.addi %iota3A_383, %add3A_385 : vector<256x128xi32>
    %slice3A_387 = vector.extract_strided_slice %add3A_27 {offsets = [0, 3840], sizes = [256, 128], strides = [1, 1]} : vector<256x4096xi32> to vector<256x128xi32>
    %or3A_388 = arith.ori %slice3A_387, %add3A_386 : vector<256x128xi32>
    %bitcast_convert_type3A_389 = tpu.bitcast %or3A_388 : vector<256x128xi32> -> vector<256x128xf32>
    %min3A_390 = arith.minimumf %min3A_378, %bitcast_convert_type3A_389 : vector<256x128xf32>
    %max3A_391 = arith.maximumf %min3A_378, %bitcast_convert_type3A_389 : vector<256x128xf32>
    %min3A_392 = arith.minimumf %min3A_380, %max3A_391 : vector<256x128xf32>
    %max3A_393 = arith.maximumf %min3A_380, %max3A_391 : vector<256x128xf32>
    %min3A_394 = arith.minimumf %min3A_382, %max3A_393 : vector<256x128xf32>
    %iota3A_395 = tpu.iota {dimensions = array<i32: 1>} : vector<256x128xi32>
    %add3A_396 = arith.constant 1073745792 : i32
    %add3A_397 = vector.broadcast %add3A_396 : i32 to vector<256x128xi32>
    %add3A_398 = arith.addi %iota3A_395, %add3A_397 : vector<256x128xi32>
    %slice3A_399 = vector.extract_strided_slice %add3A_27 {offsets = [0, 3968], sizes = [256, 128], strides = [1, 1]} : vector<256x4096xi32> to vector<256x128xi32>
    %or3A_400 = arith.ori %slice3A_399, %add3A_398 : vector<256x128xi32>
    %bitcast_convert_type3A_401 = tpu.bitcast %or3A_400 : vector<256x128xi32> -> vector<256x128xf32>
    %min3A_402 = arith.minimumf %min3A_390, %bitcast_convert_type3A_401 : vector<256x128xf32>
    %max3A_403 = arith.maximumf %min3A_390, %bitcast_convert_type3A_401 : vector<256x128xf32>
    %min3A_404 = arith.minimumf %min3A_392, %max3A_403 : vector<256x128xf32>
    %max3A_405 = arith.maximumf %min3A_392, %max3A_403 : vector<256x128xf32>
    %min3A_406 = arith.minimumf %min3A_394, %max3A_405 : vector<256x128xf32>
    %concatenate3A = tpu.concatenate %min3A_402, %min3A_404, %min3A_406 in 1 : vector<256x128xf32>, vector<256x128xf32>, vector<256x128xf32> -> vector<256x384xf32>
    %reduce_min3A = arith.constant dense<0x7F800000> : vector<256xf32>
    %reduce_min3A_407 = vector.multi_reduction <minimumf>, %concatenate3A, %reduce_min3A [1] : vector<256x384xf32> to vector<256xf32>
    %broadcast_in_dim3A_408 = vector.shape_cast %reduce_min3A_407 : vector<256xf32> to vector<256x1xf32>
    %eq3A = vector.broadcast %broadcast_in_dim3A_408 : vector<256x1xf32> to vector<256x384xf32>
    %eq3A_409 = arith.cmpf oeq, %concatenate3A, %eq3A : vector<256x384xf32>
    %jit3A = arith.constant 3.000000e+09 : f32
    %broadcast_in_dim3A_410 = vector.broadcast %jit3A : f32 to vector<256x384xf32>
    %select_n3A = arith.select %eq3A_409, %broadcast_in_dim3A_410, %concatenate3A : vector<256x384xi1>, vector<256x384xf32>
    %reduce_min3A_411 = arith.constant dense<0x7F800000> : vector<256xf32>
    %reduce_min3A_412 = vector.multi_reduction <minimumf>, %select_n3A, %reduce_min3A_411 [1] : vector<256x384xf32> to vector<256xf32>
    %broadcast_in_dim3A_413 = vector.shape_cast %reduce_min3A_412 : vector<256xf32> to vector<256x1xf32>
    %eq3A_414 = vector.broadcast %broadcast_in_dim3A_413 : vector<256x1xf32> to vector<256x384xf32>
    %eq3A_415 = arith.cmpf oeq, %select_n3A, %eq3A_414 : vector<256x384xf32>
    %jit3A_416 = arith.constant 3.000000e+09 : f32
    %broadcast_in_dim3A_417 = vector.broadcast %jit3A_416 : f32 to vector<256x384xf32>
    %select_n3A_418 = arith.select %eq3A_415, %broadcast_in_dim3A_417, %select_n3A : vector<256x384xi1>, vector<256x384xf32>
    %reduce_min3A_419 = arith.constant dense<0x7F800000> : vector<256xf32>
    %reduce_min3A_420 = vector.multi_reduction <minimumf>, %select_n3A_418, %reduce_min3A_419 [1] : vector<256x384xf32> to vector<256xf32>
    %broadcast_in_dim3A_421 = vector.shape_cast %reduce_min3A_420 : vector<256xf32> to vector<256x1xf32>
    %bitcast_convert_type3A_422 = tpu.bitcast %broadcast_in_dim3A_408 : vector<256x1xf32> -> vector<256x1xi32>
    %and3A = arith.constant 1073741823 : i32
    %and3A_423 = vector.broadcast %and3A : i32 to vector<256x1xi32>
    %and3A_424 = arith.andi %bitcast_convert_type3A_422, %and3A_423 : vector<256x1xi32>
    %and3A_425 = arith.constant 4095 : i32
    %and3A_426 = vector.broadcast %and3A_425 : i32 to vector<256x1xi32>
    %and3A_427 = arith.andi %and3A_424, %and3A_426 : vector<256x1xi32>
    %shift_right_arithmetic3A = arith.constant 12 : i32
    %shift_right_arithmetic3A_428 = vector.broadcast %shift_right_arithmetic3A : i32 to vector<256x1xi32>
    %shift_right_arithmetic3A_429 = arith.shrsi %and3A_424, %shift_right_arithmetic3A_428 : vector<256x1xi32>
    %convert_element_type3A = arith.sitofp %shift_right_arithmetic3A_429 : vector<256x1xi32> to vector<256x1xf32>
    %add3A_430 = arith.constant 9.99999993E-9 : f32
    %add3A_431 = vector.broadcast %add3A_430 : f32 to vector<256x1xf32>
    %add3A_432 = arith.addf %convert_element_type3A, %add3A_431 : vector<256x1xf32>
    %div3A = arith.constant 1.000000e+00 : f32
    %div3A_433 = vector.broadcast %div3A : f32 to vector<256x1xf32>
    %div3A_434 = arith.divf %div3A_433, %add3A_432 : vector<256x1xf32>
    %bitcast_convert_type3A_435 = tpu.bitcast %broadcast_in_dim3A_413 : vector<256x1xf32> -> vector<256x1xi32>
    %and3A_436 = arith.constant 1073741823 : i32
    %and3A_437 = vector.broadcast %and3A_436 : i32 to vector<256x1xi32>
    %and3A_438 = arith.andi %bitcast_convert_type3A_435, %and3A_437 : vector<256x1xi32>
    %and3A_439 = arith.constant 4095 : i32
    %and3A_440 = vector.broadcast %and3A_439 : i32 to vector<256x1xi32>
    %and3A_441 = arith.andi %and3A_438, %and3A_440 : vector<256x1xi32>
    %shift_right_arithmetic3A_442 = arith.constant 12 : i32
    %shift_right_arithmetic3A_443 = vector.broadcast %shift_right_arithmetic3A_442 : i32 to vector<256x1xi32>
    %shift_right_arithmetic3A_444 = arith.shrsi %and3A_438, %shift_right_arithmetic3A_443 : vector<256x1xi32>
    %convert_element_type3A_445 = arith.sitofp %shift_right_arithmetic3A_444 : vector<256x1xi32> to vector<256x1xf32>
    %add3A_446 = arith.constant 9.99999993E-9 : f32
    %add3A_447 = vector.broadcast %add3A_446 : f32 to vector<256x1xf32>
    %add3A_448 = arith.addf %convert_element_type3A_445, %add3A_447 : vector<256x1xf32>
    %div3A_449 = arith.constant 1.000000e+00 : f32
    %div3A_450 = vector.broadcast %div3A_449 : f32 to vector<256x1xf32>
    %div3A_451 = arith.divf %div3A_450, %add3A_448 : vector<256x1xf32>
    %bitcast_convert_type3A_452 = tpu.bitcast %broadcast_in_dim3A_421 : vector<256x1xf32> -> vector<256x1xi32>
    %and3A_453 = arith.constant 1073741823 : i32
    %and3A_454 = vector.broadcast %and3A_453 : i32 to vector<256x1xi32>
    %and3A_455 = arith.andi %bitcast_convert_type3A_452, %and3A_454 : vector<256x1xi32>
    %and3A_456 = arith.constant 4095 : i32
    %and3A_457 = vector.broadcast %and3A_456 : i32 to vector<256x1xi32>
    %and3A_458 = arith.andi %and3A_455, %and3A_457 : vector<256x1xi32>
    %shift_right_arithmetic3A_459 = arith.constant 12 : i32
    %shift_right_arithmetic3A_460 = vector.broadcast %shift_right_arithmetic3A_459 : i32 to vector<256x1xi32>
    %shift_right_arithmetic3A_461 = arith.shrsi %and3A_455, %shift_right_arithmetic3A_460 : vector<256x1xi32>
    %convert_element_type3A_462 = arith.sitofp %shift_right_arithmetic3A_461 : vector<256x1xi32> to vector<256x1xf32>
    %add3A_463 = arith.constant 9.99999993E-9 : f32
    %add3A_464 = vector.broadcast %add3A_463 : f32 to vector<256x1xf32>
    %add3A_465 = arith.addf %convert_element_type3A_462, %add3A_464 : vector<256x1xf32>
    %div3A_466 = arith.constant 1.000000e+00 : f32
    %div3A_467 = vector.broadcast %div3A_466 : f32 to vector<256x1xf32>
    %div3A_468 = arith.divf %div3A_467, %add3A_465 : vector<256x1xf32>
    %add3A_469 = arith.addf %div3A_434, %div3A_451 : vector<256x1xf32>
    %add3A_470 = arith.addf %add3A_469, %div3A_468 : vector<256x1xf32>
    %div3A_471 = arith.divf %div3A_434, %add3A_470 : vector<256x1xf32>
    %div3A_472 = arith.divf %div3A_451, %add3A_470 : vector<256x1xf32>
    %div3A_473 = arith.divf %div3A_468, %add3A_470 : vector<256x1xf32>
    %broadcast_in_dim3A_474 = arith.constant 0 : i32
    %broadcast_in_dim3A_475 = vector.broadcast %broadcast_in_dim3A_474 : i32 to vector<256x5xi32>
    %broadcast_in_dim3A_476 = arith.constant 0.000000e+00 : f32
    %broadcast_in_dim3A_477 = vector.broadcast %broadcast_in_dim3A_476 : f32 to vector<256x5xf32>
    %concatenate3A_478 = tpu.concatenate %and3A_427, %and3A_441, %and3A_458, %broadcast_in_dim3A_475 in 1 : vector<256x1xi32>, vector<256x1xi32>, vector<256x1xi32>, vector<256x5xi32> -> vector<256x8xi32>
    %swap3A = arith.constant 0 : index
    %swap3A_479 = arith.constant 0 : index
    %swap3A_480 = vector.load %arg3[%swap3A, %swap3A_479] : memref<256x8xi32, #tpu.memory_space<vmem>>, vector<256x8xi32>
    tpu.vector_store %arg3[%swap3A, %swap3A_479], %concatenate3A_478 {strides = array<i32>} : memref<256x8xi32, #tpu.memory_space<vmem>>, vector<256x8xi32>,
    %concatenate3A_481 = tpu.concatenate %div3A_471, %div3A_472, %div3A_473, %broadcast_in_dim3A_477 in 1 : vector<256x1xf32>, vector<256x1xf32>, vector<256x1xf32>, vector<256x5xf32> -> vector<256x8xf32>
    %swap3A_482 = arith.constant 0 : index
    %swap3A_483 = arith.constant 0 : index
    %swap3A_484 = vector.load %arg4[%swap3A_482, %swap3A_483] : memref<256x8xf32, #tpu.memory_space<vmem>>, vector<256x8xf32>
    tpu.vector_store %arg4[%swap3A_482, %swap3A_483], %concatenate3A_481 {strides = array<i32>} : memref<256x8xf32, #tpu.memory_space<vmem>>, vector<256x8xf32>,
    return
  }
  func.func @transform_0(%arg0: i32) -> (i32, i32) {
    %c0_i32 = arith.constant 0 : i32
    %c0_i32_0 = arith.constant 0 : i32
    %c0_i32_1 = arith.constant 0 : i32
    return %c0_i32, %c0_i32_0 : i32, i32
  }
  func.func @transform_1(%arg0: i32) -> (i32, i32) {
    %c0_i32 = arith.constant 0 : i32
    %c0_i32_0 = arith.constant 0 : i32
    return %arg0, %c0_i32 : i32, i32
  }
  func.func @transform_2(%arg0: i32) -> (i32, i32) {
    %c0_i32 = arith.constant 0 : i32
    %c0_i32_0 = arith.constant 0 : i32
    return %arg0, %c0_i32 : i32, i32
  }
  func.func @transform_3(%arg0: i32) -> (i32, i32) {
    %c0_i32 = arith.constant 0 : i32
    %c0_i32_0 = arith.constant 0 : i32
    return %arg0, %c0_i32 : i32, i32
  }
}

module attributes {stable_mosaic.version = 14 : i64} {
  func.func @_combine_body(%arg0: i32, %arg1: memref<1024x128xf32, #tpu.memory_space<vmem>>, %arg2: memref<1024x128xf32, #tpu.memory_space<vmem>>, %arg3: memref<1024x128xf32, #tpu.memory_space<vmem>>, %arg4: memref<1024x8xf32, #tpu.memory_space<vmem>>, %arg5: memref<1x128xf32, #tpu.memory_space<vmem>>, %arg6: memref<1x128xf32, #tpu.memory_space<vmem>>, %arg7: memref<1024x128xf32, #tpu.memory_space<vmem>>) attributes {dimension_semantics = [#tpu.dimension_semantics<arbitrary>], iteration_bounds = array<i64: 8>, scalar_prefetch = 0 : i64, scratch_operands = 0 : i64, tpu.core_type = #tpu.core_type<tc>, window_params = [{transform_indices = @transform_0, window_bounds = array<i64: 1024, 128>}, {transform_indices = @transform_1, window_bounds = array<i64: 1024, 128>}, {transform_indices = @transform_2, window_bounds = array<i64: 1024, 128>}, {transform_indices = @transform_3, window_bounds = array<i64: 1024, 8>}, {pipeline_mode = #tpu.pipeline_mode<synchronous>, transform_indices = @transform_4, window_bounds = array<i64: 1, 128>}, {pipeline_mode = #tpu.pipeline_mode<synchronous>, transform_indices = @transform_5, window_bounds = array<i64: 1, 128>}, {transform_indices = @transform_6, window_bounds = array<i64: 1024, 128>}]} {
    %get3A = arith.constant 0 : index
    %get3A_0 = arith.constant 0 : index
    %get3A_1 = vector.load %arg1[%get3A, %get3A_0] : memref<1024x128xf32, #tpu.memory_space<vmem>>, vector<1024x128xf32>
    %get3A_2 = arith.constant 0 : index
    %get3A_3 = arith.constant 0 : index
    %get3A_4 = vector.load %arg4[%get3A_2, %get3A_3] : memref<1024x8xf32, #tpu.memory_space<vmem>>, vector<1024x1xf32>
    %mul3A = vector.broadcast %get3A_4 : vector<1024x1xf32> to vector<1024x128xf32>
    %mul3A_5 = arith.mulf %get3A_1, %mul3A : vector<1024x128xf32>
    %get3A_6 = arith.constant 0 : index
    %get3A_7 = arith.constant 0 : index
    %get3A_8 = vector.load %arg2[%get3A_6, %get3A_7] : memref<1024x128xf32, #tpu.memory_space<vmem>>, vector<1024x128xf32>
    %get3A_9 = arith.constant 0 : index
    %get3A_10 = arith.constant 1 : index
    %get3A_11 = vector.load %arg4[%get3A_9, %get3A_10] : memref<1024x8xf32, #tpu.memory_space<vmem>>, vector<1024x1xf32>
    %mul3A_12 = vector.broadcast %get3A_11 : vector<1024x1xf32> to vector<1024x128xf32>
    %mul3A_13 = arith.mulf %get3A_8, %mul3A_12 : vector<1024x128xf32>
    %add3A = arith.addf %mul3A_5, %mul3A_13 : vector<1024x128xf32>
    %get3A_14 = arith.constant 0 : index
    %get3A_15 = arith.constant 0 : index
    %get3A_16 = vector.load %arg3[%get3A_14, %get3A_15] : memref<1024x128xf32, #tpu.memory_space<vmem>>, vector<1024x128xf32>
    %get3A_17 = arith.constant 0 : index
    %get3A_18 = arith.constant 2 : index
    %get3A_19 = vector.load %arg4[%get3A_17, %get3A_18] : memref<1024x8xf32, #tpu.memory_space<vmem>>, vector<1024x1xf32>
    %mul3A_20 = vector.broadcast %get3A_19 : vector<1024x1xf32> to vector<1024x128xf32>
    %mul3A_21 = arith.mulf %get3A_16, %mul3A_20 : vector<1024x128xf32>
    %add3A_22 = arith.addf %add3A, %mul3A_21 : vector<1024x128xf32>
    %reduce_sum3A = arith.constant dense<0.000000e+00> : vector<1024xf32>
    %reduce_sum3A_23 = vector.multi_reduction <add>, %add3A_22, %reduce_sum3A [1] : vector<1024x128xf32> to vector<1024xf32>
    %broadcast_in_dim3A = vector.shape_cast %reduce_sum3A_23 : vector<1024xf32> to vector<1024x1xf32>
    %div3A = arith.constant 1.280000e+02 : f32
    %div3A_24 = vector.broadcast %div3A : f32 to vector<1024x1xf32>
    %div3A_25 = arith.divf %broadcast_in_dim3A, %div3A_24 : vector<1024x1xf32>
    %sub3A = vector.broadcast %div3A_25 : vector<1024x1xf32> to vector<1024x128xf32>
    %sub3A_26 = arith.subf %add3A_22, %sub3A : vector<1024x128xf32>
    %mul3A_27 = arith.mulf %sub3A_26, %sub3A_26 : vector<1024x128xf32>
    %reduce_sum3A_28 = arith.constant dense<0.000000e+00> : vector<1024xf32>
    %reduce_sum3A_29 = vector.multi_reduction <add>, %mul3A_27, %reduce_sum3A_28 [1] : vector<1024x128xf32> to vector<1024xf32>
    %broadcast_in_dim3A_30 = vector.shape_cast %reduce_sum3A_29 : vector<1024xf32> to vector<1024x1xf32>
    %div3A_31 = arith.constant 1.280000e+02 : f32
    %div3A_32 = vector.broadcast %div3A_31 : f32 to vector<1024x1xf32>
    %div3A_33 = arith.divf %broadcast_in_dim3A_30, %div3A_32 : vector<1024x1xf32>
    %add3A_34 = arith.constant 9.99999997E-7 : f32
    %add3A_35 = vector.broadcast %add3A_34 : f32 to vector<1024x1xf32>
    %add3A_36 = arith.addf %div3A_33, %add3A_35 : vector<1024x1xf32>
    %sqrt3A = math.sqrt %add3A_36 : vector<1024x1xf32>
    %div3A_37 = vector.broadcast %sqrt3A : vector<1024x1xf32> to vector<1024x128xf32>
    %div3A_38 = arith.divf %sub3A_26, %div3A_37 : vector<1024x128xf32>
    %get3A_39 = arith.constant 0 : index
    %get3A_40 = arith.constant 0 : index
    %get3A_41 = vector.load %arg5[%get3A_39, %get3A_40] : memref<1x128xf32, #tpu.memory_space<vmem>>, vector<1x128xf32>
    %mul3A_42 = vector.broadcast %get3A_41 : vector<1x128xf32> to vector<1024x128xf32>
    %mul3A_43 = arith.mulf %div3A_38, %mul3A_42 : vector<1024x128xf32>
    %get3A_44 = arith.constant 0 : index
    %get3A_45 = arith.constant 0 : index
    %get3A_46 = vector.load %arg6[%get3A_44, %get3A_45] : memref<1x128xf32, #tpu.memory_space<vmem>>, vector<1x128xf32>
    %add3A_47 = vector.broadcast %get3A_46 : vector<1x128xf32> to vector<1024x128xf32>
    %add3A_48 = arith.addf %mul3A_43, %add3A_47 : vector<1024x128xf32>
    %mul3A_49 = arith.constant 5.000000e-01 : f32
    %mul3A_50 = vector.broadcast %mul3A_49 : f32 to vector<1024x128xf32>
    %mul3A_51 = arith.mulf %add3A_48, %mul3A_50 : vector<1024x128xf32>
    %mul3A_52 = arith.constant 0.707106769 : f32
    %mul3A_53 = vector.broadcast %mul3A_52 : f32 to vector<1024x128xf32>
    %mul3A_54 = arith.mulf %add3A_48, %mul3A_53 : vector<1024x128xf32>
    %erf3A = math.erf %mul3A_54 : vector<1024x128xf32>
    %add3A_55 = arith.constant 1.000000e+00 : f32
    %add3A_56 = vector.broadcast %add3A_55 : f32 to vector<1024x128xf32>
    %add3A_57 = arith.addf %add3A_56, %erf3A : vector<1024x128xf32>
    %mul3A_58 = arith.mulf %mul3A_51, %add3A_57 : vector<1024x128xf32>
    %swap3A = arith.constant 0 : index
    %swap3A_59 = arith.constant 0 : index
    %swap3A_60 = vector.load %arg7[%swap3A, %swap3A_59] : memref<1024x128xf32, #tpu.memory_space<vmem>>, vector<1024x128xf32>
    tpu.vector_store %arg7[%swap3A, %swap3A_59], %mul3A_58 {strides = array<i32>} : memref<1024x128xf32, #tpu.memory_space<vmem>>, vector<1024x128xf32>,
    return
  }
  func.func @transform_0(%arg0: i32) -> (i32, i32) {
    %c0_i32 = arith.constant 0 : i32
    %c0_i32_0 = arith.constant 0 : i32
    return %arg0, %c0_i32 : i32, i32
  }
  func.func @transform_1(%arg0: i32) -> (i32, i32) {
    %c0_i32 = arith.constant 0 : i32
    %c0_i32_0 = arith.constant 0 : i32
    return %arg0, %c0_i32 : i32, i32
  }
  func.func @transform_2(%arg0: i32) -> (i32, i32) {
    %c0_i32 = arith.constant 0 : i32
    %c0_i32_0 = arith.constant 0 : i32
    return %arg0, %c0_i32 : i32, i32
  }
  func.func @transform_3(%arg0: i32) -> (i32, i32) {
    %c0_i32 = arith.constant 0 : i32
    %c0_i32_0 = arith.constant 0 : i32
    return %arg0, %c0_i32 : i32, i32
  }
  func.func @transform_4(%arg0: i32) -> (i32, i32) {
    %c0_i32 = arith.constant 0 : i32
    %c0_i32_0 = arith.constant 0 : i32
    %c0_i32_1 = arith.constant 0 : i32
    return %c0_i32, %c0_i32_0 : i32, i32
  }
  func.func @transform_5(%arg0: i32) -> (i32, i32) {
    %c0_i32 = arith.constant 0 : i32
    %c0_i32_0 = arith.constant 0 : i32
    %c0_i32_1 = arith.constant 0 : i32
    return %c0_i32, %c0_i32_0 : i32, i32
  }
  func.func @transform_6(%arg0: i32) -> (i32, i32) {
    %c0_i32 = arith.constant 0 : i32
    %c0_i32_0 = arith.constant 0 : i32
    return %arg0, %c0_i32 : i32, i32
  }
}

</mosaic_0001>

<sc_bundles>
// kernel: gather_offload_async_start.1
scs
__scs_entry_jumppad:
0x0: {  	(pc) =	sbr.rel $0x88, $3  }
0x1: {  	(tag) =	ssettag $0x0;
	lr =	simm.s32 $0x1  }
0x2: {  	[smem:$0x3F9C] =	sst lr;
	_ =	strace $0xD0000000  }
0x3: {  	_ = 	snop  }
0x4: {  	_ = 	snop  }
0x5: {  	_ = 	snop  }
0x6: {  	_ = 	snop  }
0x7: {  	_ = 	snop  }
__scs_overlays_trampoline_lowered:
0x8: {  	[smem:$0x3FAB] =	sst s0  }
0x9: {  	[smem:$0x3FAC] =	sst s1  }
0xa: {  	[smem:$0x3FAD] =	sst s2  }
0xb: {  	[smem:$0x3FAE] =	sst s3  }
0xc: {  	[smem:$0x3FAF] =	sst s4  }
0xd: {  	[smem:$0x3FB0] =	sst s5  }
0xe: {  	[smem:$0x3FB1] =	sst s6  }
0xf: {  	[smem:$0x3FB2] =	sst s7  }
0x10: {  	[smem:$0x3FB3] =	sst s8  }
0x11: {  	[smem:$0x3FB4] =	sst s9;
	s0 =	simm.s32 @!p0 $0x0  }
0x12: {  	s1 =	sld [smem:$0x3F9A];
	s0 =	simm.s32 @p0 $0x1  }
0x13: {  	[smem:$0x3FB5] =	sst s0;
	s0 =	simm.s32 @!p1 $0x0  }
0x14: {  	s2 =	sld [smem:$0x3F99];
	s0 =	simm.s32 @p1 $0x1  }
0x15: {  	[smem:$0x3FB6] =	sst s0;
	s0 =	simm.s32 @!p2 $0x0  }
0x16: {  	s3 =	sld [smem:$0x3FDB];
	s0 =	simm.s32 @p2 $0x1  }
0x17: {  	s4 =	simm.s32 $0x1BF5;
	[smem:$0x3FB8] =	sst s0  }
0x18: {  	s0 =	sld [smem:$0x3F9B];
	_ =	swait.ge [sflag:s4], $0x0  }
0x19: {  	s7 =	sld [smem:$0x3F9C]  }
0x1a: {  	s8 =	sadd.s32 $0xFFFFE003, lr  }
0x1b: {  	s9 =	sadd.s32 $0xFFFFFEF7, lr;
	s5 =	simm.s32 $0xFFFFFFFF;
	p2 =	slt.u32 s8, $0xFFFFF086  }
0x1c: {  	p1 =	slt.u32 s9, $0xF7A;
	s5 =	simm.s32 @!p2 $0x0  }
0x1d: {  	s5 =	simm.s32 @p1 $0x1;
	p0 =	seq.s32 s7, s2  }
0x1e: {  	s7 =	smul.u32 @!p0 $0xF7A, s2;
	p2 =	seq.s32 @!p0 s5, $0x0  }
0x1f: {  	s9 =	smul.u32 $0xF7A, s1;
	s8 =	simm.s32 @!p0 $0x1BF5;
	p2 =	por !p2, p0  }
0x20: {  	[sflag:s8] =	ssyncset.s32 @!p0 $0xFFFFF086;
	s6 =	sadd.s32 @!p0 s3, s7;
	s7 =	simm.s32 @!p0 $0x108  }
0x21: {  	s3 =	sadd.s32 s3, s9;
	s6 =	sadd.s32 @!p0 $0x88, s6;
	s7 =	simm.s32 @p2 $0x1082  }
0x22: {  	[simem:s7], [sflag:s8] =	dma.local @!p0 [hbm:s6], $0xF7A  }
0x23: {  	s9 =	sor.u32 $0xD0000000, s2;
	s6 =	simm.s32 $0x108;
	_ =	swait.ge @!p0 [sflag:s8], $0x0  }
0x24: {  	s3 =	sadd.s32 $0x88, s3;
	s6 =	simm.s32 @!p1 $0x1082;
	[sflag:s4] =	ssyncset.s32 $0xFFFFF086  }
0x25: {  	[simem:s6], [sflag:s4] =	dma.local [hbm:s3], $0xF7A  }
0x26: {  	[smem:$0x3F9C] =	sst s1;
	(tag) =	ssettag s2;
	_ =	strace s9  }
0x27: {  	s1 =	sld [smem:$0x3FAC]  }
0x28: {  	s2 =	sld [smem:$0x3FAD]  }
0x29: {  	s4 =	sld [smem:$0x3FAF]  }
0x2a: {  	p0 =	seq.s32 s5, $0x0;
	s5 =	sld [smem:$0x3FB0]  }
0x2b: {  	s6 =	sld [smem:$0x3FB1]  }
0x2c: {  	s7 =	sld [smem:$0x3FB2]  }
0x2d: {  	s3 =	simm.s32 $0x108;
	s8 =	sld [smem:$0x3FB3]  }
0x2e: {  	s3 =	simm.s32 @!p0 $0x1082;
	s9 =	sld [smem:$0x3FB4]  }
0x2f: {  	lr =	sadd.s32 s0, s3;
	s0 =	sld [smem:$0x3FAB]  }
0x30: {  	s3 =	sld [smem:$0x3FAE]  }
0x31: {  	[smem:$0x3FB7] =	sst s10  }
0x32: {  	s10 =	sld [smem:$0x3FB5];
	_ =	sdelay $0x3  }
0x33: {  	p0 =	seq.s32 s10, $0x1;
	s10 =	sld [smem:$0x3FB7];
	_ =	sdelay $0x3  }
0x34: {  	[smem:$0x3FB7] =	sst s10  }
0x35: {  	s10 =	sld [smem:$0x3FB6];
	_ =	sdelay $0x3  }
0x36: {  	p1 =	seq.s32 s10, $0x1;
	s10 =	sld [smem:$0x3FB7];
	_ =	sdelay $0x3  }
0x37: {  	[smem:$0x3FB7] =	sst s10  }
0x38: {  	s10 =	sld [smem:$0x3FB8]  }
0x39: {  	_ = 	snop;
	(pc) =	sbr.ind lr, $3  }
0x3a: {  	_ = 	snop  }
0x3b: {  	_ = 	snop  }
0x3c: {  	p2 =	seq.s32 s10, $0x1;
	s10 =	sld [smem:$0x3FB7]  }
0x3d: {  	_ =	shalt  }
0x3e: {  	_ =	shalt  }
0x3f: {  	_ =	shalt  }
0x40: {  	_ =	shalt  }
0x41: {  	_ =	shalt  }
0x42: {  	_ =	shalt  }
0x43: {  	_ =	shalt  }
0x44: {  	_ =	shalt  }
0x45: {  	_ =	shalt  }
0x46: {  	_ =	shalt  }
0x47: {  	_ =	shalt  }
0x48: {  	_ =	shalt  }
0x49: {  	_ =	shalt  }
0x4a: {  	_ =	shalt  }
0x4b: {  	_ =	shalt  }
0x4c: {  	_ =	shalt  }
0x4d: {  	_ =	shalt  }
0x4e: {  	_ =	shalt  }
0x4f: {  	_ =	shalt  }
0x50: {  	_ =	shalt  }
0x51: {  	_ =	shalt  }
0x52: {  	_ =	shalt  }
0x53: {  	_ =	shalt  }
0x54: {  	_ =	shalt  }
0x55: {  	_ =	shalt  }
0x56: {  	_ =	shalt  }
0x57: {  	_ =	shalt  }
0x58: {  	_ =	shalt  }
0x59: {  	_ =	shalt  }
0x5a: {  	_ =	shalt  }
0x5b: {  	_ =	shalt  }
0x5c: {  	_ =	shalt  }
0x5d: {  	_ =	shalt  }
0x5e: {  	_ =	shalt  }
0x5f: {  	_ =	shalt  }
0x60: {  	_ =	shalt  }
0x61: {  	_ =	shalt  }
0x62: {  	_ =	shalt  }
0x63: {  	_ =	shalt  }
0x64: {  	_ =	shalt  }
0x65: {  	_ =	shalt  }
0x66: {  	_ =	shalt  }
0x67: {  	_ =	shalt  }
0x68: {  	_ =	shalt  }
0x69: {  	_ =	shalt  }
0x6a: {  	_ =	shalt  }
0x6b: {  	_ =	shalt  }
0x6c: {  	_ =	shalt  }
0x6d: {  	_ =	shalt  }
0x6e: {  	_ =	shalt  }
0x6f: {  	_ =	shalt  }
0x70: {  	_ =	shalt  }
0x71: {  	_ =	shalt  }
0x72: {  	_ =	shalt  }
0x73: {  	_ =	shalt  }
0x74: {  	_ =	shalt  }
0x75: {  	_ =	shalt  }
0x76: {  	_ =	shalt  }
0x77: {  	_ =	shalt  }
0x78: {  	_ =	shalt  }
0x79: {  	_ =	shalt  }
0x7a: {  	_ =	shalt  }
0x7b: {  	_ =	shalt  }
0x7c: {  	_ =	shalt  }
0x7d: {  	_ =	shalt  }
0x7e: {  	_ =	shalt  }
0x7f: {  	_ =	shalt  }
0x80: {  	_ =	shalt  }
0x81: {  	_ =	shalt  }
0x82: {  	_ =	shalt  }
0x83: {  	_ =	shalt  }
0x84: {  	_ =	shalt  }
0x85: {  	_ =	shalt  }
0x86: {  	_ =	shalt  }
0x87: {  	_ =	shalt  }
.Lfunc_end0:
.L_simem_size_0:
called_computation.1_lowered:
.L_overlay_start_0:
0x88: {  	s2 =	sld [smem:$0x3FD9]  }
0x89: {  	s3 =	sld [smem:$0x3FFE];
	_ =	sdelay $0x1  }
0x8a: {  	s1 =	srdreg.scid  }
0x8b: {  	s0 =	sand.u32 $0x1, s1  }
0x8c: {  	s14 =	sshll.u32 s0, $0xA;
	s2 =	sadd.s32 s3, s2  }
0x8d: {  	s2 =	sadd.s32 s2, s14  }
0x8e: {  	[smem:$0x3FC3] =	sst s2  }
0x8f: {  	_ = 	snop  }
0x90: {  	s2 =	sld [smem:$0x3FD0];
	_ =	sdelay $0x2  }
0x91: {  	s15 =	simm.s32 $0xD;
	s4 =	simm.s32 $0x10  }
0x92: {  	[smem:s4], [sflag:s15] =	dma.local [hbm:s2], $0x1  }
0x93: {  	_ =	swait.eq [sflag:s15], $0x1  }
0x94: {  	[sflag:s15] =	ssyncset.done $0x0  }
0x95: {  	s16 =	sld [smem:$0x10];
	[sflag:s15] =	ssyncadd.s32 $0xFFFFFFFF  }
0x96: {  	s17 =	sld [smem:$0x11];
	(tm) =	ssettm $0x1  }
0x97: {  	s18 =	sld [smem:$0x3FFB];
	_ =	sdelay $0x3  }
0x98: {  	_ =	strace s18  }
0x99: {  	s4 =	sld [smem:$0x3FFC];
	_ =	sdelay $0x3  }
0x9a: {  	_ =	strace s4  }
0x9b: {  	s4 =	sld [smem:$0x3FFD];
	_ =	sdelay $0x3  }
0x9c: {  	_ =	strace s4  }
0x9d: {  	_ =	strace $0x8FFFFFFF  }
0x9e: {  	s19 =	sld [smem:$0x3FDB];
	_ =	sdelay $0x1  }
0x9f: {  	s5 =	simm.s32 $_scs_section_size  }
0xa0: {  	s6 =	simm.s32 $_size__tile_overlayer_lowered;
	s7 =	simm.s32 $_tile_overlayer_lowered  }
0xa1: {  	s22 =	simm.s32 $0x1BFF;
	s21 =	sshll.u32 s7, $0x1;
	s4 =	sadd.s32 s5, s19  }
0xa2: {  	s8 =	simm.s32 $0x0;
	s20 =	sshll.u32 s6, $0x1;
	s6 =	sadd.s32 s21, s4  }
0xa3: {  	[timem:s8], [sflag:s22] =	dma.local [hbm:s6], s20  }
0xa4: {  	_ =	swait.ge [sflag:s22], s20  }
0xa5: {  	s5 =	ssub.s32 $0x0, s20;
	[sflag:s22] =	ssyncset.done $0x0  }
0xa6: {  	[sflag:s22] =	ssyncadd.s32 s5;
	_ =	sdelay $0x1  }
0xa7: {  	s23 =	simm.s32 $0x1B8B  }
0xa8: {  	_ =	swait.ge [sflag:s23], $0x1  }
0xa9: {  	[sflag:s23] =	ssyncset.done $0x0  }
0xaa: {  	s25 =	simm.s32 $0x1B8E;
	s24 =	sld [smem:$0x3FFE];
	[sflag:s23] =	ssyncadd.s32 $0xFFFFFFFF  }
0xab: {  	s26 =	simm.s32 $execute0_lowered;
	[smem:$0x3FD2] =	sst s25  }
0xac: {  	s6 =	sshll.u32 s26, $0x1;
	_ =	strace $0x80000049;
	[dreg:$0x1] =	wrdreg $0xFFFFFFFF  }
0xad: {  	s28 =	simm.s32 $_size_execute0_lowered;
	s4 =	sadd.s32 s4, s6;
	[dreg:$0x0] =	wrdreg $0x0  }
0xae: {  	s6 =	sshll.u32 s28, $0x1;
	[dreg:$0x2] =	wrdreg s4  }
0xaf: {  	[dreg:$0x3] =	wrdreg s6  }
0xb0: {  	[dreg:$0x4] =	wrdreg $0xC0  }
0xb1: {  	_ =	task [dreg:s8], $0x5FFFF  }
0xb2: {  	[dreg:$0x1] =	wrdreg $0xFFFFFFFF  }
0xb3: {  	[dreg:$0x0] =	wrdreg $0x60  }
0xb4: {  	[dreg:$0x2] =	wrdreg s16  }
0xb5: {  	[dreg:$0x3] =	wrdreg s17  }
0xb6: {  	[dreg:$0x4] =	wrdreg s24  }
0xb7: {  	[dreg:$0x5] =	wrdreg $0x9  }
0xb8: {  	_ =	task.clear_ibuf [dreg:s8], $0x6FFFF;
	_ =	strace $0x90000049  }
0xb9: {  	s29 =	simm.s32 $0x9;
	_ =	strace $0x8000004B  }
0xba: {  	_ =	swait.ge [sflag:s29], $0x1  }
0xbb: {  	[sflag:s29] =	ssyncadd.s32 $0xFFFFFFFF  }
0xbc: {  	_ =	strace $0x9000004B  }
0xbd: {  	_ =	sfence  }
0xbe: {  	s30 =	sld [smem:$0x0];
	_ =	sdelay $0x2  }
0xbf: {  	s31 =	sshll.u32 s1, $0xD;
	s1 =	sshrl.u32 s1, $0x2  }
0xc0: {  	s3 =	sand.u32 $0x4000, s31;
	s1 =	sadd.s32 s1, s30  }
0xc1: {  	s0 =	sor.u32 s3, s0;
	s1 =	sshll.u32 s1, $0x11  }
0xc2: {  	s0 =	sor.u32 s1, s0  }
0xc3: {  	s0 =	sadd.s32 $0x8F2B, s0  }
0xc4: {  	[sflag:s0] =	ssyncadd.remote.s32 $0x1  }
0xc5: {  	_ =	sfence.sel $0xFFFF  }
0xc6: {  	[dreg:$0x0] =	wrdreg $0xFFFFFFFF;
	(pc) =	sbr.abs _section_cstart, $3  }
0xc7: {  	[dreg:$0x1] =	wrdreg $0xFFFFFFFF  }
0xc8: {  	_ =	task.clear_ibuf [dreg:s8], $0x2FFFF;
	_ =	strace $0x9FFFFFFF  }
0xc9: {  	(tm) =	ssettm $0x7FFFFFFF  }
tec
execute0_lowered:
.L_overlay_start_1:
0x0: {  	(tag) =	ssettag $0x1  }
0x1: {  	s2 =	rddreg [dreg:$0x0]  }
0x2: {  	s3 =	rddreg [dreg:$0x1]  }
0x3: {  	s7 =	rddreg [dreg:$0x2]  }
0x4: {  	s0 =	rddreg [dreg:$0x3];
	s1 =	srdreg.scid;
	_ =	strace $0x8000004A  }
0x5: {  	s4 =	simm.s32 $0x1;
	s9 =	simm.s32 $0x3;
	s5 =	sshll.u32 s1, $0x4  }
.Ltmp0:
0x6: {  	s1 =	stileid.u32;
	s5 =	sand.u32 $0x10, s5;
	(pc) =	sbr.rel .LBB2_1-.Ltmp0, $4  }
0x7: {  	s11 =	simm.s32 $0x0;
	p0 =	por $0x0, $0x0;
	s6 =	sor.u32 s1, s5  }
0x8: {  	[sflag:s4] =	ssyncpa.u1 $0x0;
	s5 =	simm.s32 $0x2;
	s6 =	sshll.u32 s6, $0xA  }
0x9: {  	s7 =	sadd.s32 $0x82600, s7;
	[sflag:s5] =	ssyncpa.u1 $0x0;
	s8 =	sadd.s32 $0x400, s6  }
0xa: {  	vm0 =	vmmov $0xff;
	vm1 =	vcmask $0x3F20;
	[sflag:s9] =	ssyncpa.u1 $0x0;
	s10 =	smov.u32 s6;
	s9 =	simm.s32 $0x0  }
.LBB2_7:
0xb: {  	p1 =	slt.u32 s9, $0x2;
	s11 =	sadd.s32 $0x100, s10  }
0xc: {  	s13 =	smov.u32 s6;
	s9 =	sadd.s32 $0x1, s9;
	p2 =	slt.s32 s11, s8  }
0xd: {  	s13 =	smov.u32 @p2 s11;
	p2 =	sne.s32 s9, $0x6  }
.Ltmp1:
0xe: {  	_ = 	snop;
	(pc) =	sbr.rel @!p2 .LBB2_8-.Ltmp1, $4  }
0xf: {  	s12 =	simm.s32 @!p1 $0x3  }
0x10: {  	_ =	swait.ge @!p1 [sflag:s12], $0x8000  }
0x11: {  	p0 =	por !p0, !p0;
	[sflag:s12] =	ssyncset.done @!p1 $0x0  }
0x12: {  	s11 =	smov.u32 s10;
	s10 =	smov.u32 s13;
	[sflag:s12] =	ssyncadd.s32 @!p1 $0xFFFF8000  }
.LBB2_1:
0x13: {  	p1 =	sgt.u32 s9, $0x3  }
0x14: {  	s12 =	sxor.u32 @!p1 $0xFFFFFFFF, s9  }
0x15: {  	s13 =	sshrl.u32 @!p1 s10, $0x3;
	s12 =	sshll.u32 @!p1 s12, $0x8  }
0x16: {  	s14 =	sand.u32 @!p1 $0x7, s10;
	s13 =	sadd.s32 @!p1 s3, s13;
	s12 =	sand.u32 @!p1 $0x100, s12  }
0x17: {  	[tilespmem:s12], [sflag:$0x2] =	stream.linear.gather @!p1 [hbm4b:s13+s14], $0x100, $0x38;
	[tilespmem:$0x10200] =	vst v63  }
0x18: {  	p1 =	seq.s32 s9, $0x0  }
0x19: {  	p2 =	seq.s32 @!p1 s9, $0x5  }
0x1a: {  	p1 =	por p1, p2  }
.Ltmp2:
0x1b: {  	_ = 	snop;
	(pc) =	sbr.rel @p1 .LBB2_7-.Ltmp2, $1  }
0x1c: {  	_ =	sdelay $0x3  }
0x1d: {  	s12 =	simm.s32 $0x1  }
0x1e: {  	_ =	swait.ge [sflag:s5], $0x100;
	s12 =	simm.s32 @!p0 $0x0  }
0x1f: {  	[sflag:s5] =	ssyncset.done $0x0;
	s14 =	sshll.u32 s12, $0x8  }
0x20: {  	[sflag:s5] =	ssyncadd.s32 $0xFFFFFF00;
	s13 =	sadd.s32 $0x0, s14  }
0x21: {  	v0 =	vld.msk [tilespmem:s13+$0x0 ss:$0x1], $0xffff;
	_ =	sdelay $0x4  }
0x22: {  	v1 =	vshll.u32 v0, $0x5  }
0x23: {  	vm2 =	veq.s32 v0, $0x80000000;
	v0 =	vshll.u32 v0, $0x14;
	v1 =	vand.u32 $0xFFF80, v1  }
0x24: {  	v0 =	vand.u32 $0x300000, v0;
	v1 =	vsel vm2, $0xFFFFFF80, v1  }
0x25: {  	v0 =	vsel vm2, $0xFFF00000, v0;
	v2 =	vand.u32 $0xFFFFFC00, v1  }
0x26: {  	v1 =	vand.u32 $0x380, v1;
	v0 =	vadd.s32 v0, v2  }
0x27: {  	v0 =	vor.u32 v1, v0  }
0x28: {  	v0 =	vshrl.u32 v0, $0x3;
	_ =	sdelay $0x2  }
0x29: {  	s12 =	sshll.u32 s12, $0xF  }
0x2a: {  	s12 =	sor.u32 $0x200, s12  }
0x2b: {  	[tilespmem:s12], [sflag:$0x1] =	stream.indirect_vreg.gather [hbm:s2], $0x80, v0, vm0, $0x38;
	[tilespmem:$0x10200] =	vst v63  }
0x2c: {  	s15 =	sadd.s32 $0x10, s14;
	s13 =	sadd.s32 $0x400, s12  }
0x2d: {  	[tilespmem:s13], [sflag:$0x1] =	stream.indirect_vreg.gather [hbm:s2], $0x80, v0, vm1, $0x38;
	[tilespmem:$0x10200] =	vst v63  }
0x2e: {  	s16 =	simm.s32 $0x80;
	v0 =	vld.msk [tilespmem:s15+$0x0 ss:$0x1], $0xffff;
	s15 =	smov.u32 s12  }
.LBB2_3:
0x2f: {  	p1 =	sne.s32 s16, $0x3C0;
	_ =	sdelay $0x4  }
0x30: {  	v1 =	vshll.u32 v0, $0x5  }
0x31: {  	vm2 =	veq.s32 v0, $0x80000000;
	v0 =	vshll.u32 v0, $0x14;
	v1 =	vand.u32 $0xFFF80, v1  }
0x32: {  	v0 =	vand.u32 $0x300000, v0;
	v1 =	vsel vm2, $0xFFFFFF80, v1  }
0x33: {  	v0 =	vsel vm2, $0xFFF00000, v0;
	v2 =	vand.u32 $0xFFFFFC00, v1  }
0x34: {  	v1 =	vand.u32 $0x380, v1;
	v0 =	vadd.s32 v0, v2  }
0x35: {  	v0 =	vor.u32 v1, v0  }
0x36: {  	v0 =	vshrl.u32 v0, $0x3;
	_ =	sdelay $0x3  }
.Ltmp3:
0x37: {  	s17 =	sshra.s32 s16, $0x2;
	s15 =	sadd.s32 $0x800, s15;
	(pc) =	sbr.rel @p1 .LBB2_3-.Ltmp3, $4  }
0x38: {  	[tilespmem:s15], [sflag:$0x1] =	stream.indirect_vreg.gather [hbm:s2], $0x80, v0, vm0, $0x38;
	[tilespmem:$0x10200] =	vst v63  }
0x39: {  	s17 =	sadd.s32 s17, s14;
	s18 =	sadd.s32 $0x400, s15  }
0x3a: {  	[tilespmem:s18], [sflag:$0x1] =	stream.indirect_vreg.gather [hbm:s2], $0x80, v0, vm1, $0x38;
	[tilespmem:$0x10200] =	vst v63  }
0x3b: {  	s16 =	sadd.s32 $0x40, s16;
	v0 =	vld.msk [tilespmem:s17+$0x0 ss:$0x1], $0xffff  }
0x3c: {  	_ =	sdelay $0x3  }
0x3d: {  	v1 =	vshll.u32 v0, $0x5  }
0x3e: {  	vm2 =	veq.s32 v0, $0x80000000;
	v63 =	vshll.u32 v0, $0x14;
	v1 =	vand.u32 $0xFFF80, v1  }
0x3f: {  	v0 =	vand.u32 $0x300000, v63;
	v1 =	vsel vm2, $0xFFFFFF80, v1  }
0x40: {  	v0 =	vsel vm2, $0xFFF00000, v0;
	v2 =	vand.u32 $0xFFFFFC00, v1  }
0x41: {  	v1 =	vand.u32 $0x380, v1;
	v0 =	vadd.s32 v0, v2  }
0x42: {  	v0 =	vor.u32 v1, v0  }
0x43: {  	v0 =	vshrl.u32 v0, $0x3;
	_ =	sdelay $0x3  }
0x44: {  	s14 =	sadd.s32 $0x800, s15  }
0x45: {  	[tilespmem:s14], [sflag:$0x1] =	stream.indirect_vreg.gather [hbm:s2], $0x80, v0, vm0, $0x38;
	[tilespmem:$0x10200] =	vst v63  }
0x46: {  	s14 =	sadd.s32 $0x400, s14  }
0x47: {  	[tilespmem:s14], [sflag:$0x1] =	stream.indirect_vreg.gather [hbm:s2], $0x80, v0, vm1, $0x38;
	[tilespmem:$0x10200] =	vst v63  }
0x48: {  	s11 =	sshll.u32 s11, $0x4;
	_ =	swait.ge [sflag:s4], $0x8000  }
0x49: {  	s11 =	sadd.s32 s11, s7;
	[sflag:s4] =	ssyncset.done $0x0  }
0x4a: {  	s15 =	sadd.s32 $0x0, s11;
	s14 =	simm.s32 $0x80;
	[sflag:s4] =	ssyncadd.s32 $0xFFFF8000  }
.LBB2_5:
0x4b: {  	[hbm:s15] =	stream.linear.scatter [tilespmem:s12], [sflag:$0x3], $0x400, $0x38;
	[tilespmem:$0x10200] =	vst v63  }
0x4c: {  	s15 =	smov.u32 s14;
	s12 =	smov.u32 s13;
	p1 =	sne.s32 s14, $0xF80  }
.Ltmp4:
0x4d: {  	s14 =	sadd.s32 $0x80, s14;
	(pc) =	sbr.rel @p1 .LBB2_5-.Ltmp4, $2  }
0x4e: {  	_ =	sdelay $0x2  }
0x4f: {  	s13 =	sadd.s32 $0x400, s13;
	s15 =	sadd.s32 s15, s11  }
.Ltmp5:
0x50: {  	(pc) =	sbr.rel .LBB2_7-.Ltmp5, $2  }
0x51: {  	_ =	sdelay $0x2  }
0x52: {  	[hbm:s15] =	stream.linear.scatter [tilespmem:s12], [sflag:$0x3], $0x400, $0x38;
	[tilespmem:$0x10200] =	vst v63  }
.LBB2_8:
0x53: {  	_ =	sfence.sel $0x180000  }
0x54: {  	s2 =	simm.s32 $0x2;
	[bflag:$0x0] =	sbarrier.arrive $0xFFFF  }
0x55: {  	s30 =	simm.s32 $0x3;
	[sflag:s2] =	ssyncpa.u1 $0x1  }
0x56: {  	s31 =	simm.s32 $0x1;
	[sflag:s30] =	ssyncpa.u1 $0x1  }
0x57: {  	[sflag:s31] =	ssyncpa.u1 $0x1  }
0x58: {  	p0 =	sne.s32 s1, $0x0;
	_ =	strace $0x9000004A  }
0x59: {  	s0 =	sadd.s32 @!p0 $0x100000, s0;
	[bflag:$0x2] =	sbarrier.arrive $0xFFFF  }
0x5a: {  	[sflag:s0] =	ssyncadd.tile.s32 @!p0 $0x1;
	_ =	shalt  }
.Lfunc_end2:
_tile_overlayer_lowered:
.L_overlay_start_2:
0x5b: {  	(tag) =	ssettag $0x2  }
0x5c: {  	s0 =	rddreg [dreg:$0x0];
	s2 =	stileid.u32  }
0x5d: {  	s1 =	rddreg [dreg:$0x1];
	p0 =	sne.s32 s2, $0x0  }
0x5e: {  	s3 =	rddreg [dreg:$0x2];
	[bflag:$0x3] =	sbarrier.arrive $0xFFFF;
	s2 =	simm.s32 @!p0 $0x1C01  }
0x5f: {  	[timem:s3], [sflag:s2] =	dma.local @!p0 [hbm:s0], s1  }
0x60: {  	s0 =	simm.s32 @!p0 $0x1  }
0x61: {  	_ =	swait.ge @!p0 [sflag:s0], s1  }
0x62: {  	s1 =	ssub.s32 @!p0 $0x0, s1;
	[sflag:s0] =	ssyncset.done @!p0 $0x0  }
0x63: {  	[sflag:s0] =	ssyncadd.s32 @!p0 s1  }
0x64: {  	[bflag:$0x3] =	sbarrier.arrive $0xFFFF  }
0x65: {  	_ =	shalt  }

// kernel: gather_offload_async_start
scs
__scs_entry_jumppad:
0x0: {  	(pc) =	sbr.rel $0x88, $3  }
0x1: {  	(tag) =	ssettag $0x0;
	lr =	simm.s32 $0x1  }
0x2: {  	[smem:$0x3F9C] =	sst lr;
	_ =	strace $0xD0000000  }
0x3: {  	_ = 	snop  }
0x4: {  	_ = 	snop  }
0x5: {  	_ = 	snop  }
0x6: {  	_ = 	snop  }
0x7: {  	_ = 	snop  }
__scs_overlays_trampoline_lowered:
0x8: {  	[smem:$0x3FAB] =	sst s0  }
0x9: {  	[smem:$0x3FAC] =	sst s1  }
0xa: {  	[smem:$0x3FAD] =	sst s2  }
0xb: {  	[smem:$0x3FAE] =	sst s3  }
0xc: {  	[smem:$0x3FAF] =	sst s4  }
0xd: {  	[smem:$0x3FB0] =	sst s5  }
0xe: {  	[smem:$0x3FB1] =	sst s6  }
0xf: {  	[smem:$0x3FB2] =	sst s7  }
0x10: {  	[smem:$0x3FB3] =	sst s8  }
0x11: {  	[smem:$0x3FB4] =	sst s9;
	s0 =	simm.s32 @!p0 $0x0  }
0x12: {  	s1 =	sld [smem:$0x3F9A];
	s0 =	simm.s32 @p0 $0x1  }
0x13: {  	[smem:$0x3FB5] =	sst s0;
	s0 =	simm.s32 @!p1 $0x0  }
0x14: {  	s2 =	sld [smem:$0x3F99];
	s0 =	simm.s32 @p1 $0x1  }
0x15: {  	[smem:$0x3FB6] =	sst s0;
	s0 =	simm.s32 @!p2 $0x0  }
0x16: {  	s3 =	sld [smem:$0x3FDB];
	s0 =	simm.s32 @p2 $0x1  }
0x17: {  	s4 =	simm.s32 $0x1BF5;
	[smem:$0x3FB8] =	sst s0  }
0x18: {  	s0 =	sld [smem:$0x3F9B];
	_ =	swait.ge [sflag:s4], $0x0  }
0x19: {  	s7 =	sld [smem:$0x3F9C]  }
0x1a: {  	s8 =	sadd.s32 $0xFFFFE003, lr  }
0x1b: {  	s9 =	sadd.s32 $0xFFFFFEF7, lr;
	s5 =	simm.s32 $0xFFFFFFFF;
	p2 =	slt.u32 s8, $0xFFFFF086  }
0x1c: {  	p1 =	slt.u32 s9, $0xF7A;
	s5 =	simm.s32 @!p2 $0x0  }
0x1d: {  	s5 =	simm.s32 @p1 $0x1;
	p0 =	seq.s32 s7, s2  }
0x1e: {  	s7 =	smul.u32 @!p0 $0xF7A, s2;
	p2 =	seq.s32 @!p0 s5, $0x0  }
0x1f: {  	s9 =	smul.u32 $0xF7A, s1;
	s8 =	simm.s32 @!p0 $0x1BF5;
	p2 =	por !p2, p0  }
0x20: {  	[sflag:s8] =	ssyncset.s32 @!p0 $0xFFFFF086;
	s6 =	sadd.s32 @!p0 s3, s7;
	s7 =	simm.s32 @!p0 $0x108  }
0x21: {  	s3 =	sadd.s32 s3, s9;
	s6 =	sadd.s32 @!p0 $0x88, s6;
	s7 =	simm.s32 @p2 $0x1082  }
0x22: {  	[simem:s7], [sflag:s8] =	dma.local @!p0 [hbm:s6], $0xF7A  }
0x23: {  	s9 =	sor.u32 $0xD0000000, s2;
	s6 =	simm.s32 $0x108;
	_ =	swait.ge @!p0 [sflag:s8], $0x0  }
0x24: {  	s3 =	sadd.s32 $0x88, s3;
	s6 =	simm.s32 @!p1 $0x1082;
	[sflag:s4] =	ssyncset.s32 $0xFFFFF086  }
0x25: {  	[simem:s6], [sflag:s4] =	dma.local [hbm:s3], $0xF7A  }
0x26: {  	[smem:$0x3F9C] =	sst s1;
	(tag) =	ssettag s2;
	_ =	strace s9  }
0x27: {  	s1 =	sld [smem:$0x3FAC]  }
0x28: {  	s2 =	sld [smem:$0x3FAD]  }
0x29: {  	s4 =	sld [smem:$0x3FAF]  }
0x2a: {  	p0 =	seq.s32 s5, $0x0;
	s5 =	sld [smem:$0x3FB0]  }
0x2b: {  	s6 =	sld [smem:$0x3FB1]  }
0x2c: {  	s7 =	sld [smem:$0x3FB2]  }
0x2d: {  	s3 =	simm.s32 $0x108;
	s8 =	sld [smem:$0x3FB3]  }
0x2e: {  	s3 =	simm.s32 @!p0 $0x1082;
	s9 =	sld [smem:$0x3FB4]  }
0x2f: {  	lr =	sadd.s32 s0, s3;
	s0 =	sld [smem:$0x3FAB]  }
0x30: {  	s3 =	sld [smem:$0x3FAE]  }
0x31: {  	[smem:$0x3FB7] =	sst s10  }
0x32: {  	s10 =	sld [smem:$0x3FB5];
	_ =	sdelay $0x3  }
0x33: {  	p0 =	seq.s32 s10, $0x1;
	s10 =	sld [smem:$0x3FB7];
	_ =	sdelay $0x3  }
0x34: {  	[smem:$0x3FB7] =	sst s10  }
0x35: {  	s10 =	sld [smem:$0x3FB6];
	_ =	sdelay $0x3  }
0x36: {  	p1 =	seq.s32 s10, $0x1;
	s10 =	sld [smem:$0x3FB7];
	_ =	sdelay $0x3  }
0x37: {  	[smem:$0x3FB7] =	sst s10  }
0x38: {  	s10 =	sld [smem:$0x3FB8]  }
0x39: {  	_ = 	snop;
	(pc) =	sbr.ind lr, $3  }
0x3a: {  	_ = 	snop  }
0x3b: {  	_ = 	snop  }
0x3c: {  	p2 =	seq.s32 s10, $0x1;
	s10 =	sld [smem:$0x3FB7]  }
0x3d: {  	_ =	shalt  }
0x3e: {  	_ =	shalt  }
0x3f: {  	_ =	shalt  }
0x40: {  	_ =	shalt  }
0x41: {  	_ =	shalt  }
0x42: {  	_ =	shalt  }
0x43: {  	_ =	shalt  }
0x44: {  	_ =	shalt  }
0x45: {  	_ =	shalt  }
0x46: {  	_ =	shalt  }
0x47: {  	_ =	shalt  }
0x48: {  	_ =	shalt  }
0x49: {  	_ =	shalt  }
0x4a: {  	_ =	shalt  }
0x4b: {  	_ =	shalt  }
0x4c: {  	_ =	shalt  }
0x4d: {  	_ =	shalt  }
0x4e: {  	_ =	shalt  }
0x4f: {  	_ =	shalt  }
0x50: {  	_ =	shalt  }
0x51: {  	_ =	shalt  }
0x52: {  	_ =	shalt  }
0x53: {  	_ =	shalt  }
0x54: {  	_ =	shalt  }
0x55: {  	_ =	shalt  }
0x56: {  	_ =	shalt  }
0x57: {  	_ =	shalt  }
0x58: {  	_ =	shalt  }
0x59: {  	_ =	shalt  }
0x5a: {  	_ =	shalt  }
0x5b: {  	_ =	shalt  }
0x5c: {  	_ =	shalt  }
0x5d: {  	_ =	shalt  }
0x5e: {  	_ =	shalt  }
0x5f: {  	_ =	shalt  }
0x60: {  	_ =	shalt  }
0x61: {  	_ =	shalt  }
0x62: {  	_ =	shalt  }
0x63: {  	_ =	shalt  }
0x64: {  	_ =	shalt  }
0x65: {  	_ =	shalt  }
0x66: {  	_ =	shalt  }
0x67: {  	_ =	shalt  }
0x68: {  	_ =	shalt  }
0x69: {  	_ =	shalt  }
0x6a: {  	_ =	shalt  }
0x6b: {  	_ =	shalt  }
0x6c: {  	_ =	shalt  }
0x6d: {  	_ =	shalt  }
0x6e: {  	_ =	shalt  }
0x6f: {  	_ =	shalt  }
0x70: {  	_ =	shalt  }
0x71: {  	_ =	shalt  }
0x72: {  	_ =	shalt  }
0x73: {  	_ =	shalt  }
0x74: {  	_ =	shalt  }
0x75: {  	_ =	shalt  }
0x76: {  	_ =	shalt  }
0x77: {  	_ =	shalt  }
0x78: {  	_ =	shalt  }
0x79: {  	_ =	shalt  }
0x7a: {  	_ =	shalt  }
0x7b: {  	_ =	shalt  }
0x7c: {  	_ =	shalt  }
0x7d: {  	_ =	shalt  }
0x7e: {  	_ =	shalt  }
0x7f: {  	_ =	shalt  }
0x80: {  	_ =	shalt  }
0x81: {  	_ =	shalt  }
0x82: {  	_ =	shalt  }
0x83: {  	_ =	shalt  }
0x84: {  	_ =	shalt  }
0x85: {  	_ =	shalt  }
0x86: {  	_ =	shalt  }
0x87: {  	_ =	shalt  }
.Lfunc_end0:
.L_simem_size_0:
called_computation_lowered:
.L_overlay_start_0:
0x88: {  	s2 =	sld [smem:$0x3FD9]  }
0x89: {  	s3 =	sld [smem:$0x3FFE];
	_ =	sdelay $0x1  }
0x8a: {  	s1 =	srdreg.scid  }
0x8b: {  	s0 =	sand.u32 $0x1, s1  }
0x8c: {  	s16 =	sshll.u32 s0, $0xA;
	s2 =	sadd.s32 s3, s2  }
0x8d: {  	s2 =	sadd.s32 s2, s16  }
0x8e: {  	[smem:$0x3FC3] =	sst s2  }
0x8f: {  	_ = 	snop  }
0x90: {  	(tm) =	ssettm $0x1  }
0x91: {  	s17 =	sld [smem:$0x3FFB];
	_ =	sdelay $0x3  }
0x92: {  	_ =	strace s17  }
0x93: {  	s2 =	sld [smem:$0x3FFC];
	_ =	sdelay $0x3  }
0x94: {  	_ =	strace s2  }
0x95: {  	s2 =	sld [smem:$0x3FFD];
	_ =	sdelay $0x3  }
0x96: {  	_ =	strace s2  }
0x97: {  	_ =	strace $0x8FFFFFFF  }
0x98: {  	s18 =	sld [smem:$0x3FDB];
	_ =	sdelay $0x1  }
0x99: {  	s19 =	simm.s32 $_scs_section_size  }
0x9a: {  	s4 =	simm.s32 $_size__tile_overlayer_lowered;
	s5 =	simm.s32 $_tile_overlayer_lowered  }
0x9b: {  	s22 =	simm.s32 $0x1BFF;
	s21 =	sshll.u32 s5, $0x1;
	s2 =	sadd.s32 s19, s18  }
0x9c: {  	s6 =	simm.s32 $0x0;
	s20 =	sshll.u32 s4, $0x1;
	s4 =	sadd.s32 s21, s2  }
0x9d: {  	[timem:s6], [sflag:s22] =	dma.local [hbm:s4], s20  }
0x9e: {  	_ =	swait.ge [sflag:s22], s20  }
0x9f: {  	s3 =	ssub.s32 $0x0, s20;
	[sflag:s22] =	ssyncset.done $0x0  }
0xa0: {  	[sflag:s22] =	ssyncadd.s32 s3;
	_ =	sdelay $0x1  }
0xa1: {  	s23 =	simm.s32 $0x1B8B  }
0xa2: {  	_ =	swait.ge [sflag:s23], $0x1  }
0xa3: {  	[sflag:s23] =	ssyncset.done $0x0  }
0xa4: {  	s25 =	simm.s32 $0x1B8E;
	s24 =	sld [smem:$0x3FFE];
	[sflag:s23] =	ssyncadd.s32 $0xFFFFFFFF  }
0xa5: {  	s26 =	simm.s32 $execute0_lowered;
	[smem:$0x3FD2] =	sst s25  }
0xa6: {  	s4 =	sshll.u32 s26, $0x1;
	_ =	strace $0x80000046;
	[dreg:$0x1] =	wrdreg $0xFFFFFFFF  }
0xa7: {  	s28 =	simm.s32 $_size_execute0_lowered;
	s2 =	sadd.s32 s2, s4;
	[dreg:$0x0] =	wrdreg $0x0  }
0xa8: {  	s4 =	sshll.u32 s28, $0x1;
	[dreg:$0x2] =	wrdreg s2  }
0xa9: {  	[dreg:$0x3] =	wrdreg s4  }
0xaa: {  	[dreg:$0x4] =	wrdreg $0xC0  }
0xab: {  	_ =	task [dreg:s6], $0x5FFFF  }
0xac: {  	[dreg:$0x1] =	wrdreg $0xFFFFFFFF  }
0xad: {  	[dreg:$0x0] =	wrdreg $0x60  }
0xae: {  	[dreg:$0x2] =	wrdreg s24  }
0xaf: {  	[dreg:$0x3] =	wrdreg $0x9  }
0xb0: {  	_ =	task.clear_ibuf [dreg:s6], $0x4FFFF;
	_ =	strace $0x90000046  }
0xb1: {  	s29 =	simm.s32 $0x9;
	_ =	strace $0x80000048  }
0xb2: {  	_ =	swait.ge [sflag:s29], $0x1  }
0xb3: {  	[sflag:s29] =	ssyncadd.s32 $0xFFFFFFFF  }
0xb4: {  	_ =	strace $0x90000048  }
0xb5: {  	_ =	sfence  }
0xb6: {  	s30 =	sld [smem:$0x0];
	_ =	sdelay $0x2  }
0xb7: {  	s31 =	sshll.u32 s1, $0xD;
	s1 =	sshrl.u32 s1, $0x2  }
0xb8: {  	s3 =	sand.u32 $0x4000, s31;
	s1 =	sadd.s32 s1, s30  }
0xb9: {  	s0 =	sor.u32 s3, s0;
	s1 =	sshll.u32 s1, $0x11  }
0xba: {  	s0 =	sor.u32 s1, s0  }
0xbb: {  	s0 =	sadd.s32 $0x8F2B, s0  }
0xbc: {  	[sflag:s0] =	ssyncadd.remote.s32 $0x1  }
0xbd: {  	_ =	sfence.sel $0xFFFF  }
0xbe: {  	[dreg:$0x0] =	wrdreg $0xFFFFFFFF;
	(pc) =	sbr.abs _section_cstart, $3  }
0xbf: {  	[dreg:$0x1] =	wrdreg $0xFFFFFFFF  }
0xc0: {  	_ =	task.clear_ibuf [dreg:s6], $0x2FFFF;
	_ =	strace $0x9FFFFFFF  }
0xc1: {  	(tm) =	ssettm $0x7FFFFFFF  }
tec
execute0_lowered:
.L_overlay_start_1:
0x0: {  	(tag) =	ssettag $0x1  }
0x1: {  	s7 =	rddreg [dreg:$0x0]  }
0x2: {  	s0 =	rddreg [dreg:$0x1];
	_ =	strace $0x80000047  }
0x3: {  	s1 =	srdreg.scid;
	s4 =	simm.s32 $0x1;
	s9 =	simm.s32 $0x3  }
0x4: {  	s11 =	simm.s32 $0x0;
	p0 =	por $0x0, $0x0;
	s5 =	sshll.u32 s1, $0x4  }
.Ltmp0:
0x5: {  	s1 =	stileid.u32;
	s5 =	sand.u32 $0x10, s5;
	(pc) =	sbr.rel .LBB2_1-.Ltmp0, $4  }
0x6: {  	s2 =	sadd.s32 $0x200, s7;
	s3 =	sadd.s32 $0x41E00, s7;
	s6 =	sor.u32 s1, s5  }
0x7: {  	[sflag:s4] =	ssyncpa.u1 $0x0;
	s5 =	simm.s32 $0x2;
	s6 =	sshll.u32 s6, $0x9  }
0x8: {  	s7 =	sadd.s32 $0x82600, s7;
	[sflag:s5] =	ssyncpa.u1 $0x0;
	s8 =	sadd.s32 $0x200, s6  }
0x9: {  	vm0 =	vmmov $0xff;
	vm1 =	vcmask $0x3F20;
	[sflag:s9] =	ssyncpa.u1 $0x0;
	s10 =	smov.u32 s6;
	s9 =	simm.s32 $0x0  }
.LBB2_7:
0xa: {  	p1 =	slt.u32 s9, $0x2;
	s11 =	sadd.s32 $0x100, s10  }
0xb: {  	s13 =	smov.u32 s6;
	s9 =	sadd.s32 $0x1, s9;
	p2 =	slt.s32 s11, s8  }
0xc: {  	s13 =	smov.u32 @p2 s11;
	p2 =	sne.s32 s9, $0x4  }
.Ltmp1:
0xd: {  	_ = 	snop;
	(pc) =	sbr.rel @!p2 .LBB2_8-.Ltmp1, $4  }
0xe: {  	s12 =	simm.s32 @!p1 $0x3  }
0xf: {  	_ =	swait.ge @!p1 [sflag:s12], $0x8000  }
0x10: {  	p0 =	por !p0, !p0;
	[sflag:s12] =	ssyncset.done @!p1 $0x0  }
0x11: {  	s11 =	smov.u32 s10;
	s10 =	smov.u32 s13;
	[sflag:s12] =	ssyncadd.s32 @!p1 $0xFFFF8000  }
.LBB2_1:
0x12: {  	p1 =	sgt.u32 s9, $0x1  }
0x13: {  	s12 =	sshll.u32 @!p1 s9, $0x8;
	s13 =	sshrl.u32 @!p1 s10, $0x3  }
0x14: {  	s14 =	sand.u32 @!p1 $0x7, s10;
	s12 =	sxor.u32 @!p1 $0x100, s12;
	s13 =	sadd.s32 @!p1 s3, s13  }
0x15: {  	[tilespmem:s12], [sflag:$0x2] =	stream.linear.gather @!p1 [hbm4b:s13+s14], $0x100, $0x38;
	[tilespmem:$0x10200] =	vst v63  }
0x16: {  	p1 =	seq.s32 s9, $0x0  }
0x17: {  	p2 =	seq.s32 @!p1 s9, $0x3  }
0x18: {  	p1 =	por p1, p2  }
.Ltmp2:
0x19: {  	_ = 	snop;
	(pc) =	sbr.rel @p1 .LBB2_7-.Ltmp2, $1  }
0x1a: {  	_ =	sdelay $0x3  }
0x1b: {  	s12 =	simm.s32 $0x1  }
0x1c: {  	_ =	swait.ge [sflag:s5], $0x100;
	s12 =	simm.s32 @!p0 $0x0  }
0x1d: {  	[sflag:s5] =	ssyncset.done $0x0;
	s14 =	sshll.u32 s12, $0x8  }
0x1e: {  	[sflag:s5] =	ssyncadd.s32 $0xFFFFFF00;
	s13 =	sadd.s32 $0x0, s14  }
0x1f: {  	v0 =	vld.msk [tilespmem:s13+$0x0 ss:$0x1], $0xffff;
	_ =	sdelay $0x4  }
0x20: {  	v1 =	vshll.u32 v0, $0x5  }
0x21: {  	vm2 =	veq.s32 v0, $0x80000000;
	v0 =	vshll.u32 v0, $0x13;
	v1 =	vand.u32 $0x7FF80, v1  }
0x22: {  	v0 =	vand.u32 $0x180000, v0;
	v1 =	vsel vm2, $0xFFFFFF80, v1  }
0x23: {  	v0 =	vsel vm2, $0xFFF80000, v0;
	v2 =	vand.u32 $0xFFFFFC00, v1  }
0x24: {  	v1 =	vand.u32 $0x380, v1;
	v0 =	vadd.s32 v0, v2  }
0x25: {  	v0 =	vor.u32 v1, v0  }
0x26: {  	v0 =	vshrl.u32 v0, $0x3;
	_ =	sdelay $0x2  }
0x27: {  	s12 =	sshll.u32 s12, $0xF  }
0x28: {  	s12 =	sor.u32 $0x200, s12  }
0x29: {  	[tilespmem:s12], [sflag:$0x1] =	stream.indirect_vreg.gather [hbm:s2], $0x80, v0, vm0, $0x38;
	[tilespmem:$0x10200] =	vst v63  }
0x2a: {  	s15 =	sadd.s32 $0x10, s14;
	s13 =	sadd.s32 $0x400, s12  }
0x2b: {  	[tilespmem:s13], [sflag:$0x1] =	stream.indirect_vreg.gather [hbm:s2], $0x80, v0, vm1, $0x38;
	[tilespmem:$0x10200] =	vst v63  }
0x2c: {  	s16 =	simm.s32 $0x80;
	v0 =	vld.msk [tilespmem:s15+$0x0 ss:$0x1], $0xffff;
	s15 =	smov.u32 s12  }
.LBB2_3:
0x2d: {  	p1 =	sne.s32 s16, $0x3C0;
	_ =	sdelay $0x4  }
0x2e: {  	v1 =	vshll.u32 v0, $0x5  }
0x2f: {  	vm2 =	veq.s32 v0, $0x80000000;
	v0 =	vshll.u32 v0, $0x13;
	v1 =	vand.u32 $0x7FF80, v1  }
0x30: {  	v0 =	vand.u32 $0x180000, v0;
	v1 =	vsel vm2, $0xFFFFFF80, v1  }
0x31: {  	v0 =	vsel vm2, $0xFFF80000, v0;
	v2 =	vand.u32 $0xFFFFFC00, v1  }
0x32: {  	v1 =	vand.u32 $0x380, v1;
	v0 =	vadd.s32 v0, v2  }
0x33: {  	v0 =	vor.u32 v1, v0  }
0x34: {  	v0 =	vshrl.u32 v0, $0x3;
	_ =	sdelay $0x3  }
.Ltmp3:
0x35: {  	s17 =	sshra.s32 s16, $0x2;
	s15 =	sadd.s32 $0x800, s15;
	(pc) =	sbr.rel @p1 .LBB2_3-.Ltmp3, $4  }
0x36: {  	[tilespmem:s15], [sflag:$0x1] =	stream.indirect_vreg.gather [hbm:s2], $0x80, v0, vm0, $0x38;
	[tilespmem:$0x10200] =	vst v63  }
0x37: {  	s17 =	sadd.s32 s17, s14;
	s18 =	sadd.s32 $0x400, s15  }
0x38: {  	[tilespmem:s18], [sflag:$0x1] =	stream.indirect_vreg.gather [hbm:s2], $0x80, v0, vm1, $0x38;
	[tilespmem:$0x10200] =	vst v63  }
0x39: {  	s16 =	sadd.s32 $0x40, s16;
	v0 =	vld.msk [tilespmem:s17+$0x0 ss:$0x1], $0xffff  }
0x3a: {  	_ =	sdelay $0x3  }
0x3b: {  	v1 =	vshll.u32 v0, $0x5  }
0x3c: {  	vm2 =	veq.s32 v0, $0x80000000;
	v63 =	vshll.u32 v0, $0x13;
	v1 =	vand.u32 $0x7FF80, v1  }
0x3d: {  	v0 =	vand.u32 $0x180000, v63;
	v1 =	vsel vm2, $0xFFFFFF80, v1  }
0x3e: {  	v0 =	vsel vm2, $0xFFF80000, v0;
	v2 =	vand.u32 $0xFFFFFC00, v1  }
0x3f: {  	v1 =	vand.u32 $0x380, v1;
	v0 =	vadd.s32 v0, v2  }
0x40: {  	v0 =	vor.u32 v1, v0  }
0x41: {  	v0 =	vshrl.u32 v0, $0x3;
	_ =	sdelay $0x3  }
0x42: {  	s14 =	sadd.s32 $0x800, s15  }
0x43: {  	[tilespmem:s14], [sflag:$0x1] =	stream.indirect_vreg.gather [hbm:s2], $0x80, v0, vm0, $0x38;
	[tilespmem:$0x10200] =	vst v63  }
0x44: {  	s14 =	sadd.s32 $0x400, s14  }
0x45: {  	[tilespmem:s14], [sflag:$0x1] =	stream.indirect_vreg.gather [hbm:s2], $0x80, v0, vm1, $0x38;
	[tilespmem:$0x10200] =	vst v63  }
0x46: {  	s11 =	sshll.u32 s11, $0x4;
	_ =	swait.ge [sflag:s4], $0x8000  }
0x47: {  	s11 =	sadd.s32 s11, s7;
	[sflag:s4] =	ssyncset.done $0x0  }
0x48: {  	s15 =	sadd.s32 $0x0, s11;
	s14 =	simm.s32 $0x80;
	[sflag:s4] =	ssyncadd.s32 $0xFFFF8000  }
.LBB2_5:
0x49: {  	[hbm:s15] =	stream.linear.scatter [tilespmem:s12], [sflag:$0x3], $0x400, $0x38;
	[tilespmem:$0x10200] =	vst v63  }
0x4a: {  	s15 =	smov.u32 s14;
	s12 =	smov.u32 s13;
	p1 =	sne.s32 s14, $0xF80  }
.Ltmp4:
0x4b: {  	s14 =	sadd.s32 $0x80, s14;
	(pc) =	sbr.rel @p1 .LBB2_5-.Ltmp4, $2  }
0x4c: {  	_ =	sdelay $0x2  }
0x4d: {  	s13 =	sadd.s32 $0x400, s13;
	s15 =	sadd.s32 s15, s11  }
.Ltmp5:
0x4e: {  	(pc) =	sbr.rel .LBB2_7-.Ltmp5, $2  }
0x4f: {  	_ =	sdelay $0x2  }
0x50: {  	[hbm:s15] =	stream.linear.scatter [tilespmem:s12], [sflag:$0x3], $0x400, $0x38;
	[tilespmem:$0x10200] =	vst v63  }
.LBB2_8:
0x51: {  	_ =	sfence.sel $0x180000  }
0x52: {  	s2 =	simm.s32 $0x2;
	[bflag:$0x0] =	sbarrier.arrive $0xFFFF  }
0x53: {  	s30 =	simm.s32 $0x3;
	[sflag:s2] =	ssyncpa.u1 $0x1  }
0x54: {  	s31 =	simm.s32 $0x1;
	[sflag:s30] =	ssyncpa.u1 $0x1  }
0x55: {  	[sflag:s31] =	ssyncpa.u1 $0x1  }
0x56: {  	p0 =	sne.s32 s1, $0x0;
	_ =	strace $0x90000047  }
0x57: {  	s0 =	sadd.s32 @!p0 $0x100000, s0;
	[bflag:$0x2] =	sbarrier.arrive $0xFFFF  }
0x58: {  	[sflag:s0] =	ssyncadd.tile.s32 @!p0 $0x1;
	_ =	shalt  }
.Lfunc_end2:
_tile_overlayer_lowered:
.L_overlay_start_2:
0x59: {  	(tag) =	ssettag $0x2  }
0x5a: {  	s0 =	rddreg [dreg:$0x0];
	s2 =	stileid.u32  }
0x5b: {  	s1 =	rddreg [dreg:$0x1];
	p0 =	sne.s32 s2, $0x0  }
0x5c: {  	s3 =	rddreg [dreg:$0x2];
	[bflag:$0x3] =	sbarrier.arrive $0xFFFF;
	s2 =	simm.s32 @!p0 $0x1C01  }
0x5d: {  	[timem:s3], [sflag:s2] =	dma.local @!p0 [hbm:s0], s1  }
0x5e: {  	s0 =	simm.s32 @!p0 $0x1  }
0x5f: {  	_ =	swait.ge @!p0 [sflag:s0], s1  }
0x60: {  	s1 =	ssub.s32 @!p0 $0x0, s1;
	[sflag:s0] =	ssyncset.done @!p0 $0x0  }
0x61: {  	[sflag:s0] =	ssyncadd.s32 @!p0 s1  }
0x62: {  	[bflag:$0x3] =	sbarrier.arrive $0xFFFF  }
0x63: {  	_ =	shalt  }

// kernel: kernel.14.cloned.1.call-start
scs
__scs_entry_jumppad:
0x0: {  	(pc) =	sbr.rel $0x88, $3  }
0x1: {  	(tag) =	ssettag $0x0;
	lr =	simm.s32 $0x1  }
0x2: {  	[smem:$0x3F9C] =	sst lr;
	_ =	strace $0xD0000000  }
0x3: {  	_ = 	snop  }
0x4: {  	_ = 	snop  }
0x5: {  	_ = 	snop  }
0x6: {  	_ = 	snop  }
0x7: {  	_ = 	snop  }
__scs_overlays_trampoline_lowered:
0x8: {  	[smem:$0x3FAB] =	sst s0  }
0x9: {  	[smem:$0x3FAC] =	sst s1  }
0xa: {  	[smem:$0x3FAD] =	sst s2  }
0xb: {  	[smem:$0x3FAE] =	sst s3  }
0xc: {  	[smem:$0x3FAF] =	sst s4  }
0xd: {  	[smem:$0x3FB0] =	sst s5  }
0xe: {  	[smem:$0x3FB1] =	sst s6  }
0xf: {  	[smem:$0x3FB2] =	sst s7  }
0x10: {  	[smem:$0x3FB3] =	sst s8  }
0x11: {  	[smem:$0x3FB4] =	sst s9;
	s0 =	simm.s32 @!p0 $0x0  }
0x12: {  	s1 =	sld [smem:$0x3F9A];
	s0 =	simm.s32 @p0 $0x1  }
0x13: {  	[smem:$0x3FB5] =	sst s0;
	s0 =	simm.s32 @!p1 $0x0  }
0x14: {  	s2 =	sld [smem:$0x3F99];
	s0 =	simm.s32 @p1 $0x1  }
0x15: {  	[smem:$0x3FB6] =	sst s0;
	s0 =	simm.s32 @!p2 $0x0  }
0x16: {  	s3 =	sld [smem:$0x3FDB];
	s0 =	simm.s32 @p2 $0x1  }
0x17: {  	s4 =	simm.s32 $0x1BF5;
	[smem:$0x3FB8] =	sst s0  }
0x18: {  	s0 =	sld [smem:$0x3F9B];
	_ =	swait.ge [sflag:s4], $0x0  }
0x19: {  	s7 =	sld [smem:$0x3F9C]  }
0x1a: {  	s8 =	sadd.s32 $0xFFFFE003, lr  }
0x1b: {  	s9 =	sadd.s32 $0xFFFFFEF7, lr;
	s5 =	simm.s32 $0xFFFFFFFF;
	p2 =	slt.u32 s8, $0xFFFFF086  }
0x1c: {  	p1 =	slt.u32 s9, $0xF7A;
	s5 =	simm.s32 @!p2 $0x0  }
0x1d: {  	s5 =	simm.s32 @p1 $0x1;
	p0 =	seq.s32 s7, s2  }
0x1e: {  	s7 =	smul.u32 @!p0 $0xF7A, s2;
	p2 =	seq.s32 @!p0 s5, $0x0  }
0x1f: {  	s9 =	smul.u32 $0xF7A, s1;
	s8 =	simm.s32 @!p0 $0x1BF5;
	p2 =	por !p2, p0  }
0x20: {  	[sflag:s8] =	ssyncset.s32 @!p0 $0xFFFFF086;
	s6 =	sadd.s32 @!p0 s3, s7;
	s7 =	simm.s32 @!p0 $0x108  }
0x21: {  	s3 =	sadd.s32 s3, s9;
	s6 =	sadd.s32 @!p0 $0x88, s6;
	s7 =	simm.s32 @p2 $0x1082  }
0x22: {  	[simem:s7], [sflag:s8] =	dma.local @!p0 [hbm:s6], $0xF7A  }
0x23: {  	s9 =	sor.u32 $0xD0000000, s2;
	s6 =	simm.s32 $0x108;
	_ =	swait.ge @!p0 [sflag:s8], $0x0  }
0x24: {  	s3 =	sadd.s32 $0x88, s3;
	s6 =	simm.s32 @!p1 $0x1082;
	[sflag:s4] =	ssyncset.s32 $0xFFFFF086  }
0x25: {  	[simem:s6], [sflag:s4] =	dma.local [hbm:s3], $0xF7A  }
0x26: {  	[smem:$0x3F9C] =	sst s1;
	(tag) =	ssettag s2;
	_ =	strace s9  }
0x27: {  	s1 =	sld [smem:$0x3FAC]  }
0x28: {  	s2 =	sld [smem:$0x3FAD]  }
0x29: {  	s4 =	sld [smem:$0x3FAF]  }
0x2a: {  	p0 =	seq.s32 s5, $0x0;
	s5 =	sld [smem:$0x3FB0]  }
0x2b: {  	s6 =	sld [smem:$0x3FB1]  }
0x2c: {  	s7 =	sld [smem:$0x3FB2]  }
0x2d: {  	s3 =	simm.s32 $0x108;
	s8 =	sld [smem:$0x3FB3]  }
0x2e: {  	s3 =	simm.s32 @!p0 $0x1082;
	s9 =	sld [smem:$0x3FB4]  }
0x2f: {  	lr =	sadd.s32 s0, s3;
	s0 =	sld [smem:$0x3FAB]  }
0x30: {  	s3 =	sld [smem:$0x3FAE]  }
0x31: {  	[smem:$0x3FB7] =	sst s10  }
0x32: {  	s10 =	sld [smem:$0x3FB5];
	_ =	sdelay $0x3  }
0x33: {  	p0 =	seq.s32 s10, $0x1;
	s10 =	sld [smem:$0x3FB7];
	_ =	sdelay $0x3  }
0x34: {  	[smem:$0x3FB7] =	sst s10  }
0x35: {  	s10 =	sld [smem:$0x3FB6];
	_ =	sdelay $0x3  }
0x36: {  	p1 =	seq.s32 s10, $0x1;
	s10 =	sld [smem:$0x3FB7];
	_ =	sdelay $0x3  }
0x37: {  	[smem:$0x3FB7] =	sst s10  }
0x38: {  	s10 =	sld [smem:$0x3FB8]  }
0x39: {  	_ = 	snop;
	(pc) =	sbr.ind lr, $3  }
0x3a: {  	_ = 	snop  }
0x3b: {  	_ = 	snop  }
0x3c: {  	p2 =	seq.s32 s10, $0x1;
	s10 =	sld [smem:$0x3FB7]  }
0x3d: {  	_ =	shalt  }
0x3e: {  	_ =	shalt  }
0x3f: {  	_ =	shalt  }
0x40: {  	_ =	shalt  }
0x41: {  	_ =	shalt  }
0x42: {  	_ =	shalt  }
0x43: {  	_ =	shalt  }
0x44: {  	_ =	shalt  }
0x45: {  	_ =	shalt  }
0x46: {  	_ =	shalt  }
0x47: {  	_ =	shalt  }
0x48: {  	_ =	shalt  }
0x49: {  	_ =	shalt  }
0x4a: {  	_ =	shalt  }
0x4b: {  	_ =	shalt  }
0x4c: {  	_ =	shalt  }
0x4d: {  	_ =	shalt  }
0x4e: {  	_ =	shalt  }
0x4f: {  	_ =	shalt  }
0x50: {  	_ =	shalt  }
0x51: {  	_ =	shalt  }
0x52: {  	_ =	shalt  }
0x53: {  	_ =	shalt  }
0x54: {  	_ =	shalt  }
0x55: {  	_ =	shalt  }
0x56: {  	_ =	shalt  }
0x57: {  	_ =	shalt  }
0x58: {  	_ =	shalt  }
0x59: {  	_ =	shalt  }
0x5a: {  	_ =	shalt  }
0x5b: {  	_ =	shalt  }
0x5c: {  	_ =	shalt  }
0x5d: {  	_ =	shalt  }
0x5e: {  	_ =	shalt  }
0x5f: {  	_ =	shalt  }
0x60: {  	_ =	shalt  }
0x61: {  	_ =	shalt  }
0x62: {  	_ =	shalt  }
0x63: {  	_ =	shalt  }
0x64: {  	_ =	shalt  }
0x65: {  	_ =	shalt  }
0x66: {  	_ =	shalt  }
0x67: {  	_ =	shalt  }
0x68: {  	_ =	shalt  }
0x69: {  	_ =	shalt  }
0x6a: {  	_ =	shalt  }
0x6b: {  	_ =	shalt  }
0x6c: {  	_ =	shalt  }
0x6d: {  	_ =	shalt  }
0x6e: {  	_ =	shalt  }
0x6f: {  	_ =	shalt  }
0x70: {  	_ =	shalt  }
0x71: {  	_ =	shalt  }
0x72: {  	_ =	shalt  }
0x73: {  	_ =	shalt  }
0x74: {  	_ =	shalt  }
0x75: {  	_ =	shalt  }
0x76: {  	_ =	shalt  }
0x77: {  	_ =	shalt  }
0x78: {  	_ =	shalt  }
0x79: {  	_ =	shalt  }
0x7a: {  	_ =	shalt  }
0x7b: {  	_ =	shalt  }
0x7c: {  	_ =	shalt  }
0x7d: {  	_ =	shalt  }
0x7e: {  	_ =	shalt  }
0x7f: {  	_ =	shalt  }
0x80: {  	_ =	shalt  }
0x81: {  	_ =	shalt  }
0x82: {  	_ =	shalt  }
0x83: {  	_ =	shalt  }
0x84: {  	_ =	shalt  }
0x85: {  	_ =	shalt  }
0x86: {  	_ =	shalt  }
0x87: {  	_ =	shalt  }
.Lfunc_end0:
.L_simem_size_0:
called_computation.2_lowered:
.L_overlay_start_0:
0x88: {  	s2 =	sld [smem:$0x3FD9]  }
0x89: {  	s3 =	sld [smem:$0x3FFE];
	_ =	sdelay $0x1  }
0x8a: {  	s1 =	srdreg.scid  }
0x8b: {  	s0 =	sand.u32 $0x1, s1  }
0x8c: {  	s16 =	sshll.u32 s0, $0xA;
	s2 =	sadd.s32 s3, s2  }
0x8d: {  	s2 =	sadd.s32 s2, s16  }
0x8e: {  	[smem:$0x3FC3] =	sst s2  }
0x8f: {  	_ = 	snop  }
0x90: {  	(tm) =	ssettm $0x1  }
0x91: {  	s17 =	sld [smem:$0x3FFB];
	_ =	sdelay $0x3  }
0x92: {  	_ =	strace s17  }
0x93: {  	s2 =	sld [smem:$0x3FFC];
	_ =	sdelay $0x3  }
0x94: {  	_ =	strace s2  }
0x95: {  	s2 =	sld [smem:$0x3FFD];
	_ =	sdelay $0x3  }
0x96: {  	_ =	strace s2  }
0x97: {  	_ =	strace $0x8FFFFFFF  }
0x98: {  	s18 =	sld [smem:$0x3FDB];
	_ =	sdelay $0x1  }
0x99: {  	s19 =	simm.s32 $_scs_section_size  }
0x9a: {  	s4 =	simm.s32 $_size__tile_overlayer_lowered;
	s5 =	simm.s32 $_tile_overlayer_lowered  }
0x9b: {  	s22 =	simm.s32 $0x1BFF;
	s21 =	sshll.u32 s5, $0x1;
	s2 =	sadd.s32 s19, s18  }
0x9c: {  	s6 =	simm.s32 $0x0;
	s20 =	sshll.u32 s4, $0x1;
	s4 =	sadd.s32 s21, s2  }
0x9d: {  	[timem:s6], [sflag:s22] =	dma.local [hbm:s4], s20  }
0x9e: {  	_ =	swait.ge [sflag:s22], s20  }
0x9f: {  	s3 =	ssub.s32 $0x0, s20;
	[sflag:s22] =	ssyncset.done $0x0  }
0xa0: {  	[sflag:s22] =	ssyncadd.s32 s3;
	_ =	sdelay $0x1  }
0xa1: {  	s23 =	simm.s32 $0x1B8B  }
0xa2: {  	_ =	swait.ge [sflag:s23], $0x1  }
0xa3: {  	[sflag:s23] =	ssyncset.done $0x0  }
0xa4: {  	s25 =	simm.s32 $0x1B8E;
	s24 =	sld [smem:$0x3FFE];
	[sflag:s23] =	ssyncadd.s32 $0xFFFFFFFF  }
0xa5: {  	s26 =	simm.s32 $execute0_lowered;
	[smem:$0x3FD2] =	sst s25  }
0xa6: {  	s4 =	sshll.u32 s26, $0x1;
	_ =	strace $0x8000004C;
	[dreg:$0x1] =	wrdreg $0xFFFFFFFF  }
0xa7: {  	s28 =	simm.s32 $_size_execute0_lowered;
	s2 =	sadd.s32 s2, s4;
	[dreg:$0x0] =	wrdreg $0x0  }
0xa8: {  	s4 =	sshll.u32 s28, $0x1;
	[dreg:$0x2] =	wrdreg s2  }
0xa9: {  	[dreg:$0x3] =	wrdreg s4  }
0xaa: {  	[dreg:$0x4] =	wrdreg $0xC0  }
0xab: {  	_ =	task [dreg:s6], $0x5FFFF  }
0xac: {  	[dreg:$0x1] =	wrdreg $0xFFFFFFFF  }
0xad: {  	[dreg:$0x0] =	wrdreg $0x60  }
0xae: {  	[dreg:$0x2] =	wrdreg s24  }
0xaf: {  	[dreg:$0x3] =	wrdreg $0x9  }
0xb0: {  	_ =	task.clear_ibuf [dreg:s6], $0x4FFFF;
	_ =	strace $0x9000004C  }
0xb1: {  	s29 =	simm.s32 $0x9;
	_ =	strace $0x8000004E  }
0xb2: {  	_ =	swait.ge [sflag:s29], $0x1  }
0xb3: {  	[sflag:s29] =	ssyncadd.s32 $0xFFFFFFFF  }
0xb4: {  	_ =	strace $0x9000004E  }
0xb5: {  	_ =	sfence  }
0xb6: {  	s30 =	sld [smem:$0x0];
	_ =	sdelay $0x2  }
0xb7: {  	s31 =	sshll.u32 s1, $0xD;
	s1 =	sshrl.u32 s1, $0x2  }
0xb8: {  	s3 =	sand.u32 $0x4000, s31;
	s1 =	sadd.s32 s1, s30  }
0xb9: {  	s0 =	sor.u32 s3, s0;
	s1 =	sshll.u32 s1, $0x11  }
0xba: {  	s0 =	sor.u32 s1, s0  }
0xbb: {  	s0 =	sadd.s32 $0x8F2B, s0  }
0xbc: {  	[sflag:s0] =	ssyncadd.remote.s32 $0x1  }
0xbd: {  	_ =	sfence.sel $0xFFFF  }
0xbe: {  	[dreg:$0x0] =	wrdreg $0xFFFFFFFF;
	(pc) =	sbr.abs _section_cstart, $3  }
0xbf: {  	[dreg:$0x1] =	wrdreg $0xFFFFFFFF  }
0xc0: {  	_ =	task.clear_ibuf [dreg:s6], $0x2FFFF;
	_ =	strace $0x9FFFFFFF  }
0xc1: {  	(tm) =	ssettm $0x7FFFFFFF  }
tec
execute0_lowered:
.L_overlay_start_1:
0x0: {  	(tag) =	ssettag $0x1  }
0x1: {  	s5 =	rddreg [dreg:$0x0]  }
0x2: {  	s2 =	srdreg.scid;
	s0 =	rddreg [dreg:$0x1]  }
0x3: {  	s1 =	stileid.u32;
	s16 =	simm.s32 $0x1000;
	s17 =	simm.s32 $0x80  }
0x4: {  	s18 =	simm.s32 $0x1100;
	s19 =	simm.s32 $0x1180;
	s20 =	simm.s32 $0x1  }
0x5: {  	s6 =	sand.u32 $0x1, s2;
	s2 =	simm.s32 $0x0;
	s3 =	sshll.u32 s1, $0x9  }
0x6: {  	s8 =	sadd.s32 $0x200, s5;
	s10 =	sadd.s32 $0x20200, s5;
	s13 =	sadd.s32 $0x102600, s5  }
0x7: {  	s4 =	sshll.u32 s6, $0x8;
	[smem:$0x7FF] =	sst s2;
	s6 =	ssub.s32 $0x2, s6  }
0x8: {  	s7 =	sor.u32 s4, s3;
	_ =	strace $0x8000004D;
	s3 =	sadd.s32 $0x40200, s5  }
0x9: {  	s31 =	sshrl.u32 s6, $0x1;
	s4 =	sshrl.u32 s7, $0x3;
	s12 =	sshll.u32 s7, $0x4  }
0xa: {  	s14 =	ssub.s32 s6, s31;
	s11 =	sadd.s32 s4, s5;
	s4 =	sadd.s32 $0x42600, s5  }
0xb: {  	s15 =	sor.u32 $0x800, s12;
	s6 =	sadd.s32 s8, s12;
	s9 =	sadd.s32 s10, s12  }
0xc: {  	s12 =	sadd.s32 s13, s12;
	s14 =	smax.u32 s14, $0x1;
	s5 =	sadd.s32 $0x42200, s11  }
0xd: {  	s7 =	sadd.s32 s8, s15;
	s8 =	sadd.s32 $0x41E00, s11;
	s10 =	sadd.s32 s10, s15  }
0xe: {  	s11 =	sadd.s32 $0x41A00, s11;
	s13 =	sadd.s32 s13, s15;
	s15 =	simm.s32 $0x2  }
.LBB2_1:
0xf: {  	[tilespmem:s2], [sflag:$0x2] =	stream.linear.gather [hbm4b:s3+s2], $0x1000, $0x38;
	[tilespmem:$0x5180] =	vst v63  }
0x10: {  	_ =	swait.ge [sflag:s15], $0x1000  }
0x11: {  	[sflag:s15] =	ssyncset.done $0x0  }
0x12: {  	[sflag:s15] =	ssyncadd.s32 $0xFFFFF000  }
0x13: {  	[tilespmem:s16], [sflag:$0x2] =	stream.linear.gather [hbm4b:s5+s2], $0x100, $0x38;
	[tilespmem:$0x5180] =	vst v63  }
0x14: {  	_ =	swait.ge [sflag:s15], $0x100  }
0x15: {  	[sflag:s15] =	ssyncset.done $0x0  }
0x16: {  	[sflag:s15] =	ssyncadd.s32 $0xFFFFFF00  }
0x17: {  	v0 =	vld [tilespmem:$0x1000];
	_ =	sdelay $0x5  }
0x18: {  	v1 =	vld [tilespmem:$0x1010];
	_ =	sdelay $0x1  }
0x19: {  	v0 =	vld.idx.msk [tilespmem:v0+s2+$0x0], $0xffff;
	_ =	sdelay $0x3  }
0x1a: {  	v2 =	vld [tilespmem:$0x1020]  }
0x1b: {  	[tilespmem:$0x1100] =	vst v0  }
0x1c: {  	v0 =	vld.idx.msk [tilespmem:v1+s2+$0x0], $0xffff;
	_ =	sdelay $0x3  }
0x1d: {  	v19 =	vld [tilespmem:$0x1030]  }
0x1e: {  	[tilespmem:$0x1110] =	vst v0  }
0x1f: {  	v0 =	vld.idx.msk [tilespmem:v2+s2+$0x0], $0xffff;
	_ =	sdelay $0x3  }
0x20: {  	v20 =	vld [tilespmem:$0x1040]  }
0x21: {  	[tilespmem:$0x1120] =	vst v0  }
0x22: {  	v0 =	vld.idx.msk [tilespmem:v19+s2+$0x0], $0xffff;
	_ =	sdelay $0x3  }
0x23: {  	v21 =	vld [tilespmem:$0x1050]  }
0x24: {  	[tilespmem:$0x1130] =	vst v0  }
0x25: {  	v0 =	vld.idx.msk [tilespmem:v20+s2+$0x0], $0xffff;
	_ =	sdelay $0x3  }
0x26: {  	v22 =	vld [tilespmem:$0x1060]  }
0x27: {  	[tilespmem:$0x1140] =	vst v0  }
0x28: {  	v0 =	vld.idx.msk [tilespmem:v21+s2+$0x0], $0xffff;
	_ =	sdelay $0x3  }
0x29: {  	v23 =	vld [tilespmem:$0x1070]  }
0x2a: {  	[tilespmem:$0x1150] =	vst v0  }
0x2b: {  	v0 =	vld.idx.msk [tilespmem:v22+s2+$0x0], $0xffff;
	_ =	sdelay $0x4  }
0x2c: {  	[tilespmem:$0x1160] =	vst v0  }
0x2d: {  	v0 =	vld.idx.msk [tilespmem:v23+s2+$0x0], $0xffff;
	_ =	sdelay $0x4  }
0x2e: {  	[tilespmem:$0x1170] =	vst v0  }
0x2f: {  	[tilespmem:s19], [sflag:$0x1] =	stream.indirect.gather [hbm4b:s4+s17], $0x80, s18, s17, $0xb8;
	[tilespmem:$0x5180] =	vst v63  }
0x30: {  	_ =	swait.ge [sflag:s20], $0x4000  }
0x31: {  	[sflag:s20] =	ssyncset.done $0x0  }
0x32: {  	[sflag:s20] =	ssyncadd.s32 $0xFFFFC000  }
0x33: {  	[hbm4b:s6+s2] =	stream.linear.scatter [tilespmem:s19], [sflag:$0x2], $0x4000, $0x38;
	[tilespmem:$0x5180] =	vst v63  }
0x34: {  	_ =	swait.ge [sflag:s15], $0x4000  }
0x35: {  	[sflag:s15] =	ssyncset.done $0x0  }
0x36: {  	[sflag:s15] =	ssyncadd.s32 $0xFFFFC000  }
0x37: {  	v24 =	vld [tilespmem:$0x1080];
	_ =	sdelay $0x5  }
0x38: {  	v25 =	vld [tilespmem:$0x1090];
	_ =	sdelay $0x1  }
0x39: {  	v0 =	vld.idx.msk [tilespmem:v24+s2+$0x0], $0xffff;
	_ =	sdelay $0x3  }
0x3a: {  	v26 =	vld [tilespmem:$0x10A0]  }
0x3b: {  	[tilespmem:$0x1100] =	vst v0  }
0x3c: {  	v0 =	vld.idx.msk [tilespmem:v25+s2+$0x0], $0xffff;
	_ =	sdelay $0x3  }
0x3d: {  	v27 =	vld [tilespmem:$0x10B0]  }
0x3e: {  	[tilespmem:$0x1110] =	vst v0  }
0x3f: {  	v0 =	vld.idx.msk [tilespmem:v26+s2+$0x0], $0xffff;
	_ =	sdelay $0x3  }
0x40: {  	v28 =	vld [tilespmem:$0x10C0]  }
0x41: {  	[tilespmem:$0x1120] =	vst v0  }
0x42: {  	v0 =	vld.idx.msk [tilespmem:v27+s2+$0x0], $0xffff;
	_ =	sdelay $0x3  }
0x43: {  	v29 =	vld [tilespmem:$0x10D0]  }
0x44: {  	[tilespmem:$0x1130] =	vst v0  }
0x45: {  	v0 =	vld.idx.msk [tilespmem:v28+s2+$0x0], $0xffff;
	_ =	sdelay $0x3  }
0x46: {  	v30 =	vld [tilespmem:$0x10E0]  }
0x47: {  	[tilespmem:$0x1140] =	vst v0  }
0x48: {  	v0 =	vld.idx.msk [tilespmem:v29+s2+$0x0], $0xffff;
	_ =	sdelay $0x3  }
0x49: {  	v31 =	vld [tilespmem:$0x10F0]  }
0x4a: {  	[tilespmem:$0x1150] =	vst v0  }
0x4b: {  	v0 =	vld.idx.msk [tilespmem:v30+s2+$0x0], $0xffff;
	_ =	sdelay $0x4  }
0x4c: {  	[tilespmem:$0x1160] =	vst v0  }
0x4d: {  	v0 =	vld.idx.msk [tilespmem:v31+s2+$0x0], $0xffff;
	_ =	sdelay $0x4  }
0x4e: {  	[tilespmem:$0x1170] =	vst v0  }
0x4f: {  	[tilespmem:s19], [sflag:$0x1] =	stream.indirect.gather [hbm4b:s4+s17], $0x80, s18, s17, $0xb8;
	[tilespmem:$0x5180] =	vst v63  }
0x50: {  	_ =	swait.ge [sflag:s20], $0x4000  }
0x51: {  	[sflag:s20] =	ssyncset.done $0x0  }
0x52: {  	[sflag:s20] =	ssyncadd.s32 $0xFFFFC000  }
0x53: {  	[hbm4b:s7+s2] =	stream.linear.scatter [tilespmem:s19], [sflag:$0x2], $0x4000, $0x38;
	[tilespmem:$0x5180] =	vst v63  }
0x54: {  	_ =	swait.ge [sflag:s15], $0x4000  }
0x55: {  	[sflag:s15] =	ssyncset.done $0x0  }
0x56: {  	[sflag:s15] =	ssyncadd.s32 $0xFFFFC000  }
0x57: {  	[tilespmem:s16], [sflag:$0x2] =	stream.linear.gather [hbm4b:s8+s2], $0x100, $0x38;
	[tilespmem:$0x5180] =	vst v63  }
0x58: {  	_ =	swait.ge [sflag:s15], $0x100  }
0x59: {  	[sflag:s15] =	ssyncset.done $0x0  }
0x5a: {  	[sflag:s15] =	ssyncadd.s32 $0xFFFFFF00  }
0x5b: {  	v32 =	vld [tilespmem:$0x1000];
	_ =	sdelay $0x5  }
0x5c: {  	v33 =	vld [tilespmem:$0x1010];
	_ =	sdelay $0x1  }
0x5d: {  	v0 =	vld.idx.msk [tilespmem:v32+s2+$0x0], $0xffff;
	_ =	sdelay $0x3  }
0x5e: {  	v34 =	vld [tilespmem:$0x1020]  }
0x5f: {  	[tilespmem:$0x1100] =	vst v0  }
0x60: {  	v0 =	vld.idx.msk [tilespmem:v33+s2+$0x0], $0xffff;
	_ =	sdelay $0x3  }
0x61: {  	v35 =	vld [tilespmem:$0x1030]  }
0x62: {  	[tilespmem:$0x1110] =	vst v0  }
0x63: {  	v0 =	vld.idx.msk [tilespmem:v34+s2+$0x0], $0xffff;
	_ =	sdelay $0x3  }
0x64: {  	v36 =	vld [tilespmem:$0x1040]  }
0x65: {  	[tilespmem:$0x1120] =	vst v0  }
0x66: {  	v0 =	vld.idx.msk [tilespmem:v35+s2+$0x0], $0xffff;
	_ =	sdelay $0x3  }
0x67: {  	v37 =	vld [tilespmem:$0x1050]  }
0x68: {  	[tilespmem:$0x1130] =	vst v0  }
0x69: {  	v0 =	vld.idx.msk [tilespmem:v36+s2+$0x0], $0xffff;
	_ =	sdelay $0x3  }
0x6a: {  	v38 =	vld [tilespmem:$0x1060]  }
0x6b: {  	[tilespmem:$0x1140] =	vst v0  }
0x6c: {  	v0 =	vld.idx.msk [tilespmem:v37+s2+$0x0], $0xffff;
	_ =	sdelay $0x3  }
0x6d: {  	v39 =	vld [tilespmem:$0x1070]  }
0x6e: {  	[tilespmem:$0x1150] =	vst v0  }
0x6f: {  	v0 =	vld.idx.msk [tilespmem:v38+s2+$0x0], $0xffff;
	_ =	sdelay $0x4  }
0x70: {  	[tilespmem:$0x1160] =	vst v0  }
0x71: {  	v0 =	vld.idx.msk [tilespmem:v39+s2+$0x0], $0xffff;
	_ =	sdelay $0x4  }
0x72: {  	[tilespmem:$0x1170] =	vst v0  }
0x73: {  	[tilespmem:s19], [sflag:$0x1] =	stream.indirect.gather [hbm4b:s4+s17], $0x80, s18, s17, $0xb8;
	[tilespmem:$0x5180] =	vst v63  }
0x74: {  	_ =	swait.ge [sflag:s20], $0x4000  }
0x75: {  	[sflag:s20] =	ssyncset.done $0x0  }
0x76: {  	[sflag:s20] =	ssyncadd.s32 $0xFFFFC000  }
0x77: {  	[hbm4b:s9+s2] =	stream.linear.scatter [tilespmem:s19], [sflag:$0x2], $0x4000, $0x38;
	[tilespmem:$0x5180] =	vst v63  }
0x78: {  	_ =	swait.ge [sflag:s15], $0x4000  }
0x79: {  	[sflag:s15] =	ssyncset.done $0x0  }
0x7a: {  	[sflag:s15] =	ssyncadd.s32 $0xFFFFC000  }
0x7b: {  	v40 =	vld [tilespmem:$0x1080];
	_ =	sdelay $0x5  }
0x7c: {  	v41 =	vld [tilespmem:$0x1090];
	_ =	sdelay $0x1  }
0x7d: {  	v0 =	vld.idx.msk [tilespmem:v40+s2+$0x0], $0xffff;
	_ =	sdelay $0x3  }
0x7e: {  	v42 =	vld [tilespmem:$0x10A0]  }
0x7f: {  	[tilespmem:$0x1100] =	vst v0  }
0x80: {  	v0 =	vld.idx.msk [tilespmem:v41+s2+$0x0], $0xffff;
	_ =	sdelay $0x3  }
0x81: {  	v43 =	vld [tilespmem:$0x10B0]  }
0x82: {  	[tilespmem:$0x1110] =	vst v0  }
0x83: {  	v0 =	vld.idx.msk [tilespmem:v42+s2+$0x0], $0xffff;
	_ =	sdelay $0x3  }
0x84: {  	v44 =	vld [tilespmem:$0x10C0]  }
0x85: {  	[tilespmem:$0x1120] =	vst v0  }
0x86: {  	v0 =	vld.idx.msk [tilespmem:v43+s2+$0x0], $0xffff;
	_ =	sdelay $0x3  }
0x87: {  	v45 =	vld [tilespmem:$0x10D0]  }
0x88: {  	[tilespmem:$0x1130] =	vst v0  }
0x89: {  	v0 =	vld.idx.msk [tilespmem:v44+s2+$0x0], $0xffff;
	_ =	sdelay $0x3  }
0x8a: {  	v46 =	vld [tilespmem:$0x10E0]  }
0x8b: {  	[tilespmem:$0x1140] =	vst v0  }
0x8c: {  	v0 =	vld.idx.msk [tilespmem:v45+s2+$0x0], $0xffff;
	_ =	sdelay $0x3  }
0x8d: {  	v47 =	vld [tilespmem:$0x10F0]  }
0x8e: {  	[tilespmem:$0x1150] =	vst v0  }
0x8f: {  	v0 =	vld.idx.msk [tilespmem:v46+s2+$0x0], $0xffff;
	_ =	sdelay $0x4  }
0x90: {  	[tilespmem:$0x1160] =	vst v0  }
0x91: {  	v0 =	vld.idx.msk [tilespmem:v47+s2+$0x0], $0xffff;
	_ =	sdelay $0x4  }
0x92: {  	[tilespmem:$0x1170] =	vst v0  }
0x93: {  	[tilespmem:s19], [sflag:$0x1] =	stream.indirect.gather [hbm4b:s4+s17], $0x80, s18, s17, $0xb8;
	[tilespmem:$0x5180] =	vst v63  }
0x94: {  	_ =	swait.ge [sflag:s20], $0x4000  }
0x95: {  	[sflag:s20] =	ssyncset.done $0x0  }
0x96: {  	[sflag:s20] =	ssyncadd.s32 $0xFFFFC000  }
0x97: {  	[hbm4b:s10+s2] =	stream.linear.scatter [tilespmem:s19], [sflag:$0x2], $0x4000, $0x38;
	[tilespmem:$0x5180] =	vst v63  }
0x98: {  	_ =	swait.ge [sflag:s15], $0x4000  }
0x99: {  	[sflag:s15] =	ssyncset.done $0x0  }
0x9a: {  	[sflag:s15] =	ssyncadd.s32 $0xFFFFC000  }
0x9b: {  	[tilespmem:s16], [sflag:$0x2] =	stream.linear.gather [hbm4b:s11+s2], $0x100, $0x38;
	[tilespmem:$0x5180] =	vst v63  }
0x9c: {  	_ =	swait.ge [sflag:s15], $0x100  }
0x9d: {  	[sflag:s15] =	ssyncset.done $0x0  }
0x9e: {  	[sflag:s15] =	ssyncadd.s32 $0xFFFFFF00  }
0x9f: {  	v48 =	vld [tilespmem:$0x1000];
	_ =	sdelay $0x5  }
0xa0: {  	v49 =	vld [tilespmem:$0x1010];
	_ =	sdelay $0x1  }
0xa1: {  	v0 =	vld.idx.msk [tilespmem:v48+s2+$0x0], $0xffff;
	_ =	sdelay $0x3  }
0xa2: {  	v50 =	vld [tilespmem:$0x1020]  }
0xa3: {  	[tilespmem:$0x1100] =	vst v0  }
0xa4: {  	v0 =	vld.idx.msk [tilespmem:v49+s2+$0x0], $0xffff;
	_ =	sdelay $0x3  }
0xa5: {  	v51 =	vld [tilespmem:$0x1030]  }
0xa6: {  	[tilespmem:$0x1110] =	vst v0  }
0xa7: {  	v0 =	vld.idx.msk [tilespmem:v50+s2+$0x0], $0xffff;
	_ =	sdelay $0x3  }
0xa8: {  	v52 =	vld [tilespmem:$0x1040]  }
0xa9: {  	[tilespmem:$0x1120] =	vst v0  }
0xaa: {  	v0 =	vld.idx.msk [tilespmem:v51+s2+$0x0], $0xffff;
	_ =	sdelay $0x3  }
0xab: {  	v53 =	vld [tilespmem:$0x1050]  }
0xac: {  	[tilespmem:$0x1130] =	vst v0  }
0xad: {  	v0 =	vld.idx.msk [tilespmem:v52+s2+$0x0], $0xffff;
	_ =	sdelay $0x3  }
0xae: {  	v54 =	vld [tilespmem:$0x1060]  }
0xaf: {  	[tilespmem:$0x1140] =	vst v0  }
0xb0: {  	v0 =	vld.idx.msk [tilespmem:v53+s2+$0x0], $0xffff;
	_ =	sdelay $0x3  }
0xb1: {  	v55 =	vld [tilespmem:$0x1070]  }
0xb2: {  	[tilespmem:$0x1150] =	vst v0  }
0xb3: {  	v0 =	vld.idx.msk [tilespmem:v54+s2+$0x0], $0xffff;
	_ =	sdelay $0x4  }
0xb4: {  	[tilespmem:$0x1160] =	vst v0  }
0xb5: {  	v0 =	vld.idx.msk [tilespmem:v55+s2+$0x0], $0xffff;
	_ =	sdelay $0x4  }
0xb6: {  	[tilespmem:$0x1170] =	vst v0  }
0xb7: {  	[tilespmem:s19], [sflag:$0x1] =	stream.indirect.gather [hbm4b:s4+s17], $0x80, s18, s17, $0xb8;
	[tilespmem:$0x5180] =	vst v63  }
0xb8: {  	_ =	swait.ge [sflag:s20], $0x4000  }
0xb9: {  	[sflag:s20] =	ssyncset.done $0x0  }
0xba: {  	[sflag:s20] =	ssyncadd.s32 $0xFFFFC000  }
0xbb: {  	[hbm4b:s12+s2] =	stream.linear.scatter [tilespmem:s19], [sflag:$0x2], $0x4000, $0x38;
	[tilespmem:$0x5180] =	vst v63  }
0xbc: {  	_ =	swait.ge [sflag:s15], $0x4000  }
0xbd: {  	[sflag:s15] =	ssyncset.done $0x0  }
0xbe: {  	[sflag:s15] =	ssyncadd.s32 $0xFFFFC000  }
0xbf: {  	v56 =	vld [tilespmem:$0x1080];
	_ =	sdelay $0x5  }
0xc0: {  	v57 =	vld [tilespmem:$0x1090];
	_ =	sdelay $0x1  }
0xc1: {  	v0 =	vld.idx.msk [tilespmem:v56+s2+$0x0], $0xffff;
	_ =	sdelay $0x3  }
0xc2: {  	v58 =	vld [tilespmem:$0x10A0]  }
0xc3: {  	[tilespmem:$0x1100] =	vst v0  }
0xc4: {  	v0 =	vld.idx.msk [tilespmem:v57+s2+$0x0], $0xffff;
	_ =	sdelay $0x3  }
0xc5: {  	v59 =	vld [tilespmem:$0x10B0]  }
0xc6: {  	[tilespmem:$0x1110] =	vst v0  }
0xc7: {  	v0 =	vld.idx.msk [tilespmem:v58+s2+$0x0], $0xffff;
	_ =	sdelay $0x3  }
0xc8: {  	v60 =	vld [tilespmem:$0x10C0]  }
0xc9: {  	[tilespmem:$0x1120] =	vst v0  }
0xca: {  	v0 =	vld.idx.msk [tilespmem:v59+s2+$0x0], $0xffff;
	_ =	sdelay $0x3  }
0xcb: {  	v61 =	vld [tilespmem:$0x10D0]  }
0xcc: {  	[tilespmem:$0x1130] =	vst v0  }
0xcd: {  	v0 =	vld.idx.msk [tilespmem:v60+s2+$0x0], $0xffff;
	_ =	sdelay $0x3  }
0xce: {  	v62 =	vld [tilespmem:$0x10E0]  }
0xcf: {  	[tilespmem:$0x1140] =	vst v0  }
0xd0: {  	v0 =	vld.idx.msk [tilespmem:v61+s2+$0x0], $0xffff;
	_ =	sdelay $0x3  }
0xd1: {  	v63 =	vld [tilespmem:$0x10F0]  }
0xd2: {  	[tilespmem:$0x1150] =	vst v0  }
0xd3: {  	v0 =	vld.idx.msk [tilespmem:v62+s2+$0x0], $0xffff;
	_ =	sdelay $0x4  }
0xd4: {  	[tilespmem:$0x1160] =	vst v0  }
0xd5: {  	v0 =	vld.idx.msk [tilespmem:v63+s2+$0x0], $0xffff;
	_ =	sdelay $0x4  }
0xd6: {  	[tilespmem:$0x1170] =	vst v0  }
0xd7: {  	[tilespmem:s19], [sflag:$0x1] =	stream.indirect.gather [hbm4b:s4+s17], $0x80, s18, s17, $0xb8;
	[tilespmem:$0x5180] =	vst v63  }
0xd8: {  	_ =	swait.ge [sflag:s20], $0x4000  }
0xd9: {  	p0 =	sne.s32 s14, $0x1;
	[sflag:s20] =	ssyncset.done $0x0  }
.Ltmp0:
0xda: {  	[sflag:s20] =	ssyncadd.s32 $0xFFFFC000;
	(pc) =	sbr.rel @p0 .LBB2_1-.Ltmp0, $4  }
0xdb: {  	[hbm4b:s13+s2] =	stream.linear.scatter [tilespmem:s19], [sflag:$0x2], $0x4000, $0x38;
	[tilespmem:$0x5180] =	vst v63  }
0xdc: {  	_ =	swait.ge [sflag:s15], $0x4000  }
0xdd: {  	[sflag:s15] =	ssyncset.done $0x0  }
0xde: {  	s14 =	sadd.s32 $0xFFFFFFFF, s14;
	[sflag:s15] =	ssyncadd.s32 $0xFFFFC000  }
0xdf: {  	_ =	sfence.sel $0x180000  }
0xe0: {  	[bflag:$0x0] =	sbarrier.arrive $0xFFFF  }
0xe1: {  	p0 =	sne.s32 s1, $0x0;
	_ =	strace $0x9000004D  }
0xe2: {  	s0 =	sadd.s32 @!p0 $0x100000, s0;
	[bflag:$0x2] =	sbarrier.arrive $0xFFFF  }
0xe3: {  	[sflag:s0] =	ssyncadd.tile.s32 @!p0 $0x1;
	_ =	shalt  }
.Lfunc_end2:
_tile_overlayer_lowered:
.L_overlay_start_2:
0xe4: {  	(tag) =	ssettag $0x2  }
0xe5: {  	s0 =	rddreg [dreg:$0x0];
	s2 =	stileid.u32  }
0xe6: {  	s1 =	rddreg [dreg:$0x1];
	p0 =	sne.s32 s2, $0x0  }
0xe7: {  	s3 =	rddreg [dreg:$0x2];
	[bflag:$0x3] =	sbarrier.arrive $0xFFFF;
	s2 =	simm.s32 @!p0 $0x1C02  }
0xe8: {  	[timem:s3], [sflag:s2] =	dma.local @!p0 [hbm:s0], s1  }
0xe9: {  	s0 =	simm.s32 @!p0 $0x2  }
0xea: {  	_ =	swait.ge @!p0 [sflag:s0], s1  }
0xeb: {  	s1 =	ssub.s32 @!p0 $0x0, s1;
	[sflag:s0] =	ssyncset.done @!p0 $0x0  }
0xec: {  	[sflag:s0] =	ssyncadd.s32 @!p0 s1  }
0xed: {  	[bflag:$0x3] =	sbarrier.arrive $0xFFFF  }
0xee: {  	_ =	shalt  }

// kernel: kernel.17.cloned.1.call-start
scs
__scs_entry_jumppad:
0x0: {  	(pc) =	sbr.rel $0x88, $3  }
0x1: {  	(tag) =	ssettag $0x0;
	lr =	simm.s32 $0x1  }
0x2: {  	[smem:$0x3F9C] =	sst lr;
	_ =	strace $0xD0000000  }
0x3: {  	_ = 	snop  }
0x4: {  	_ = 	snop  }
0x5: {  	_ = 	snop  }
0x6: {  	_ = 	snop  }
0x7: {  	_ = 	snop  }
__scs_overlays_trampoline_lowered:
0x8: {  	[smem:$0x3FAB] =	sst s0  }
0x9: {  	[smem:$0x3FAC] =	sst s1  }
0xa: {  	[smem:$0x3FAD] =	sst s2  }
0xb: {  	[smem:$0x3FAE] =	sst s3  }
0xc: {  	[smem:$0x3FAF] =	sst s4  }
0xd: {  	[smem:$0x3FB0] =	sst s5  }
0xe: {  	[smem:$0x3FB1] =	sst s6  }
0xf: {  	[smem:$0x3FB2] =	sst s7  }
0x10: {  	[smem:$0x3FB3] =	sst s8  }
0x11: {  	[smem:$0x3FB4] =	sst s9;
	s0 =	simm.s32 @!p0 $0x0  }
0x12: {  	s1 =	sld [smem:$0x3F9A];
	s0 =	simm.s32 @p0 $0x1  }
0x13: {  	[smem:$0x3FB5] =	sst s0;
	s0 =	simm.s32 @!p1 $0x0  }
0x14: {  	s2 =	sld [smem:$0x3F99];
	s0 =	simm.s32 @p1 $0x1  }
0x15: {  	[smem:$0x3FB6] =	sst s0;
	s0 =	simm.s32 @!p2 $0x0  }
0x16: {  	s3 =	sld [smem:$0x3FDB];
	s0 =	simm.s32 @p2 $0x1  }
0x17: {  	s4 =	simm.s32 $0x1BF5;
	[smem:$0x3FB8] =	sst s0  }
0x18: {  	s0 =	sld [smem:$0x3F9B];
	_ =	swait.ge [sflag:s4], $0x0  }
0x19: {  	s7 =	sld [smem:$0x3F9C]  }
0x1a: {  	s8 =	sadd.s32 $0xFFFFE003, lr  }
0x1b: {  	s9 =	sadd.s32 $0xFFFFFEF7, lr;
	s5 =	simm.s32 $0xFFFFFFFF;
	p2 =	slt.u32 s8, $0xFFFFF086  }
0x1c: {  	p1 =	slt.u32 s9, $0xF7A;
	s5 =	simm.s32 @!p2 $0x0  }
0x1d: {  	s5 =	simm.s32 @p1 $0x1;
	p0 =	seq.s32 s7, s2  }
0x1e: {  	s7 =	smul.u32 @!p0 $0xF7A, s2;
	p2 =	seq.s32 @!p0 s5, $0x0  }
0x1f: {  	s9 =	smul.u32 $0xF7A, s1;
	s8 =	simm.s32 @!p0 $0x1BF5;
	p2 =	por !p2, p0  }
0x20: {  	[sflag:s8] =	ssyncset.s32 @!p0 $0xFFFFF086;
	s6 =	sadd.s32 @!p0 s3, s7;
	s7 =	simm.s32 @!p0 $0x108  }
0x21: {  	s3 =	sadd.s32 s3, s9;
	s6 =	sadd.s32 @!p0 $0x88, s6;
	s7 =	simm.s32 @p2 $0x1082  }
0x22: {  	[simem:s7], [sflag:s8] =	dma.local @!p0 [hbm:s6], $0xF7A  }
0x23: {  	s9 =	sor.u32 $0xD0000000, s2;
	s6 =	simm.s32 $0x108;
	_ =	swait.ge @!p0 [sflag:s8], $0x0  }
0x24: {  	s3 =	sadd.s32 $0x88, s3;
	s6 =	simm.s32 @!p1 $0x1082;
	[sflag:s4] =	ssyncset.s32 $0xFFFFF086  }
0x25: {  	[simem:s6], [sflag:s4] =	dma.local [hbm:s3], $0xF7A  }
0x26: {  	[smem:$0x3F9C] =	sst s1;
	(tag) =	ssettag s2;
	_ =	strace s9  }
0x27: {  	s1 =	sld [smem:$0x3FAC]  }
0x28: {  	s2 =	sld [smem:$0x3FAD]  }
0x29: {  	s4 =	sld [smem:$0x3FAF]  }
0x2a: {  	p0 =	seq.s32 s5, $0x0;
	s5 =	sld [smem:$0x3FB0]  }
0x2b: {  	s6 =	sld [smem:$0x3FB1]  }
0x2c: {  	s7 =	sld [smem:$0x3FB2]  }
0x2d: {  	s3 =	simm.s32 $0x108;
	s8 =	sld [smem:$0x3FB3]  }
0x2e: {  	s3 =	simm.s32 @!p0 $0x1082;
	s9 =	sld [smem:$0x3FB4]  }
0x2f: {  	lr =	sadd.s32 s0, s3;
	s0 =	sld [smem:$0x3FAB]  }
0x30: {  	s3 =	sld [smem:$0x3FAE]  }
0x31: {  	[smem:$0x3FB7] =	sst s10  }
0x32: {  	s10 =	sld [smem:$0x3FB5];
	_ =	sdelay $0x3  }
0x33: {  	p0 =	seq.s32 s10, $0x1;
	s10 =	sld [smem:$0x3FB7];
	_ =	sdelay $0x3  }
0x34: {  	[smem:$0x3FB7] =	sst s10  }
0x35: {  	s10 =	sld [smem:$0x3FB6];
	_ =	sdelay $0x3  }
0x36: {  	p1 =	seq.s32 s10, $0x1;
	s10 =	sld [smem:$0x3FB7];
	_ =	sdelay $0x3  }
0x37: {  	[smem:$0x3FB7] =	sst s10  }
0x38: {  	s10 =	sld [smem:$0x3FB8]  }
0x39: {  	_ = 	snop;
	(pc) =	sbr.ind lr, $3  }
0x3a: {  	_ = 	snop  }
0x3b: {  	_ = 	snop  }
0x3c: {  	p2 =	seq.s32 s10, $0x1;
	s10 =	sld [smem:$0x3FB7]  }
0x3d: {  	_ =	shalt  }
0x3e: {  	_ =	shalt  }
0x3f: {  	_ =	shalt  }
0x40: {  	_ =	shalt  }
0x41: {  	_ =	shalt  }
0x42: {  	_ =	shalt  }
0x43: {  	_ =	shalt  }
0x44: {  	_ =	shalt  }
0x45: {  	_ =	shalt  }
0x46: {  	_ =	shalt  }
0x47: {  	_ =	shalt  }
0x48: {  	_ =	shalt  }
0x49: {  	_ =	shalt  }
0x4a: {  	_ =	shalt  }
0x4b: {  	_ =	shalt  }
0x4c: {  	_ =	shalt  }
0x4d: {  	_ =	shalt  }
0x4e: {  	_ =	shalt  }
0x4f: {  	_ =	shalt  }
0x50: {  	_ =	shalt  }
0x51: {  	_ =	shalt  }
0x52: {  	_ =	shalt  }
0x53: {  	_ =	shalt  }
0x54: {  	_ =	shalt  }
0x55: {  	_ =	shalt  }
0x56: {  	_ =	shalt  }
0x57: {  	_ =	shalt  }
0x58: {  	_ =	shalt  }
0x59: {  	_ =	shalt  }
0x5a: {  	_ =	shalt  }
0x5b: {  	_ =	shalt  }
0x5c: {  	_ =	shalt  }
0x5d: {  	_ =	shalt  }
0x5e: {  	_ =	shalt  }
0x5f: {  	_ =	shalt  }
0x60: {  	_ =	shalt  }
0x61: {  	_ =	shalt  }
0x62: {  	_ =	shalt  }
0x63: {  	_ =	shalt  }
0x64: {  	_ =	shalt  }
0x65: {  	_ =	shalt  }
0x66: {  	_ =	shalt  }
0x67: {  	_ =	shalt  }
0x68: {  	_ =	shalt  }
0x69: {  	_ =	shalt  }
0x6a: {  	_ =	shalt  }
0x6b: {  	_ =	shalt  }
0x6c: {  	_ =	shalt  }
0x6d: {  	_ =	shalt  }
0x6e: {  	_ =	shalt  }
0x6f: {  	_ =	shalt  }
0x70: {  	_ =	shalt  }
0x71: {  	_ =	shalt  }
0x72: {  	_ =	shalt  }
0x73: {  	_ =	shalt  }
0x74: {  	_ =	shalt  }
0x75: {  	_ =	shalt  }
0x76: {  	_ =	shalt  }
0x77: {  	_ =	shalt  }
0x78: {  	_ =	shalt  }
0x79: {  	_ =	shalt  }
0x7a: {  	_ =	shalt  }
0x7b: {  	_ =	shalt  }
0x7c: {  	_ =	shalt  }
0x7d: {  	_ =	shalt  }
0x7e: {  	_ =	shalt  }
0x7f: {  	_ =	shalt  }
0x80: {  	_ =	shalt  }
0x81: {  	_ =	shalt  }
0x82: {  	_ =	shalt  }
0x83: {  	_ =	shalt  }
0x84: {  	_ =	shalt  }
0x85: {  	_ =	shalt  }
0x86: {  	_ =	shalt  }
0x87: {  	_ =	shalt  }
.Lfunc_end0:
.L_simem_size_0:
called_computation.3_lowered:
.L_overlay_start_0:
0x88: {  	s2 =	sld [smem:$0x3FD9]  }
0x89: {  	s3 =	sld [smem:$0x3FFE];
	_ =	sdelay $0x1  }
0x8a: {  	s1 =	srdreg.scid  }
0x8b: {  	s0 =	sand.u32 $0x1, s1  }
0x8c: {  	s17 =	sshll.u32 s0, $0xA;
	s2 =	sadd.s32 s3, s2  }
0x8d: {  	s2 =	sadd.s32 s2, s17  }
0x8e: {  	[smem:$0x3FC3] =	sst s2  }
0x8f: {  	_ = 	snop  }
0x90: {  	(tm) =	ssettm $0x1  }
0x91: {  	s18 =	sld [smem:$0x3FFB];
	_ =	sdelay $0x3  }
0x92: {  	_ =	strace s18  }
0x93: {  	s2 =	sld [smem:$0x3FFC];
	_ =	sdelay $0x3  }
0x94: {  	_ =	strace s2  }
0x95: {  	s2 =	sld [smem:$0x3FFD];
	_ =	sdelay $0x3  }
0x96: {  	_ =	strace s2  }
0x97: {  	_ =	strace $0x8FFFFFFF  }
0x98: {  	s19 =	sld [smem:$0x3FDB];
	_ =	sdelay $0x1  }
0x99: {  	s20 =	simm.s32 $_scs_section_size  }
0x9a: {  	s4 =	simm.s32 $_size__tile_overlayer_lowered;
	s5 =	simm.s32 $_tile_overlayer_lowered  }
0x9b: {  	s6 =	simm.s32 $0x1BFF;
	s21 =	sshll.u32 s5, $0x1;
	s3 =	sadd.s32 s20, s19  }
0x9c: {  	s22 =	simm.s32 $0x0;
	s4 =	sshll.u32 s4, $0x1;
	s5 =	sadd.s32 s21, s3  }
0x9d: {  	[timem:s22], [sflag:s6] =	dma.local [hbm:s5], s4  }
0x9e: {  	_ =	swait.ge [sflag:s6], s4  }
0x9f: {  	s4 =	ssub.s32 $0x0, s4;
	[sflag:s6] =	ssyncset.done $0x0  }
0xa0: {  	[sflag:s6] =	ssyncadd.s32 s4;
	_ =	sdelay $0x1  }
0xa1: {  	s23 =	simm.s32 $0x1B8B  }
0xa2: {  	_ =	swait.ge [sflag:s23], $0x1  }
0xa3: {  	[sflag:s23] =	ssyncset.done $0x0  }
0xa4: {  	[sflag:s23] =	ssyncadd.s32 $0xFFFFFFFF  }
0xa5: {  	s4 =	sld [smem:$0x0]  }
0xa6: {  	s5 =	sand.u32 $0xFFFFFFFE, s1  }
0xa7: {  	p0 =	sne.s32 s1, s5  }
0xa8: {  	s5 =	sshll.u32 @p0 s5, $0xE  }
0xa9: {  	s5 =	sadd.s32 @p0 $0x11B8D, s5;
	s6 =	sshll.u32 @p0 s4, $0x11  }
0xaa: {  	s5 =	sor.u32 @p0 s6, s5  }
0xab: {  	[sflag:s5] =	ssyncadd.remote.s32 @p0 $0x1;
	_ =	sdelay $0x1  }
0xac: {  	s5 =	simm.s32 @p0 $0x1B8D  }
0xad: {  	_ =	swait.eq @p0 [sflag:s5], $0x1  }
0xae: {  	[sflag:s5] =	ssyncadd.s32 @p0 $0xFFFFFFFF  }
0xaf: {  	s6 =	sshll.u32 @!p0 s1, $0xE  }
0xb0: {  	s6 =	sor.u32 @!p0 $0x4000, s6;
	s5 =	simm.s32 @!p0 $0x1B8D  }
0xb1: {  	s4 =	sshll.u32 @!p0 s4, $0x11;
	s6 =	sadd.s32 @!p0 $0x11B8D, s6;
	_ =	swait.eq @!p0 [sflag:s5], $0x1  }
0xb2: {  	s4 =	sor.u32 @!p0 s4, s6;
	[sflag:s5] =	ssyncadd.s32 @!p0 $0xFFFFFFFF  }
0xb3: {  	s25 =	simm.s32 $0x1B8E;
	s24 =	sld [smem:$0x3FFE];
	[sflag:s4] =	ssyncadd.remote.s32 @!p0 $0x1  }
0xb4: {  	s26 =	simm.s32 $execute0_lowered;
	[smem:$0x3FD2] =	sst s25  }
0xb5: {  	s5 =	sshll.u32 s26, $0x1;
	_ =	strace $0x8000004F;
	[dreg:$0x1] =	wrdreg $0xFFFFFFFF  }
0xb6: {  	s28 =	simm.s32 $_size_execute0_lowered;
	s3 =	sadd.s32 s3, s5;
	[dreg:$0x0] =	wrdreg $0x0  }
0xb7: {  	s5 =	sshll.u32 s28, $0x1;
	[dreg:$0x2] =	wrdreg s3  }
0xb8: {  	[dreg:$0x3] =	wrdreg s5  }
0xb9: {  	[dreg:$0x4] =	wrdreg $0xC0  }
0xba: {  	_ =	task [dreg:s22], $0x5FFFF  }
0xbb: {  	[dreg:$0x1] =	wrdreg $0xFFFFFFFF  }
0xbc: {  	[dreg:$0x0] =	wrdreg $0x60  }
0xbd: {  	[dreg:$0x2] =	wrdreg s24  }
0xbe: {  	[dreg:$0x3] =	wrdreg $0xA  }
0xbf: {  	_ =	task.clear_ibuf [dreg:s22], $0x4FFFF;
	_ =	strace $0x9000004F  }
0xc0: {  	s29 =	simm.s32 $0xA;
	_ =	strace $0x80000051  }
0xc1: {  	_ =	swait.ge [sflag:s29], $0x1  }
0xc2: {  	[sflag:s29] =	ssyncadd.s32 $0xFFFFFFFF  }
0xc3: {  	_ =	strace $0x90000051  }
0xc4: {  	_ =	sfence  }
0xc5: {  	s30 =	sld [smem:$0x0];
	_ =	sdelay $0x2  }
0xc6: {  	s31 =	sshll.u32 s1, $0xD;
	s1 =	sshrl.u32 s1, $0x2  }
0xc7: {  	s4 =	sand.u32 $0x4000, s31;
	s1 =	sadd.s32 s1, s30  }
0xc8: {  	s0 =	sor.u32 s4, s0;
	s1 =	sshll.u32 s1, $0x11  }
0xc9: {  	s0 =	sor.u32 s1, s0  }
0xca: {  	s0 =	sadd.s32 $0x8F2B, s0  }
0xcb: {  	[sflag:s0] =	ssyncadd.remote.s32 $0x1  }
0xcc: {  	_ =	sfence.sel $0xFFFF  }
0xcd: {  	[dreg:$0x0] =	wrdreg $0xFFFFFFFF;
	(pc) =	sbr.abs _section_cstart, $3  }
0xce: {  	[dreg:$0x1] =	wrdreg $0xFFFFFFFF  }
0xcf: {  	_ =	task.clear_ibuf [dreg:s22], $0x2FFFF;
	_ =	strace $0x9FFFFFFF  }
0xd0: {  	(tm) =	ssettm $0x7FFFFFFF  }
0xd1: {  	_ =	shalt  }
tec
execute0_lowered:
.L_overlay_start_1:
0x0: {  	(tag) =	ssettag $0x1  }
0x1: {  	s5 =	rddreg [dreg:$0x0]  }
0x2: {  	s2 =	srdreg.scid;
	s0 =	rddreg [dreg:$0x1]  }
0x3: {  	s1 =	stileid.u32;
	s16 =	simm.s32 $0x1000;
	s17 =	simm.s32 $0x80  }
0x4: {  	s18 =	simm.s32 $0x1100;
	s19 =	simm.s32 $0x1180;
	s20 =	simm.s32 $0x1  }
0x5: {  	s6 =	sand.u32 $0x1, s2;
	s3 =	sshll.u32 s1, $0x9;
	s8 =	sadd.s32 $0x143200, s5  }
0x6: {  	s2 =	simm.s32 $0x0;
	s10 =	sadd.s32 $0x163200, s5;
	s13 =	sadd.s32 $0x183200, s5  }
0x7: {  	s4 =	sshll.u32 s6, $0x8;
	[smem:$0x7FF] =	sst s2;
	s6 =	ssub.s32 $0x2, s6  }
0x8: {  	s7 =	sor.u32 s4, s3;
	_ =	strace $0x80000050;
	s3 =	sadd.s32 $0x40400, s5  }
0x9: {  	s31 =	sshrl.u32 s6, $0x1;
	s4 =	sshrl.u32 s7, $0x3;
	s12 =	sshll.u32 s7, $0x4  }
0xa: {  	s14 =	ssub.s32 s6, s31;
	s11 =	sadd.s32 s4, s5;
	s4 =	sadd.s32 $0x52600, s5  }
0xb: {  	s15 =	sor.u32 $0x800, s12;
	s6 =	sadd.s32 s8, s12;
	s9 =	sadd.s32 s10, s12  }
0xc: {  	s12 =	sadd.s32 s13, s12;
	s14 =	smax.u32 s14, $0x1;
	s5 =	sadd.s32 $0x142E00, s11  }
0xd: {  	s7 =	sadd.s32 s8, s15;
	s8 =	sadd.s32 $0x142A00, s11;
	s10 =	sadd.s32 s10, s15  }
0xe: {  	s11 =	sadd.s32 $0x142600, s11;
	s13 =	sadd.s32 s13, s15;
	s15 =	simm.s32 $0x2  }
.LBB2_1:
0xf: {  	[tilespmem:s2], [sflag:$0x2] =	stream.linear.gather [hbm4b:s3+s2], $0x1000, $0x38;
	[tilespmem:$0x5180] =	vst v63  }
0x10: {  	_ =	swait.ge [sflag:s15], $0x1000  }
0x11: {  	[sflag:s15] =	ssyncset.done $0x0  }
0x12: {  	[sflag:s15] =	ssyncadd.s32 $0xFFFFF000  }
0x13: {  	[tilespmem:s16], [sflag:$0x2] =	stream.linear.gather [hbm4b:s5+s2], $0x100, $0x38;
	[tilespmem:$0x5180] =	vst v63  }
0x14: {  	_ =	swait.ge [sflag:s15], $0x100  }
0x15: {  	[sflag:s15] =	ssyncset.done $0x0  }
0x16: {  	[sflag:s15] =	ssyncadd.s32 $0xFFFFFF00  }
0x17: {  	v0 =	vld [tilespmem:$0x1000];
	_ =	sdelay $0x5  }
0x18: {  	v1 =	vld [tilespmem:$0x1010];
	_ =	sdelay $0x1  }
0x19: {  	v0 =	vld.idx.msk [tilespmem:v0+s2+$0x0], $0xffff;
	_ =	sdelay $0x3  }
0x1a: {  	v2 =	vld [tilespmem:$0x1020]  }
0x1b: {  	[tilespmem:$0x1100] =	vst v0  }
0x1c: {  	v0 =	vld.idx.msk [tilespmem:v1+s2+$0x0], $0xffff;
	_ =	sdelay $0x3  }
0x1d: {  	v19 =	vld [tilespmem:$0x1030]  }
0x1e: {  	[tilespmem:$0x1110] =	vst v0  }
0x1f: {  	v0 =	vld.idx.msk [tilespmem:v2+s2+$0x0], $0xffff;
	_ =	sdelay $0x3  }
0x20: {  	v20 =	vld [tilespmem:$0x1040]  }
0x21: {  	[tilespmem:$0x1120] =	vst v0  }
0x22: {  	v0 =	vld.idx.msk [tilespmem:v19+s2+$0x0], $0xffff;
	_ =	sdelay $0x3  }
0x23: {  	v21 =	vld [tilespmem:$0x1050]  }
0x24: {  	[tilespmem:$0x1130] =	vst v0  }
0x25: {  	v0 =	vld.idx.msk [tilespmem:v20+s2+$0x0], $0xffff;
	_ =	sdelay $0x3  }
0x26: {  	v22 =	vld [tilespmem:$0x1060]  }
0x27: {  	[tilespmem:$0x1140] =	vst v0  }
0x28: {  	v0 =	vld.idx.msk [tilespmem:v21+s2+$0x0], $0xffff;
	_ =	sdelay $0x3  }
0x29: {  	v23 =	vld [tilespmem:$0x1070]  }
0x2a: {  	[tilespmem:$0x1150] =	vst v0  }
0x2b: {  	v0 =	vld.idx.msk [tilespmem:v22+s2+$0x0], $0xffff;
	_ =	sdelay $0x4  }
0x2c: {  	[tilespmem:$0x1160] =	vst v0  }
0x2d: {  	v0 =	vld.idx.msk [tilespmem:v23+s2+$0x0], $0xffff;
	_ =	sdelay $0x4  }
0x2e: {  	[tilespmem:$0x1170] =	vst v0  }
0x2f: {  	[tilespmem:s19], [sflag:$0x1] =	stream.indirect.gather [hbm4b:s4+s17], $0x80, s18, s17, $0xb8;
	[tilespmem:$0x5180] =	vst v63  }
0x30: {  	_ =	swait.ge [sflag:s20], $0x4000  }
0x31: {  	[sflag:s20] =	ssyncset.done $0x0  }
0x32: {  	[sflag:s20] =	ssyncadd.s32 $0xFFFFC000  }
0x33: {  	[hbm4b:s6+s2] =	stream.linear.scatter [tilespmem:s19], [sflag:$0x2], $0x4000, $0x38;
	[tilespmem:$0x5180] =	vst v63  }
0x34: {  	_ =	swait.ge [sflag:s15], $0x4000  }
0x35: {  	[sflag:s15] =	ssyncset.done $0x0  }
0x36: {  	[sflag:s15] =	ssyncadd.s32 $0xFFFFC000  }
0x37: {  	v24 =	vld [tilespmem:$0x1080];
	_ =	sdelay $0x5  }
0x38: {  	v25 =	vld [tilespmem:$0x1090];
	_ =	sdelay $0x1  }
0x39: {  	v0 =	vld.idx.msk [tilespmem:v24+s2+$0x0], $0xffff;
	_ =	sdelay $0x3  }
0x3a: {  	v26 =	vld [tilespmem:$0x10A0]  }
0x3b: {  	[tilespmem:$0x1100] =	vst v0  }
0x3c: {  	v0 =	vld.idx.msk [tilespmem:v25+s2+$0x0], $0xffff;
	_ =	sdelay $0x3  }
0x3d: {  	v27 =	vld [tilespmem:$0x10B0]  }
0x3e: {  	[tilespmem:$0x1110] =	vst v0  }
0x3f: {  	v0 =	vld.idx.msk [tilespmem:v26+s2+$0x0], $0xffff;
	_ =	sdelay $0x3  }
0x40: {  	v28 =	vld [tilespmem:$0x10C0]  }
0x41: {  	[tilespmem:$0x1120] =	vst v0  }
0x42: {  	v0 =	vld.idx.msk [tilespmem:v27+s2+$0x0], $0xffff;
	_ =	sdelay $0x3  }
0x43: {  	v29 =	vld [tilespmem:$0x10D0]  }
0x44: {  	[tilespmem:$0x1130] =	vst v0  }
0x45: {  	v0 =	vld.idx.msk [tilespmem:v28+s2+$0x0], $0xffff;
	_ =	sdelay $0x3  }
0x46: {  	v30 =	vld [tilespmem:$0x10E0]  }
0x47: {  	[tilespmem:$0x1140] =	vst v0  }
0x48: {  	v0 =	vld.idx.msk [tilespmem:v29+s2+$0x0], $0xffff;
	_ =	sdelay $0x3  }
0x49: {  	v31 =	vld [tilespmem:$0x10F0]  }
0x4a: {  	[tilespmem:$0x1150] =	vst v0  }
0x4b: {  	v0 =	vld.idx.msk [tilespmem:v30+s2+$0x0], $0xffff;
	_ =	sdelay $0x4  }
0x4c: {  	[tilespmem:$0x1160] =	vst v0  }
0x4d: {  	v0 =	vld.idx.msk [tilespmem:v31+s2+$0x0], $0xffff;
	_ =	sdelay $0x4  }
0x4e: {  	[tilespmem:$0x1170] =	vst v0  }
0x4f: {  	[tilespmem:s19], [sflag:$0x1] =	stream.indirect.gather [hbm4b:s4+s17], $0x80, s18, s17, $0xb8;
	[tilespmem:$0x5180] =	vst v63  }
0x50: {  	_ =	swait.ge [sflag:s20], $0x4000  }
0x51: {  	[sflag:s20] =	ssyncset.done $0x0  }
0x52: {  	[sflag:s20] =	ssyncadd.s32 $0xFFFFC000  }
0x53: {  	[hbm4b:s7+s2] =	stream.linear.scatter [tilespmem:s19], [sflag:$0x2], $0x4000, $0x38;
	[tilespmem:$0x5180] =	vst v63  }
0x54: {  	_ =	swait.ge [sflag:s15], $0x4000  }
0x55: {  	[sflag:s15] =	ssyncset.done $0x0  }
0x56: {  	[sflag:s15] =	ssyncadd.s32 $0xFFFFC000  }
0x57: {  	[tilespmem:s16], [sflag:$0x2] =	stream.linear.gather [hbm4b:s8+s2], $0x100, $0x38;
	[tilespmem:$0x5180] =	vst v63  }
0x58: {  	_ =	swait.ge [sflag:s15], $0x100  }
0x59: {  	[sflag:s15] =	ssyncset.done $0x0  }
0x5a: {  	[sflag:s15] =	ssyncadd.s32 $0xFFFFFF00  }
0x5b: {  	v32 =	vld [tilespmem:$0x1000];
	_ =	sdelay $0x5  }
0x5c: {  	v33 =	vld [tilespmem:$0x1010];
	_ =	sdelay $0x1  }
0x5d: {  	v0 =	vld.idx.msk [tilespmem:v32+s2+$0x0], $0xffff;
	_ =	sdelay $0x3  }
0x5e: {  	v34 =	vld [tilespmem:$0x1020]  }
0x5f: {  	[tilespmem:$0x1100] =	vst v0  }
0x60: {  	v0 =	vld.idx.msk [tilespmem:v33+s2+$0x0], $0xffff;
	_ =	sdelay $0x3  }
0x61: {  	v35 =	vld [tilespmem:$0x1030]  }
0x62: {  	[tilespmem:$0x1110] =	vst v0  }
0x63: {  	v0 =	vld.idx.msk [tilespmem:v34+s2+$0x0], $0xffff;
	_ =	sdelay $0x3  }
0x64: {  	v36 =	vld [tilespmem:$0x1040]  }
0x65: {  	[tilespmem:$0x1120] =	vst v0  }
0x66: {  	v0 =	vld.idx.msk [tilespmem:v35+s2+$0x0], $0xffff;
	_ =	sdelay $0x3  }
0x67: {  	v37 =	vld [tilespmem:$0x1050]  }
0x68: {  	[tilespmem:$0x1130] =	vst v0  }
0x69: {  	v0 =	vld.idx.msk [tilespmem:v36+s2+$0x0], $0xffff;
	_ =	sdelay $0x3  }
0x6a: {  	v38 =	vld [tilespmem:$0x1060]  }
0x6b: {  	[tilespmem:$0x1140] =	vst v0  }
0x6c: {  	v0 =	vld.idx.msk [tilespmem:v37+s2+$0x0], $0xffff;
	_ =	sdelay $0x3  }
0x6d: {  	v39 =	vld [tilespmem:$0x1070]  }
0x6e: {  	[tilespmem:$0x1150] =	vst v0  }
0x6f: {  	v0 =	vld.idx.msk [tilespmem:v38+s2+$0x0], $0xffff;
	_ =	sdelay $0x4  }
0x70: {  	[tilespmem:$0x1160] =	vst v0  }
0x71: {  	v0 =	vld.idx.msk [tilespmem:v39+s2+$0x0], $0xffff;
	_ =	sdelay $0x4  }
0x72: {  	[tilespmem:$0x1170] =	vst v0  }
0x73: {  	[tilespmem:s19], [sflag:$0x1] =	stream.indirect.gather [hbm4b:s4+s17], $0x80, s18, s17, $0xb8;
	[tilespmem:$0x5180] =	vst v63  }
0x74: {  	_ =	swait.ge [sflag:s20], $0x4000  }
0x75: {  	[sflag:s20] =	ssyncset.done $0x0  }
0x76: {  	[sflag:s20] =	ssyncadd.s32 $0xFFFFC000  }
0x77: {  	[hbm4b:s9+s2] =	stream.linear.scatter [tilespmem:s19], [sflag:$0x2], $0x4000, $0x38;
	[tilespmem:$0x5180] =	vst v63  }
0x78: {  	_ =	swait.ge [sflag:s15], $0x4000  }
0x79: {  	[sflag:s15] =	ssyncset.done $0x0  }
0x7a: {  	[sflag:s15] =	ssyncadd.s32 $0xFFFFC000  }
0x7b: {  	v40 =	vld [tilespmem:$0x1080];
	_ =	sdelay $0x5  }
0x7c: {  	v41 =	vld [tilespmem:$0x1090];
	_ =	sdelay $0x1  }
0x7d: {  	v0 =	vld.idx.msk [tilespmem:v40+s2+$0x0], $0xffff;
	_ =	sdelay $0x3  }
0x7e: {  	v42 =	vld [tilespmem:$0x10A0]  }
0x7f: {  	[tilespmem:$0x1100] =	vst v0  }
0x80: {  	v0 =	vld.idx.msk [tilespmem:v41+s2+$0x0], $0xffff;
	_ =	sdelay $0x3  }
0x81: {  	v43 =	vld [tilespmem:$0x10B0]  }
0x82: {  	[tilespmem:$0x1110] =	vst v0  }
0x83: {  	v0 =	vld.idx.msk [tilespmem:v42+s2+$0x0], $0xffff;
	_ =	sdelay $0x3  }
0x84: {  	v44 =	vld [tilespmem:$0x10C0]  }
0x85: {  	[tilespmem:$0x1120] =	vst v0  }
0x86: {  	v0 =	vld.idx.msk [tilespmem:v43+s2+$0x0], $0xffff;
	_ =	sdelay $0x3  }
0x87: {  	v45 =	vld [tilespmem:$0x10D0]  }
0x88: {  	[tilespmem:$0x1130] =	vst v0  }
0x89: {  	v0 =	vld.idx.msk [tilespmem:v44+s2+$0x0], $0xffff;
	_ =	sdelay $0x3  }
0x8a: {  	v46 =	vld [tilespmem:$0x10E0]  }
0x8b: {  	[tilespmem:$0x1140] =	vst v0  }
0x8c: {  	v0 =	vld.idx.msk [tilespmem:v45+s2+$0x0], $0xffff;
	_ =	sdelay $0x3  }
0x8d: {  	v47 =	vld [tilespmem:$0x10F0]  }
0x8e: {  	[tilespmem:$0x1150] =	vst v0  }
0x8f: {  	v0 =	vld.idx.msk [tilespmem:v46+s2+$0x0], $0xffff;
	_ =	sdelay $0x4  }
0x90: {  	[tilespmem:$0x1160] =	vst v0  }
0x91: {  	v0 =	vld.idx.msk [tilespmem:v47+s2+$0x0], $0xffff;
	_ =	sdelay $0x4  }
0x92: {  	[tilespmem:$0x1170] =	vst v0  }
0x93: {  	[tilespmem:s19], [sflag:$0x1] =	stream.indirect.gather [hbm4b:s4+s17], $0x80, s18, s17, $0xb8;
	[tilespmem:$0x5180] =	vst v63  }
0x94: {  	_ =	swait.ge [sflag:s20], $0x4000  }
0x95: {  	[sflag:s20] =	ssyncset.done $0x0  }
0x96: {  	[sflag:s20] =	ssyncadd.s32 $0xFFFFC000  }
0x97: {  	[hbm4b:s10+s2] =	stream.linear.scatter [tilespmem:s19], [sflag:$0x2], $0x4000, $0x38;
	[tilespmem:$0x5180] =	vst v63  }
0x98: {  	_ =	swait.ge [sflag:s15], $0x4000  }
0x99: {  	[sflag:s15] =	ssyncset.done $0x0  }
0x9a: {  	[sflag:s15] =	ssyncadd.s32 $0xFFFFC000  }
0x9b: {  	[tilespmem:s16], [sflag:$0x2] =	stream.linear.gather [hbm4b:s11+s2], $0x100, $0x38;
	[tilespmem:$0x5180] =	vst v63  }
0x9c: {  	_ =	swait.ge [sflag:s15], $0x100  }
0x9d: {  	[sflag:s15] =	ssyncset.done $0x0  }
0x9e: {  	[sflag:s15] =	ssyncadd.s32 $0xFFFFFF00  }
0x9f: {  	v48 =	vld [tilespmem:$0x1000];
	_ =	sdelay $0x5  }
0xa0: {  	v49 =	vld [tilespmem:$0x1010];
	_ =	sdelay $0x1  }
0xa1: {  	v0 =	vld.idx.msk [tilespmem:v48+s2+$0x0], $0xffff;
	_ =	sdelay $0x3  }
0xa2: {  	v50 =	vld [tilespmem:$0x1020]  }
0xa3: {  	[tilespmem:$0x1100] =	vst v0  }
0xa4: {  	v0 =	vld.idx.msk [tilespmem:v49+s2+$0x0], $0xffff;
	_ =	sdelay $0x3  }
0xa5: {  	v51 =	vld [tilespmem:$0x1030]  }
0xa6: {  	[tilespmem:$0x1110] =	vst v0  }
0xa7: {  	v0 =	vld.idx.msk [tilespmem:v50+s2+$0x0], $0xffff;
	_ =	sdelay $0x3  }
0xa8: {  	v52 =	vld [tilespmem:$0x1040]  }
0xa9: {  	[tilespmem:$0x1120] =	vst v0  }
0xaa: {  	v0 =	vld.idx.msk [tilespmem:v51+s2+$0x0], $0xffff;
	_ =	sdelay $0x3  }
0xab: {  	v53 =	vld [tilespmem:$0x1050]  }
0xac: {  	[tilespmem:$0x1130] =	vst v0  }
0xad: {  	v0 =	vld.idx.msk [tilespmem:v52+s2+$0x0], $0xffff;
	_ =	sdelay $0x3  }
0xae: {  	v54 =	vld [tilespmem:$0x1060]  }
0xaf: {  	[tilespmem:$0x1140] =	vst v0  }
0xb0: {  	v0 =	vld.idx.msk [tilespmem:v53+s2+$0x0], $0xffff;
	_ =	sdelay $0x3  }
0xb1: {  	v55 =	vld [tilespmem:$0x1070]  }
0xb2: {  	[tilespmem:$0x1150] =	vst v0  }
0xb3: {  	v0 =	vld.idx.msk [tilespmem:v54+s2+$0x0], $0xffff;
	_ =	sdelay $0x4  }
0xb4: {  	[tilespmem:$0x1160] =	vst v0  }
0xb5: {  	v0 =	vld.idx.msk [tilespmem:v55+s2+$0x0], $0xffff;
	_ =	sdelay $0x4  }
0xb6: {  	[tilespmem:$0x1170] =	vst v0  }
0xb7: {  	[tilespmem:s19], [sflag:$0x1] =	stream.indirect.gather [hbm4b:s4+s17], $0x80, s18, s17, $0xb8;
	[tilespmem:$0x5180] =	vst v63  }
0xb8: {  	_ =	swait.ge [sflag:s20], $0x4000  }
0xb9: {  	[sflag:s20] =	ssyncset.done $0x0  }
0xba: {  	[sflag:s20] =	ssyncadd.s32 $0xFFFFC000  }
0xbb: {  	[hbm4b:s12+s2] =	stream.linear.scatter [tilespmem:s19], [sflag:$0x2], $0x4000, $0x38;
	[tilespmem:$0x5180] =	vst v63  }
0xbc: {  	_ =	swait.ge [sflag:s15], $0x4000  }
0xbd: {  	[sflag:s15] =	ssyncset.done $0x0  }
0xbe: {  	[sflag:s15] =	ssyncadd.s32 $0xFFFFC000  }
0xbf: {  	v56 =	vld [tilespmem:$0x1080];
	_ =	sdelay $0x5  }
0xc0: {  	v57 =	vld [tilespmem:$0x1090];
	_ =	sdelay $0x1  }
0xc1: {  	v0 =	vld.idx.msk [tilespmem:v56+s2+$0x0], $0xffff;
	_ =	sdelay $0x3  }
0xc2: {  	v58 =	vld [tilespmem:$0x10A0]  }
0xc3: {  	[tilespmem:$0x1100] =	vst v0  }
0xc4: {  	v0 =	vld.idx.msk [tilespmem:v57+s2+$0x0], $0xffff;
	_ =	sdelay $0x3  }
0xc5: {  	v59 =	vld [tilespmem:$0x10B0]  }
0xc6: {  	[tilespmem:$0x1110] =	vst v0  }
0xc7: {  	v0 =	vld.idx.msk [tilespmem:v58+s2+$0x0], $0xffff;
	_ =	sdelay $0x3  }
0xc8: {  	v60 =	vld [tilespmem:$0x10C0]  }
0xc9: {  	[tilespmem:$0x1120] =	vst v0  }
0xca: {  	v0 =	vld.idx.msk [tilespmem:v59+s2+$0x0], $0xffff;
	_ =	sdelay $0x3  }
0xcb: {  	v61 =	vld [tilespmem:$0x10D0]  }
0xcc: {  	[tilespmem:$0x1130] =	vst v0  }
0xcd: {  	v0 =	vld.idx.msk [tilespmem:v60+s2+$0x0], $0xffff;
	_ =	sdelay $0x3  }
0xce: {  	v62 =	vld [tilespmem:$0x10E0]  }
0xcf: {  	[tilespmem:$0x1140] =	vst v0  }
0xd0: {  	v0 =	vld.idx.msk [tilespmem:v61+s2+$0x0], $0xffff;
	_ =	sdelay $0x3  }
0xd1: {  	v63 =	vld [tilespmem:$0x10F0]  }
0xd2: {  	[tilespmem:$0x1150] =	vst v0  }
0xd3: {  	v0 =	vld.idx.msk [tilespmem:v62+s2+$0x0], $0xffff;
	_ =	sdelay $0x4  }
0xd4: {  	[tilespmem:$0x1160] =	vst v0  }
0xd5: {  	v0 =	vld.idx.msk [tilespmem:v63+s2+$0x0], $0xffff;
	_ =	sdelay $0x4  }
0xd6: {  	[tilespmem:$0x1170] =	vst v0  }
0xd7: {  	[tilespmem:s19], [sflag:$0x1] =	stream.indirect.gather [hbm4b:s4+s17], $0x80, s18, s17, $0xb8;
	[tilespmem:$0x5180] =	vst v63  }
0xd8: {  	_ =	swait.ge [sflag:s20], $0x4000  }
0xd9: {  	p0 =	sne.s32 s14, $0x1;
	[sflag:s20] =	ssyncset.done $0x0  }
.Ltmp0:
0xda: {  	[sflag:s20] =	ssyncadd.s32 $0xFFFFC000;
	(pc) =	sbr.rel @p0 .LBB2_1-.Ltmp0, $4  }
0xdb: {  	[hbm4b:s13+s2] =	stream.linear.scatter [tilespmem:s19], [sflag:$0x2], $0x4000, $0x38;
	[tilespmem:$0x5180] =	vst v63  }
0xdc: {  	_ =	swait.ge [sflag:s15], $0x4000  }
0xdd: {  	[sflag:s15] =	ssyncset.done $0x0  }
0xde: {  	s14 =	sadd.s32 $0xFFFFFFFF, s14;
	[sflag:s15] =	ssyncadd.s32 $0xFFFFC000  }
0xdf: {  	_ =	sfence.sel $0x180000  }
0xe0: {  	[bflag:$0x0] =	sbarrier.arrive $0xFFFF  }
0xe1: {  	p0 =	sne.s32 s1, $0x0;
	_ =	strace $0x90000050  }
0xe2: {  	s0 =	sadd.s32 @!p0 $0x100000, s0;
	[bflag:$0x2] =	sbarrier.arrive $0xFFFF  }
0xe3: {  	[sflag:s0] =	ssyncadd.tile.s32 @!p0 $0x1;
	_ =	shalt  }
.Lfunc_end2:
_tile_overlayer_lowered:
.L_overlay_start_2:
0xe4: {  	(tag) =	ssettag $0x2  }
0xe5: {  	s0 =	rddreg [dreg:$0x0];
	s2 =	stileid.u32  }
0xe6: {  	s1 =	rddreg [dreg:$0x1];
	p0 =	sne.s32 s2, $0x0  }
0xe7: {  	s3 =	rddreg [dreg:$0x2];
	[bflag:$0x3] =	sbarrier.arrive $0xFFFF;
	s2 =	simm.s32 @!p0 $0x1C02  }
0xe8: {  	[timem:s3], [sflag:s2] =	dma.local @!p0 [hbm:s0], s1  }
0xe9: {  	s0 =	simm.s32 @!p0 $0x2  }
0xea: {  	_ =	swait.ge @!p0 [sflag:s0], s1  }
0xeb: {  	s1 =	ssub.s32 @!p0 $0x0, s1;
	[sflag:s0] =	ssyncset.done @!p0 $0x0  }
0xec: {  	[sflag:s0] =	ssyncadd.s32 @!p0 s1  }
0xed: {  	[bflag:$0x3] =	sbarrier.arrive $0xFFFF  }
0xee: {  	_ =	shalt  }

// kernel: kernel.20.cloned.1.call-start
scs
__scs_entry_jumppad:
0x0: {  	(pc) =	sbr.rel $0x88, $3  }
0x1: {  	(tag) =	ssettag $0x0;
	lr =	simm.s32 $0x1  }
0x2: {  	[smem:$0x3F9C] =	sst lr;
	_ =	strace $0xD0000000  }
0x3: {  	_ = 	snop  }
0x4: {  	_ = 	snop  }
0x5: {  	_ = 	snop  }
0x6: {  	_ = 	snop  }
0x7: {  	_ = 	snop  }
__scs_overlays_trampoline_lowered:
0x8: {  	[smem:$0x3FAB] =	sst s0  }
0x9: {  	[smem:$0x3FAC] =	sst s1  }
0xa: {  	[smem:$0x3FAD] =	sst s2  }
0xb: {  	[smem:$0x3FAE] =	sst s3  }
0xc: {  	[smem:$0x3FAF] =	sst s4  }
0xd: {  	[smem:$0x3FB0] =	sst s5  }
0xe: {  	[smem:$0x3FB1] =	sst s6  }
0xf: {  	[smem:$0x3FB2] =	sst s7  }
0x10: {  	[smem:$0x3FB3] =	sst s8  }
0x11: {  	[smem:$0x3FB4] =	sst s9;
	s0 =	simm.s32 @!p0 $0x0  }
0x12: {  	s1 =	sld [smem:$0x3F9A];
	s0 =	simm.s32 @p0 $0x1  }
0x13: {  	[smem:$0x3FB5] =	sst s0;
	s0 =	simm.s32 @!p1 $0x0  }
0x14: {  	s2 =	sld [smem:$0x3F99];
	s0 =	simm.s32 @p1 $0x1  }
0x15: {  	[smem:$0x3FB6] =	sst s0;
	s0 =	simm.s32 @!p2 $0x0  }
0x16: {  	s3 =	sld [smem:$0x3FDB];
	s0 =	simm.s32 @p2 $0x1  }
0x17: {  	s4 =	simm.s32 $0x1BF5;
	[smem:$0x3FB8] =	sst s0  }
0x18: {  	s0 =	sld [smem:$0x3F9B];
	_ =	swait.ge [sflag:s4], $0x0  }
0x19: {  	s7 =	sld [smem:$0x3F9C]  }
0x1a: {  	s8 =	sadd.s32 $0xFFFFE003, lr  }
0x1b: {  	s9 =	sadd.s32 $0xFFFFFEF7, lr;
	s5 =	simm.s32 $0xFFFFFFFF;
	p2 =	slt.u32 s8, $0xFFFFF086  }
0x1c: {  	p1 =	slt.u32 s9, $0xF7A;
	s5 =	simm.s32 @!p2 $0x0  }
0x1d: {  	s5 =	simm.s32 @p1 $0x1;
	p0 =	seq.s32 s7, s2  }
0x1e: {  	s7 =	smul.u32 @!p0 $0xF7A, s2;
	p2 =	seq.s32 @!p0 s5, $0x0  }
0x1f: {  	s9 =	smul.u32 $0xF7A, s1;
	s8 =	simm.s32 @!p0 $0x1BF5;
	p2 =	por !p2, p0  }
0x20: {  	[sflag:s8] =	ssyncset.s32 @!p0 $0xFFFFF086;
	s6 =	sadd.s32 @!p0 s3, s7;
	s7 =	simm.s32 @!p0 $0x108  }
0x21: {  	s3 =	sadd.s32 s3, s9;
	s6 =	sadd.s32 @!p0 $0x88, s6;
	s7 =	simm.s32 @p2 $0x1082  }
0x22: {  	[simem:s7], [sflag:s8] =	dma.local @!p0 [hbm:s6], $0xF7A  }
0x23: {  	s9 =	sor.u32 $0xD0000000, s2;
	s6 =	simm.s32 $0x108;
	_ =	swait.ge @!p0 [sflag:s8], $0x0  }
0x24: {  	s3 =	sadd.s32 $0x88, s3;
	s6 =	simm.s32 @!p1 $0x1082;
	[sflag:s4] =	ssyncset.s32 $0xFFFFF086  }
0x25: {  	[simem:s6], [sflag:s4] =	dma.local [hbm:s3], $0xF7A  }
0x26: {  	[smem:$0x3F9C] =	sst s1;
	(tag) =	ssettag s2;
	_ =	strace s9  }
0x27: {  	s1 =	sld [smem:$0x3FAC]  }
0x28: {  	s2 =	sld [smem:$0x3FAD]  }
0x29: {  	s4 =	sld [smem:$0x3FAF]  }
0x2a: {  	p0 =	seq.s32 s5, $0x0;
	s5 =	sld [smem:$0x3FB0]  }
0x2b: {  	s6 =	sld [smem:$0x3FB1]  }
0x2c: {  	s7 =	sld [smem:$0x3FB2]  }
0x2d: {  	s3 =	simm.s32 $0x108;
	s8 =	sld [smem:$0x3FB3]  }
0x2e: {  	s3 =	simm.s32 @!p0 $0x1082;
	s9 =	sld [smem:$0x3FB4]  }
0x2f: {  	lr =	sadd.s32 s0, s3;
	s0 =	sld [smem:$0x3FAB]  }
0x30: {  	s3 =	sld [smem:$0x3FAE]  }
0x31: {  	[smem:$0x3FB7] =	sst s10  }
0x32: {  	s10 =	sld [smem:$0x3FB5];
	_ =	sdelay $0x3  }
0x33: {  	p0 =	seq.s32 s10, $0x1;
	s10 =	sld [smem:$0x3FB7];
	_ =	sdelay $0x3  }
0x34: {  	[smem:$0x3FB7] =	sst s10  }
0x35: {  	s10 =	sld [smem:$0x3FB6];
	_ =	sdelay $0x3  }
0x36: {  	p1 =	seq.s32 s10, $0x1;
	s10 =	sld [smem:$0x3FB7];
	_ =	sdelay $0x3  }
0x37: {  	[smem:$0x3FB7] =	sst s10  }
0x38: {  	s10 =	sld [smem:$0x3FB8]  }
0x39: {  	_ = 	snop;
	(pc) =	sbr.ind lr, $3  }
0x3a: {  	_ = 	snop  }
0x3b: {  	_ = 	snop  }
0x3c: {  	p2 =	seq.s32 s10, $0x1;
	s10 =	sld [smem:$0x3FB7]  }
0x3d: {  	_ =	shalt  }
0x3e: {  	_ =	shalt  }
0x3f: {  	_ =	shalt  }
0x40: {  	_ =	shalt  }
0x41: {  	_ =	shalt  }
0x42: {  	_ =	shalt  }
0x43: {  	_ =	shalt  }
0x44: {  	_ =	shalt  }
0x45: {  	_ =	shalt  }
0x46: {  	_ =	shalt  }
0x47: {  	_ =	shalt  }
0x48: {  	_ =	shalt  }
0x49: {  	_ =	shalt  }
0x4a: {  	_ =	shalt  }
0x4b: {  	_ =	shalt  }
0x4c: {  	_ =	shalt  }
0x4d: {  	_ =	shalt  }
0x4e: {  	_ =	shalt  }
0x4f: {  	_ =	shalt  }
0x50: {  	_ =	shalt  }
0x51: {  	_ =	shalt  }
0x52: {  	_ =	shalt  }
0x53: {  	_ =	shalt  }
0x54: {  	_ =	shalt  }
0x55: {  	_ =	shalt  }
0x56: {  	_ =	shalt  }
0x57: {  	_ =	shalt  }
0x58: {  	_ =	shalt  }
0x59: {  	_ =	shalt  }
0x5a: {  	_ =	shalt  }
0x5b: {  	_ =	shalt  }
0x5c: {  	_ =	shalt  }
0x5d: {  	_ =	shalt  }
0x5e: {  	_ =	shalt  }
0x5f: {  	_ =	shalt  }
0x60: {  	_ =	shalt  }
0x61: {  	_ =	shalt  }
0x62: {  	_ =	shalt  }
0x63: {  	_ =	shalt  }
0x64: {  	_ =	shalt  }
0x65: {  	_ =	shalt  }
0x66: {  	_ =	shalt  }
0x67: {  	_ =	shalt  }
0x68: {  	_ =	shalt  }
0x69: {  	_ =	shalt  }
0x6a: {  	_ =	shalt  }
0x6b: {  	_ =	shalt  }
0x6c: {  	_ =	shalt  }
0x6d: {  	_ =	shalt  }
0x6e: {  	_ =	shalt  }
0x6f: {  	_ =	shalt  }
0x70: {  	_ =	shalt  }
0x71: {  	_ =	shalt  }
0x72: {  	_ =	shalt  }
0x73: {  	_ =	shalt  }
0x74: {  	_ =	shalt  }
0x75: {  	_ =	shalt  }
0x76: {  	_ =	shalt  }
0x77: {  	_ =	shalt  }
0x78: {  	_ =	shalt  }
0x79: {  	_ =	shalt  }
0x7a: {  	_ =	shalt  }
0x7b: {  	_ =	shalt  }
0x7c: {  	_ =	shalt  }
0x7d: {  	_ =	shalt  }
0x7e: {  	_ =	shalt  }
0x7f: {  	_ =	shalt  }
0x80: {  	_ =	shalt  }
0x81: {  	_ =	shalt  }
0x82: {  	_ =	shalt  }
0x83: {  	_ =	shalt  }
0x84: {  	_ =	shalt  }
0x85: {  	_ =	shalt  }
0x86: {  	_ =	shalt  }
0x87: {  	_ =	shalt  }
.Lfunc_end0:
.L_simem_size_0:
called_computation.4_lowered:
.L_overlay_start_0:
0x88: {  	s2 =	sld [smem:$0x3FD9]  }
0x89: {  	s3 =	sld [smem:$0x3FFE];
	_ =	sdelay $0x1  }
0x8a: {  	s1 =	srdreg.scid  }
0x8b: {  	s0 =	sand.u32 $0x1, s1  }
0x8c: {  	s17 =	sshll.u32 s0, $0xA;
	s2 =	sadd.s32 s3, s2  }
0x8d: {  	s2 =	sadd.s32 s2, s17  }
0x8e: {  	[smem:$0x3FC3] =	sst s2  }
0x8f: {  	_ = 	snop  }
0x90: {  	(tm) =	ssettm $0x1  }
0x91: {  	s18 =	sld [smem:$0x3FFB];
	_ =	sdelay $0x3  }
0x92: {  	_ =	strace s18  }
0x93: {  	s2 =	sld [smem:$0x3FFC];
	_ =	sdelay $0x3  }
0x94: {  	_ =	strace s2  }
0x95: {  	s2 =	sld [smem:$0x3FFD];
	_ =	sdelay $0x3  }
0x96: {  	_ =	strace s2  }
0x97: {  	_ =	strace $0x8FFFFFFF  }
0x98: {  	s19 =	sld [smem:$0x3FDB];
	_ =	sdelay $0x1  }
0x99: {  	s20 =	simm.s32 $_scs_section_size  }
0x9a: {  	s4 =	simm.s32 $_size__tile_overlayer_lowered;
	s5 =	simm.s32 $_tile_overlayer_lowered  }
0x9b: {  	s6 =	simm.s32 $0x1BFF;
	s21 =	sshll.u32 s5, $0x1;
	s3 =	sadd.s32 s20, s19  }
0x9c: {  	s22 =	simm.s32 $0x0;
	s4 =	sshll.u32 s4, $0x1;
	s5 =	sadd.s32 s21, s3  }
0x9d: {  	[timem:s22], [sflag:s6] =	dma.local [hbm:s5], s4  }
0x9e: {  	_ =	swait.ge [sflag:s6], s4  }
0x9f: {  	s4 =	ssub.s32 $0x0, s4;
	[sflag:s6] =	ssyncset.done $0x0  }
0xa0: {  	[sflag:s6] =	ssyncadd.s32 s4;
	_ =	sdelay $0x1  }
0xa1: {  	s23 =	simm.s32 $0x1B8B  }
0xa2: {  	_ =	swait.ge [sflag:s23], $0x1  }
0xa3: {  	[sflag:s23] =	ssyncset.done $0x0  }
0xa4: {  	[sflag:s23] =	ssyncadd.s32 $0xFFFFFFFF  }
0xa5: {  	s4 =	sld [smem:$0x0]  }
0xa6: {  	s5 =	sand.u32 $0xFFFFFFFE, s1  }
0xa7: {  	p0 =	sne.s32 s1, s5  }
0xa8: {  	s5 =	sshll.u32 @p0 s5, $0xE  }
0xa9: {  	s5 =	sadd.s32 @p0 $0x11B8D, s5;
	s6 =	sshll.u32 @p0 s4, $0x11  }
0xaa: {  	s5 =	sor.u32 @p0 s6, s5  }
0xab: {  	[sflag:s5] =	ssyncadd.remote.s32 @p0 $0x1;
	_ =	sdelay $0x1  }
0xac: {  	s5 =	simm.s32 @p0 $0x1B8D  }
0xad: {  	_ =	swait.eq @p0 [sflag:s5], $0x1  }
0xae: {  	[sflag:s5] =	ssyncadd.s32 @p0 $0xFFFFFFFF  }
0xaf: {  	s6 =	sshll.u32 @!p0 s1, $0xE  }
0xb0: {  	s6 =	sor.u32 @!p0 $0x4000, s6;
	s5 =	simm.s32 @!p0 $0x1B8D  }
0xb1: {  	s4 =	sshll.u32 @!p0 s4, $0x11;
	s6 =	sadd.s32 @!p0 $0x11B8D, s6;
	_ =	swait.eq @!p0 [sflag:s5], $0x1  }
0xb2: {  	s4 =	sor.u32 @!p0 s4, s6;
	[sflag:s5] =	ssyncadd.s32 @!p0 $0xFFFFFFFF  }
0xb3: {  	s25 =	simm.s32 $0x1B8E;
	s24 =	sld [smem:$0x3FFE];
	[sflag:s4] =	ssyncadd.remote.s32 @!p0 $0x1  }
0xb4: {  	s26 =	simm.s32 $execute0_lowered;
	[smem:$0x3FD2] =	sst s25  }
0xb5: {  	s5 =	sshll.u32 s26, $0x1;
	_ =	strace $0x80000052;
	[dreg:$0x1] =	wrdreg $0xFFFFFFFF  }
0xb6: {  	s28 =	simm.s32 $_size_execute0_lowered;
	s3 =	sadd.s32 s3, s5;
	[dreg:$0x0] =	wrdreg $0x0  }
0xb7: {  	s5 =	sshll.u32 s28, $0x1;
	[dreg:$0x2] =	wrdreg s3  }
0xb8: {  	[dreg:$0x3] =	wrdreg s5  }
0xb9: {  	[dreg:$0x4] =	wrdreg $0xC0  }
0xba: {  	_ =	task [dreg:s22], $0x5FFFF  }
0xbb: {  	[dreg:$0x1] =	wrdreg $0xFFFFFFFF  }
0xbc: {  	[dreg:$0x0] =	wrdreg $0x60  }
0xbd: {  	[dreg:$0x2] =	wrdreg s24  }
0xbe: {  	[dreg:$0x3] =	wrdreg $0xB  }
0xbf: {  	_ =	task.clear_ibuf [dreg:s22], $0x4FFFF;
	_ =	strace $0x90000052  }
0xc0: {  	s29 =	simm.s32 $0xB;
	_ =	strace $0x80000054  }
0xc1: {  	_ =	swait.ge [sflag:s29], $0x1  }
0xc2: {  	[sflag:s29] =	ssyncadd.s32 $0xFFFFFFFF  }
0xc3: {  	_ =	strace $0x90000054  }
0xc4: {  	_ =	sfence  }
0xc5: {  	s30 =	sld [smem:$0x0];
	_ =	sdelay $0x2  }
0xc6: {  	s31 =	sshll.u32 s1, $0xD;
	s1 =	sshrl.u32 s1, $0x2  }
0xc7: {  	s4 =	sand.u32 $0x4000, s31;
	s1 =	sadd.s32 s1, s30  }
0xc8: {  	s0 =	sor.u32 s4, s0;
	s1 =	sshll.u32 s1, $0x11  }
0xc9: {  	s0 =	sor.u32 s1, s0  }
0xca: {  	s0 =	sadd.s32 $0x8F2B, s0  }
0xcb: {  	[sflag:s0] =	ssyncadd.remote.s32 $0x1  }
0xcc: {  	_ =	sfence.sel $0xFFFF  }
0xcd: {  	[dreg:$0x0] =	wrdreg $0xFFFFFFFF;
	(pc) =	sbr.abs _section_cstart, $3  }
0xce: {  	[dreg:$0x1] =	wrdreg $0xFFFFFFFF  }
0xcf: {  	_ =	task.clear_ibuf [dreg:s22], $0x2FFFF;
	_ =	strace $0x9FFFFFFF  }
0xd0: {  	(tm) =	ssettm $0x7FFFFFFF  }
0xd1: {  	_ =	shalt  }
tec
execute0_lowered:
.L_overlay_start_1:
0x0: {  	(tag) =	ssettag $0x1  }
0x1: {  	s5 =	rddreg [dreg:$0x0]  }
0x2: {  	s2 =	srdreg.scid;
	s0 =	rddreg [dreg:$0x1]  }
0x3: {  	s1 =	stileid.u32;
	s16 =	simm.s32 $0x1000;
	s17 =	simm.s32 $0x80  }
0x4: {  	s18 =	simm.s32 $0x1100;
	s19 =	simm.s32 $0x1180;
	s20 =	simm.s32 $0x1  }
0x5: {  	s6 =	sand.u32 $0x1, s2;
	s3 =	sshll.u32 s1, $0x9;
	s8 =	sadd.s32 $0x1C3E00, s5  }
0x6: {  	s2 =	simm.s32 $0x0;
	s10 =	sadd.s32 $0x1E3E00, s5;
	s13 =	sadd.s32 $0x203E00, s5  }
0x7: {  	s4 =	sshll.u32 s6, $0x8;
	[smem:$0x7FF] =	sst s2;
	s6 =	ssub.s32 $0x2, s6  }
0x8: {  	s7 =	sor.u32 s4, s3;
	_ =	strace $0x80000053;
	s3 =	sadd.s32 $0x40600, s5  }
0x9: {  	s31 =	sshrl.u32 s6, $0x1;
	s4 =	sshrl.u32 s7, $0x3;
	s12 =	sshll.u32 s7, $0x4  }
0xa: {  	s14 =	ssub.s32 s6, s31;
	s11 =	sadd.s32 s4, s5;
	s4 =	sadd.s32 $0x62600, s5  }
0xb: {  	s15 =	sor.u32 $0x800, s12;
	s6 =	sadd.s32 s8, s12;
	s9 =	sadd.s32 s10, s12  }
0xc: {  	s12 =	sadd.s32 s13, s12;
	s14 =	smax.u32 s14, $0x1;
	s5 =	sadd.s32 $0x1C3A00, s11  }
0xd: {  	s7 =	sadd.s32 s8, s15;
	s8 =	sadd.s32 $0x1C3600, s11;
	s10 =	sadd.s32 s10, s15  }
0xe: {  	s11 =	sadd.s32 $0x1C3200, s11;
	s13 =	sadd.s32 s13, s15;
	s15 =	simm.s32 $0x2  }
.LBB2_1:
0xf: {  	[tilespmem:s2], [sflag:$0x2] =	stream.linear.gather [hbm4b:s3+s2], $0x1000, $0x38;
	[tilespmem:$0x5180] =	vst v63  }
0x10: {  	_ =	swait.ge [sflag:s15], $0x1000  }
0x11: {  	[sflag:s15] =	ssyncset.done $0x0  }
0x12: {  	[sflag:s15] =	ssyncadd.s32 $0xFFFFF000  }
0x13: {  	[tilespmem:s16], [sflag:$0x2] =	stream.linear.gather [hbm4b:s5+s2], $0x100, $0x38;
	[tilespmem:$0x5180] =	vst v63  }
0x14: {  	_ =	swait.ge [sflag:s15], $0x100  }
0x15: {  	[sflag:s15] =	ssyncset.done $0x0  }
0x16: {  	[sflag:s15] =	ssyncadd.s32 $0xFFFFFF00  }
0x17: {  	v0 =	vld [tilespmem:$0x1000];
	_ =	sdelay $0x5  }
0x18: {  	v1 =	vld [tilespmem:$0x1010];
	_ =	sdelay $0x1  }
0x19: {  	v0 =	vld.idx.msk [tilespmem:v0+s2+$0x0], $0xffff;
	_ =	sdelay $0x3  }
0x1a: {  	v2 =	vld [tilespmem:$0x1020]  }
0x1b: {  	[tilespmem:$0x1100] =	vst v0  }
0x1c: {  	v0 =	vld.idx.msk [tilespmem:v1+s2+$0x0], $0xffff;
	_ =	sdelay $0x3  }
0x1d: {  	v19 =	vld [tilespmem:$0x1030]  }
0x1e: {  	[tilespmem:$0x1110] =	vst v0  }
0x1f: {  	v0 =	vld.idx.msk [tilespmem:v2+s2+$0x0], $0xffff;
	_ =	sdelay $0x3  }
0x20: {  	v20 =	vld [tilespmem:$0x1040]  }
0x21: {  	[tilespmem:$0x1120] =	vst v0  }
0x22: {  	v0 =	vld.idx.msk [tilespmem:v19+s2+$0x0], $0xffff;
	_ =	sdelay $0x3  }
0x23: {  	v21 =	vld [tilespmem:$0x1050]  }
0x24: {  	[tilespmem:$0x1130] =	vst v0  }
0x25: {  	v0 =	vld.idx.msk [tilespmem:v20+s2+$0x0], $0xffff;
	_ =	sdelay $0x3  }
0x26: {  	v22 =	vld [tilespmem:$0x1060]  }
0x27: {  	[tilespmem:$0x1140] =	vst v0  }
0x28: {  	v0 =	vld.idx.msk [tilespmem:v21+s2+$0x0], $0xffff;
	_ =	sdelay $0x3  }
0x29: {  	v23 =	vld [tilespmem:$0x1070]  }
0x2a: {  	[tilespmem:$0x1150] =	vst v0  }
0x2b: {  	v0 =	vld.idx.msk [tilespmem:v22+s2+$0x0], $0xffff;
	_ =	sdelay $0x4  }
0x2c: {  	[tilespmem:$0x1160] =	vst v0  }
0x2d: {  	v0 =	vld.idx.msk [tilespmem:v23+s2+$0x0], $0xffff;
	_ =	sdelay $0x4  }
0x2e: {  	[tilespmem:$0x1170] =	vst v0  }
0x2f: {  	[tilespmem:s19], [sflag:$0x1] =	stream.indirect.gather [hbm4b:s4+s17], $0x80, s18, s17, $0xb8;
	[tilespmem:$0x5180] =	vst v63  }
0x30: {  	_ =	swait.ge [sflag:s20], $0x4000  }
0x31: {  	[sflag:s20] =	ssyncset.done $0x0  }
0x32: {  	[sflag:s20] =	ssyncadd.s32 $0xFFFFC000  }
0x33: {  	[hbm4b:s6+s2] =	stream.linear.scatter [tilespmem:s19], [sflag:$0x2], $0x4000, $0x38;
	[tilespmem:$0x5180] =	vst v63  }
0x34: {  	_ =	swait.ge [sflag:s15], $0x4000  }
0x35: {  	[sflag:s15] =	ssyncset.done $0x0  }
0x36: {  	[sflag:s15] =	ssyncadd.s32 $0xFFFFC000  }
0x37: {  	v24 =	vld [tilespmem:$0x1080];
	_ =	sdelay $0x5  }
0x38: {  	v25 =	vld [tilespmem:$0x1090];
	_ =	sdelay $0x1  }
0x39: {  	v0 =	vld.idx.msk [tilespmem:v24+s2+$0x0], $0xffff;
	_ =	sdelay $0x3  }
0x3a: {  	v26 =	vld [tilespmem:$0x10A0]  }
0x3b: {  	[tilespmem:$0x1100] =	vst v0  }
0x3c: {  	v0 =	vld.idx.msk [tilespmem:v25+s2+$0x0], $0xffff;
	_ =	sdelay $0x3  }
0x3d: {  	v27 =	vld [tilespmem:$0x10B0]  }
0x3e: {  	[tilespmem:$0x1110] =	vst v0  }
0x3f: {  	v0 =	vld.idx.msk [tilespmem:v26+s2+$0x0], $0xffff;
	_ =	sdelay $0x3  }
0x40: {  	v28 =	vld [tilespmem:$0x10C0]  }
0x41: {  	[tilespmem:$0x1120] =	vst v0  }
0x42: {  	v0 =	vld.idx.msk [tilespmem:v27+s2+$0x0], $0xffff;
	_ =	sdelay $0x3  }
0x43: {  	v29 =	vld [tilespmem:$0x10D0]  }
0x44: {  	[tilespmem:$0x1130] =	vst v0  }
0x45: {  	v0 =	vld.idx.msk [tilespmem:v28+s2+$0x0], $0xffff;
	_ =	sdelay $0x3  }
0x46: {  	v30 =	vld [tilespmem:$0x10E0]  }
0x47: {  	[tilespmem:$0x1140] =	vst v0  }
0x48: {  	v0 =	vld.idx.msk [tilespmem:v29+s2+$0x0], $0xffff;
	_ =	sdelay $0x3  }
0x49: {  	v31 =	vld [tilespmem:$0x10F0]  }
0x4a: {  	[tilespmem:$0x1150] =	vst v0  }
0x4b: {  	v0 =	vld.idx.msk [tilespmem:v30+s2+$0x0], $0xffff;
	_ =	sdelay $0x4  }
0x4c: {  	[tilespmem:$0x1160] =	vst v0  }
0x4d: {  	v0 =	vld.idx.msk [tilespmem:v31+s2+$0x0], $0xffff;
	_ =	sdelay $0x4  }
0x4e: {  	[tilespmem:$0x1170] =	vst v0  }
0x4f: {  	[tilespmem:s19], [sflag:$0x1] =	stream.indirect.gather [hbm4b:s4+s17], $0x80, s18, s17, $0xb8;
	[tilespmem:$0x5180] =	vst v63  }
0x50: {  	_ =	swait.ge [sflag:s20], $0x4000  }
0x51: {  	[sflag:s20] =	ssyncset.done $0x0  }
0x52: {  	[sflag:s20] =	ssyncadd.s32 $0xFFFFC000  }
0x53: {  	[hbm4b:s7+s2] =	stream.linear.scatter [tilespmem:s19], [sflag:$0x2], $0x4000, $0x38;
	[tilespmem:$0x5180] =	vst v63  }
0x54: {  	_ =	swait.ge [sflag:s15], $0x4000  }
0x55: {  	[sflag:s15] =	ssyncset.done $0x0  }
0x56: {  	[sflag:s15] =	ssyncadd.s32 $0xFFFFC000  }
0x57: {  	[tilespmem:s16], [sflag:$0x2] =	stream.linear.gather [hbm4b:s8+s2], $0x100, $0x38;
	[tilespmem:$0x5180] =	vst v63  }
0x58: {  	_ =	swait.ge [sflag:s15], $0x100  }
0x59: {  	[sflag:s15] =	ssyncset.done $0x0  }
0x5a: {  	[sflag:s15] =	ssyncadd.s32 $0xFFFFFF00  }
0x5b: {  	v32 =	vld [tilespmem:$0x1000];
	_ =	sdelay $0x5  }
0x5c: {  	v33 =	vld [tilespmem:$0x1010];
	_ =	sdelay $0x1  }
0x5d: {  	v0 =	vld.idx.msk [tilespmem:v32+s2+$0x0], $0xffff;
	_ =	sdelay $0x3  }
0x5e: {  	v34 =	vld [tilespmem:$0x1020]  }
0x5f: {  	[tilespmem:$0x1100] =	vst v0  }
0x60: {  	v0 =	vld.idx.msk [tilespmem:v33+s2+$0x0], $0xffff;
	_ =	sdelay $0x3  }
0x61: {  	v35 =	vld [tilespmem:$0x1030]  }
0x62: {  	[tilespmem:$0x1110] =	vst v0  }
0x63: {  	v0 =	vld.idx.msk [tilespmem:v34+s2+$0x0], $0xffff;
	_ =	sdelay $0x3  }
0x64: {  	v36 =	vld [tilespmem:$0x1040]  }
0x65: {  	[tilespmem:$0x1120] =	vst v0  }
0x66: {  	v0 =	vld.idx.msk [tilespmem:v35+s2+$0x0], $0xffff;
	_ =	sdelay $0x3  }
0x67: {  	v37 =	vld [tilespmem:$0x1050]  }
0x68: {  	[tilespmem:$0x1130] =	vst v0  }
0x69: {  	v0 =	vld.idx.msk [tilespmem:v36+s2+$0x0], $0xffff;
	_ =	sdelay $0x3  }
0x6a: {  	v38 =	vld [tilespmem:$0x1060]  }
0x6b: {  	[tilespmem:$0x1140] =	vst v0  }
0x6c: {  	v0 =	vld.idx.msk [tilespmem:v37+s2+$0x0], $0xffff;
	_ =	sdelay $0x3  }
0x6d: {  	v39 =	vld [tilespmem:$0x1070]  }
0x6e: {  	[tilespmem:$0x1150] =	vst v0  }
0x6f: {  	v0 =	vld.idx.msk [tilespmem:v38+s2+$0x0], $0xffff;
	_ =	sdelay $0x4  }
0x70: {  	[tilespmem:$0x1160] =	vst v0  }
0x71: {  	v0 =	vld.idx.msk [tilespmem:v39+s2+$0x0], $0xffff;
	_ =	sdelay $0x4  }
0x72: {  	[tilespmem:$0x1170] =	vst v0  }
0x73: {  	[tilespmem:s19], [sflag:$0x1] =	stream.indirect.gather [hbm4b:s4+s17], $0x80, s18, s17, $0xb8;
	[tilespmem:$0x5180] =	vst v63  }
0x74: {  	_ =	swait.ge [sflag:s20], $0x4000  }
0x75: {  	[sflag:s20] =	ssyncset.done $0x0  }
0x76: {  	[sflag:s20] =	ssyncadd.s32 $0xFFFFC000  }
0x77: {  	[hbm4b:s9+s2] =	stream.linear.scatter [tilespmem:s19], [sflag:$0x2], $0x4000, $0x38;
	[tilespmem:$0x5180] =	vst v63  }
0x78: {  	_ =	swait.ge [sflag:s15], $0x4000  }
0x79: {  	[sflag:s15] =	ssyncset.done $0x0  }
0x7a: {  	[sflag:s15] =	ssyncadd.s32 $0xFFFFC000  }
0x7b: {  	v40 =	vld [tilespmem:$0x1080];
	_ =	sdelay $0x5  }
0x7c: {  	v41 =	vld [tilespmem:$0x1090];
	_ =	sdelay $0x1  }
0x7d: {  	v0 =	vld.idx.msk [tilespmem:v40+s2+$0x0], $0xffff;
	_ =	sdelay $0x3  }
0x7e: {  	v42 =	vld [tilespmem:$0x10A0]  }
0x7f: {  	[tilespmem:$0x1100] =	vst v0  }
0x80: {  	v0 =	vld.idx.msk [tilespmem:v41+s2+$0x0], $0xffff;
	_ =	sdelay $0x3  }
0x81: {  	v43 =	vld [tilespmem:$0x10B0]  }
0x82: {  	[tilespmem:$0x1110] =	vst v0  }
0x83: {  	v0 =	vld.idx.msk [tilespmem:v42+s2+$0x0], $0xffff;
	_ =	sdelay $0x3  }
0x84: {  	v44 =	vld [tilespmem:$0x10C0]  }
0x85: {  	[tilespmem:$0x1120] =	vst v0  }
0x86: {  	v0 =	vld.idx.msk [tilespmem:v43+s2+$0x0], $0xffff;
	_ =	sdelay $0x3  }
0x87: {  	v45 =	vld [tilespmem:$0x10D0]  }
0x88: {  	[tilespmem:$0x1130] =	vst v0  }
0x89: {  	v0 =	vld.idx.msk [tilespmem:v44+s2+$0x0], $0xffff;
	_ =	sdelay $0x3  }
0x8a: {  	v46 =	vld [tilespmem:$0x10E0]  }
0x8b: {  	[tilespmem:$0x1140] =	vst v0  }
0x8c: {  	v0 =	vld.idx.msk [tilespmem:v45+s2+$0x0], $0xffff;
	_ =	sdelay $0x3  }
0x8d: {  	v47 =	vld [tilespmem:$0x10F0]  }
0x8e: {  	[tilespmem:$0x1150] =	vst v0  }
0x8f: {  	v0 =	vld.idx.msk [tilespmem:v46+s2+$0x0], $0xffff;
	_ =	sdelay $0x4  }
0x90: {  	[tilespmem:$0x1160] =	vst v0  }
0x91: {  	v0 =	vld.idx.msk [tilespmem:v47+s2+$0x0], $0xffff;
	_ =	sdelay $0x4  }
0x92: {  	[tilespmem:$0x1170] =	vst v0  }
0x93: {  	[tilespmem:s19], [sflag:$0x1] =	stream.indirect.gather [hbm4b:s4+s17], $0x80, s18, s17, $0xb8;
	[tilespmem:$0x5180] =	vst v63  }
0x94: {  	_ =	swait.ge [sflag:s20], $0x4000  }
0x95: {  	[sflag:s20] =	ssyncset.done $0x0  }
0x96: {  	[sflag:s20] =	ssyncadd.s32 $0xFFFFC000  }
0x97: {  	[hbm4b:s10+s2] =	stream.linear.scatter [tilespmem:s19], [sflag:$0x2], $0x4000, $0x38;
	[tilespmem:$0x5180] =	vst v63  }
0x98: {  	_ =	swait.ge [sflag:s15], $0x4000  }
0x99: {  	[sflag:s15] =	ssyncset.done $0x0  }
0x9a: {  	[sflag:s15] =	ssyncadd.s32 $0xFFFFC000  }
0x9b: {  	[tilespmem:s16], [sflag:$0x2] =	stream.linear.gather [hbm4b:s11+s2], $0x100, $0x38;
	[tilespmem:$0x5180] =	vst v63  }
0x9c: {  	_ =	swait.ge [sflag:s15], $0x100  }
0x9d: {  	[sflag:s15] =	ssyncset.done $0x0  }
0x9e: {  	[sflag:s15] =	ssyncadd.s32 $0xFFFFFF00  }
0x9f: {  	v48 =	vld [tilespmem:$0x1000];
	_ =	sdelay $0x5  }
0xa0: {  	v49 =	vld [tilespmem:$0x1010];
	_ =	sdelay $0x1  }
0xa1: {  	v0 =	vld.idx.msk [tilespmem:v48+s2+$0x0], $0xffff;
	_ =	sdelay $0x3  }
0xa2: {  	v50 =	vld [tilespmem:$0x1020]  }
0xa3: {  	[tilespmem:$0x1100] =	vst v0  }
0xa4: {  	v0 =	vld.idx.msk [tilespmem:v49+s2+$0x0], $0xffff;
	_ =	sdelay $0x3  }
0xa5: {  	v51 =	vld [tilespmem:$0x1030]  }
0xa6: {  	[tilespmem:$0x1110] =	vst v0  }
0xa7: {  	v0 =	vld.idx.msk [tilespmem:v50+s2+$0x0], $0xffff;
	_ =	sdelay $0x3  }
0xa8: {  	v52 =	vld [tilespmem:$0x1040]  }
0xa9: {  	[tilespmem:$0x1120] =	vst v0  }
0xaa: {  	v0 =	vld.idx.msk [tilespmem:v51+s2+$0x0], $0xffff;
	_ =	sdelay $0x3  }
0xab: {  	v53 =	vld [tilespmem:$0x1050]  }
0xac: {  	[tilespmem:$0x1130] =	vst v0  }
0xad: {  	v0 =	vld.idx.msk [tilespmem:v52+s2+$0x0], $0xffff;
	_ =	sdelay $0x3  }
0xae: {  	v54 =	vld [tilespmem:$0x1060]  }
0xaf: {  	[tilespmem:$0x1140] =	vst v0  }
0xb0: {  	v0 =	vld.idx.msk [tilespmem:v53+s2+$0x0], $0xffff;
	_ =	sdelay $0x3  }
0xb1: {  	v55 =	vld [tilespmem:$0x1070]  }
0xb2: {  	[tilespmem:$0x1150] =	vst v0  }
0xb3: {  	v0 =	vld.idx.msk [tilespmem:v54+s2+$0x0], $0xffff;
	_ =	sdelay $0x4  }
0xb4: {  	[tilespmem:$0x1160] =	vst v0  }
0xb5: {  	v0 =	vld.idx.msk [tilespmem:v55+s2+$0x0], $0xffff;
	_ =	sdelay $0x4  }
0xb6: {  	[tilespmem:$0x1170] =	vst v0  }
0xb7: {  	[tilespmem:s19], [sflag:$0x1] =	stream.indirect.gather [hbm4b:s4+s17], $0x80, s18, s17, $0xb8;
	[tilespmem:$0x5180] =	vst v63  }
0xb8: {  	_ =	swait.ge [sflag:s20], $0x4000  }
0xb9: {  	[sflag:s20] =	ssyncset.done $0x0  }
0xba: {  	[sflag:s20] =	ssyncadd.s32 $0xFFFFC000  }
0xbb: {  	[hbm4b:s12+s2] =	stream.linear.scatter [tilespmem:s19], [sflag:$0x2], $0x4000, $0x38;
	[tilespmem:$0x5180] =	vst v63  }
0xbc: {  	_ =	swait.ge [sflag:s15], $0x4000  }
0xbd: {  	[sflag:s15] =	ssyncset.done $0x0  }
0xbe: {  	[sflag:s15] =	ssyncadd.s32 $0xFFFFC000  }
0xbf: {  	v56 =	vld [tilespmem:$0x1080];
	_ =	sdelay $0x5  }
0xc0: {  	v57 =	vld [tilespmem:$0x1090];
	_ =	sdelay $0x1  }
0xc1: {  	v0 =	vld.idx.msk [tilespmem:v56+s2+$0x0], $0xffff;
	_ =	sdelay $0x3  }
0xc2: {  	v58 =	vld [tilespmem:$0x10A0]  }
0xc3: {  	[tilespmem:$0x1100] =	vst v0  }
0xc4: {  	v0 =	vld.idx.msk [tilespmem:v57+s2+$0x0], $0xffff;
	_ =	sdelay $0x3  }
0xc5: {  	v59 =	vld [tilespmem:$0x10B0]  }
0xc6: {  	[tilespmem:$0x1110] =	vst v0  }
0xc7: {  	v0 =	vld.idx.msk [tilespmem:v58+s2+$0x0], $0xffff;
	_ =	sdelay $0x3  }
0xc8: {  	v60 =	vld [tilespmem:$0x10C0]  }
0xc9: {  	[tilespmem:$0x1120] =	vst v0  }
0xca: {  	v0 =	vld.idx.msk [tilespmem:v59+s2+$0x0], $0xffff;
	_ =	sdelay $0x3  }
0xcb: {  	v61 =	vld [tilespmem:$0x10D0]  }
0xcc: {  	[tilespmem:$0x1130] =	vst v0  }
0xcd: {  	v0 =	vld.idx.msk [tilespmem:v60+s2+$0x0], $0xffff;
	_ =	sdelay $0x3  }
0xce: {  	v62 =	vld [tilespmem:$0x10E0]  }
0xcf: {  	[tilespmem:$0x1140] =	vst v0  }
0xd0: {  	v0 =	vld.idx.msk [tilespmem:v61+s2+$0x0], $0xffff;
	_ =	sdelay $0x3  }
0xd1: {  	v63 =	vld [tilespmem:$0x10F0]  }
0xd2: {  	[tilespmem:$0x1150] =	vst v0  }
0xd3: {  	v0 =	vld.idx.msk [tilespmem:v62+s2+$0x0], $0xffff;
	_ =	sdelay $0x4  }
0xd4: {  	[tilespmem:$0x1160] =	vst v0  }
0xd5: {  	v0 =	vld.idx.msk [tilespmem:v63+s2+$0x0], $0xffff;
	_ =	sdelay $0x4  }
0xd6: {  	[tilespmem:$0x1170] =	vst v0  }
0xd7: {  	[tilespmem:s19], [sflag:$0x1] =	stream.indirect.gather [hbm4b:s4+s17], $0x80, s18, s17, $0xb8;
	[tilespmem:$0x5180] =	vst v63  }
0xd8: {  	_ =	swait.ge [sflag:s20], $0x4000  }
0xd9: {  	p0 =	sne.s32 s14, $0x1;
	[sflag:s20] =	ssyncset.done $0x0  }
.Ltmp0:
0xda: {  	[sflag:s20] =	ssyncadd.s32 $0xFFFFC000;
	(pc) =	sbr.rel @p0 .LBB2_1-.Ltmp0, $4  }
0xdb: {  	[hbm4b:s13+s2] =	stream.linear.scatter [tilespmem:s19], [sflag:$0x2], $0x4000, $0x38;
	[tilespmem:$0x5180] =	vst v63  }
0xdc: {  	_ =	swait.ge [sflag:s15], $0x4000  }
0xdd: {  	[sflag:s15] =	ssyncset.done $0x0  }
0xde: {  	s14 =	sadd.s32 $0xFFFFFFFF, s14;
	[sflag:s15] =	ssyncadd.s32 $0xFFFFC000  }
0xdf: {  	_ =	sfence.sel $0x180000  }
0xe0: {  	[bflag:$0x0] =	sbarrier.arrive $0xFFFF  }
0xe1: {  	p0 =	sne.s32 s1, $0x0;
	_ =	strace $0x90000053  }
0xe2: {  	s0 =	sadd.s32 @!p0 $0x100000, s0;
	[bflag:$0x2] =	sbarrier.arrive $0xFFFF  }
0xe3: {  	[sflag:s0] =	ssyncadd.tile.s32 @!p0 $0x1;
	_ =	shalt  }
.Lfunc_end2:
_tile_overlayer_lowered:
.L_overlay_start_2:
0xe4: {  	(tag) =	ssettag $0x2  }
0xe5: {  	s0 =	rddreg [dreg:$0x0];
	s2 =	stileid.u32  }
0xe6: {  	s1 =	rddreg [dreg:$0x1];
	p0 =	sne.s32 s2, $0x0  }
0xe7: {  	s3 =	rddreg [dreg:$0x2];
	[bflag:$0x3] =	sbarrier.arrive $0xFFFF;
	s2 =	simm.s32 @!p0 $0x1C02  }
0xe8: {  	[timem:s3], [sflag:s2] =	dma.local @!p0 [hbm:s0], s1  }
0xe9: {  	s0 =	simm.s32 @!p0 $0x2  }
0xea: {  	_ =	swait.ge @!p0 [sflag:s0], s1  }
0xeb: {  	s1 =	ssub.s32 @!p0 $0x0, s1;
	[sflag:s0] =	ssyncset.done @!p0 $0x0  }
0xec: {  	[sflag:s0] =	ssyncadd.s32 @!p0 s1  }
0xed: {  	[bflag:$0x3] =	sbarrier.arrive $0xFFFF  }
0xee: {  	_ =	shalt  }

// kernel: kernel.23.cloned.1.call-start
scs
__scs_entry_jumppad:
0x0: {  	(pc) =	sbr.rel $0x88, $3  }
0x1: {  	(tag) =	ssettag $0x0;
	lr =	simm.s32 $0x1  }
0x2: {  	[smem:$0x3F9C] =	sst lr;
	_ =	strace $0xD0000000  }
0x3: {  	_ = 	snop  }
0x4: {  	_ = 	snop  }
0x5: {  	_ = 	snop  }
0x6: {  	_ = 	snop  }
0x7: {  	_ = 	snop  }
__scs_overlays_trampoline_lowered:
0x8: {  	[smem:$0x3FAB] =	sst s0  }
0x9: {  	[smem:$0x3FAC] =	sst s1  }
0xa: {  	[smem:$0x3FAD] =	sst s2  }
0xb: {  	[smem:$0x3FAE] =	sst s3  }
0xc: {  	[smem:$0x3FAF] =	sst s4  }
0xd: {  	[smem:$0x3FB0] =	sst s5  }
0xe: {  	[smem:$0x3FB1] =	sst s6  }
0xf: {  	[smem:$0x3FB2] =	sst s7  }
0x10: {  	[smem:$0x3FB3] =	sst s8  }
0x11: {  	[smem:$0x3FB4] =	sst s9;
	s0 =	simm.s32 @!p0 $0x0  }
0x12: {  	s1 =	sld [smem:$0x3F9A];
	s0 =	simm.s32 @p0 $0x1  }
0x13: {  	[smem:$0x3FB5] =	sst s0;
	s0 =	simm.s32 @!p1 $0x0  }
0x14: {  	s2 =	sld [smem:$0x3F99];
	s0 =	simm.s32 @p1 $0x1  }
0x15: {  	[smem:$0x3FB6] =	sst s0;
	s0 =	simm.s32 @!p2 $0x0  }
0x16: {  	s3 =	sld [smem:$0x3FDB];
	s0 =	simm.s32 @p2 $0x1  }
0x17: {  	s4 =	simm.s32 $0x1BF5;
	[smem:$0x3FB8] =	sst s0  }
0x18: {  	s0 =	sld [smem:$0x3F9B];
	_ =	swait.ge [sflag:s4], $0x0  }
0x19: {  	s7 =	sld [smem:$0x3F9C]  }
0x1a: {  	s8 =	sadd.s32 $0xFFFFE003, lr  }
0x1b: {  	s9 =	sadd.s32 $0xFFFFFEF7, lr;
	s5 =	simm.s32 $0xFFFFFFFF;
	p2 =	slt.u32 s8, $0xFFFFF086  }
0x1c: {  	p1 =	slt.u32 s9, $0xF7A;
	s5 =	simm.s32 @!p2 $0x0  }
0x1d: {  	s5 =	simm.s32 @p1 $0x1;
	p0 =	seq.s32 s7, s2  }
0x1e: {  	s7 =	smul.u32 @!p0 $0xF7A, s2;
	p2 =	seq.s32 @!p0 s5, $0x0  }
0x1f: {  	s9 =	smul.u32 $0xF7A, s1;
	s8 =	simm.s32 @!p0 $0x1BF5;
	p2 =	por !p2, p0  }
0x20: {  	[sflag:s8] =	ssyncset.s32 @!p0 $0xFFFFF086;
	s6 =	sadd.s32 @!p0 s3, s7;
	s7 =	simm.s32 @!p0 $0x108  }
0x21: {  	s3 =	sadd.s32 s3, s9;
	s6 =	sadd.s32 @!p0 $0x88, s6;
	s7 =	simm.s32 @p2 $0x1082  }
0x22: {  	[simem:s7], [sflag:s8] =	dma.local @!p0 [hbm:s6], $0xF7A  }
0x23: {  	s9 =	sor.u32 $0xD0000000, s2;
	s6 =	simm.s32 $0x108;
	_ =	swait.ge @!p0 [sflag:s8], $0x0  }
0x24: {  	s3 =	sadd.s32 $0x88, s3;
	s6 =	simm.s32 @!p1 $0x1082;
	[sflag:s4] =	ssyncset.s32 $0xFFFFF086  }
0x25: {  	[simem:s6], [sflag:s4] =	dma.local [hbm:s3], $0xF7A  }
0x26: {  	[smem:$0x3F9C] =	sst s1;
	(tag) =	ssettag s2;
	_ =	strace s9  }
0x27: {  	s1 =	sld [smem:$0x3FAC]  }
0x28: {  	s2 =	sld [smem:$0x3FAD]  }
0x29: {  	s4 =	sld [smem:$0x3FAF]  }
0x2a: {  	p0 =	seq.s32 s5, $0x0;
	s5 =	sld [smem:$0x3FB0]  }
0x2b: {  	s6 =	sld [smem:$0x3FB1]  }
0x2c: {  	s7 =	sld [smem:$0x3FB2]  }
0x2d: {  	s3 =	simm.s32 $0x108;
	s8 =	sld [smem:$0x3FB3]  }
0x2e: {  	s3 =	simm.s32 @!p0 $0x1082;
	s9 =	sld [smem:$0x3FB4]  }
0x2f: {  	lr =	sadd.s32 s0, s3;
	s0 =	sld [smem:$0x3FAB]  }
0x30: {  	s3 =	sld [smem:$0x3FAE]  }
0x31: {  	[smem:$0x3FB7] =	sst s10  }
0x32: {  	s10 =	sld [smem:$0x3FB5];
	_ =	sdelay $0x3  }
0x33: {  	p0 =	seq.s32 s10, $0x1;
	s10 =	sld [smem:$0x3FB7];
	_ =	sdelay $0x3  }
0x34: {  	[smem:$0x3FB7] =	sst s10  }
0x35: {  	s10 =	sld [smem:$0x3FB6];
	_ =	sdelay $0x3  }
0x36: {  	p1 =	seq.s32 s10, $0x1;
	s10 =	sld [smem:$0x3FB7];
	_ =	sdelay $0x3  }
0x37: {  	[smem:$0x3FB7] =	sst s10  }
0x38: {  	s10 =	sld [smem:$0x3FB8]  }
0x39: {  	_ = 	snop;
	(pc) =	sbr.ind lr, $3  }
0x3a: {  	_ = 	snop  }
0x3b: {  	_ = 	snop  }
0x3c: {  	p2 =	seq.s32 s10, $0x1;
	s10 =	sld [smem:$0x3FB7]  }
0x3d: {  	_ =	shalt  }
0x3e: {  	_ =	shalt  }
0x3f: {  	_ =	shalt  }
0x40: {  	_ =	shalt  }
0x41: {  	_ =	shalt  }
0x42: {  	_ =	shalt  }
0x43: {  	_ =	shalt  }
0x44: {  	_ =	shalt  }
0x45: {  	_ =	shalt  }
0x46: {  	_ =	shalt  }
0x47: {  	_ =	shalt  }
0x48: {  	_ =	shalt  }
0x49: {  	_ =	shalt  }
0x4a: {  	_ =	shalt  }
0x4b: {  	_ =	shalt  }
0x4c: {  	_ =	shalt  }
0x4d: {  	_ =	shalt  }
0x4e: {  	_ =	shalt  }
0x4f: {  	_ =	shalt  }
0x50: {  	_ =	shalt  }
0x51: {  	_ =	shalt  }
0x52: {  	_ =	shalt  }
0x53: {  	_ =	shalt  }
0x54: {  	_ =	shalt  }
0x55: {  	_ =	shalt  }
0x56: {  	_ =	shalt  }
0x57: {  	_ =	shalt  }
0x58: {  	_ =	shalt  }
0x59: {  	_ =	shalt  }
0x5a: {  	_ =	shalt  }
0x5b: {  	_ =	shalt  }
0x5c: {  	_ =	shalt  }
0x5d: {  	_ =	shalt  }
0x5e: {  	_ =	shalt  }
0x5f: {  	_ =	shalt  }
0x60: {  	_ =	shalt  }
0x61: {  	_ =	shalt  }
0x62: {  	_ =	shalt  }
0x63: {  	_ =	shalt  }
0x64: {  	_ =	shalt  }
0x65: {  	_ =	shalt  }
0x66: {  	_ =	shalt  }
0x67: {  	_ =	shalt  }
0x68: {  	_ =	shalt  }
0x69: {  	_ =	shalt  }
0x6a: {  	_ =	shalt  }
0x6b: {  	_ =	shalt  }
0x6c: {  	_ =	shalt  }
0x6d: {  	_ =	shalt  }
0x6e: {  	_ =	shalt  }
0x6f: {  	_ =	shalt  }
0x70: {  	_ =	shalt  }
0x71: {  	_ =	shalt  }
0x72: {  	_ =	shalt  }
0x73: {  	_ =	shalt  }
0x74: {  	_ =	shalt  }
0x75: {  	_ =	shalt  }
0x76: {  	_ =	shalt  }
0x77: {  	_ =	shalt  }
0x78: {  	_ =	shalt  }
0x79: {  	_ =	shalt  }
0x7a: {  	_ =	shalt  }
0x7b: {  	_ =	shalt  }
0x7c: {  	_ =	shalt  }
0x7d: {  	_ =	shalt  }
0x7e: {  	_ =	shalt  }
0x7f: {  	_ =	shalt  }
0x80: {  	_ =	shalt  }
0x81: {  	_ =	shalt  }
0x82: {  	_ =	shalt  }
0x83: {  	_ =	shalt  }
0x84: {  	_ =	shalt  }
0x85: {  	_ =	shalt  }
0x86: {  	_ =	shalt  }
0x87: {  	_ =	shalt  }
.Lfunc_end0:
.L_simem_size_0:
called_computation.5_lowered:
.L_overlay_start_0:
0x88: {  	s2 =	sld [smem:$0x3FD9]  }
0x89: {  	s3 =	sld [smem:$0x3FFE];
	_ =	sdelay $0x1  }
0x8a: {  	s1 =	srdreg.scid  }
0x8b: {  	s0 =	sand.u32 $0x1, s1  }
0x8c: {  	s17 =	sshll.u32 s0, $0xA;
	s2 =	sadd.s32 s3, s2  }
0x8d: {  	s2 =	sadd.s32 s2, s17  }
0x8e: {  	[smem:$0x3FC3] =	sst s2  }
0x8f: {  	_ = 	snop  }
0x90: {  	(tm) =	ssettm $0x1  }
0x91: {  	s18 =	sld [smem:$0x3FFB];
	_ =	sdelay $0x3  }
0x92: {  	_ =	strace s18  }
0x93: {  	s2 =	sld [smem:$0x3FFC];
	_ =	sdelay $0x3  }
0x94: {  	_ =	strace s2  }
0x95: {  	s2 =	sld [smem:$0x3FFD];
	_ =	sdelay $0x3  }
0x96: {  	_ =	strace s2  }
0x97: {  	_ =	strace $0x8FFFFFFF  }
0x98: {  	s19 =	sld [smem:$0x3FDB];
	_ =	sdelay $0x1  }
0x99: {  	s20 =	simm.s32 $_scs_section_size  }
0x9a: {  	s4 =	simm.s32 $_size__tile_overlayer_lowered;
	s5 =	simm.s32 $_tile_overlayer_lowered  }
0x9b: {  	s6 =	simm.s32 $0x1BFF;
	s21 =	sshll.u32 s5, $0x1;
	s3 =	sadd.s32 s20, s19  }
0x9c: {  	s22 =	simm.s32 $0x0;
	s4 =	sshll.u32 s4, $0x1;
	s5 =	sadd.s32 s21, s3  }
0x9d: {  	[timem:s22], [sflag:s6] =	dma.local [hbm:s5], s4  }
0x9e: {  	_ =	swait.ge [sflag:s6], s4  }
0x9f: {  	s4 =	ssub.s32 $0x0, s4;
	[sflag:s6] =	ssyncset.done $0x0  }
0xa0: {  	[sflag:s6] =	ssyncadd.s32 s4;
	_ =	sdelay $0x1  }
0xa1: {  	s23 =	simm.s32 $0x1B8B  }
0xa2: {  	_ =	swait.ge [sflag:s23], $0x1  }
0xa3: {  	[sflag:s23] =	ssyncset.done $0x0  }
0xa4: {  	[sflag:s23] =	ssyncadd.s32 $0xFFFFFFFF  }
0xa5: {  	s4 =	sld [smem:$0x0]  }
0xa6: {  	s5 =	sand.u32 $0xFFFFFFFE, s1  }
0xa7: {  	p0 =	sne.s32 s1, s5  }
0xa8: {  	s5 =	sshll.u32 @p0 s5, $0xE  }
0xa9: {  	s5 =	sadd.s32 @p0 $0x11B8D, s5;
	s6 =	sshll.u32 @p0 s4, $0x11  }
0xaa: {  	s5 =	sor.u32 @p0 s6, s5  }
0xab: {  	[sflag:s5] =	ssyncadd.remote.s32 @p0 $0x1;
	_ =	sdelay $0x1  }
0xac: {  	s5 =	simm.s32 @p0 $0x1B8D  }
0xad: {  	_ =	swait.eq @p0 [sflag:s5], $0x1  }
0xae: {  	[sflag:s5] =	ssyncadd.s32 @p0 $0xFFFFFFFF  }
0xaf: {  	s6 =	sshll.u32 @!p0 s1, $0xE  }
0xb0: {  	s6 =	sor.u32 @!p0 $0x4000, s6;
	s5 =	simm.s32 @!p0 $0x1B8D  }
0xb1: {  	s4 =	sshll.u32 @!p0 s4, $0x11;
	s6 =	sadd.s32 @!p0 $0x11B8D, s6;
	_ =	swait.eq @!p0 [sflag:s5], $0x1  }
0xb2: {  	s4 =	sor.u32 @!p0 s4, s6;
	[sflag:s5] =	ssyncadd.s32 @!p0 $0xFFFFFFFF  }
0xb3: {  	s25 =	simm.s32 $0x1B8E;
	s24 =	sld [smem:$0x3FFE];
	[sflag:s4] =	ssyncadd.remote.s32 @!p0 $0x1  }
0xb4: {  	s26 =	simm.s32 $execute0_lowered;
	[smem:$0x3FD2] =	sst s25  }
0xb5: {  	s5 =	sshll.u32 s26, $0x1;
	_ =	strace $0x80000055;
	[dreg:$0x1] =	wrdreg $0xFFFFFFFF  }
0xb6: {  	s28 =	simm.s32 $_size_execute0_lowered;
	s3 =	sadd.s32 s3, s5;
	[dreg:$0x0] =	wrdreg $0x0  }
0xb7: {  	s5 =	sshll.u32 s28, $0x1;
	[dreg:$0x2] =	wrdreg s3  }
0xb8: {  	[dreg:$0x3] =	wrdreg s5  }
0xb9: {  	[dreg:$0x4] =	wrdreg $0xC0  }
0xba: {  	_ =	task [dreg:s22], $0x5FFFF  }
0xbb: {  	[dreg:$0x1] =	wrdreg $0xFFFFFFFF  }
0xbc: {  	[dreg:$0x0] =	wrdreg $0x60  }
0xbd: {  	[dreg:$0x2] =	wrdreg s24  }
0xbe: {  	[dreg:$0x3] =	wrdreg $0xC  }
0xbf: {  	_ =	task.clear_ibuf [dreg:s22], $0x4FFFF;
	_ =	strace $0x90000055  }
0xc0: {  	s29 =	simm.s32 $0xC;
	_ =	strace $0x80000057  }
0xc1: {  	_ =	swait.ge [sflag:s29], $0x1  }
0xc2: {  	[sflag:s29] =	ssyncadd.s32 $0xFFFFFFFF  }
0xc3: {  	_ =	strace $0x90000057  }
0xc4: {  	_ =	sfence  }
0xc5: {  	s30 =	sld [smem:$0x0];
	_ =	sdelay $0x2  }
0xc6: {  	s31 =	sshll.u32 s1, $0xD;
	s1 =	sshrl.u32 s1, $0x2  }
0xc7: {  	s4 =	sand.u32 $0x4000, s31;
	s1 =	sadd.s32 s1, s30  }
0xc8: {  	s0 =	sor.u32 s4, s0;
	s1 =	sshll.u32 s1, $0x11  }
0xc9: {  	s0 =	sor.u32 s1, s0  }
0xca: {  	s0 =	sadd.s32 $0x8F2B, s0  }
0xcb: {  	[sflag:s0] =	ssyncadd.remote.s32 $0x1  }
0xcc: {  	_ =	sfence.sel $0xFFFF  }
0xcd: {  	[dreg:$0x0] =	wrdreg $0xFFFFFFFF;
	(pc) =	sbr.abs _section_cstart, $3  }
0xce: {  	[dreg:$0x1] =	wrdreg $0xFFFFFFFF  }
0xcf: {  	_ =	task.clear_ibuf [dreg:s22], $0x2FFFF;
	_ =	strace $0x9FFFFFFF  }
0xd0: {  	(tm) =	ssettm $0x7FFFFFFF  }
0xd1: {  	_ =	shalt  }
tec
execute0_lowered:
.L_overlay_start_1:
0x0: {  	(tag) =	ssettag $0x1  }
0x1: {  	s5 =	rddreg [dreg:$0x0]  }
0x2: {  	s2 =	srdreg.scid;
	s0 =	rddreg [dreg:$0x1]  }
0x3: {  	s1 =	stileid.u32;
	s16 =	simm.s32 $0x1000;
	s17 =	simm.s32 $0x80  }
0x4: {  	s18 =	simm.s32 $0x1100;
	s19 =	simm.s32 $0x1180;
	s20 =	simm.s32 $0x1  }
0x5: {  	s6 =	sand.u32 $0x1, s2;
	s3 =	sshll.u32 s1, $0x9;
	s8 =	sadd.s32 $0x224A00, s5  }
0x6: {  	s2 =	simm.s32 $0x0;
	s10 =	sadd.s32 $0x244A00, s5;
	s13 =	sadd.s32 $0x264A00, s5  }
0x7: {  	s4 =	sshll.u32 s6, $0x8;
	[smem:$0x7FF] =	sst s2;
	s6 =	ssub.s32 $0x2, s6  }
0x8: {  	s7 =	sor.u32 s4, s3;
	_ =	strace $0x80000056;
	s3 =	sadd.s32 $0x40800, s5  }
0x9: {  	s31 =	sshrl.u32 s6, $0x1;
	s4 =	sshrl.u32 s7, $0x3;
	s12 =	sshll.u32 s7, $0x4  }
0xa: {  	s14 =	ssub.s32 s6, s31;
	s11 =	sadd.s32 s4, s5;
	s4 =	sadd.s32 $0x72600, s5  }
0xb: {  	s15 =	sor.u32 $0x800, s12;
	s6 =	sadd.s32 s8, s12;
	s9 =	sadd.s32 s10, s12  }
0xc: {  	s12 =	sadd.s32 s13, s12;
	s14 =	smax.u32 s14, $0x1;
	s5 =	sadd.s32 $0x224600, s11  }
0xd: {  	s7 =	sadd.s32 s8, s15;
	s8 =	sadd.s32 $0x224200, s11;
	s10 =	sadd.s32 s10, s15  }
0xe: {  	s11 =	sadd.s32 $0x223E00, s11;
	s13 =	sadd.s32 s13, s15;
	s15 =	simm.s32 $0x2  }
.LBB2_1:
0xf: {  	[tilespmem:s2], [sflag:$0x2] =	stream.linear.gather [hbm4b:s3+s2], $0x1000, $0x38;
	[tilespmem:$0x5180] =	vst v63  }
0x10: {  	_ =	swait.ge [sflag:s15], $0x1000  }
0x11: {  	[sflag:s15] =	ssyncset.done $0x0  }
0x12: {  	[sflag:s15] =	ssyncadd.s32 $0xFFFFF000  }
0x13: {  	[tilespmem:s16], [sflag:$0x2] =	stream.linear.gather [hbm4b:s5+s2], $0x100, $0x38;
	[tilespmem:$0x5180] =	vst v63  }
0x14: {  	_ =	swait.ge [sflag:s15], $0x100  }
0x15: {  	[sflag:s15] =	ssyncset.done $0x0  }
0x16: {  	[sflag:s15] =	ssyncadd.s32 $0xFFFFFF00  }
0x17: {  	v0 =	vld [tilespmem:$0x1000];
	_ =	sdelay $0x5  }
0x18: {  	v1 =	vld [tilespmem:$0x1010];
	_ =	sdelay $0x1  }
0x19: {  	v0 =	vld.idx.msk [tilespmem:v0+s2+$0x0], $0xffff;
	_ =	sdelay $0x3  }
0x1a: {  	v2 =	vld [tilespmem:$0x1020]  }
0x1b: {  	[tilespmem:$0x1100] =	vst v0  }
0x1c: {  	v0 =	vld.idx.msk [tilespmem:v1+s2+$0x0], $0xffff;
	_ =	sdelay $0x3  }
0x1d: {  	v19 =	vld [tilespmem:$0x1030]  }
0x1e: {  	[tilespmem:$0x1110] =	vst v0  }
0x1f: {  	v0 =	vld.idx.msk [tilespmem:v2+s2+$0x0], $0xffff;
	_ =	sdelay $0x3  }
0x20: {  	v20 =	vld [tilespmem:$0x1040]  }
0x21: {  	[tilespmem:$0x1120] =	vst v0  }
0x22: {  	v0 =	vld.idx.msk [tilespmem:v19+s2+$0x0], $0xffff;
	_ =	sdelay $0x3  }
0x23: {  	v21 =	vld [tilespmem:$0x1050]  }
0x24: {  	[tilespmem:$0x1130] =	vst v0  }
0x25: {  	v0 =	vld.idx.msk [tilespmem:v20+s2+$0x0], $0xffff;
	_ =	sdelay $0x3  }
0x26: {  	v22 =	vld [tilespmem:$0x1060]  }
0x27: {  	[tilespmem:$0x1140] =	vst v0  }
0x28: {  	v0 =	vld.idx.msk [tilespmem:v21+s2+$0x0], $0xffff;
	_ =	sdelay $0x3  }
0x29: {  	v23 =	vld [tilespmem:$0x1070]  }
0x2a: {  	[tilespmem:$0x1150] =	vst v0  }
0x2b: {  	v0 =	vld.idx.msk [tilespmem:v22+s2+$0x0], $0xffff;
	_ =	sdelay $0x4  }
0x2c: {  	[tilespmem:$0x1160] =	vst v0  }
0x2d: {  	v0 =	vld.idx.msk [tilespmem:v23+s2+$0x0], $0xffff;
	_ =	sdelay $0x4  }
0x2e: {  	[tilespmem:$0x1170] =	vst v0  }
0x2f: {  	[tilespmem:s19], [sflag:$0x1] =	stream.indirect.gather [hbm4b:s4+s17], $0x80, s18, s17, $0xb8;
	[tilespmem:$0x5180] =	vst v63  }
0x30: {  	_ =	swait.ge [sflag:s20], $0x4000  }
0x31: {  	[sflag:s20] =	ssyncset.done $0x0  }
0x32: {  	[sflag:s20] =	ssyncadd.s32 $0xFFFFC000  }
0x33: {  	[hbm4b:s6+s2] =	stream.linear.scatter [tilespmem:s19], [sflag:$0x2], $0x4000, $0x38;
	[tilespmem:$0x5180] =	vst v63  }
0x34: {  	_ =	swait.ge [sflag:s15], $0x4000  }
0x35: {  	[sflag:s15] =	ssyncset.done $0x0  }
0x36: {  	[sflag:s15] =	ssyncadd.s32 $0xFFFFC000  }
0x37: {  	v24 =	vld [tilespmem:$0x1080];
	_ =	sdelay $0x5  }
0x38: {  	v25 =	vld [tilespmem:$0x1090];
	_ =	sdelay $0x1  }
0x39: {  	v0 =	vld.idx.msk [tilespmem:v24+s2+$0x0], $0xffff;
	_ =	sdelay $0x3  }
0x3a: {  	v26 =	vld [tilespmem:$0x10A0]  }
0x3b: {  	[tilespmem:$0x1100] =	vst v0  }
0x3c: {  	v0 =	vld.idx.msk [tilespmem:v25+s2+$0x0], $0xffff;
	_ =	sdelay $0x3  }
0x3d: {  	v27 =	vld [tilespmem:$0x10B0]  }
0x3e: {  	[tilespmem:$0x1110] =	vst v0  }
0x3f: {  	v0 =	vld.idx.msk [tilespmem:v26+s2+$0x0], $0xffff;
	_ =	sdelay $0x3  }
0x40: {  	v28 =	vld [tilespmem:$0x10C0]  }
0x41: {  	[tilespmem:$0x1120] =	vst v0  }
0x42: {  	v0 =	vld.idx.msk [tilespmem:v27+s2+$0x0], $0xffff;
	_ =	sdelay $0x3  }
0x43: {  	v29 =	vld [tilespmem:$0x10D0]  }
0x44: {  	[tilespmem:$0x1130] =	vst v0  }
0x45: {  	v0 =	vld.idx.msk [tilespmem:v28+s2+$0x0], $0xffff;
	_ =	sdelay $0x3  }
0x46: {  	v30 =	vld [tilespmem:$0x10E0]  }
0x47: {  	[tilespmem:$0x1140] =	vst v0  }
0x48: {  	v0 =	vld.idx.msk [tilespmem:v29+s2+$0x0], $0xffff;
	_ =	sdelay $0x3  }
0x49: {  	v31 =	vld [tilespmem:$0x10F0]  }
0x4a: {  	[tilespmem:$0x1150] =	vst v0  }
0x4b: {  	v0 =	vld.idx.msk [tilespmem:v30+s2+$0x0], $0xffff;
	_ =	sdelay $0x4  }
0x4c: {  	[tilespmem:$0x1160] =	vst v0  }
0x4d: {  	v0 =	vld.idx.msk [tilespmem:v31+s2+$0x0], $0xffff;
	_ =	sdelay $0x4  }
0x4e: {  	[tilespmem:$0x1170] =	vst v0  }
0x4f: {  	[tilespmem:s19], [sflag:$0x1] =	stream.indirect.gather [hbm4b:s4+s17], $0x80, s18, s17, $0xb8;
	[tilespmem:$0x5180] =	vst v63  }
0x50: {  	_ =	swait.ge [sflag:s20], $0x4000  }
0x51: {  	[sflag:s20] =	ssyncset.done $0x0  }
0x52: {  	[sflag:s20] =	ssyncadd.s32 $0xFFFFC000  }
0x53: {  	[hbm4b:s7+s2] =	stream.linear.scatter [tilespmem:s19], [sflag:$0x2], $0x4000, $0x38;
	[tilespmem:$0x5180] =	vst v63  }
0x54: {  	_ =	swait.ge [sflag:s15], $0x4000  }
0x55: {  	[sflag:s15] =	ssyncset.done $0x0  }
0x56: {  	[sflag:s15] =	ssyncadd.s32 $0xFFFFC000  }
0x57: {  	[tilespmem:s16], [sflag:$0x2] =	stream.linear.gather [hbm4b:s8+s2], $0x100, $0x38;
	[tilespmem:$0x5180] =	vst v63  }
0x58: {  	_ =	swait.ge [sflag:s15], $0x100  }
0x59: {  	[sflag:s15] =	ssyncset.done $0x0  }
0x5a: {  	[sflag:s15] =	ssyncadd.s32 $0xFFFFFF00  }
0x5b: {  	v32 =	vld [tilespmem:$0x1000];
	_ =	sdelay $0x5  }
0x5c: {  	v33 =	vld [tilespmem:$0x1010];
	_ =	sdelay $0x1  }
0x5d: {  	v0 =	vld.idx.msk [tilespmem:v32+s2+$0x0], $0xffff;
	_ =	sdelay $0x3  }
0x5e: {  	v34 =	vld [tilespmem:$0x1020]  }
0x5f: {  	[tilespmem:$0x1100] =	vst v0  }
0x60: {  	v0 =	vld.idx.msk [tilespmem:v33+s2+$0x0], $0xffff;
	_ =	sdelay $0x3  }
0x61: {  	v35 =	vld [tilespmem:$0x1030]  }
0x62: {  	[tilespmem:$0x1110] =	vst v0  }
0x63: {  	v0 =	vld.idx.msk [tilespmem:v34+s2+$0x0], $0xffff;
	_ =	sdelay $0x3  }
0x64: {  	v36 =	vld [tilespmem:$0x1040]  }
0x65: {  	[tilespmem:$0x1120] =	vst v0  }
0x66: {  	v0 =	vld.idx.msk [tilespmem:v35+s2+$0x0], $0xffff;
	_ =	sdelay $0x3  }
0x67: {  	v37 =	vld [tilespmem:$0x1050]  }
0x68: {  	[tilespmem:$0x1130] =	vst v0  }
0x69: {  	v0 =	vld.idx.msk [tilespmem:v36+s2+$0x0], $0xffff;
	_ =	sdelay $0x3  }
0x6a: {  	v38 =	vld [tilespmem:$0x1060]  }
0x6b: {  	[tilespmem:$0x1140] =	vst v0  }
0x6c: {  	v0 =	vld.idx.msk [tilespmem:v37+s2+$0x0], $0xffff;
	_ =	sdelay $0x3  }
0x6d: {  	v39 =	vld [tilespmem:$0x1070]  }
0x6e: {  	[tilespmem:$0x1150] =	vst v0  }
0x6f: {  	v0 =	vld.idx.msk [tilespmem:v38+s2+$0x0], $0xffff;
	_ =	sdelay $0x4  }
0x70: {  	[tilespmem:$0x1160] =	vst v0  }
0x71: {  	v0 =	vld.idx.msk [tilespmem:v39+s2+$0x0], $0xffff;
	_ =	sdelay $0x4  }
0x72: {  	[tilespmem:$0x1170] =	vst v0  }
0x73: {  	[tilespmem:s19], [sflag:$0x1] =	stream.indirect.gather [hbm4b:s4+s17], $0x80, s18, s17, $0xb8;
	[tilespmem:$0x5180] =	vst v63  }
0x74: {  	_ =	swait.ge [sflag:s20], $0x4000  }
0x75: {  	[sflag:s20] =	ssyncset.done $0x0  }
0x76: {  	[sflag:s20] =	ssyncadd.s32 $0xFFFFC000  }
0x77: {  	[hbm4b:s9+s2] =	stream.linear.scatter [tilespmem:s19], [sflag:$0x2], $0x4000, $0x38;
	[tilespmem:$0x5180] =	vst v63  }
0x78: {  	_ =	swait.ge [sflag:s15], $0x4000  }
0x79: {  	[sflag:s15] =	ssyncset.done $0x0  }
0x7a: {  	[sflag:s15] =	ssyncadd.s32 $0xFFFFC000  }
0x7b: {  	v40 =	vld [tilespmem:$0x1080];
	_ =	sdelay $0x5  }
0x7c: {  	v41 =	vld [tilespmem:$0x1090];
	_ =	sdelay $0x1  }
0x7d: {  	v0 =	vld.idx.msk [tilespmem:v40+s2+$0x0], $0xffff;
	_ =	sdelay $0x3  }
0x7e: {  	v42 =	vld [tilespmem:$0x10A0]  }
0x7f: {  	[tilespmem:$0x1100] =	vst v0  }
0x80: {  	v0 =	vld.idx.msk [tilespmem:v41+s2+$0x0], $0xffff;
	_ =	sdelay $0x3  }
0x81: {  	v43 =	vld [tilespmem:$0x10B0]  }
0x82: {  	[tilespmem:$0x1110] =	vst v0  }
0x83: {  	v0 =	vld.idx.msk [tilespmem:v42+s2+$0x0], $0xffff;
	_ =	sdelay $0x3  }
0x84: {  	v44 =	vld [tilespmem:$0x10C0]  }
0x85: {  	[tilespmem:$0x1120] =	vst v0  }
0x86: {  	v0 =	vld.idx.msk [tilespmem:v43+s2+$0x0], $0xffff;
	_ =	sdelay $0x3  }
0x87: {  	v45 =	vld [tilespmem:$0x10D0]  }
0x88: {  	[tilespmem:$0x1130] =	vst v0  }
0x89: {  	v0 =	vld.idx.msk [tilespmem:v44+s2+$0x0], $0xffff;
	_ =	sdelay $0x3  }
0x8a: {  	v46 =	vld [tilespmem:$0x10E0]  }
0x8b: {  	[tilespmem:$0x1140] =	vst v0  }
0x8c: {  	v0 =	vld.idx.msk [tilespmem:v45+s2+$0x0], $0xffff;
	_ =	sdelay $0x3  }
0x8d: {  	v47 =	vld [tilespmem:$0x10F0]  }
0x8e: {  	[tilespmem:$0x1150] =	vst v0  }
0x8f: {  	v0 =	vld.idx.msk [tilespmem:v46+s2+$0x0], $0xffff;
	_ =	sdelay $0x4  }
0x90: {  	[tilespmem:$0x1160] =	vst v0  }
0x91: {  	v0 =	vld.idx.msk [tilespmem:v47+s2+$0x0], $0xffff;
	_ =	sdelay $0x4  }
0x92: {  	[tilespmem:$0x1170] =	vst v0  }
0x93: {  	[tilespmem:s19], [sflag:$0x1] =	stream.indirect.gather [hbm4b:s4+s17], $0x80, s18, s17, $0xb8;
	[tilespmem:$0x5180] =	vst v63  }
0x94: {  	_ =	swait.ge [sflag:s20], $0x4000  }
0x95: {  	[sflag:s20] =	ssyncset.done $0x0  }
0x96: {  	[sflag:s20] =	ssyncadd.s32 $0xFFFFC000  }
0x97: {  	[hbm4b:s10+s2] =	stream.linear.scatter [tilespmem:s19], [sflag:$0x2], $0x4000, $0x38;
	[tilespmem:$0x5180] =	vst v63  }
0x98: {  	_ =	swait.ge [sflag:s15], $0x4000  }
0x99: {  	[sflag:s15] =	ssyncset.done $0x0  }
0x9a: {  	[sflag:s15] =	ssyncadd.s32 $0xFFFFC000  }
0x9b: {  	[tilespmem:s16], [sflag:$0x2] =	stream.linear.gather [hbm4b:s11+s2], $0x100, $0x38;
	[tilespmem:$0x5180] =	vst v63  }
0x9c: {  	_ =	swait.ge [sflag:s15], $0x100  }
0x9d: {  	[sflag:s15] =	ssyncset.done $0x0  }
0x9e: {  	[sflag:s15] =	ssyncadd.s32 $0xFFFFFF00  }
0x9f: {  	v48 =	vld [tilespmem:$0x1000];
	_ =	sdelay $0x5  }
0xa0: {  	v49 =	vld [tilespmem:$0x1010];
	_ =	sdelay $0x1  }
0xa1: {  	v0 =	vld.idx.msk [tilespmem:v48+s2+$0x0], $0xffff;
	_ =	sdelay $0x3  }
0xa2: {  	v50 =	vld [tilespmem:$0x1020]  }
0xa3: {  	[tilespmem:$0x1100] =	vst v0  }
0xa4: {  	v0 =	vld.idx.msk [tilespmem:v49+s2+$0x0], $0xffff;
	_ =	sdelay $0x3  }
0xa5: {  	v51 =	vld [tilespmem:$0x1030]  }
0xa6: {  	[tilespmem:$0x1110] =	vst v0  }
0xa7: {  	v0 =	vld.idx.msk [tilespmem:v50+s2+$0x0], $0xffff;
	_ =	sdelay $0x3  }
0xa8: {  	v52 =	vld [tilespmem:$0x1040]  }
0xa9: {  	[tilespmem:$0x1120] =	vst v0  }
0xaa: {  	v0 =	vld.idx.msk [tilespmem:v51+s2+$0x0], $0xffff;
	_ =	sdelay $0x3  }
0xab: {  	v53 =	vld [tilespmem:$0x1050]  }
0xac: {  	[tilespmem:$0x1130] =	vst v0  }
0xad: {  	v0 =	vld.idx.msk [tilespmem:v52+s2+$0x0], $0xffff;
	_ =	sdelay $0x3  }
0xae: {  	v54 =	vld [tilespmem:$0x1060]  }
0xaf: {  	[tilespmem:$0x1140] =	vst v0  }
0xb0: {  	v0 =	vld.idx.msk [tilespmem:v53+s2+$0x0], $0xffff;
	_ =	sdelay $0x3  }
0xb1: {  	v55 =	vld [tilespmem:$0x1070]  }
0xb2: {  	[tilespmem:$0x1150] =	vst v0  }
0xb3: {  	v0 =	vld.idx.msk [tilespmem:v54+s2+$0x0], $0xffff;
	_ =	sdelay $0x4  }
0xb4: {  	[tilespmem:$0x1160] =	vst v0  }
0xb5: {  	v0 =	vld.idx.msk [tilespmem:v55+s2+$0x0], $0xffff;
	_ =	sdelay $0x4  }
0xb6: {  	[tilespmem:$0x1170] =	vst v0  }
0xb7: {  	[tilespmem:s19], [sflag:$0x1] =	stream.indirect.gather [hbm4b:s4+s17], $0x80, s18, s17, $0xb8;
	[tilespmem:$0x5180] =	vst v63  }
0xb8: {  	_ =	swait.ge [sflag:s20], $0x4000  }
0xb9: {  	[sflag:s20] =	ssyncset.done $0x0  }
0xba: {  	[sflag:s20] =	ssyncadd.s32 $0xFFFFC000  }
0xbb: {  	[hbm4b:s12+s2] =	stream.linear.scatter [tilespmem:s19], [sflag:$0x2], $0x4000, $0x38;
	[tilespmem:$0x5180] =	vst v63  }
0xbc: {  	_ =	swait.ge [sflag:s15], $0x4000  }
0xbd: {  	[sflag:s15] =	ssyncset.done $0x0  }
0xbe: {  	[sflag:s15] =	ssyncadd.s32 $0xFFFFC000  }
0xbf: {  	v56 =	vld [tilespmem:$0x1080];
	_ =	sdelay $0x5  }
0xc0: {  	v57 =	vld [tilespmem:$0x1090];
	_ =	sdelay $0x1  }
0xc1: {  	v0 =	vld.idx.msk [tilespmem:v56+s2+$0x0], $0xffff;
	_ =	sdelay $0x3  }
0xc2: {  	v58 =	vld [tilespmem:$0x10A0]  }
0xc3: {  	[tilespmem:$0x1100] =	vst v0  }
0xc4: {  	v0 =	vld.idx.msk [tilespmem:v57+s2+$0x0], $0xffff;
	_ =	sdelay $0x3  }
0xc5: {  	v59 =	vld [tilespmem:$0x10B0]  }
0xc6: {  	[tilespmem:$0x1110] =	vst v0  }
0xc7: {  	v0 =	vld.idx.msk [tilespmem:v58+s2+$0x0], $0xffff;
	_ =	sdelay $0x3  }
0xc8: {  	v60 =	vld [tilespmem:$0x10C0]  }
0xc9: {  	[tilespmem:$0x1120] =	vst v0  }
0xca: {  	v0 =	vld.idx.msk [tilespmem:v59+s2+$0x0], $0xffff;
	_ =	sdelay $0x3  }
0xcb: {  	v61 =	vld [tilespmem:$0x10D0]  }
0xcc: {  	[tilespmem:$0x1130] =	vst v0  }
0xcd: {  	v0 =	vld.idx.msk [tilespmem:v60+s2+$0x0], $0xffff;
	_ =	sdelay $0x3  }
0xce: {  	v62 =	vld [tilespmem:$0x10E0]  }
0xcf: {  	[tilespmem:$0x1140] =	vst v0  }
0xd0: {  	v0 =	vld.idx.msk [tilespmem:v61+s2+$0x0], $0xffff;
	_ =	sdelay $0x3  }
0xd1: {  	v63 =	vld [tilespmem:$0x10F0]  }
0xd2: {  	[tilespmem:$0x1150] =	vst v0  }
0xd3: {  	v0 =	vld.idx.msk [tilespmem:v62+s2+$0x0], $0xffff;
	_ =	sdelay $0x4  }
0xd4: {  	[tilespmem:$0x1160] =	vst v0  }
0xd5: {  	v0 =	vld.idx.msk [tilespmem:v63+s2+$0x0], $0xffff;
	_ =	sdelay $0x4  }
0xd6: {  	[tilespmem:$0x1170] =	vst v0  }
0xd7: {  	[tilespmem:s19], [sflag:$0x1] =	stream.indirect.gather [hbm4b:s4+s17], $0x80, s18, s17, $0xb8;
	[tilespmem:$0x5180] =	vst v63  }
0xd8: {  	_ =	swait.ge [sflag:s20], $0x4000  }
0xd9: {  	p0 =	sne.s32 s14, $0x1;
	[sflag:s20] =	ssyncset.done $0x0  }
.Ltmp0:
0xda: {  	[sflag:s20] =	ssyncadd.s32 $0xFFFFC000;
	(pc) =	sbr.rel @p0 .LBB2_1-.Ltmp0, $4  }
0xdb: {  	[hbm4b:s13+s2] =	stream.linear.scatter [tilespmem:s19], [sflag:$0x2], $0x4000, $0x38;
	[tilespmem:$0x5180] =	vst v63  }
0xdc: {  	_ =	swait.ge [sflag:s15], $0x4000  }
0xdd: {  	[sflag:s15] =	ssyncset.done $0x0  }
0xde: {  	s14 =	sadd.s32 $0xFFFFFFFF, s14;
	[sflag:s15] =	ssyncadd.s32 $0xFFFFC000  }
0xdf: {  	_ =	sfence.sel $0x180000  }
0xe0: {  	[bflag:$0x0] =	sbarrier.arrive $0xFFFF  }
0xe1: {  	p0 =	sne.s32 s1, $0x0;
	_ =	strace $0x90000056  }
0xe2: {  	s0 =	sadd.s32 @!p0 $0x100000, s0;
	[bflag:$0x2] =	sbarrier.arrive $0xFFFF  }
0xe3: {  	[sflag:s0] =	ssyncadd.tile.s32 @!p0 $0x1;
	_ =	shalt  }
.Lfunc_end2:
_tile_overlayer_lowered:
.L_overlay_start_2:
0xe4: {  	(tag) =	ssettag $0x2  }
0xe5: {  	s0 =	rddreg [dreg:$0x0];
	s2 =	stileid.u32  }
0xe6: {  	s1 =	rddreg [dreg:$0x1];
	p0 =	sne.s32 s2, $0x0  }
0xe7: {  	s3 =	rddreg [dreg:$0x2];
	[bflag:$0x3] =	sbarrier.arrive $0xFFFF;
	s2 =	simm.s32 @!p0 $0x1C02  }
0xe8: {  	[timem:s3], [sflag:s2] =	dma.local @!p0 [hbm:s0], s1  }
0xe9: {  	s0 =	simm.s32 @!p0 $0x2  }
0xea: {  	_ =	swait.ge @!p0 [sflag:s0], s1  }
0xeb: {  	s1 =	ssub.s32 @!p0 $0x0, s1;
	[sflag:s0] =	ssyncset.done @!p0 $0x0  }
0xec: {  	[sflag:s0] =	ssyncadd.s32 @!p0 s1  }
0xed: {  	[bflag:$0x3] =	sbarrier.arrive $0xFFFF  }
0xee: {  	_ =	shalt  }

</sc_bundles>
